<compile_context>
chip_gen: v7x
topology: tpu7x:2x2x1
jax: 0.10.2.dev20260603
libtpu: 0.0.44.dev20260713+nightly
codegen_flags: <defaults>
</compile_context>

<pallas_src>
import functools

import jax
import jax.numpy as jnp
from jax import lax
from jax.experimental import pallas as pl
from jax.experimental.pallas import tpu as pltpu
from jax.experimental.pallas import tpu_sc as plsc

_INFO = plsc.get_sparse_core_info()
_NC = _INFO.num_cores
_NS = _INFO.num_subcores
_NW = _NC * _NS


_SPLIT = 2
_NBUF = 12
_AHEAD = 6


@functools.partial(jax.jit, static_argnames=("b", "s", "d_model"))
def _gather(weights, xt, b, s, d_model):
    per_w = b // _NW
    ch = per_w // _SPLIT
    n_chunk = s * _SPLIT
    nbuf, ahead = _NBUF, _AHEAD
    mesh = plsc.VectorSubcoreMesh(core_axis_name="c", subcore_axis_name="s")

    @functools.partial(
        pl.kernel,
        out_type=jax.ShapeDtypeStruct((s, b, d_model), jnp.float32),
        mesh=mesh,
        compiler_params=pltpu.CompilerParams(use_tc_tiling_on_sc=False),
        scratch_types=[
            pltpu.VMEM((s, per_w), jnp.int32),
            pltpu.VMEM((nbuf, ch, d_model), jnp.float32),
            [pltpu.SemaphoreType.DMA] * nbuf,
            [pltpu.SemaphoreType.DMA] * nbuf,
        ],
    )
    def body(table_hbm, idx_hbm, out_hbm, idx_v, rows_v, gsem, osem):
        wid = lax.axis_index("s") * _NC + lax.axis_index("c")
        base = wid * per_w
        pltpu.sync_copy(idx_hbm.at[pl.ds(0, s), pl.ds(base, per_w)], idx_v)

        def start_gather(c, bf):
            j, h = c // _SPLIT, c % _SPLIT
            pltpu.async_copy(
                table_hbm.at[idx_v.at[j, pl.ds(h * ch, ch)]],
                rows_v.at[bf], gsem[bf])

        def wait_gather(c, bf):
            j, h = c // _SPLIT, c % _SPLIT
            pltpu.make_async_copy(
                table_hbm.at[idx_v.at[j, pl.ds(h * ch, ch)]],
                rows_v.at[bf], gsem[bf]).wait()

        def start_out(c, bf):
            j, h = c // _SPLIT, c % _SPLIT
            pltpu.async_copy(
                rows_v.at[bf],
                out_hbm.at[j, pl.ds(base + h * ch, ch)], osem[bf])

        def wait_out(bf):
            pltpu.make_async_copy(
                rows_v.at[bf], out_hbm.at[0, pl.ds(base, ch)], osem[bf]).wait()

        for g in range(ahead):
            start_gather(g, g)
        for c in range(ahead):
            wait_gather(c, c)
            start_out(c, c)
            start_gather(c + ahead, c + ahead)

        def step(t, carry):
            c0 = nbuf * t + ahead
            for k in range(nbuf):
                c = c0 + k
                bf = (ahead + k) % nbuf
                bn = (ahead + k + ahead) % nbuf
                wait_gather(c, bf)
                start_out(c, bf)
                wait_out(bn)
                start_gather(c + ahead, bn)
            return carry

        n_loop = (n_chunk - 2 * ahead) // nbuf
        lax.fori_loop(0, n_loop, step, 0)

        for c in range(nbuf * n_loop + ahead, n_chunk - ahead):
            bf = c % nbuf
            wait_gather(c, bf)
            start_out(c, bf)
            wait_out((c + ahead) % nbuf)
            start_gather(c + ahead, (c + ahead) % nbuf)
        for c in range(n_chunk - ahead, n_chunk):
            bf = c % nbuf
            wait_gather(c, bf)
            start_out(c, bf)
        for bf in range(nbuf):
            wait_out(bf)

    return body(weights, xt)


def kernel(x, weights):
    b, s = x.shape
    d_model = weights.shape[1]
    out = _gather(weights, x.T, b, s, d_model)
    return lax.stop_gradient(jnp.transpose(out, (1, 0, 2)))

# --- scband reference (transcript-rebuilt; emitter-appended) ---
"""Pipeline reference for scband-fixed-embedding-36120674959607 (READ-ONLY COPY).

The authoritative reference and input builder live on the scoring server;
editing this copy changes nothing except your own understanding.
"""

import jax, jax.numpy as jnp
import numpy as np

C_IN = 100000
D_MODEL = 128


def _build_table():
    position = np.arange(C_IN, dtype=np.float32)[:, None]
    div_term = np.exp(np.arange(0, D_MODEL, 2, dtype=np.float32) * -(np.log(10000.0) / D_MODEL))
    w = np.zeros((C_IN, D_MODEL), dtype=np.float32)
    w[:, 0::2] = np.sin(position * div_term)
    w[:, 1::2] = np.cos(position * div_term)
    return jnp.asarray(w)


def setup_inputs(seed: int = 0) -> dict:
    key = jax.random.key(seed)
    x = jax.random.randint(key, (4096, 50), 0, C_IN, dtype=jnp.int32)
    weights = _build_table()
    return {"x": x, "weights": weights}


def reference(x, weights):
    # Embedding lookup into the fixed sinusoidal table, detached (stop_gradient)
    out = jnp.take(weights, x, axis=0)
    return jax.lax.stop_gradient(out)

if __name__ == "__main__":
    import jax
    _d = setup_inputs()
    print(jax.jit(kernel)(*tuple(_d.values())))

</pallas_src>

<mosaic_0001>
#map = affine_map<(d0, d1) -> (0, 0)>
#map1 = affine_map<(d0, d1) -> (0, 0, 0)>
module attributes {stable_mosaic.version = 14 : i64} {
  func.func @body(%arg0: i32, %arg1: i32, %arg2: memref<100000x128xf32, #tpu.memory_space<hbm>>, %arg3: memref<50x4096xi32, #tpu.memory_space<hbm>>, %arg4: memref<50x4096x128xf32, #tpu.memory_space<hbm>>, %arg5: memref<50x128xi32, #tpu.memory_space<vmem>>, %arg6: memref<12x64x128xf32, #tpu.memory_space<vmem>>, %arg7: memref<!tpu.dma_semaphore, #tpu.memory_space<semaphore_mem>>, %arg8: memref<!tpu.dma_semaphore, #tpu.memory_space<semaphore_mem>>, %arg9: memref<!tpu.dma_semaphore, #tpu.memory_space<semaphore_mem>>, %arg10: memref<!tpu.dma_semaphore, #tpu.memory_space<semaphore_mem>>, %arg11: memref<!tpu.dma_semaphore, #tpu.memory_space<semaphore_mem>>, %arg12: memref<!tpu.dma_semaphore, #tpu.memory_space<semaphore_mem>>, %arg13: memref<!tpu.dma_semaphore, #tpu.memory_space<semaphore_mem>>, %arg14: memref<!tpu.dma_semaphore, #tpu.memory_space<semaphore_mem>>, %arg15: memref<!tpu.dma_semaphore, #tpu.memory_space<semaphore_mem>>, %arg16: memref<!tpu.dma_semaphore, #tpu.memory_space<semaphore_mem>>, %arg17: memref<!tpu.dma_semaphore, #tpu.memory_space<semaphore_mem>>, %arg18: memref<!tpu.dma_semaphore, #tpu.memory_space<semaphore_mem>>, %arg19: memref<!tpu.dma_semaphore, #tpu.memory_space<semaphore_mem>>, %arg20: memref<!tpu.dma_semaphore, #tpu.memory_space<semaphore_mem>>, %arg21: memref<!tpu.dma_semaphore, #tpu.memory_space<semaphore_mem>>, %arg22: memref<!tpu.dma_semaphore, #tpu.memory_space<semaphore_mem>>, %arg23: memref<!tpu.dma_semaphore, #tpu.memory_space<semaphore_mem>>, %arg24: memref<!tpu.dma_semaphore, #tpu.memory_space<semaphore_mem>>, %arg25: memref<!tpu.dma_semaphore, #tpu.memory_space<semaphore_mem>>, %arg26: memref<!tpu.dma_semaphore, #tpu.memory_space<semaphore_mem>>, %arg27: memref<!tpu.dma_semaphore, #tpu.memory_space<semaphore_mem>>, %arg28: memref<!tpu.dma_semaphore, #tpu.memory_space<semaphore_mem>>, %arg29: memref<!tpu.dma_semaphore, #tpu.memory_space<semaphore_mem>>, %arg30: memref<!tpu.dma_semaphore, #tpu.memory_space<semaphore_mem>>) attributes {dimension_semantics = [#tpu.dimension_semantics<core_parallel>, #tpu.dimension_semantics<subcore_parallel>], iteration_bounds = array<i64: 2, 16>, scalar_prefetch = 0 : i64, scratch_operands = 26 : i64, tpu.core_type = #tpu.core_type<sc_vector_subcore>, window_params = [{transform_indices = #map}, {transform_indices = #map}, {transform_indices = #map1}]} {
    %mul3A = arith.constant 2 : i32
    %mul3A_0 = arith.muli %arg1, %mul3A : i32
    %add3A = arith.addi %mul3A_0, %arg0 : i32
    %mul3A_1 = arith.constant 128 : i32
    %mul3A_2 = arith.muli %add3A, %mul3A_1 : i32
    "tpu.region"() ({
      %run_scoped3A = tpu.sem_alloc : memref<!tpu.dma_semaphore, #tpu.memory_space<semaphore_mem>>
      %dma_start3A_934 = arith.constant 0 : i32
      %dma_start3A_935 = tpu.memref_slice %arg3[%dma_start3A_934, %mul3A_2] : memref<50x4096xi32, #tpu.memory_space<hbm>> -> memref<50x128xi32, #tpu.memory_space<hbm>>
      %dma_start3A_936 = arith.constant 0 : i32
      %dma_start3A_937 = tpu.memref_slice %arg3[%dma_start3A_936, %mul3A_2] : memref<50x4096xi32, #tpu.memory_space<hbm>> -> memref<50x128xi32, #tpu.memory_space<hbm>>
      tpu.enqueue_dma source(%dma_start3A_937 : memref<50x128xi32, #tpu.memory_space<hbm>>) target(%arg5 : memref<50x128xi32, #tpu.memory_space<vmem>>) target_semaphore(%run_scoped3A : memref<!tpu.dma_semaphore, #tpu.memory_space<semaphore_mem>>)
      %dma_wait3A_938 = arith.constant 0 : i32
      %dma_wait3A_939 = tpu.memref_slice %arg3[%dma_wait3A_938, %mul3A_2] : memref<50x4096xi32, #tpu.memory_space<hbm>> -> memref<50x128xi32, #tpu.memory_space<hbm>>
      %dma_wait3A_940 = arith.constant 0 : i32
      %dma_wait3A_941 = tpu.memref_slice %arg3[%dma_wait3A_940, %mul3A_2] : memref<50x4096xi32, #tpu.memory_space<hbm>> -> memref<50x128xi32, #tpu.memory_space<hbm>>
      tpu.wait_dma2 semaphore(%run_scoped3A : memref<!tpu.dma_semaphore, #tpu.memory_space<semaphore_mem>>) src(%dma_wait3A_941 : memref<50x128xi32, #tpu.memory_space<hbm>>) dst(%arg5 : memref<50x128xi32, #tpu.memory_space<vmem>>)
      tpu.yield
    }) : () -> ()
    %dma_start3A = arith.constant 0 : i32
    %dma_start3A_3 = arith.constant 0 : i32
    %dma_start3A_4 = arith.constant 0 : i32
    %dma_start3A_5 = arith.constant 0 : i32
    %dma_start3A_6 = tpu.memref_slice %arg6[%dma_start3A_3, %dma_start3A_4, %dma_start3A_5] : memref<12x64x128xf32, #tpu.memory_space<vmem>> -> memref<1x64x128xf32, #tpu.memory_space<vmem>>
    %dma_start3A_7 = tpu.memref_squeeze %dma_start3A_6 : memref<1x64x128xf32, #tpu.memory_space<vmem>> -> memref<64x128xf32, #tpu.memory_space<vmem>>
    %dma_start3A_8 = arith.constant 0 : i32
    %dma_start3A_9 = tpu.memref_slice %arg5[%dma_start3A, %dma_start3A_8] : memref<50x128xi32, #tpu.memory_space<vmem>> -> memref<1x64xi32, #tpu.memory_space<vmem>>
    %dma_start3A_10 = tpu.memref_squeeze %dma_start3A_9 : memref<1x64xi32, #tpu.memory_space<vmem>> -> memref<64xi32, #tpu.memory_space<vmem>>
    %dma_start3A_11 = arith.constant 0 : i32
    %dma_start3A_12 = arith.constant 0 : i32
    %dma_start3A_13 = tpu.memref_slice %arg2[%dma_start3A_11, %dma_start3A_12] : memref<100000x128xf32, #tpu.memory_space<hbm>> -> memref<100000x128xf32, #tpu.memory_space<hbm>>
    tpu.enqueue_indirect_dma source(%dma_start3A_13 : memref<100000x128xf32, #tpu.memory_space<hbm>>) target(%dma_start3A_7 : memref<64x128xf32, #tpu.memory_space<vmem>>) offsets(%dma_start3A_10 : memref<64xi32, #tpu.memory_space<vmem>>) semaphore(%arg7 : memref<!tpu.dma_semaphore, #tpu.memory_space<semaphore_mem>>)
    %dma_start3A_14 = arith.constant 0 : i32
    %dma_start3A_15 = arith.constant 1 : i32
    %dma_start3A_16 = arith.constant 0 : i32
    %dma_start3A_17 = arith.constant 0 : i32
    %dma_start3A_18 = tpu.memref_slice %arg6[%dma_start3A_15, %dma_start3A_16, %dma_start3A_17] : memref<12x64x128xf32, #tpu.memory_space<vmem>> -> memref<1x64x128xf32, #tpu.memory_space<vmem>>
    %dma_start3A_19 = tpu.memref_squeeze %dma_start3A_18 : memref<1x64x128xf32, #tpu.memory_space<vmem>> -> memref<64x128xf32, #tpu.memory_space<vmem>>
    %dma_start3A_20 = arith.constant 64 : i32
    %dma_start3A_21 = tpu.memref_slice %arg5[%dma_start3A_14, %dma_start3A_20] : memref<50x128xi32, #tpu.memory_space<vmem>> -> memref<1x64xi32, #tpu.memory_space<vmem>>
    %dma_start3A_22 = tpu.memref_squeeze %dma_start3A_21 : memref<1x64xi32, #tpu.memory_space<vmem>> -> memref<64xi32, #tpu.memory_space<vmem>>
    %dma_start3A_23 = arith.constant 0 : i32
    %dma_start3A_24 = arith.constant 0 : i32
    %dma_start3A_25 = tpu.memref_slice %arg2[%dma_start3A_23, %dma_start3A_24] : memref<100000x128xf32, #tpu.memory_space<hbm>> -> memref<100000x128xf32, #tpu.memory_space<hbm>>
    tpu.enqueue_indirect_dma source(%dma_start3A_25 : memref<100000x128xf32, #tpu.memory_space<hbm>>) target(%dma_start3A_19 : memref<64x128xf32, #tpu.memory_space<vmem>>) offsets(%dma_start3A_22 : memref<64xi32, #tpu.memory_space<vmem>>) semaphore(%arg8 : memref<!tpu.dma_semaphore, #tpu.memory_space<semaphore_mem>>)
    %dma_start3A_26 = arith.constant 1 : i32
    %dma_start3A_27 = arith.constant 2 : i32
    %dma_start3A_28 = arith.constant 0 : i32
    %dma_start3A_29 = arith.constant 0 : i32
    %dma_start3A_30 = tpu.memref_slice %arg6[%dma_start3A_27, %dma_start3A_28, %dma_start3A_29] : memref<12x64x128xf32, #tpu.memory_space<vmem>> -> memref<1x64x128xf32, #tpu.memory_space<vmem>>
    %dma_start3A_31 = tpu.memref_squeeze %dma_start3A_30 : memref<1x64x128xf32, #tpu.memory_space<vmem>> -> memref<64x128xf32, #tpu.memory_space<vmem>>
    %dma_start3A_32 = arith.constant 0 : i32
    %dma_start3A_33 = tpu.memref_slice %arg5[%dma_start3A_26, %dma_start3A_32] : memref<50x128xi32, #tpu.memory_space<vmem>> -> memref<1x64xi32, #tpu.memory_space<vmem>>
    %dma_start3A_34 = tpu.memref_squeeze %dma_start3A_33 : memref<1x64xi32, #tpu.memory_space<vmem>> -> memref<64xi32, #tpu.memory_space<vmem>>
    %dma_start3A_35 = arith.constant 0 : i32
    %dma_start3A_36 = arith.constant 0 : i32
    %dma_start3A_37 = tpu.memref_slice %arg2[%dma_start3A_35, %dma_start3A_36] : memref<100000x128xf32, #tpu.memory_space<hbm>> -> memref<100000x128xf32, #tpu.memory_space<hbm>>
    tpu.enqueue_indirect_dma source(%dma_start3A_37 : memref<100000x128xf32, #tpu.memory_space<hbm>>) target(%dma_start3A_31 : memref<64x128xf32, #tpu.memory_space<vmem>>) offsets(%dma_start3A_34 : memref<64xi32, #tpu.memory_space<vmem>>) semaphore(%arg9 : memref<!tpu.dma_semaphore, #tpu.memory_space<semaphore_mem>>)
    %dma_start3A_38 = arith.constant 1 : i32
    %dma_start3A_39 = arith.constant 3 : i32
    %dma_start3A_40 = arith.constant 0 : i32
    %dma_start3A_41 = arith.constant 0 : i32
    %dma_start3A_42 = tpu.memref_slice %arg6[%dma_start3A_39, %dma_start3A_40, %dma_start3A_41] : memref<12x64x128xf32, #tpu.memory_space<vmem>> -> memref<1x64x128xf32, #tpu.memory_space<vmem>>
    %dma_start3A_43 = tpu.memref_squeeze %dma_start3A_42 : memref<1x64x128xf32, #tpu.memory_space<vmem>> -> memref<64x128xf32, #tpu.memory_space<vmem>>
    %dma_start3A_44 = arith.constant 64 : i32
    %dma_start3A_45 = tpu.memref_slice %arg5[%dma_start3A_38, %dma_start3A_44] : memref<50x128xi32, #tpu.memory_space<vmem>> -> memref<1x64xi32, #tpu.memory_space<vmem>>
    %dma_start3A_46 = tpu.memref_squeeze %dma_start3A_45 : memref<1x64xi32, #tpu.memory_space<vmem>> -> memref<64xi32, #tpu.memory_space<vmem>>
    %dma_start3A_47 = arith.constant 0 : i32
    %dma_start3A_48 = arith.constant 0 : i32
    %dma_start3A_49 = tpu.memref_slice %arg2[%dma_start3A_47, %dma_start3A_48] : memref<100000x128xf32, #tpu.memory_space<hbm>> -> memref<100000x128xf32, #tpu.memory_space<hbm>>
    tpu.enqueue_indirect_dma source(%dma_start3A_49 : memref<100000x128xf32, #tpu.memory_space<hbm>>) target(%dma_start3A_43 : memref<64x128xf32, #tpu.memory_space<vmem>>) offsets(%dma_start3A_46 : memref<64xi32, #tpu.memory_space<vmem>>) semaphore(%arg10 : memref<!tpu.dma_semaphore, #tpu.memory_space<semaphore_mem>>)
    %dma_start3A_50 = arith.constant 2 : i32
    %dma_start3A_51 = arith.constant 4 : i32
    %dma_start3A_52 = arith.constant 0 : i32
    %dma_start3A_53 = arith.constant 0 : i32
    %dma_start3A_54 = tpu.memref_slice %arg6[%dma_start3A_51, %dma_start3A_52, %dma_start3A_53] : memref<12x64x128xf32, #tpu.memory_space<vmem>> -> memref<1x64x128xf32, #tpu.memory_space<vmem>>
    %dma_start3A_55 = tpu.memref_squeeze %dma_start3A_54 : memref<1x64x128xf32, #tpu.memory_space<vmem>> -> memref<64x128xf32, #tpu.memory_space<vmem>>
    %dma_start3A_56 = arith.constant 0 : i32
    %dma_start3A_57 = tpu.memref_slice %arg5[%dma_start3A_50, %dma_start3A_56] : memref<50x128xi32, #tpu.memory_space<vmem>> -> memref<1x64xi32, #tpu.memory_space<vmem>>
    %dma_start3A_58 = tpu.memref_squeeze %dma_start3A_57 : memref<1x64xi32, #tpu.memory_space<vmem>> -> memref<64xi32, #tpu.memory_space<vmem>>
    %dma_start3A_59 = arith.constant 0 : i32
    %dma_start3A_60 = arith.constant 0 : i32
    %dma_start3A_61 = tpu.memref_slice %arg2[%dma_start3A_59, %dma_start3A_60] : memref<100000x128xf32, #tpu.memory_space<hbm>> -> memref<100000x128xf32, #tpu.memory_space<hbm>>
    tpu.enqueue_indirect_dma source(%dma_start3A_61 : memref<100000x128xf32, #tpu.memory_space<hbm>>) target(%dma_start3A_55 : memref<64x128xf32, #tpu.memory_space<vmem>>) offsets(%dma_start3A_58 : memref<64xi32, #tpu.memory_space<vmem>>) semaphore(%arg11 : memref<!tpu.dma_semaphore, #tpu.memory_space<semaphore_mem>>)
    %dma_start3A_62 = arith.constant 2 : i32
    %dma_start3A_63 = arith.constant 5 : i32
    %dma_start3A_64 = arith.constant 0 : i32
    %dma_start3A_65 = arith.constant 0 : i32
    %dma_start3A_66 = tpu.memref_slice %arg6[%dma_start3A_63, %dma_start3A_64, %dma_start3A_65] : memref<12x64x128xf32, #tpu.memory_space<vmem>> -> memref<1x64x128xf32, #tpu.memory_space<vmem>>
    %dma_start3A_67 = tpu.memref_squeeze %dma_start3A_66 : memref<1x64x128xf32, #tpu.memory_space<vmem>> -> memref<64x128xf32, #tpu.memory_space<vmem>>
    %dma_start3A_68 = arith.constant 64 : i32
    %dma_start3A_69 = tpu.memref_slice %arg5[%dma_start3A_62, %dma_start3A_68] : memref<50x128xi32, #tpu.memory_space<vmem>> -> memref<1x64xi32, #tpu.memory_space<vmem>>
    %dma_start3A_70 = tpu.memref_squeeze %dma_start3A_69 : memref<1x64xi32, #tpu.memory_space<vmem>> -> memref<64xi32, #tpu.memory_space<vmem>>
    %dma_start3A_71 = arith.constant 0 : i32
    %dma_start3A_72 = arith.constant 0 : i32
    %dma_start3A_73 = tpu.memref_slice %arg2[%dma_start3A_71, %dma_start3A_72] : memref<100000x128xf32, #tpu.memory_space<hbm>> -> memref<100000x128xf32, #tpu.memory_space<hbm>>
    tpu.enqueue_indirect_dma source(%dma_start3A_73 : memref<100000x128xf32, #tpu.memory_space<hbm>>) target(%dma_start3A_67 : memref<64x128xf32, #tpu.memory_space<vmem>>) offsets(%dma_start3A_70 : memref<64xi32, #tpu.memory_space<vmem>>) semaphore(%arg12 : memref<!tpu.dma_semaphore, #tpu.memory_space<semaphore_mem>>)
    %dma_wait3A = arith.constant 0 : i32
    %dma_wait3A_74 = arith.constant 0 : i32
    %dma_wait3A_75 = arith.constant 0 : i32
    %dma_wait3A_76 = arith.constant 0 : i32
    %dma_wait3A_77 = tpu.memref_slice %arg6[%dma_wait3A_74, %dma_wait3A_75, %dma_wait3A_76] : memref<12x64x128xf32, #tpu.memory_space<vmem>> -> memref<1x64x128xf32, #tpu.memory_space<vmem>>
    %dma_wait3A_78 = tpu.memref_squeeze %dma_wait3A_77 : memref<1x64x128xf32, #tpu.memory_space<vmem>> -> memref<64x128xf32, #tpu.memory_space<vmem>>
    %dma_wait3A_79 = arith.constant 0 : i32
    %dma_wait3A_80 = tpu.memref_slice %arg5[%dma_wait3A, %dma_wait3A_79] : memref<50x128xi32, #tpu.memory_space<vmem>> -> memref<1x64xi32, #tpu.memory_space<vmem>>
    %dma_wait3A_81 = tpu.memref_squeeze %dma_wait3A_80 : memref<1x64xi32, #tpu.memory_space<vmem>> -> memref<64xi32, #tpu.memory_space<vmem>>
    %dma_wait3A_82 = arith.constant 0 : i32
    %dma_wait3A_83 = arith.constant 0 : i32
    %dma_wait3A_84 = tpu.memref_slice %arg2[%dma_wait3A_82, %dma_wait3A_83] : memref<100000x128xf32, #tpu.memory_space<hbm>> -> memref<100000x128xf32, #tpu.memory_space<hbm>>
    tpu.wait_indirect_dma semaphore(%arg7 : memref<!tpu.dma_semaphore, #tpu.memory_space<semaphore_mem>>) src(%dma_wait3A_84 : memref<100000x128xf32, #tpu.memory_space<hbm>>) dst(%dma_wait3A_78 : memref<64x128xf32, #tpu.memory_space<vmem>>)
    %add3A_85 = arith.constant 0 : i32
    %add3A_86 = arith.addi %mul3A_2, %add3A_85 : i32
    %dma_start3A_87 = arith.constant 0 : i32
    %dma_start3A_88 = arith.constant 0 : i32
    %dma_start3A_89 = arith.constant 0 : i32
    %dma_start3A_90 = arith.constant 0 : i32
    %dma_start3A_91 = tpu.memref_slice %arg6[%dma_start3A_87, %dma_start3A_89, %dma_start3A_90] : memref<12x64x128xf32, #tpu.memory_space<vmem>> -> memref<1x64x128xf32, #tpu.memory_space<vmem>>
    %dma_start3A_92 = tpu.memref_squeeze %dma_start3A_91 : memref<1x64x128xf32, #tpu.memory_space<vmem>> -> memref<64x128xf32, #tpu.memory_space<vmem>>
    %dma_start3A_93 = arith.constant 0 : i32
    %dma_start3A_94 = tpu.memref_slice %arg4[%dma_start3A_88, %add3A_86, %dma_start3A_93] : memref<50x4096x128xf32, #tpu.memory_space<hbm>> -> memref<1x64x128xf32, #tpu.memory_space<hbm>>
    %dma_start3A_95 = tpu.memref_squeeze %dma_start3A_94 : memref<1x64x128xf32, #tpu.memory_space<hbm>> -> memref<64x128xf32, #tpu.memory_space<hbm>>
    %dma_start3A_96 = arith.constant 0 : i32
    %dma_start3A_97 = tpu.memref_slice %arg4[%dma_start3A_88, %add3A_86, %dma_start3A_96] : memref<50x4096x128xf32, #tpu.memory_space<hbm>> -> memref<1x64x128xf32, #tpu.memory_space<hbm>>
    %dma_start3A_98 = tpu.memref_squeeze %dma_start3A_97 : memref<1x64x128xf32, #tpu.memory_space<hbm>> -> memref<64x128xf32, #tpu.memory_space<hbm>>
    %dma_start3A_99 = arith.constant 0 : i32
    %dma_start3A_100 = arith.constant 0 : i32
    %dma_start3A_101 = tpu.memref_slice %arg6[%dma_start3A_87, %dma_start3A_99, %dma_start3A_100] : memref<12x64x128xf32, #tpu.memory_space<vmem>> -> memref<1x64x128xf32, #tpu.memory_space<vmem>>
    %dma_start3A_102 = tpu.memref_squeeze %dma_start3A_101 : memref<1x64x128xf32, #tpu.memory_space<vmem>> -> memref<64x128xf32, #tpu.memory_space<vmem>>
    tpu.enqueue_dma source(%dma_start3A_102 : memref<64x128xf32, #tpu.memory_space<vmem>>) target(%dma_start3A_98 : memref<64x128xf32, #tpu.memory_space<hbm>>) target_semaphore(%arg19 : memref<!tpu.dma_semaphore, #tpu.memory_space<semaphore_mem>>)
    %dma_start3A_103 = arith.constant 3 : i32
    %dma_start3A_104 = arith.constant 6 : i32
    %dma_start3A_105 = arith.constant 0 : i32
    %dma_start3A_106 = arith.constant 0 : i32
    %dma_start3A_107 = tpu.memref_slice %arg6[%dma_start3A_104, %dma_start3A_105, %dma_start3A_106] : memref<12x64x128xf32, #tpu.memory_space<vmem>> -> memref<1x64x128xf32, #tpu.memory_space<vmem>>
    %dma_start3A_108 = tpu.memref_squeeze %dma_start3A_107 : memref<1x64x128xf32, #tpu.memory_space<vmem>> -> memref<64x128xf32, #tpu.memory_space<vmem>>
    %dma_start3A_109 = arith.constant 0 : i32
    %dma_start3A_110 = tpu.memref_slice %arg5[%dma_start3A_103, %dma_start3A_109] : memref<50x128xi32, #tpu.memory_space<vmem>> -> memref<1x64xi32, #tpu.memory_space<vmem>>
    %dma_start3A_111 = tpu.memref_squeeze %dma_start3A_110 : memref<1x64xi32, #tpu.memory_space<vmem>> -> memref<64xi32, #tpu.memory_space<vmem>>
    %dma_start3A_112 = arith.constant 0 : i32
    %dma_start3A_113 = arith.constant 0 : i32
    %dma_start3A_114 = tpu.memref_slice %arg2[%dma_start3A_112, %dma_start3A_113] : memref<100000x128xf32, #tpu.memory_space<hbm>> -> memref<100000x128xf32, #tpu.memory_space<hbm>>
    tpu.enqueue_indirect_dma source(%dma_start3A_114 : memref<100000x128xf32, #tpu.memory_space<hbm>>) target(%dma_start3A_108 : memref<64x128xf32, #tpu.memory_space<vmem>>) offsets(%dma_start3A_111 : memref<64xi32, #tpu.memory_space<vmem>>) semaphore(%arg13 : memref<!tpu.dma_semaphore, #tpu.memory_space<semaphore_mem>>)
    %dma_wait3A_115 = arith.constant 0 : i32
    %dma_wait3A_116 = arith.constant 1 : i32
    %dma_wait3A_117 = arith.constant 0 : i32
    %dma_wait3A_118 = arith.constant 0 : i32
    %dma_wait3A_119 = tpu.memref_slice %arg6[%dma_wait3A_116, %dma_wait3A_117, %dma_wait3A_118] : memref<12x64x128xf32, #tpu.memory_space<vmem>> -> memref<1x64x128xf32, #tpu.memory_space<vmem>>
    %dma_wait3A_120 = tpu.memref_squeeze %dma_wait3A_119 : memref<1x64x128xf32, #tpu.memory_space<vmem>> -> memref<64x128xf32, #tpu.memory_space<vmem>>
    %dma_wait3A_121 = arith.constant 64 : i32
    %dma_wait3A_122 = tpu.memref_slice %arg5[%dma_wait3A_115, %dma_wait3A_121] : memref<50x128xi32, #tpu.memory_space<vmem>> -> memref<1x64xi32, #tpu.memory_space<vmem>>
    %dma_wait3A_123 = tpu.memref_squeeze %dma_wait3A_122 : memref<1x64xi32, #tpu.memory_space<vmem>> -> memref<64xi32, #tpu.memory_space<vmem>>
    %dma_wait3A_124 = arith.constant 0 : i32
    %dma_wait3A_125 = arith.constant 0 : i32
    %dma_wait3A_126 = tpu.memref_slice %arg2[%dma_wait3A_124, %dma_wait3A_125] : memref<100000x128xf32, #tpu.memory_space<hbm>> -> memref<100000x128xf32, #tpu.memory_space<hbm>>
    tpu.wait_indirect_dma semaphore(%arg8 : memref<!tpu.dma_semaphore, #tpu.memory_space<semaphore_mem>>) src(%dma_wait3A_126 : memref<100000x128xf32, #tpu.memory_space<hbm>>) dst(%dma_wait3A_120 : memref<64x128xf32, #tpu.memory_space<vmem>>)
    %add3A_127 = arith.constant 64 : i32
    %add3A_128 = arith.addi %mul3A_2, %add3A_127 : i32
    %dma_start3A_129 = arith.constant 1 : i32
    %dma_start3A_130 = arith.constant 0 : i32
    %dma_start3A_131 = arith.constant 0 : i32
    %dma_start3A_132 = arith.constant 0 : i32
    %dma_start3A_133 = tpu.memref_slice %arg6[%dma_start3A_129, %dma_start3A_131, %dma_start3A_132] : memref<12x64x128xf32, #tpu.memory_space<vmem>> -> memref<1x64x128xf32, #tpu.memory_space<vmem>>
    %dma_start3A_134 = tpu.memref_squeeze %dma_start3A_133 : memref<1x64x128xf32, #tpu.memory_space<vmem>> -> memref<64x128xf32, #tpu.memory_space<vmem>>
    %dma_start3A_135 = arith.constant 0 : i32
    %dma_start3A_136 = tpu.memref_slice %arg4[%dma_start3A_130, %add3A_128, %dma_start3A_135] : memref<50x4096x128xf32, #tpu.memory_space<hbm>> -> memref<1x64x128xf32, #tpu.memory_space<hbm>>
    %dma_start3A_137 = tpu.memref_squeeze %dma_start3A_136 : memref<1x64x128xf32, #tpu.memory_space<hbm>> -> memref<64x128xf32, #tpu.memory_space<hbm>>
    %dma_start3A_138 = arith.constant 0 : i32
    %dma_start3A_139 = tpu.memref_slice %arg4[%dma_start3A_130, %add3A_128, %dma_start3A_138] : memref<50x4096x128xf32, #tpu.memory_space<hbm>> -> memref<1x64x128xf32, #tpu.memory_space<hbm>>
    %dma_start3A_140 = tpu.memref_squeeze %dma_start3A_139 : memref<1x64x128xf32, #tpu.memory_space<hbm>> -> memref<64x128xf32, #tpu.memory_space<hbm>>
    %dma_start3A_141 = arith.constant 0 : i32
    %dma_start3A_142 = arith.constant 0 : i32
    %dma_start3A_143 = tpu.memref_slice %arg6[%dma_start3A_129, %dma_start3A_141, %dma_start3A_142] : memref<12x64x128xf32, #tpu.memory_space<vmem>> -> memref<1x64x128xf32, #tpu.memory_space<vmem>>
    %dma_start3A_144 = tpu.memref_squeeze %dma_start3A_143 : memref<1x64x128xf32, #tpu.memory_space<vmem>> -> memref<64x128xf32, #tpu.memory_space<vmem>>
    tpu.enqueue_dma source(%dma_start3A_144 : memref<64x128xf32, #tpu.memory_space<vmem>>) target(%dma_start3A_140 : memref<64x128xf32, #tpu.memory_space<hbm>>) target_semaphore(%arg20 : memref<!tpu.dma_semaphore, #tpu.memory_space<semaphore_mem>>)
    %dma_start3A_145 = arith.constant 3 : i32
    %dma_start3A_146 = arith.constant 7 : i32
    %dma_start3A_147 = arith.constant 0 : i32
    %dma_start3A_148 = arith.constant 0 : i32
    %dma_start3A_149 = tpu.memref_slice %arg6[%dma_start3A_146, %dma_start3A_147, %dma_start3A_148] : memref<12x64x128xf32, #tpu.memory_space<vmem>> -> memref<1x64x128xf32, #tpu.memory_space<vmem>>
    %dma_start3A_150 = tpu.memref_squeeze %dma_start3A_149 : memref<1x64x128xf32, #tpu.memory_space<vmem>> -> memref<64x128xf32, #tpu.memory_space<vmem>>
    %dma_start3A_151 = arith.constant 64 : i32
    %dma_start3A_152 = tpu.memref_slice %arg5[%dma_start3A_145, %dma_start3A_151] : memref<50x128xi32, #tpu.memory_space<vmem>> -> memref<1x64xi32, #tpu.memory_space<vmem>>
    %dma_start3A_153 = tpu.memref_squeeze %dma_start3A_152 : memref<1x64xi32, #tpu.memory_space<vmem>> -> memref<64xi32, #tpu.memory_space<vmem>>
    %dma_start3A_154 = arith.constant 0 : i32
    %dma_start3A_155 = arith.constant 0 : i32
    %dma_start3A_156 = tpu.memref_slice %arg2[%dma_start3A_154, %dma_start3A_155] : memref<100000x128xf32, #tpu.memory_space<hbm>> -> memref<100000x128xf32, #tpu.memory_space<hbm>>
    tpu.enqueue_indirect_dma source(%dma_start3A_156 : memref<100000x128xf32, #tpu.memory_space<hbm>>) target(%dma_start3A_150 : memref<64x128xf32, #tpu.memory_space<vmem>>) offsets(%dma_start3A_153 : memref<64xi32, #tpu.memory_space<vmem>>) semaphore(%arg14 : memref<!tpu.dma_semaphore, #tpu.memory_space<semaphore_mem>>)
    %dma_wait3A_157 = arith.constant 1 : i32
    %dma_wait3A_158 = arith.constant 2 : i32
    %dma_wait3A_159 = arith.constant 0 : i32
    %dma_wait3A_160 = arith.constant 0 : i32
    %dma_wait3A_161 = tpu.memref_slice %arg6[%dma_wait3A_158, %dma_wait3A_159, %dma_wait3A_160] : memref<12x64x128xf32, #tpu.memory_space<vmem>> -> memref<1x64x128xf32, #tpu.memory_space<vmem>>
    %dma_wait3A_162 = tpu.memref_squeeze %dma_wait3A_161 : memref<1x64x128xf32, #tpu.memory_space<vmem>> -> memref<64x128xf32, #tpu.memory_space<vmem>>
    %dma_wait3A_163 = arith.constant 0 : i32
    %dma_wait3A_164 = tpu.memref_slice %arg5[%dma_wait3A_157, %dma_wait3A_163] : memref<50x128xi32, #tpu.memory_space<vmem>> -> memref<1x64xi32, #tpu.memory_space<vmem>>
    %dma_wait3A_165 = tpu.memref_squeeze %dma_wait3A_164 : memref<1x64xi32, #tpu.memory_space<vmem>> -> memref<64xi32, #tpu.memory_space<vmem>>
    %dma_wait3A_166 = arith.constant 0 : i32
    %dma_wait3A_167 = arith.constant 0 : i32
    %dma_wait3A_168 = tpu.memref_slice %arg2[%dma_wait3A_166, %dma_wait3A_167] : memref<100000x128xf32, #tpu.memory_space<hbm>> -> memref<100000x128xf32, #tpu.memory_space<hbm>>
    tpu.wait_indirect_dma semaphore(%arg9 : memref<!tpu.dma_semaphore, #tpu.memory_space<semaphore_mem>>) src(%dma_wait3A_168 : memref<100000x128xf32, #tpu.memory_space<hbm>>) dst(%dma_wait3A_162 : memref<64x128xf32, #tpu.memory_space<vmem>>)
    %add3A_169 = arith.constant 0 : i32
    %add3A_170 = arith.addi %mul3A_2, %add3A_169 : i32
    %dma_start3A_171 = arith.constant 2 : i32
    %dma_start3A_172 = arith.constant 1 : i32
    %dma_start3A_173 = arith.constant 0 : i32
    %dma_start3A_174 = arith.constant 0 : i32
    %dma_start3A_175 = tpu.memref_slice %arg6[%dma_start3A_171, %dma_start3A_173, %dma_start3A_174] : memref<12x64x128xf32, #tpu.memory_space<vmem>> -> memref<1x64x128xf32, #tpu.memory_space<vmem>>
    %dma_start3A_176 = tpu.memref_squeeze %dma_start3A_175 : memref<1x64x128xf32, #tpu.memory_space<vmem>> -> memref<64x128xf32, #tpu.memory_space<vmem>>
    %dma_start3A_177 = arith.constant 0 : i32
    %dma_start3A_178 = tpu.memref_slice %arg4[%dma_start3A_172, %add3A_170, %dma_start3A_177] : memref<50x4096x128xf32, #tpu.memory_space<hbm>> -> memref<1x64x128xf32, #tpu.memory_space<hbm>>
    %dma_start3A_179 = tpu.memref_squeeze %dma_start3A_178 : memref<1x64x128xf32, #tpu.memory_space<hbm>> -> memref<64x128xf32, #tpu.memory_space<hbm>>
    %dma_start3A_180 = arith.constant 0 : i32
    %dma_start3A_181 = tpu.memref_slice %arg4[%dma_start3A_172, %add3A_170, %dma_start3A_180] : memref<50x4096x128xf32, #tpu.memory_space<hbm>> -> memref<1x64x128xf32, #tpu.memory_space<hbm>>
    %dma_start3A_182 = tpu.memref_squeeze %dma_start3A_181 : memref<1x64x128xf32, #tpu.memory_space<hbm>> -> memref<64x128xf32, #tpu.memory_space<hbm>>
    %dma_start3A_183 = arith.constant 0 : i32
    %dma_start3A_184 = arith.constant 0 : i32
    %dma_start3A_185 = tpu.memref_slice %arg6[%dma_start3A_171, %dma_start3A_183, %dma_start3A_184] : memref<12x64x128xf32, #tpu.memory_space<vmem>> -> memref<1x64x128xf32, #tpu.memory_space<vmem>>
    %dma_start3A_186 = tpu.memref_squeeze %dma_start3A_185 : memref<1x64x128xf32, #tpu.memory_space<vmem>> -> memref<64x128xf32, #tpu.memory_space<vmem>>
    tpu.enqueue_dma source(%dma_start3A_186 : memref<64x128xf32, #tpu.memory_space<vmem>>) target(%dma_start3A_182 : memref<64x128xf32, #tpu.memory_space<hbm>>) target_semaphore(%arg21 : memref<!tpu.dma_semaphore, #tpu.memory_space<semaphore_mem>>)
    %dma_start3A_187 = arith.constant 4 : i32
    %dma_start3A_188 = arith.constant 8 : i32
    %dma_start3A_189 = arith.constant 0 : i32
    %dma_start3A_190 = arith.constant 0 : i32
    %dma_start3A_191 = tpu.memref_slice %arg6[%dma_start3A_188, %dma_start3A_189, %dma_start3A_190] : memref<12x64x128xf32, #tpu.memory_space<vmem>> -> memref<1x64x128xf32, #tpu.memory_space<vmem>>
    %dma_start3A_192 = tpu.memref_squeeze %dma_start3A_191 : memref<1x64x128xf32, #tpu.memory_space<vmem>> -> memref<64x128xf32, #tpu.memory_space<vmem>>
    %dma_start3A_193 = arith.constant 0 : i32
    %dma_start3A_194 = tpu.memref_slice %arg5[%dma_start3A_187, %dma_start3A_193] : memref<50x128xi32, #tpu.memory_space<vmem>> -> memref<1x64xi32, #tpu.memory_space<vmem>>
    %dma_start3A_195 = tpu.memref_squeeze %dma_start3A_194 : memref<1x64xi32, #tpu.memory_space<vmem>> -> memref<64xi32, #tpu.memory_space<vmem>>
    %dma_start3A_196 = arith.constant 0 : i32
    %dma_start3A_197 = arith.constant 0 : i32
    %dma_start3A_198 = tpu.memref_slice %arg2[%dma_start3A_196, %dma_start3A_197] : memref<100000x128xf32, #tpu.memory_space<hbm>> -> memref<100000x128xf32, #tpu.memory_space<hbm>>
    tpu.enqueue_indirect_dma source(%dma_start3A_198 : memref<100000x128xf32, #tpu.memory_space<hbm>>) target(%dma_start3A_192 : memref<64x128xf32, #tpu.memory_space<vmem>>) offsets(%dma_start3A_195 : memref<64xi32, #tpu.memory_space<vmem>>) semaphore(%arg15 : memref<!tpu.dma_semaphore, #tpu.memory_space<semaphore_mem>>)
    %dma_wait3A_199 = arith.constant 1 : i32
    %dma_wait3A_200 = arith.constant 3 : i32
    %dma_wait3A_201 = arith.constant 0 : i32
    %dma_wait3A_202 = arith.constant 0 : i32
    %dma_wait3A_203 = tpu.memref_slice %arg6[%dma_wait3A_200, %dma_wait3A_201, %dma_wait3A_202] : memref<12x64x128xf32, #tpu.memory_space<vmem>> -> memref<1x64x128xf32, #tpu.memory_space<vmem>>
    %dma_wait3A_204 = tpu.memref_squeeze %dma_wait3A_203 : memref<1x64x128xf32, #tpu.memory_space<vmem>> -> memref<64x128xf32, #tpu.memory_space<vmem>>
    %dma_wait3A_205 = arith.constant 64 : i32
    %dma_wait3A_206 = tpu.memref_slice %arg5[%dma_wait3A_199, %dma_wait3A_205] : memref<50x128xi32, #tpu.memory_space<vmem>> -> memref<1x64xi32, #tpu.memory_space<vmem>>
    %dma_wait3A_207 = tpu.memref_squeeze %dma_wait3A_206 : memref<1x64xi32, #tpu.memory_space<vmem>> -> memref<64xi32, #tpu.memory_space<vmem>>
    %dma_wait3A_208 = arith.constant 0 : i32
    %dma_wait3A_209 = arith.constant 0 : i32
    %dma_wait3A_210 = tpu.memref_slice %arg2[%dma_wait3A_208, %dma_wait3A_209] : memref<100000x128xf32, #tpu.memory_space<hbm>> -> memref<100000x128xf32, #tpu.memory_space<hbm>>
    tpu.wait_indirect_dma semaphore(%arg10 : memref<!tpu.dma_semaphore, #tpu.memory_space<semaphore_mem>>) src(%dma_wait3A_210 : memref<100000x128xf32, #tpu.memory_space<hbm>>) dst(%dma_wait3A_204 : memref<64x128xf32, #tpu.memory_space<vmem>>)
    %add3A_211 = arith.constant 64 : i32
    %add3A_212 = arith.addi %mul3A_2, %add3A_211 : i32
    %dma_start3A_213 = arith.constant 3 : i32
    %dma_start3A_214 = arith.constant 1 : i32
    %dma_start3A_215 = arith.constant 0 : i32
    %dma_start3A_216 = arith.constant 0 : i32
    %dma_start3A_217 = tpu.memref_slice %arg6[%dma_start3A_213, %dma_start3A_215, %dma_start3A_216] : memref<12x64x128xf32, #tpu.memory_space<vmem>> -> memref<1x64x128xf32, #tpu.memory_space<vmem>>
    %dma_start3A_218 = tpu.memref_squeeze %dma_start3A_217 : memref<1x64x128xf32, #tpu.memory_space<vmem>> -> memref<64x128xf32, #tpu.memory_space<vmem>>
    %dma_start3A_219 = arith.constant 0 : i32
    %dma_start3A_220 = tpu.memref_slice %arg4[%dma_start3A_214, %add3A_212, %dma_start3A_219] : memref<50x4096x128xf32, #tpu.memory_space<hbm>> -> memref<1x64x128xf32, #tpu.memory_space<hbm>>
    %dma_start3A_221 = tpu.memref_squeeze %dma_start3A_220 : memref<1x64x128xf32, #tpu.memory_space<hbm>> -> memref<64x128xf32, #tpu.memory_space<hbm>>
    %dma_start3A_222 = arith.constant 0 : i32
    %dma_start3A_223 = tpu.memref_slice %arg4[%dma_start3A_214, %add3A_212, %dma_start3A_222] : memref<50x4096x128xf32, #tpu.memory_space<hbm>> -> memref<1x64x128xf32, #tpu.memory_space<hbm>>
    %dma_start3A_224 = tpu.memref_squeeze %dma_start3A_223 : memref<1x64x128xf32, #tpu.memory_space<hbm>> -> memref<64x128xf32, #tpu.memory_space<hbm>>
    %dma_start3A_225 = arith.constant 0 : i32
    %dma_start3A_226 = arith.constant 0 : i32
    %dma_start3A_227 = tpu.memref_slice %arg6[%dma_start3A_213, %dma_start3A_225, %dma_start3A_226] : memref<12x64x128xf32, #tpu.memory_space<vmem>> -> memref<1x64x128xf32, #tpu.memory_space<vmem>>
    %dma_start3A_228 = tpu.memref_squeeze %dma_start3A_227 : memref<1x64x128xf32, #tpu.memory_space<vmem>> -> memref<64x128xf32, #tpu.memory_space<vmem>>
    tpu.enqueue_dma source(%dma_start3A_228 : memref<64x128xf32, #tpu.memory_space<vmem>>) target(%dma_start3A_224 : memref<64x128xf32, #tpu.memory_space<hbm>>) target_semaphore(%arg22 : memref<!tpu.dma_semaphore, #tpu.memory_space<semaphore_mem>>)
    %dma_start3A_229 = arith.constant 4 : i32
    %dma_start3A_230 = arith.constant 9 : i32
    %dma_start3A_231 = arith.constant 0 : i32
    %dma_start3A_232 = arith.constant 0 : i32
    %dma_start3A_233 = tpu.memref_slice %arg6[%dma_start3A_230, %dma_start3A_231, %dma_start3A_232] : memref<12x64x128xf32, #tpu.memory_space<vmem>> -> memref<1x64x128xf32, #tpu.memory_space<vmem>>
    %dma_start3A_234 = tpu.memref_squeeze %dma_start3A_233 : memref<1x64x128xf32, #tpu.memory_space<vmem>> -> memref<64x128xf32, #tpu.memory_space<vmem>>
    %dma_start3A_235 = arith.constant 64 : i32
    %dma_start3A_236 = tpu.memref_slice %arg5[%dma_start3A_229, %dma_start3A_235] : memref<50x128xi32, #tpu.memory_space<vmem>> -> memref<1x64xi32, #tpu.memory_space<vmem>>
    %dma_start3A_237 = tpu.memref_squeeze %dma_start3A_236 : memref<1x64xi32, #tpu.memory_space<vmem>> -> memref<64xi32, #tpu.memory_space<vmem>>
    %dma_start3A_238 = arith.constant 0 : i32
    %dma_start3A_239 = arith.constant 0 : i32
    %dma_start3A_240 = tpu.memref_slice %arg2[%dma_start3A_238, %dma_start3A_239] : memref<100000x128xf32, #tpu.memory_space<hbm>> -> memref<100000x128xf32, #tpu.memory_space<hbm>>
    tpu.enqueue_indirect_dma source(%dma_start3A_240 : memref<100000x128xf32, #tpu.memory_space<hbm>>) target(%dma_start3A_234 : memref<64x128xf32, #tpu.memory_space<vmem>>) offsets(%dma_start3A_237 : memref<64xi32, #tpu.memory_space<vmem>>) semaphore(%arg16 : memref<!tpu.dma_semaphore, #tpu.memory_space<semaphore_mem>>)
    %dma_wait3A_241 = arith.constant 2 : i32
    %dma_wait3A_242 = arith.constant 4 : i32
    %dma_wait3A_243 = arith.constant 0 : i32
    %dma_wait3A_244 = arith.constant 0 : i32
    %dma_wait3A_245 = tpu.memref_slice %arg6[%dma_wait3A_242, %dma_wait3A_243, %dma_wait3A_244] : memref<12x64x128xf32, #tpu.memory_space<vmem>> -> memref<1x64x128xf32, #tpu.memory_space<vmem>>
    %dma_wait3A_246 = tpu.memref_squeeze %dma_wait3A_245 : memref<1x64x128xf32, #tpu.memory_space<vmem>> -> memref<64x128xf32, #tpu.memory_space<vmem>>
    %dma_wait3A_247 = arith.constant 0 : i32
    %dma_wait3A_248 = tpu.memref_slice %arg5[%dma_wait3A_241, %dma_wait3A_247] : memref<50x128xi32, #tpu.memory_space<vmem>> -> memref<1x64xi32, #tpu.memory_space<vmem>>
    %dma_wait3A_249 = tpu.memref_squeeze %dma_wait3A_248 : memref<1x64xi32, #tpu.memory_space<vmem>> -> memref<64xi32, #tpu.memory_space<vmem>>
    %dma_wait3A_250 = arith.constant 0 : i32
    %dma_wait3A_251 = arith.constant 0 : i32
    %dma_wait3A_252 = tpu.memref_slice %arg2[%dma_wait3A_250, %dma_wait3A_251] : memref<100000x128xf32, #tpu.memory_space<hbm>> -> memref<100000x128xf32, #tpu.memory_space<hbm>>
    tpu.wait_indirect_dma semaphore(%arg11 : memref<!tpu.dma_semaphore, #tpu.memory_space<semaphore_mem>>) src(%dma_wait3A_252 : memref<100000x128xf32, #tpu.memory_space<hbm>>) dst(%dma_wait3A_246 : memref<64x128xf32, #tpu.memory_space<vmem>>)
    %add3A_253 = arith.constant 0 : i32
    %add3A_254 = arith.addi %mul3A_2, %add3A_253 : i32
    %dma_start3A_255 = arith.constant 4 : i32
    %dma_start3A_256 = arith.constant 2 : i32
    %dma_start3A_257 = arith.constant 0 : i32
    %dma_start3A_258 = arith.constant 0 : i32
    %dma_start3A_259 = tpu.memref_slice %arg6[%dma_start3A_255, %dma_start3A_257, %dma_start3A_258] : memref<12x64x128xf32, #tpu.memory_space<vmem>> -> memref<1x64x128xf32, #tpu.memory_space<vmem>>
    %dma_start3A_260 = tpu.memref_squeeze %dma_start3A_259 : memref<1x64x128xf32, #tpu.memory_space<vmem>> -> memref<64x128xf32, #tpu.memory_space<vmem>>
    %dma_start3A_261 = arith.constant 0 : i32
    %dma_start3A_262 = tpu.memref_slice %arg4[%dma_start3A_256, %add3A_254, %dma_start3A_261] : memref<50x4096x128xf32, #tpu.memory_space<hbm>> -> memref<1x64x128xf32, #tpu.memory_space<hbm>>
    %dma_start3A_263 = tpu.memref_squeeze %dma_start3A_262 : memref<1x64x128xf32, #tpu.memory_space<hbm>> -> memref<64x128xf32, #tpu.memory_space<hbm>>
    %dma_start3A_264 = arith.constant 0 : i32
    %dma_start3A_265 = tpu.memref_slice %arg4[%dma_start3A_256, %add3A_254, %dma_start3A_264] : memref<50x4096x128xf32, #tpu.memory_space<hbm>> -> memref<1x64x128xf32, #tpu.memory_space<hbm>>
    %dma_start3A_266 = tpu.memref_squeeze %dma_start3A_265 : memref<1x64x128xf32, #tpu.memory_space<hbm>> -> memref<64x128xf32, #tpu.memory_space<hbm>>
    %dma_start3A_267 = arith.constant 0 : i32
    %dma_start3A_268 = arith.constant 0 : i32
    %dma_start3A_269 = tpu.memref_slice %arg6[%dma_start3A_255, %dma_start3A_267, %dma_start3A_268] : memref<12x64x128xf32, #tpu.memory_space<vmem>> -> memref<1x64x128xf32, #tpu.memory_space<vmem>>
    %dma_start3A_270 = tpu.memref_squeeze %dma_start3A_269 : memref<1x64x128xf32, #tpu.memory_space<vmem>> -> memref<64x128xf32, #tpu.memory_space<vmem>>
    tpu.enqueue_dma source(%dma_start3A_270 : memref<64x128xf32, #tpu.memory_space<vmem>>) target(%dma_start3A_266 : memref<64x128xf32, #tpu.memory_space<hbm>>) target_semaphore(%arg23 : memref<!tpu.dma_semaphore, #tpu.memory_space<semaphore_mem>>)
    %dma_start3A_271 = arith.constant 5 : i32
    %dma_start3A_272 = arith.constant 10 : i32
    %dma_start3A_273 = arith.constant 0 : i32
    %dma_start3A_274 = arith.constant 0 : i32
    %dma_start3A_275 = tpu.memref_slice %arg6[%dma_start3A_272, %dma_start3A_273, %dma_start3A_274] : memref<12x64x128xf32, #tpu.memory_space<vmem>> -> memref<1x64x128xf32, #tpu.memory_space<vmem>>
    %dma_start3A_276 = tpu.memref_squeeze %dma_start3A_275 : memref<1x64x128xf32, #tpu.memory_space<vmem>> -> memref<64x128xf32, #tpu.memory_space<vmem>>
    %dma_start3A_277 = arith.constant 0 : i32
    %dma_start3A_278 = tpu.memref_slice %arg5[%dma_start3A_271, %dma_start3A_277] : memref<50x128xi32, #tpu.memory_space<vmem>> -> memref<1x64xi32, #tpu.memory_space<vmem>>
    %dma_start3A_279 = tpu.memref_squeeze %dma_start3A_278 : memref<1x64xi32, #tpu.memory_space<vmem>> -> memref<64xi32, #tpu.memory_space<vmem>>
    %dma_start3A_280 = arith.constant 0 : i32
    %dma_start3A_281 = arith.constant 0 : i32
    %dma_start3A_282 = tpu.memref_slice %arg2[%dma_start3A_280, %dma_start3A_281] : memref<100000x128xf32, #tpu.memory_space<hbm>> -> memref<100000x128xf32, #tpu.memory_space<hbm>>
    tpu.enqueue_indirect_dma source(%dma_start3A_282 : memref<100000x128xf32, #tpu.memory_space<hbm>>) target(%dma_start3A_276 : memref<64x128xf32, #tpu.memory_space<vmem>>) offsets(%dma_start3A_279 : memref<64xi32, #tpu.memory_space<vmem>>) semaphore(%arg17 : memref<!tpu.dma_semaphore, #tpu.memory_space<semaphore_mem>>)
    %dma_wait3A_283 = arith.constant 2 : i32
    %dma_wait3A_284 = arith.constant 5 : i32
    %dma_wait3A_285 = arith.constant 0 : i32
    %dma_wait3A_286 = arith.constant 0 : i32
    %dma_wait3A_287 = tpu.memref_slice %arg6[%dma_wait3A_284, %dma_wait3A_285, %dma_wait3A_286] : memref<12x64x128xf32, #tpu.memory_space<vmem>> -> memref<1x64x128xf32, #tpu.memory_space<vmem>>
    %dma_wait3A_288 = tpu.memref_squeeze %dma_wait3A_287 : memref<1x64x128xf32, #tpu.memory_space<vmem>> -> memref<64x128xf32, #tpu.memory_space<vmem>>
    %dma_wait3A_289 = arith.constant 64 : i32
    %dma_wait3A_290 = tpu.memref_slice %arg5[%dma_wait3A_283, %dma_wait3A_289] : memref<50x128xi32, #tpu.memory_space<vmem>> -> memref<1x64xi32, #tpu.memory_space<vmem>>
    %dma_wait3A_291 = tpu.memref_squeeze %dma_wait3A_290 : memref<1x64xi32, #tpu.memory_space<vmem>> -> memref<64xi32, #tpu.memory_space<vmem>>
    %dma_wait3A_292 = arith.constant 0 : i32
    %dma_wait3A_293 = arith.constant 0 : i32
    %dma_wait3A_294 = tpu.memref_slice %arg2[%dma_wait3A_292, %dma_wait3A_293] : memref<100000x128xf32, #tpu.memory_space<hbm>> -> memref<100000x128xf32, #tpu.memory_space<hbm>>
    tpu.wait_indirect_dma semaphore(%arg12 : memref<!tpu.dma_semaphore, #tpu.memory_space<semaphore_mem>>) src(%dma_wait3A_294 : memref<100000x128xf32, #tpu.memory_space<hbm>>) dst(%dma_wait3A_288 : memref<64x128xf32, #tpu.memory_space<vmem>>)
    %add3A_295 = arith.constant 64 : i32
    %add3A_296 = arith.addi %mul3A_2, %add3A_295 : i32
    %dma_start3A_297 = arith.constant 5 : i32
    %dma_start3A_298 = arith.constant 2 : i32
    %dma_start3A_299 = arith.constant 0 : i32
    %dma_start3A_300 = arith.constant 0 : i32
    %dma_start3A_301 = tpu.memref_slice %arg6[%dma_start3A_297, %dma_start3A_299, %dma_start3A_300] : memref<12x64x128xf32, #tpu.memory_space<vmem>> -> memref<1x64x128xf32, #tpu.memory_space<vmem>>
    %dma_start3A_302 = tpu.memref_squeeze %dma_start3A_301 : memref<1x64x128xf32, #tpu.memory_space<vmem>> -> memref<64x128xf32, #tpu.memory_space<vmem>>
    %dma_start3A_303 = arith.constant 0 : i32
    %dma_start3A_304 = tpu.memref_slice %arg4[%dma_start3A_298, %add3A_296, %dma_start3A_303] : memref<50x4096x128xf32, #tpu.memory_space<hbm>> -> memref<1x64x128xf32, #tpu.memory_space<hbm>>
    %dma_start3A_305 = tpu.memref_squeeze %dma_start3A_304 : memref<1x64x128xf32, #tpu.memory_space<hbm>> -> memref<64x128xf32, #tpu.memory_space<hbm>>
    %dma_start3A_306 = arith.constant 0 : i32
    %dma_start3A_307 = tpu.memref_slice %arg4[%dma_start3A_298, %add3A_296, %dma_start3A_306] : memref<50x4096x128xf32, #tpu.memory_space<hbm>> -> memref<1x64x128xf32, #tpu.memory_space<hbm>>
    %dma_start3A_308 = tpu.memref_squeeze %dma_start3A_307 : memref<1x64x128xf32, #tpu.memory_space<hbm>> -> memref<64x128xf32, #tpu.memory_space<hbm>>
    %dma_start3A_309 = arith.constant 0 : i32
    %dma_start3A_310 = arith.constant 0 : i32
    %dma_start3A_311 = tpu.memref_slice %arg6[%dma_start3A_297, %dma_start3A_309, %dma_start3A_310] : memref<12x64x128xf32, #tpu.memory_space<vmem>> -> memref<1x64x128xf32, #tpu.memory_space<vmem>>
    %dma_start3A_312 = tpu.memref_squeeze %dma_start3A_311 : memref<1x64x128xf32, #tpu.memory_space<vmem>> -> memref<64x128xf32, #tpu.memory_space<vmem>>
    tpu.enqueue_dma source(%dma_start3A_312 : memref<64x128xf32, #tpu.memory_space<vmem>>) target(%dma_start3A_308 : memref<64x128xf32, #tpu.memory_space<hbm>>) target_semaphore(%arg24 : memref<!tpu.dma_semaphore, #tpu.memory_space<semaphore_mem>>)
    %dma_start3A_313 = arith.constant 5 : i32
    %dma_start3A_314 = arith.constant 11 : i32
    %dma_start3A_315 = arith.constant 0 : i32
    %dma_start3A_316 = arith.constant 0 : i32
    %dma_start3A_317 = tpu.memref_slice %arg6[%dma_start3A_314, %dma_start3A_315, %dma_start3A_316] : memref<12x64x128xf32, #tpu.memory_space<vmem>> -> memref<1x64x128xf32, #tpu.memory_space<vmem>>
    %dma_start3A_318 = tpu.memref_squeeze %dma_start3A_317 : memref<1x64x128xf32, #tpu.memory_space<vmem>> -> memref<64x128xf32, #tpu.memory_space<vmem>>
    %dma_start3A_319 = arith.constant 64 : i32
    %dma_start3A_320 = tpu.memref_slice %arg5[%dma_start3A_313, %dma_start3A_319] : memref<50x128xi32, #tpu.memory_space<vmem>> -> memref<1x64xi32, #tpu.memory_space<vmem>>
    %dma_start3A_321 = tpu.memref_squeeze %dma_start3A_320 : memref<1x64xi32, #tpu.memory_space<vmem>> -> memref<64xi32, #tpu.memory_space<vmem>>
    %dma_start3A_322 = arith.constant 0 : i32
    %dma_start3A_323 = arith.constant 0 : i32
    %dma_start3A_324 = tpu.memref_slice %arg2[%dma_start3A_322, %dma_start3A_323] : memref<100000x128xf32, #tpu.memory_space<hbm>> -> memref<100000x128xf32, #tpu.memory_space<hbm>>
    tpu.enqueue_indirect_dma source(%dma_start3A_324 : memref<100000x128xf32, #tpu.memory_space<hbm>>) target(%dma_start3A_318 : memref<64x128xf32, #tpu.memory_space<vmem>>) offsets(%dma_start3A_321 : memref<64xi32, #tpu.memory_space<vmem>>) semaphore(%arg18 : memref<!tpu.dma_semaphore, #tpu.memory_space<semaphore_mem>>)
    %scan3A = arith.constant 0 : i32
    %scan3A_325 = arith.constant 0 : i32
    %scan3A_326 = arith.constant 7 : i32
    %scan3A_327 = arith.addi %scan3A_325, %scan3A_326 : i32
    %scan3A_328 = arith.constant 1 : i32
    scf.for %scan3A_934 = %scan3A_325 to %scan3A_327 step %scan3A_328  : i32 {
      %mul3A_935 = arith.constant 12 : i32
      %mul3A_936 = arith.muli %mul3A_935, %scan3A_934 : i32
      %add3A_937 = arith.constant 6 : i32
      %add3A_938 = arith.addi %mul3A_936, %add3A_937 : i32
      %add3A_939 = arith.constant 0 : i32
      %add3A_940 = arith.addi %add3A_938, %add3A_939 : i32
      %jit3A = arith.constant 2 : i32
      %div3A = arith.divsi %add3A_940, %jit3A : i32
      %sign3A = arith.constant 0 : i32
      %sign3A_941 = arith.cmpi sgt, %add3A_940, %sign3A : i32
      %sign3A_942 = arith.extui %sign3A_941 : i1 to i32
      %sign3A_943 = arith.constant 0 : i32
      %sign3A_944 = arith.cmpi slt, %add3A_940, %sign3A_943 : i32
      %sign3A_945 = arith.extui %sign3A_944 : i1 to i32
      %sign3A_946 = arith.subi %sign3A_942, %sign3A_945 : i32
      %sign3A_947 = arith.constant 0 : i32
      %sign3A_948 = arith.cmpi sgt, %jit3A, %sign3A_947 : i32
      %sign3A_949 = arith.extui %sign3A_948 : i1 to i32
      %sign3A_950 = arith.constant 0 : i32
      %sign3A_951 = arith.cmpi slt, %jit3A, %sign3A_950 : i32
      %sign3A_952 = arith.extui %sign3A_951 : i1 to i32
      %sign3A_953 = arith.subi %sign3A_949, %sign3A_952 : i32
      %ne3A = arith.cmpi ne, %sign3A_946, %sign3A_953 : i32
      %rem3A = arith.remsi %add3A_940, %jit3A : i32
      %ne3A_954 = arith.constant 0 : i32
      %ne3A_955 = arith.cmpi ne, %rem3A, %ne3A_954 : i32
      %and3A = arith.andi %ne3A, %ne3A_955 : i1
      %sub3A = arith.constant 1 : i32
      %sub3A_956 = arith.subi %div3A, %sub3A : i32
      %select_n3A = arith.select %and3A, %sub3A_956, %div3A : i32
      %jit3A_957 = arith.constant 2 : i32
      %eq3A = arith.constant 0 : i32
      %eq3A_958 = arith.cmpi eq, %jit3A_957, %eq3A : i32
      %jit3A_959 = arith.constant 1 : i32
      %select_n3A_960 = arith.select %eq3A_958, %jit3A_959, %jit3A_957 : i32
      %rem3A_961 = arith.remsi %add3A_940, %select_n3A_960 : i32
      %ne3A_962 = arith.constant 0 : i32
      %ne3A_963 = arith.cmpi ne, %rem3A_961, %ne3A_962 : i32
      %lt3A = arith.constant 0 : i32
      %lt3A_964 = arith.cmpi slt, %rem3A_961, %lt3A : i32
      %lt3A_965 = arith.constant 0 : i32
      %lt3A_966 = arith.cmpi slt, %select_n3A_960, %lt3A_965 : i32
      %ne3A_967 = arith.xori %lt3A_964, %lt3A_966 : i1
      %and3A_968 = arith.andi %ne3A_967, %ne3A_963 : i1
      %add3A_969 = arith.addi %rem3A_961, %select_n3A_960 : i32
      %select_n3A_970 = arith.select %and3A_968, %add3A_969, %rem3A_961 : i32
      %mul3A_971 = arith.constant 64 : i32
      %mul3A_972 = arith.muli %select_n3A_970, %mul3A_971 : i32
      %dma_wait3A_973 = arith.constant 6 : i32
      %dma_wait3A_974 = arith.constant 0 : i32
      %dma_wait3A_975 = arith.constant 0 : i32
      %dma_wait3A_976 = tpu.memref_slice %arg6[%dma_wait3A_973, %dma_wait3A_974, %dma_wait3A_975] : memref<12x64x128xf32, #tpu.memory_space<vmem>> -> memref<1x64x128xf32, #tpu.memory_space<vmem>>
      %dma_wait3A_977 = tpu.memref_squeeze %dma_wait3A_976 : memref<1x64x128xf32, #tpu.memory_space<vmem>> -> memref<64x128xf32, #tpu.memory_space<vmem>>
      %dma_wait3A_978 = tpu.memref_slice %arg5[%select_n3A, %mul3A_972] : memref<50x128xi32, #tpu.memory_space<vmem>> -> memref<1x64xi32, #tpu.memory_space<vmem>>
      %dma_wait3A_979 = tpu.memref_squeeze %dma_wait3A_978 : memref<1x64xi32, #tpu.memory_space<vmem>> -> memref<64xi32, #tpu.memory_space<vmem>>
      %dma_wait3A_980 = arith.constant 0 : i32
      %dma_wait3A_981 = arith.constant 0 : i32
      %dma_wait3A_982 = tpu.memref_slice %arg2[%dma_wait3A_980, %dma_wait3A_981] : memref<100000x128xf32, #tpu.memory_space<hbm>> -> memref<100000x128xf32, #tpu.memory_space<hbm>>
      tpu.wait_indirect_dma semaphore(%arg13 : memref<!tpu.dma_semaphore, #tpu.memory_space<semaphore_mem>>) src(%dma_wait3A_982 : memref<100000x128xf32, #tpu.memory_space<hbm>>) dst(%dma_wait3A_977 : memref<64x128xf32, #tpu.memory_space<vmem>>)
      %jit3A_983 = arith.constant 2 : i32
      %div3A_984 = arith.divsi %add3A_940, %jit3A_983 : i32
      %sign3A_985 = arith.constant 0 : i32
      %sign3A_986 = arith.cmpi sgt, %add3A_940, %sign3A_985 : i32
      %sign3A_987 = arith.extui %sign3A_986 : i1 to i32
      %sign3A_988 = arith.constant 0 : i32
      %sign3A_989 = arith.cmpi slt, %add3A_940, %sign3A_988 : i32
      %sign3A_990 = arith.extui %sign3A_989 : i1 to i32
      %sign3A_991 = arith.subi %sign3A_987, %sign3A_990 : i32
      %sign3A_992 = arith.constant 0 : i32
      %sign3A_993 = arith.cmpi sgt, %jit3A_983, %sign3A_992 : i32
      %sign3A_994 = arith.extui %sign3A_993 : i1 to i32
      %sign3A_995 = arith.constant 0 : i32
      %sign3A_996 = arith.cmpi slt, %jit3A_983, %sign3A_995 : i32
      %sign3A_997 = arith.extui %sign3A_996 : i1 to i32
      %sign3A_998 = arith.subi %sign3A_994, %sign3A_997 : i32
      %ne3A_999 = arith.cmpi ne, %sign3A_991, %sign3A_998 : i32
      %rem3A_1000 = arith.remsi %add3A_940, %jit3A_983 : i32
      %ne3A_1001 = arith.constant 0 : i32
      %ne3A_1002 = arith.cmpi ne, %rem3A_1000, %ne3A_1001 : i32
      %and3A_1003 = arith.andi %ne3A_999, %ne3A_1002 : i1
      %sub3A_1004 = arith.constant 1 : i32
      %sub3A_1005 = arith.subi %div3A_984, %sub3A_1004 : i32
      %select_n3A_1006 = arith.select %and3A_1003, %sub3A_1005, %div3A_984 : i32
      %jit3A_1007 = arith.constant 2 : i32
      %eq3A_1008 = arith.constant 0 : i32
      %eq3A_1009 = arith.cmpi eq, %jit3A_1007, %eq3A_1008 : i32
      %jit3A_1010 = arith.constant 1 : i32
      %select_n3A_1011 = arith.select %eq3A_1009, %jit3A_1010, %jit3A_1007 : i32
      %rem3A_1012 = arith.remsi %add3A_940, %select_n3A_1011 : i32
      %ne3A_1013 = arith.constant 0 : i32
      %ne3A_1014 = arith.cmpi ne, %rem3A_1012, %ne3A_1013 : i32
      %lt3A_1015 = arith.constant 0 : i32
      %lt3A_1016 = arith.cmpi slt, %rem3A_1012, %lt3A_1015 : i32
      %lt3A_1017 = arith.constant 0 : i32
      %lt3A_1018 = arith.cmpi slt, %select_n3A_1011, %lt3A_1017 : i32
      %ne3A_1019 = arith.xori %lt3A_1016, %lt3A_1018 : i1
      %and3A_1020 = arith.andi %ne3A_1019, %ne3A_1014 : i1
      %add3A_1021 = arith.addi %rem3A_1012, %select_n3A_1011 : i32
      %select_n3A_1022 = arith.select %and3A_1020, %add3A_1021, %rem3A_1012 : i32
      %mul3A_1023 = arith.constant 64 : i32
      %mul3A_1024 = arith.muli %select_n3A_1022, %mul3A_1023 : i32
      %add3A_1025 = arith.addi %mul3A_2, %mul3A_1024 : i32
      %dma_start3A_1026 = arith.constant 6 : i32
      %dma_start3A_1027 = arith.constant 0 : i32
      %dma_start3A_1028 = arith.constant 0 : i32
      %dma_start3A_1029 = tpu.memref_slice %arg6[%dma_start3A_1026, %dma_start3A_1027, %dma_start3A_1028] : memref<12x64x128xf32, #tpu.memory_space<vmem>> -> memref<1x64x128xf32, #tpu.memory_space<vmem>>
      %dma_start3A_1030 = tpu.memref_squeeze %dma_start3A_1029 : memref<1x64x128xf32, #tpu.memory_space<vmem>> -> memref<64x128xf32, #tpu.memory_space<vmem>>
      %dma_start3A_1031 = arith.constant 0 : i32
      %dma_start3A_1032 = tpu.memref_slice %arg4[%select_n3A_1006, %add3A_1025, %dma_start3A_1031] : memref<50x4096x128xf32, #tpu.memory_space<hbm>> -> memref<1x64x128xf32, #tpu.memory_space<hbm>>
      %dma_start3A_1033 = tpu.memref_squeeze %dma_start3A_1032 : memref<1x64x128xf32, #tpu.memory_space<hbm>> -> memref<64x128xf32, #tpu.memory_space<hbm>>
      %dma_start3A_1034 = arith.constant 0 : i32
      %dma_start3A_1035 = tpu.memref_slice %arg4[%select_n3A_1006, %add3A_1025, %dma_start3A_1034] : memref<50x4096x128xf32, #tpu.memory_space<hbm>> -> memref<1x64x128xf32, #tpu.memory_space<hbm>>
      %dma_start3A_1036 = tpu.memref_squeeze %dma_start3A_1035 : memref<1x64x128xf32, #tpu.memory_space<hbm>> -> memref<64x128xf32, #tpu.memory_space<hbm>>
      %dma_start3A_1037 = arith.constant 0 : i32
      %dma_start3A_1038 = arith.constant 0 : i32
      %dma_start3A_1039 = tpu.memref_slice %arg6[%dma_start3A_1026, %dma_start3A_1037, %dma_start3A_1038] : memref<12x64x128xf32, #tpu.memory_space<vmem>> -> memref<1x64x128xf32, #tpu.memory_space<vmem>>
      %dma_start3A_1040 = tpu.memref_squeeze %dma_start3A_1039 : memref<1x64x128xf32, #tpu.memory_space<vmem>> -> memref<64x128xf32, #tpu.memory_space<vmem>>
      tpu.enqueue_dma source(%dma_start3A_1040 : memref<64x128xf32, #tpu.memory_space<vmem>>) target(%dma_start3A_1036 : memref<64x128xf32, #tpu.memory_space<hbm>>) target_semaphore(%arg25 : memref<!tpu.dma_semaphore, #tpu.memory_space<semaphore_mem>>)
      %dma_wait3A_1041 = arith.constant 0 : i32
      %dma_wait3A_1042 = arith.constant 0 : i32
      %dma_wait3A_1043 = arith.constant 0 : i32
      %dma_wait3A_1044 = arith.constant 0 : i32
      %dma_wait3A_1045 = tpu.memref_slice %arg6[%dma_wait3A_1041, %dma_wait3A_1043, %dma_wait3A_1044] : memref<12x64x128xf32, #tpu.memory_space<vmem>> -> memref<1x64x128xf32, #tpu.memory_space<vmem>>
      %dma_wait3A_1046 = tpu.memref_squeeze %dma_wait3A_1045 : memref<1x64x128xf32, #tpu.memory_space<vmem>> -> memref<64x128xf32, #tpu.memory_space<vmem>>
      %dma_wait3A_1047 = arith.constant 0 : i32
      %dma_wait3A_1048 = tpu.memref_slice %arg4[%dma_wait3A_1042, %mul3A_2, %dma_wait3A_1047] : memref<50x4096x128xf32, #tpu.memory_space<hbm>> -> memref<1x64x128xf32, #tpu.memory_space<hbm>>
      %dma_wait3A_1049 = tpu.memref_squeeze %dma_wait3A_1048 : memref<1x64x128xf32, #tpu.memory_space<hbm>> -> memref<64x128xf32, #tpu.memory_space<hbm>>
      %dma_wait3A_1050 = arith.constant 0 : i32
      %dma_wait3A_1051 = tpu.memref_slice %arg4[%dma_wait3A_1042, %mul3A_2, %dma_wait3A_1050] : memref<50x4096x128xf32, #tpu.memory_space<hbm>> -> memref<1x64x128xf32, #tpu.memory_space<hbm>>
      %dma_wait3A_1052 = tpu.memref_squeeze %dma_wait3A_1051 : memref<1x64x128xf32, #tpu.memory_space<hbm>> -> memref<64x128xf32, #tpu.memory_space<hbm>>
      %dma_wait3A_1053 = arith.constant 0 : i32
      %dma_wait3A_1054 = arith.constant 0 : i32
      %dma_wait3A_1055 = tpu.memref_slice %arg6[%dma_wait3A_1041, %dma_wait3A_1053, %dma_wait3A_1054] : memref<12x64x128xf32, #tpu.memory_space<vmem>> -> memref<1x64x128xf32, #tpu.memory_space<vmem>>
      %dma_wait3A_1056 = tpu.memref_squeeze %dma_wait3A_1055 : memref<1x64x128xf32, #tpu.memory_space<vmem>> -> memref<64x128xf32, #tpu.memory_space<vmem>>
      tpu.wait_dma2 semaphore(%arg19 : memref<!tpu.dma_semaphore, #tpu.memory_space<semaphore_mem>>) src(%dma_wait3A_1056 : memref<64x128xf32, #tpu.memory_space<vmem>>) dst(%dma_wait3A_1052 : memref<64x128xf32, #tpu.memory_space<hbm>>)
      %add3A_1057 = arith.constant 6 : i32
      %add3A_1058 = arith.addi %add3A_940, %add3A_1057 : i32
      %jit3A_1059 = arith.constant 2 : i32
      %div3A_1060 = arith.divsi %add3A_1058, %jit3A_1059 : i32
      %sign3A_1061 = arith.constant 0 : i32
      %sign3A_1062 = arith.cmpi sgt, %add3A_1058, %sign3A_1061 : i32
      %sign3A_1063 = arith.extui %sign3A_1062 : i1 to i32
      %sign3A_1064 = arith.constant 0 : i32
      %sign3A_1065 = arith.cmpi slt, %add3A_1058, %sign3A_1064 : i32
      %sign3A_1066 = arith.extui %sign3A_1065 : i1 to i32
      %sign3A_1067 = arith.subi %sign3A_1063, %sign3A_1066 : i32
      %sign3A_1068 = arith.constant 0 : i32
      %sign3A_1069 = arith.cmpi sgt, %jit3A_1059, %sign3A_1068 : i32
      %sign3A_1070 = arith.extui %sign3A_1069 : i1 to i32
      %sign3A_1071 = arith.constant 0 : i32
      %sign3A_1072 = arith.cmpi slt, %jit3A_1059, %sign3A_1071 : i32
      %sign3A_1073 = arith.extui %sign3A_1072 : i1 to i32
      %sign3A_1074 = arith.subi %sign3A_1070, %sign3A_1073 : i32
      %ne3A_1075 = arith.cmpi ne, %sign3A_1067, %sign3A_1074 : i32
      %rem3A_1076 = arith.remsi %add3A_1058, %jit3A_1059 : i32
      %ne3A_1077 = arith.constant 0 : i32
      %ne3A_1078 = arith.cmpi ne, %rem3A_1076, %ne3A_1077 : i32
      %and3A_1079 = arith.andi %ne3A_1075, %ne3A_1078 : i1
      %sub3A_1080 = arith.constant 1 : i32
      %sub3A_1081 = arith.subi %div3A_1060, %sub3A_1080 : i32
      %select_n3A_1082 = arith.select %and3A_1079, %sub3A_1081, %div3A_1060 : i32
      %jit3A_1083 = arith.constant 2 : i32
      %eq3A_1084 = arith.constant 0 : i32
      %eq3A_1085 = arith.cmpi eq, %jit3A_1083, %eq3A_1084 : i32
      %jit3A_1086 = arith.constant 1 : i32
      %select_n3A_1087 = arith.select %eq3A_1085, %jit3A_1086, %jit3A_1083 : i32
      %rem3A_1088 = arith.remsi %add3A_1058, %select_n3A_1087 : i32
      %ne3A_1089 = arith.constant 0 : i32
      %ne3A_1090 = arith.cmpi ne, %rem3A_1088, %ne3A_1089 : i32
      %lt3A_1091 = arith.constant 0 : i32
      %lt3A_1092 = arith.cmpi slt, %rem3A_1088, %lt3A_1091 : i32
      %lt3A_1093 = arith.constant 0 : i32
      %lt3A_1094 = arith.cmpi slt, %select_n3A_1087, %lt3A_1093 : i32
      %ne3A_1095 = arith.xori %lt3A_1092, %lt3A_1094 : i1
      %and3A_1096 = arith.andi %ne3A_1095, %ne3A_1090 : i1
      %add3A_1097 = arith.addi %rem3A_1088, %select_n3A_1087 : i32
      %select_n3A_1098 = arith.select %and3A_1096, %add3A_1097, %rem3A_1088 : i32
      %mul3A_1099 = arith.constant 64 : i32
      %mul3A_1100 = arith.muli %select_n3A_1098, %mul3A_1099 : i32
      %dma_start3A_1101 = arith.constant 0 : i32
      %dma_start3A_1102 = arith.constant 0 : i32
      %dma_start3A_1103 = arith.constant 0 : i32
      %dma_start3A_1104 = tpu.memref_slice %arg6[%dma_start3A_1101, %dma_start3A_1102, %dma_start3A_1103] : memref<12x64x128xf32, #tpu.memory_space<vmem>> -> memref<1x64x128xf32, #tpu.memory_space<vmem>>
      %dma_start3A_1105 = tpu.memref_squeeze %dma_start3A_1104 : memref<1x64x128xf32, #tpu.memory_space<vmem>> -> memref<64x128xf32, #tpu.memory_space<vmem>>
      %dma_start3A_1106 = tpu.memref_slice %arg5[%select_n3A_1082, %mul3A_1100] : memref<50x128xi32, #tpu.memory_space<vmem>> -> memref<1x64xi32, #tpu.memory_space<vmem>>
      %dma_start3A_1107 = tpu.memref_squeeze %dma_start3A_1106 : memref<1x64xi32, #tpu.memory_space<vmem>> -> memref<64xi32, #tpu.memory_space<vmem>>
      %dma_start3A_1108 = arith.constant 0 : i32
      %dma_start3A_1109 = arith.constant 0 : i32
      %dma_start3A_1110 = tpu.memref_slice %arg2[%dma_start3A_1108, %dma_start3A_1109] : memref<100000x128xf32, #tpu.memory_space<hbm>> -> memref<100000x128xf32, #tpu.memory_space<hbm>>
      tpu.enqueue_indirect_dma source(%dma_start3A_1110 : memref<100000x128xf32, #tpu.memory_space<hbm>>) target(%dma_start3A_1105 : memref<64x128xf32, #tpu.memory_space<vmem>>) offsets(%dma_start3A_1107 : memref<64xi32, #tpu.memory_space<vmem>>) semaphore(%arg7 : memref<!tpu.dma_semaphore, #tpu.memory_space<semaphore_mem>>)
      %add3A_1111 = arith.constant 1 : i32
      %add3A_1112 = arith.addi %add3A_938, %add3A_1111 : i32
      %jit3A_1113 = arith.constant 2 : i32
      %div3A_1114 = arith.divsi %add3A_1112, %jit3A_1113 : i32
      %sign3A_1115 = arith.constant 0 : i32
      %sign3A_1116 = arith.cmpi sgt, %add3A_1112, %sign3A_1115 : i32
      %sign3A_1117 = arith.extui %sign3A_1116 : i1 to i32
      %sign3A_1118 = arith.constant 0 : i32
      %sign3A_1119 = arith.cmpi slt, %add3A_1112, %sign3A_1118 : i32
      %sign3A_1120 = arith.extui %sign3A_1119 : i1 to i32
      %sign3A_1121 = arith.subi %sign3A_1117, %sign3A_1120 : i32
      %sign3A_1122 = arith.constant 0 : i32
      %sign3A_1123 = arith.cmpi sgt, %jit3A_1113, %sign3A_1122 : i32
      %sign3A_1124 = arith.extui %sign3A_1123 : i1 to i32
      %sign3A_1125 = arith.constant 0 : i32
      %sign3A_1126 = arith.cmpi slt, %jit3A_1113, %sign3A_1125 : i32
      %sign3A_1127 = arith.extui %sign3A_1126 : i1 to i32
      %sign3A_1128 = arith.subi %sign3A_1124, %sign3A_1127 : i32
      %ne3A_1129 = arith.cmpi ne, %sign3A_1121, %sign3A_1128 : i32
      %rem3A_1130 = arith.remsi %add3A_1112, %jit3A_1113 : i32
      %ne3A_1131 = arith.constant 0 : i32
      %ne3A_1132 = arith.cmpi ne, %rem3A_1130, %ne3A_1131 : i32
      %and3A_1133 = arith.andi %ne3A_1129, %ne3A_1132 : i1
      %sub3A_1134 = arith.constant 1 : i32
      %sub3A_1135 = arith.subi %div3A_1114, %sub3A_1134 : i32
      %select_n3A_1136 = arith.select %and3A_1133, %sub3A_1135, %div3A_1114 : i32
      %jit3A_1137 = arith.constant 2 : i32
      %eq3A_1138 = arith.constant 0 : i32
      %eq3A_1139 = arith.cmpi eq, %jit3A_1137, %eq3A_1138 : i32
      %jit3A_1140 = arith.constant 1 : i32
      %select_n3A_1141 = arith.select %eq3A_1139, %jit3A_1140, %jit3A_1137 : i32
      %rem3A_1142 = arith.remsi %add3A_1112, %select_n3A_1141 : i32
      %ne3A_1143 = arith.constant 0 : i32
      %ne3A_1144 = arith.cmpi ne, %rem3A_1142, %ne3A_1143 : i32
      %lt3A_1145 = arith.constant 0 : i32
      %lt3A_1146 = arith.cmpi slt, %rem3A_1142, %lt3A_1145 : i32
      %lt3A_1147 = arith.constant 0 : i32
      %lt3A_1148 = arith.cmpi slt, %select_n3A_1141, %lt3A_1147 : i32
      %ne3A_1149 = arith.xori %lt3A_1146, %lt3A_1148 : i1
      %and3A_1150 = arith.andi %ne3A_1149, %ne3A_1144 : i1
      %add3A_1151 = arith.addi %rem3A_1142, %select_n3A_1141 : i32
      %select_n3A_1152 = arith.select %and3A_1150, %add3A_1151, %rem3A_1142 : i32
      %mul3A_1153 = arith.constant 64 : i32
      %mul3A_1154 = arith.muli %select_n3A_1152, %mul3A_1153 : i32
      %dma_wait3A_1155 = arith.constant 7 : i32
      %dma_wait3A_1156 = arith.constant 0 : i32
      %dma_wait3A_1157 = arith.constant 0 : i32
      %dma_wait3A_1158 = tpu.memref_slice %arg6[%dma_wait3A_1155, %dma_wait3A_1156, %dma_wait3A_1157] : memref<12x64x128xf32, #tpu.memory_space<vmem>> -> memref<1x64x128xf32, #tpu.memory_space<vmem>>
      %dma_wait3A_1159 = tpu.memref_squeeze %dma_wait3A_1158 : memref<1x64x128xf32, #tpu.memory_space<vmem>> -> memref<64x128xf32, #tpu.memory_space<vmem>>
      %dma_wait3A_1160 = tpu.memref_slice %arg5[%select_n3A_1136, %mul3A_1154] : memref<50x128xi32, #tpu.memory_space<vmem>> -> memref<1x64xi32, #tpu.memory_space<vmem>>
      %dma_wait3A_1161 = tpu.memref_squeeze %dma_wait3A_1160 : memref<1x64xi32, #tpu.memory_space<vmem>> -> memref<64xi32, #tpu.memory_space<vmem>>
      %dma_wait3A_1162 = arith.constant 0 : i32
      %dma_wait3A_1163 = arith.constant 0 : i32
      %dma_wait3A_1164 = tpu.memref_slice %arg2[%dma_wait3A_1162, %dma_wait3A_1163] : memref<100000x128xf32, #tpu.memory_space<hbm>> -> memref<100000x128xf32, #tpu.memory_space<hbm>>
      tpu.wait_indirect_dma semaphore(%arg14 : memref<!tpu.dma_semaphore, #tpu.memory_space<semaphore_mem>>) src(%dma_wait3A_1164 : memref<100000x128xf32, #tpu.memory_space<hbm>>) dst(%dma_wait3A_1159 : memref<64x128xf32, #tpu.memory_space<vmem>>)
      %jit3A_1165 = arith.constant 2 : i32
      %div3A_1166 = arith.divsi %add3A_1112, %jit3A_1165 : i32
      %sign3A_1167 = arith.constant 0 : i32
      %sign3A_1168 = arith.cmpi sgt, %add3A_1112, %sign3A_1167 : i32
      %sign3A_1169 = arith.extui %sign3A_1168 : i1 to i32
      %sign3A_1170 = arith.constant 0 : i32
      %sign3A_1171 = arith.cmpi slt, %add3A_1112, %sign3A_1170 : i32
      %sign3A_1172 = arith.extui %sign3A_1171 : i1 to i32
      %sign3A_1173 = arith.subi %sign3A_1169, %sign3A_1172 : i32
      %sign3A_1174 = arith.constant 0 : i32
      %sign3A_1175 = arith.cmpi sgt, %jit3A_1165, %sign3A_1174 : i32
      %sign3A_1176 = arith.extui %sign3A_1175 : i1 to i32
      %sign3A_1177 = arith.constant 0 : i32
      %sign3A_1178 = arith.cmpi slt, %jit3A_1165, %sign3A_1177 : i32
      %sign3A_1179 = arith.extui %sign3A_1178 : i1 to i32
      %sign3A_1180 = arith.subi %sign3A_1176, %sign3A_1179 : i32
      %ne3A_1181 = arith.cmpi ne, %sign3A_1173, %sign3A_1180 : i32
      %rem3A_1182 = arith.remsi %add3A_1112, %jit3A_1165 : i32
      %ne3A_1183 = arith.constant 0 : i32
      %ne3A_1184 = arith.cmpi ne, %rem3A_1182, %ne3A_1183 : i32
      %and3A_1185 = arith.andi %ne3A_1181, %ne3A_1184 : i1
      %sub3A_1186 = arith.constant 1 : i32
      %sub3A_1187 = arith.subi %div3A_1166, %sub3A_1186 : i32
      %select_n3A_1188 = arith.select %and3A_1185, %sub3A_1187, %div3A_1166 : i32
      %jit3A_1189 = arith.constant 2 : i32
      %eq3A_1190 = arith.constant 0 : i32
      %eq3A_1191 = arith.cmpi eq, %jit3A_1189, %eq3A_1190 : i32
      %jit3A_1192 = arith.constant 1 : i32
      %select_n3A_1193 = arith.select %eq3A_1191, %jit3A_1192, %jit3A_1189 : i32
      %rem3A_1194 = arith.remsi %add3A_1112, %select_n3A_1193 : i32
      %ne3A_1195 = arith.constant 0 : i32
      %ne3A_1196 = arith.cmpi ne, %rem3A_1194, %ne3A_1195 : i32
      %lt3A_1197 = arith.constant 0 : i32
      %lt3A_1198 = arith.cmpi slt, %rem3A_1194, %lt3A_1197 : i32
      %lt3A_1199 = arith.constant 0 : i32
      %lt3A_1200 = arith.cmpi slt, %select_n3A_1193, %lt3A_1199 : i32
      %ne3A_1201 = arith.xori %lt3A_1198, %lt3A_1200 : i1
      %and3A_1202 = arith.andi %ne3A_1201, %ne3A_1196 : i1
      %add3A_1203 = arith.addi %rem3A_1194, %select_n3A_1193 : i32
      %select_n3A_1204 = arith.select %and3A_1202, %add3A_1203, %rem3A_1194 : i32
      %mul3A_1205 = arith.constant 64 : i32
      %mul3A_1206 = arith.muli %select_n3A_1204, %mul3A_1205 : i32
      %add3A_1207 = arith.addi %mul3A_2, %mul3A_1206 : i32
      %dma_start3A_1208 = arith.constant 7 : i32
      %dma_start3A_1209 = arith.constant 0 : i32
      %dma_start3A_1210 = arith.constant 0 : i32
      %dma_start3A_1211 = tpu.memref_slice %arg6[%dma_start3A_1208, %dma_start3A_1209, %dma_start3A_1210] : memref<12x64x128xf32, #tpu.memory_space<vmem>> -> memref<1x64x128xf32, #tpu.memory_space<vmem>>
      %dma_start3A_1212 = tpu.memref_squeeze %dma_start3A_1211 : memref<1x64x128xf32, #tpu.memory_space<vmem>> -> memref<64x128xf32, #tpu.memory_space<vmem>>
      %dma_start3A_1213 = arith.constant 0 : i32
      %dma_start3A_1214 = tpu.memref_slice %arg4[%select_n3A_1188, %add3A_1207, %dma_start3A_1213] : memref<50x4096x128xf32, #tpu.memory_space<hbm>> -> memref<1x64x128xf32, #tpu.memory_space<hbm>>
      %dma_start3A_1215 = tpu.memref_squeeze %dma_start3A_1214 : memref<1x64x128xf32, #tpu.memory_space<hbm>> -> memref<64x128xf32, #tpu.memory_space<hbm>>
      %dma_start3A_1216 = arith.constant 0 : i32
      %dma_start3A_1217 = tpu.memref_slice %arg4[%select_n3A_1188, %add3A_1207, %dma_start3A_1216] : memref<50x4096x128xf32, #tpu.memory_space<hbm>> -> memref<1x64x128xf32, #tpu.memory_space<hbm>>
      %dma_start3A_1218 = tpu.memref_squeeze %dma_start3A_1217 : memref<1x64x128xf32, #tpu.memory_space<hbm>> -> memref<64x128xf32, #tpu.memory_space<hbm>>
      %dma_start3A_1219 = arith.constant 0 : i32
      %dma_start3A_1220 = arith.constant 0 : i32
      %dma_start3A_1221 = tpu.memref_slice %arg6[%dma_start3A_1208, %dma_start3A_1219, %dma_start3A_1220] : memref<12x64x128xf32, #tpu.memory_space<vmem>> -> memref<1x64x128xf32, #tpu.memory_space<vmem>>
      %dma_start3A_1222 = tpu.memref_squeeze %dma_start3A_1221 : memref<1x64x128xf32, #tpu.memory_space<vmem>> -> memref<64x128xf32, #tpu.memory_space<vmem>>
      tpu.enqueue_dma source(%dma_start3A_1222 : memref<64x128xf32, #tpu.memory_space<vmem>>) target(%dma_start3A_1218 : memref<64x128xf32, #tpu.memory_space<hbm>>) target_semaphore(%arg26 : memref<!tpu.dma_semaphore, #tpu.memory_space<semaphore_mem>>)
      %dma_wait3A_1223 = arith.constant 1 : i32
      %dma_wait3A_1224 = arith.constant 0 : i32
      %dma_wait3A_1225 = arith.constant 0 : i32
      %dma_wait3A_1226 = arith.constant 0 : i32
      %dma_wait3A_1227 = tpu.memref_slice %arg6[%dma_wait3A_1223, %dma_wait3A_1225, %dma_wait3A_1226] : memref<12x64x128xf32, #tpu.memory_space<vmem>> -> memref<1x64x128xf32, #tpu.memory_space<vmem>>
      %dma_wait3A_1228 = tpu.memref_squeeze %dma_wait3A_1227 : memref<1x64x128xf32, #tpu.memory_space<vmem>> -> memref<64x128xf32, #tpu.memory_space<vmem>>
      %dma_wait3A_1229 = arith.constant 0 : i32
      %dma_wait3A_1230 = tpu.memref_slice %arg4[%dma_wait3A_1224, %mul3A_2, %dma_wait3A_1229] : memref<50x4096x128xf32, #tpu.memory_space<hbm>> -> memref<1x64x128xf32, #tpu.memory_space<hbm>>
      %dma_wait3A_1231 = tpu.memref_squeeze %dma_wait3A_1230 : memref<1x64x128xf32, #tpu.memory_space<hbm>> -> memref<64x128xf32, #tpu.memory_space<hbm>>
      %dma_wait3A_1232 = arith.constant 0 : i32
      %dma_wait3A_1233 = tpu.memref_slice %arg4[%dma_wait3A_1224, %mul3A_2, %dma_wait3A_1232] : memref<50x4096x128xf32, #tpu.memory_space<hbm>> -> memref<1x64x128xf32, #tpu.memory_space<hbm>>
      %dma_wait3A_1234 = tpu.memref_squeeze %dma_wait3A_1233 : memref<1x64x128xf32, #tpu.memory_space<hbm>> -> memref<64x128xf32, #tpu.memory_space<hbm>>
      %dma_wait3A_1235 = arith.constant 0 : i32
      %dma_wait3A_1236 = arith.constant 0 : i32
      %dma_wait3A_1237 = tpu.memref_slice %arg6[%dma_wait3A_1223, %dma_wait3A_1235, %dma_wait3A_1236] : memref<12x64x128xf32, #tpu.memory_space<vmem>> -> memref<1x64x128xf32, #tpu.memory_space<vmem>>
      %dma_wait3A_1238 = tpu.memref_squeeze %dma_wait3A_1237 : memref<1x64x128xf32, #tpu.memory_space<vmem>> -> memref<64x128xf32, #tpu.memory_space<vmem>>
      tpu.wait_dma2 semaphore(%arg20 : memref<!tpu.dma_semaphore, #tpu.memory_space<semaphore_mem>>) src(%dma_wait3A_1238 : memref<64x128xf32, #tpu.memory_space<vmem>>) dst(%dma_wait3A_1234 : memref<64x128xf32, #tpu.memory_space<hbm>>)
      %add3A_1239 = arith.constant 6 : i32
      %add3A_1240 = arith.addi %add3A_1112, %add3A_1239 : i32
      %jit3A_1241 = arith.constant 2 : i32
      %div3A_1242 = arith.divsi %add3A_1240, %jit3A_1241 : i32
      %sign3A_1243 = arith.constant 0 : i32
      %sign3A_1244 = arith.cmpi sgt, %add3A_1240, %sign3A_1243 : i32
      %sign3A_1245 = arith.extui %sign3A_1244 : i1 to i32
      %sign3A_1246 = arith.constant 0 : i32
      %sign3A_1247 = arith.cmpi slt, %add3A_1240, %sign3A_1246 : i32
      %sign3A_1248 = arith.extui %sign3A_1247 : i1 to i32
      %sign3A_1249 = arith.subi %sign3A_1245, %sign3A_1248 : i32
      %sign3A_1250 = arith.constant 0 : i32
      %sign3A_1251 = arith.cmpi sgt, %jit3A_1241, %sign3A_1250 : i32
      %sign3A_1252 = arith.extui %sign3A_1251 : i1 to i32
      %sign3A_1253 = arith.constant 0 : i32
      %sign3A_1254 = arith.cmpi slt, %jit3A_1241, %sign3A_1253 : i32
      %sign3A_1255 = arith.extui %sign3A_1254 : i1 to i32
      %sign3A_1256 = arith.subi %sign3A_1252, %sign3A_1255 : i32
      %ne3A_1257 = arith.cmpi ne, %sign3A_1249, %sign3A_1256 : i32
      %rem3A_1258 = arith.remsi %add3A_1240, %jit3A_1241 : i32
      %ne3A_1259 = arith.constant 0 : i32
      %ne3A_1260 = arith.cmpi ne, %rem3A_1258, %ne3A_1259 : i32
      %and3A_1261 = arith.andi %ne3A_1257, %ne3A_1260 : i1
      %sub3A_1262 = arith.constant 1 : i32
      %sub3A_1263 = arith.subi %div3A_1242, %sub3A_1262 : i32
      %select_n3A_1264 = arith.select %and3A_1261, %sub3A_1263, %div3A_1242 : i32
      %jit3A_1265 = arith.constant 2 : i32
      %eq3A_1266 = arith.constant 0 : i32
      %eq3A_1267 = arith.cmpi eq, %jit3A_1265, %eq3A_1266 : i32
      %jit3A_1268 = arith.constant 1 : i32
      %select_n3A_1269 = arith.select %eq3A_1267, %jit3A_1268, %jit3A_1265 : i32
      %rem3A_1270 = arith.remsi %add3A_1240, %select_n3A_1269 : i32
      %ne3A_1271 = arith.constant 0 : i32
      %ne3A_1272 = arith.cmpi ne, %rem3A_1270, %ne3A_1271 : i32
      %lt3A_1273 = arith.constant 0 : i32
      %lt3A_1274 = arith.cmpi slt, %rem3A_1270, %lt3A_1273 : i32
      %lt3A_1275 = arith.constant 0 : i32
      %lt3A_1276 = arith.cmpi slt, %select_n3A_1269, %lt3A_1275 : i32
      %ne3A_1277 = arith.xori %lt3A_1274, %lt3A_1276 : i1
      %and3A_1278 = arith.andi %ne3A_1277, %ne3A_1272 : i1
      %add3A_1279 = arith.addi %rem3A_1270, %select_n3A_1269 : i32
      %select_n3A_1280 = arith.select %and3A_1278, %add3A_1279, %rem3A_1270 : i32
      %mul3A_1281 = arith.constant 64 : i32
      %mul3A_1282 = arith.muli %select_n3A_1280, %mul3A_1281 : i32
      %dma_start3A_1283 = arith.constant 1 : i32
      %dma_start3A_1284 = arith.constant 0 : i32
      %dma_start3A_1285 = arith.constant 0 : i32
      %dma_start3A_1286 = tpu.memref_slice %arg6[%dma_start3A_1283, %dma_start3A_1284, %dma_start3A_1285] : memref<12x64x128xf32, #tpu.memory_space<vmem>> -> memref<1x64x128xf32, #tpu.memory_space<vmem>>
      %dma_start3A_1287 = tpu.memref_squeeze %dma_start3A_1286 : memref<1x64x128xf32, #tpu.memory_space<vmem>> -> memref<64x128xf32, #tpu.memory_space<vmem>>
      %dma_start3A_1288 = tpu.memref_slice %arg5[%select_n3A_1264, %mul3A_1282] : memref<50x128xi32, #tpu.memory_space<vmem>> -> memref<1x64xi32, #tpu.memory_space<vmem>>
      %dma_start3A_1289 = tpu.memref_squeeze %dma_start3A_1288 : memref<1x64xi32, #tpu.memory_space<vmem>> -> memref<64xi32, #tpu.memory_space<vmem>>
      %dma_start3A_1290 = arith.constant 0 : i32
      %dma_start3A_1291 = arith.constant 0 : i32
      %dma_start3A_1292 = tpu.memref_slice %arg2[%dma_start3A_1290, %dma_start3A_1291] : memref<100000x128xf32, #tpu.memory_space<hbm>> -> memref<100000x128xf32, #tpu.memory_space<hbm>>
      tpu.enqueue_indirect_dma source(%dma_start3A_1292 : memref<100000x128xf32, #tpu.memory_space<hbm>>) target(%dma_start3A_1287 : memref<64x128xf32, #tpu.memory_space<vmem>>) offsets(%dma_start3A_1289 : memref<64xi32, #tpu.memory_space<vmem>>) semaphore(%arg8 : memref<!tpu.dma_semaphore, #tpu.memory_space<semaphore_mem>>)
      %add3A_1293 = arith.constant 2 : i32
      %add3A_1294 = arith.addi %add3A_938, %add3A_1293 : i32
      %jit3A_1295 = arith.constant 2 : i32
      %div3A_1296 = arith.divsi %add3A_1294, %jit3A_1295 : i32
      %sign3A_1297 = arith.constant 0 : i32
      %sign3A_1298 = arith.cmpi sgt, %add3A_1294, %sign3A_1297 : i32
      %sign3A_1299 = arith.extui %sign3A_1298 : i1 to i32
      %sign3A_1300 = arith.constant 0 : i32
      %sign3A_1301 = arith.cmpi slt, %add3A_1294, %sign3A_1300 : i32
      %sign3A_1302 = arith.extui %sign3A_1301 : i1 to i32
      %sign3A_1303 = arith.subi %sign3A_1299, %sign3A_1302 : i32
      %sign3A_1304 = arith.constant 0 : i32
      %sign3A_1305 = arith.cmpi sgt, %jit3A_1295, %sign3A_1304 : i32
      %sign3A_1306 = arith.extui %sign3A_1305 : i1 to i32
      %sign3A_1307 = arith.constant 0 : i32
      %sign3A_1308 = arith.cmpi slt, %jit3A_1295, %sign3A_1307 : i32
      %sign3A_1309 = arith.extui %sign3A_1308 : i1 to i32
      %sign3A_1310 = arith.subi %sign3A_1306, %sign3A_1309 : i32
      %ne3A_1311 = arith.cmpi ne, %sign3A_1303, %sign3A_1310 : i32
      %rem3A_1312 = arith.remsi %add3A_1294, %jit3A_1295 : i32
      %ne3A_1313 = arith.constant 0 : i32
      %ne3A_1314 = arith.cmpi ne, %rem3A_1312, %ne3A_1313 : i32
      %and3A_1315 = arith.andi %ne3A_1311, %ne3A_1314 : i1
      %sub3A_1316 = arith.constant 1 : i32
      %sub3A_1317 = arith.subi %div3A_1296, %sub3A_1316 : i32
      %select_n3A_1318 = arith.select %and3A_1315, %sub3A_1317, %div3A_1296 : i32
      %jit3A_1319 = arith.constant 2 : i32
      %eq3A_1320 = arith.constant 0 : i32
      %eq3A_1321 = arith.cmpi eq, %jit3A_1319, %eq3A_1320 : i32
      %jit3A_1322 = arith.constant 1 : i32
      %select_n3A_1323 = arith.select %eq3A_1321, %jit3A_1322, %jit3A_1319 : i32
      %rem3A_1324 = arith.remsi %add3A_1294, %select_n3A_1323 : i32
      %ne3A_1325 = arith.constant 0 : i32
      %ne3A_1326 = arith.cmpi ne, %rem3A_1324, %ne3A_1325 : i32
      %lt3A_1327 = arith.constant 0 : i32
      %lt3A_1328 = arith.cmpi slt, %rem3A_1324, %lt3A_1327 : i32
      %lt3A_1329 = arith.constant 0 : i32
      %lt3A_1330 = arith.cmpi slt, %select_n3A_1323, %lt3A_1329 : i32
      %ne3A_1331 = arith.xori %lt3A_1328, %lt3A_1330 : i1
      %and3A_1332 = arith.andi %ne3A_1331, %ne3A_1326 : i1
      %add3A_1333 = arith.addi %rem3A_1324, %select_n3A_1323 : i32
      %select_n3A_1334 = arith.select %and3A_1332, %add3A_1333, %rem3A_1324 : i32
      %mul3A_1335 = arith.constant 64 : i32
      %mul3A_1336 = arith.muli %select_n3A_1334, %mul3A_1335 : i32
      %dma_wait3A_1337 = arith.constant 8 : i32
      %dma_wait3A_1338 = arith.constant 0 : i32
      %dma_wait3A_1339 = arith.constant 0 : i32
      %dma_wait3A_1340 = tpu.memref_slice %arg6[%dma_wait3A_1337, %dma_wait3A_1338, %dma_wait3A_1339] : memref<12x64x128xf32, #tpu.memory_space<vmem>> -> memref<1x64x128xf32, #tpu.memory_space<vmem>>
      %dma_wait3A_1341 = tpu.memref_squeeze %dma_wait3A_1340 : memref<1x64x128xf32, #tpu.memory_space<vmem>> -> memref<64x128xf32, #tpu.memory_space<vmem>>
      %dma_wait3A_1342 = tpu.memref_slice %arg5[%select_n3A_1318, %mul3A_1336] : memref<50x128xi32, #tpu.memory_space<vmem>> -> memref<1x64xi32, #tpu.memory_space<vmem>>
      %dma_wait3A_1343 = tpu.memref_squeeze %dma_wait3A_1342 : memref<1x64xi32, #tpu.memory_space<vmem>> -> memref<64xi32, #tpu.memory_space<vmem>>
      %dma_wait3A_1344 = arith.constant 0 : i32
      %dma_wait3A_1345 = arith.constant 0 : i32
      %dma_wait3A_1346 = tpu.memref_slice %arg2[%dma_wait3A_1344, %dma_wait3A_1345] : memref<100000x128xf32, #tpu.memory_space<hbm>> -> memref<100000x128xf32, #tpu.memory_space<hbm>>
      tpu.wait_indirect_dma semaphore(%arg15 : memref<!tpu.dma_semaphore, #tpu.memory_space<semaphore_mem>>) src(%dma_wait3A_1346 : memref<100000x128xf32, #tpu.memory_space<hbm>>) dst(%dma_wait3A_1341 : memref<64x128xf32, #tpu.memory_space<vmem>>)
      %jit3A_1347 = arith.constant 2 : i32
      %div3A_1348 = arith.divsi %add3A_1294, %jit3A_1347 : i32
      %sign3A_1349 = arith.constant 0 : i32
      %sign3A_1350 = arith.cmpi sgt, %add3A_1294, %sign3A_1349 : i32
      %sign3A_1351 = arith.extui %sign3A_1350 : i1 to i32
      %sign3A_1352 = arith.constant 0 : i32
      %sign3A_1353 = arith.cmpi slt, %add3A_1294, %sign3A_1352 : i32
      %sign3A_1354 = arith.extui %sign3A_1353 : i1 to i32
      %sign3A_1355 = arith.subi %sign3A_1351, %sign3A_1354 : i32
      %sign3A_1356 = arith.constant 0 : i32
      %sign3A_1357 = arith.cmpi sgt, %jit3A_1347, %sign3A_1356 : i32
      %sign3A_1358 = arith.extui %sign3A_1357 : i1 to i32
      %sign3A_1359 = arith.constant 0 : i32
      %sign3A_1360 = arith.cmpi slt, %jit3A_1347, %sign3A_1359 : i32
      %sign3A_1361 = arith.extui %sign3A_1360 : i1 to i32
      %sign3A_1362 = arith.subi %sign3A_1358, %sign3A_1361 : i32
      %ne3A_1363 = arith.cmpi ne, %sign3A_1355, %sign3A_1362 : i32
      %rem3A_1364 = arith.remsi %add3A_1294, %jit3A_1347 : i32
      %ne3A_1365 = arith.constant 0 : i32
      %ne3A_1366 = arith.cmpi ne, %rem3A_1364, %ne3A_1365 : i32
      %and3A_1367 = arith.andi %ne3A_1363, %ne3A_1366 : i1
      %sub3A_1368 = arith.constant 1 : i32
      %sub3A_1369 = arith.subi %div3A_1348, %sub3A_1368 : i32
      %select_n3A_1370 = arith.select %and3A_1367, %sub3A_1369, %div3A_1348 : i32
      %jit3A_1371 = arith.constant 2 : i32
      %eq3A_1372 = arith.constant 0 : i32
      %eq3A_1373 = arith.cmpi eq, %jit3A_1371, %eq3A_1372 : i32
      %jit3A_1374 = arith.constant 1 : i32
      %select_n3A_1375 = arith.select %eq3A_1373, %jit3A_1374, %jit3A_1371 : i32
      %rem3A_1376 = arith.remsi %add3A_1294, %select_n3A_1375 : i32
      %ne3A_1377 = arith.constant 0 : i32
      %ne3A_1378 = arith.cmpi ne, %rem3A_1376, %ne3A_1377 : i32
      %lt3A_1379 = arith.constant 0 : i32
      %lt3A_1380 = arith.cmpi slt, %rem3A_1376, %lt3A_1379 : i32
      %lt3A_1381 = arith.constant 0 : i32
      %lt3A_1382 = arith.cmpi slt, %select_n3A_1375, %lt3A_1381 : i32
      %ne3A_1383 = arith.xori %lt3A_1380, %lt3A_1382 : i1
      %and3A_1384 = arith.andi %ne3A_1383, %ne3A_1378 : i1
      %add3A_1385 = arith.addi %rem3A_1376, %select_n3A_1375 : i32
      %select_n3A_1386 = arith.select %and3A_1384, %add3A_1385, %rem3A_1376 : i32
      %mul3A_1387 = arith.constant 64 : i32
      %mul3A_1388 = arith.muli %select_n3A_1386, %mul3A_1387 : i32
      %add3A_1389 = arith.addi %mul3A_2, %mul3A_1388 : i32
      %dma_start3A_1390 = arith.constant 8 : i32
      %dma_start3A_1391 = arith.constant 0 : i32
      %dma_start3A_1392 = arith.constant 0 : i32
      %dma_start3A_1393 = tpu.memref_slice %arg6[%dma_start3A_1390, %dma_start3A_1391, %dma_start3A_1392] : memref<12x64x128xf32, #tpu.memory_space<vmem>> -> memref<1x64x128xf32, #tpu.memory_space<vmem>>
      %dma_start3A_1394 = tpu.memref_squeeze %dma_start3A_1393 : memref<1x64x128xf32, #tpu.memory_space<vmem>> -> memref<64x128xf32, #tpu.memory_space<vmem>>
      %dma_start3A_1395 = arith.constant 0 : i32
      %dma_start3A_1396 = tpu.memref_slice %arg4[%select_n3A_1370, %add3A_1389, %dma_start3A_1395] : memref<50x4096x128xf32, #tpu.memory_space<hbm>> -> memref<1x64x128xf32, #tpu.memory_space<hbm>>
      %dma_start3A_1397 = tpu.memref_squeeze %dma_start3A_1396 : memref<1x64x128xf32, #tpu.memory_space<hbm>> -> memref<64x128xf32, #tpu.memory_space<hbm>>
      %dma_start3A_1398 = arith.constant 0 : i32
      %dma_start3A_1399 = tpu.memref_slice %arg4[%select_n3A_1370, %add3A_1389, %dma_start3A_1398] : memref<50x4096x128xf32, #tpu.memory_space<hbm>> -> memref<1x64x128xf32, #tpu.memory_space<hbm>>
      %dma_start3A_1400 = tpu.memref_squeeze %dma_start3A_1399 : memref<1x64x128xf32, #tpu.memory_space<hbm>> -> memref<64x128xf32, #tpu.memory_space<hbm>>
      %dma_start3A_1401 = arith.constant 0 : i32
      %dma_start3A_1402 = arith.constant 0 : i32
      %dma_start3A_1403 = tpu.memref_slice %arg6[%dma_start3A_1390, %dma_start3A_1401, %dma_start3A_1402] : memref<12x64x128xf32, #tpu.memory_space<vmem>> -> memref<1x64x128xf32, #tpu.memory_space<vmem>>
      %dma_start3A_1404 = tpu.memref_squeeze %dma_start3A_1403 : memref<1x64x128xf32, #tpu.memory_space<vmem>> -> memref<64x128xf32, #tpu.memory_space<vmem>>
      tpu.enqueue_dma source(%dma_start3A_1404 : memref<64x128xf32, #tpu.memory_space<vmem>>) target(%dma_start3A_1400 : memref<64x128xf32, #tpu.memory_space<hbm>>) target_semaphore(%arg27 : memref<!tpu.dma_semaphore, #tpu.memory_space<semaphore_mem>>)
      %dma_wait3A_1405 = arith.constant 2 : i32
      %dma_wait3A_1406 = arith.constant 0 : i32
      %dma_wait3A_1407 = arith.constant 0 : i32
      %dma_wait3A_1408 = arith.constant 0 : i32
      %dma_wait3A_1409 = tpu.memref_slice %arg6[%dma_wait3A_1405, %dma_wait3A_1407, %dma_wait3A_1408] : memref<12x64x128xf32, #tpu.memory_space<vmem>> -> memref<1x64x128xf32, #tpu.memory_space<vmem>>
      %dma_wait3A_1410 = tpu.memref_squeeze %dma_wait3A_1409 : memref<1x64x128xf32, #tpu.memory_space<vmem>> -> memref<64x128xf32, #tpu.memory_space<vmem>>
      %dma_wait3A_1411 = arith.constant 0 : i32
      %dma_wait3A_1412 = tpu.memref_slice %arg4[%dma_wait3A_1406, %mul3A_2, %dma_wait3A_1411] : memref<50x4096x128xf32, #tpu.memory_space<hbm>> -> memref<1x64x128xf32, #tpu.memory_space<hbm>>
      %dma_wait3A_1413 = tpu.memref_squeeze %dma_wait3A_1412 : memref<1x64x128xf32, #tpu.memory_space<hbm>> -> memref<64x128xf32, #tpu.memory_space<hbm>>
      %dma_wait3A_1414 = arith.constant 0 : i32
      %dma_wait3A_1415 = tpu.memref_slice %arg4[%dma_wait3A_1406, %mul3A_2, %dma_wait3A_1414] : memref<50x4096x128xf32, #tpu.memory_space<hbm>> -> memref<1x64x128xf32, #tpu.memory_space<hbm>>
      %dma_wait3A_1416 = tpu.memref_squeeze %dma_wait3A_1415 : memref<1x64x128xf32, #tpu.memory_space<hbm>> -> memref<64x128xf32, #tpu.memory_space<hbm>>
      %dma_wait3A_1417 = arith.constant 0 : i32
      %dma_wait3A_1418 = arith.constant 0 : i32
      %dma_wait3A_1419 = tpu.memref_slice %arg6[%dma_wait3A_1405, %dma_wait3A_1417, %dma_wait3A_1418] : memref<12x64x128xf32, #tpu.memory_space<vmem>> -> memref<1x64x128xf32, #tpu.memory_space<vmem>>
      %dma_wait3A_1420 = tpu.memref_squeeze %dma_wait3A_1419 : memref<1x64x128xf32, #tpu.memory_space<vmem>> -> memref<64x128xf32, #tpu.memory_space<vmem>>
      tpu.wait_dma2 semaphore(%arg21 : memref<!tpu.dma_semaphore, #tpu.memory_space<semaphore_mem>>) src(%dma_wait3A_1420 : memref<64x128xf32, #tpu.memory_space<vmem>>) dst(%dma_wait3A_1416 : memref<64x128xf32, #tpu.memory_space<hbm>>)
      %add3A_1421 = arith.constant 6 : i32
      %add3A_1422 = arith.addi %add3A_1294, %add3A_1421 : i32
      %jit3A_1423 = arith.constant 2 : i32
      %div3A_1424 = arith.divsi %add3A_1422, %jit3A_1423 : i32
      %sign3A_1425 = arith.constant 0 : i32
      %sign3A_1426 = arith.cmpi sgt, %add3A_1422, %sign3A_1425 : i32
      %sign3A_1427 = arith.extui %sign3A_1426 : i1 to i32
      %sign3A_1428 = arith.constant 0 : i32
      %sign3A_1429 = arith.cmpi slt, %add3A_1422, %sign3A_1428 : i32
      %sign3A_1430 = arith.extui %sign3A_1429 : i1 to i32
      %sign3A_1431 = arith.subi %sign3A_1427, %sign3A_1430 : i32
      %sign3A_1432 = arith.constant 0 : i32
      %sign3A_1433 = arith.cmpi sgt, %jit3A_1423, %sign3A_1432 : i32
      %sign3A_1434 = arith.extui %sign3A_1433 : i1 to i32
      %sign3A_1435 = arith.constant 0 : i32
      %sign3A_1436 = arith.cmpi slt, %jit3A_1423, %sign3A_1435 : i32
      %sign3A_1437 = arith.extui %sign3A_1436 : i1 to i32
      %sign3A_1438 = arith.subi %sign3A_1434, %sign3A_1437 : i32
      %ne3A_1439 = arith.cmpi ne, %sign3A_1431, %sign3A_1438 : i32
      %rem3A_1440 = arith.remsi %add3A_1422, %jit3A_1423 : i32
      %ne3A_1441 = arith.constant 0 : i32
      %ne3A_1442 = arith.cmpi ne, %rem3A_1440, %ne3A_1441 : i32
      %and3A_1443 = arith.andi %ne3A_1439, %ne3A_1442 : i1
      %sub3A_1444 = arith.constant 1 : i32
      %sub3A_1445 = arith.subi %div3A_1424, %sub3A_1444 : i32
      %select_n3A_1446 = arith.select %and3A_1443, %sub3A_1445, %div3A_1424 : i32
      %jit3A_1447 = arith.constant 2 : i32
      %eq3A_1448 = arith.constant 0 : i32
      %eq3A_1449 = arith.cmpi eq, %jit3A_1447, %eq3A_1448 : i32
      %jit3A_1450 = arith.constant 1 : i32
      %select_n3A_1451 = arith.select %eq3A_1449, %jit3A_1450, %jit3A_1447 : i32
      %rem3A_1452 = arith.remsi %add3A_1422, %select_n3A_1451 : i32
      %ne3A_1453 = arith.constant 0 : i32
      %ne3A_1454 = arith.cmpi ne, %rem3A_1452, %ne3A_1453 : i32
      %lt3A_1455 = arith.constant 0 : i32
      %lt3A_1456 = arith.cmpi slt, %rem3A_1452, %lt3A_1455 : i32
      %lt3A_1457 = arith.constant 0 : i32
      %lt3A_1458 = arith.cmpi slt, %select_n3A_1451, %lt3A_1457 : i32
      %ne3A_1459 = arith.xori %lt3A_1456, %lt3A_1458 : i1
      %and3A_1460 = arith.andi %ne3A_1459, %ne3A_1454 : i1
      %add3A_1461 = arith.addi %rem3A_1452, %select_n3A_1451 : i32
      %select_n3A_1462 = arith.select %and3A_1460, %add3A_1461, %rem3A_1452 : i32
      %mul3A_1463 = arith.constant 64 : i32
      %mul3A_1464 = arith.muli %select_n3A_1462, %mul3A_1463 : i32
      %dma_start3A_1465 = arith.constant 2 : i32
      %dma_start3A_1466 = arith.constant 0 : i32
      %dma_start3A_1467 = arith.constant 0 : i32
      %dma_start3A_1468 = tpu.memref_slice %arg6[%dma_start3A_1465, %dma_start3A_1466, %dma_start3A_1467] : memref<12x64x128xf32, #tpu.memory_space<vmem>> -> memref<1x64x128xf32, #tpu.memory_space<vmem>>
      %dma_start3A_1469 = tpu.memref_squeeze %dma_start3A_1468 : memref<1x64x128xf32, #tpu.memory_space<vmem>> -> memref<64x128xf32, #tpu.memory_space<vmem>>
      %dma_start3A_1470 = tpu.memref_slice %arg5[%select_n3A_1446, %mul3A_1464] : memref<50x128xi32, #tpu.memory_space<vmem>> -> memref<1x64xi32, #tpu.memory_space<vmem>>
      %dma_start3A_1471 = tpu.memref_squeeze %dma_start3A_1470 : memref<1x64xi32, #tpu.memory_space<vmem>> -> memref<64xi32, #tpu.memory_space<vmem>>
      %dma_start3A_1472 = arith.constant 0 : i32
      %dma_start3A_1473 = arith.constant 0 : i32
      %dma_start3A_1474 = tpu.memref_slice %arg2[%dma_start3A_1472, %dma_start3A_1473] : memref<100000x128xf32, #tpu.memory_space<hbm>> -> memref<100000x128xf32, #tpu.memory_space<hbm>>
      tpu.enqueue_indirect_dma source(%dma_start3A_1474 : memref<100000x128xf32, #tpu.memory_space<hbm>>) target(%dma_start3A_1469 : memref<64x128xf32, #tpu.memory_space<vmem>>) offsets(%dma_start3A_1471 : memref<64xi32, #tpu.memory_space<vmem>>) semaphore(%arg9 : memref<!tpu.dma_semaphore, #tpu.memory_space<semaphore_mem>>)
      %add3A_1475 = arith.constant 3 : i32
      %add3A_1476 = arith.addi %add3A_938, %add3A_1475 : i32
      %jit3A_1477 = arith.constant 2 : i32
      %div3A_1478 = arith.divsi %add3A_1476, %jit3A_1477 : i32
      %sign3A_1479 = arith.constant 0 : i32
      %sign3A_1480 = arith.cmpi sgt, %add3A_1476, %sign3A_1479 : i32
      %sign3A_1481 = arith.extui %sign3A_1480 : i1 to i32
      %sign3A_1482 = arith.constant 0 : i32
      %sign3A_1483 = arith.cmpi slt, %add3A_1476, %sign3A_1482 : i32
      %sign3A_1484 = arith.extui %sign3A_1483 : i1 to i32
      %sign3A_1485 = arith.subi %sign3A_1481, %sign3A_1484 : i32
      %sign3A_1486 = arith.constant 0 : i32
      %sign3A_1487 = arith.cmpi sgt, %jit3A_1477, %sign3A_1486 : i32
      %sign3A_1488 = arith.extui %sign3A_1487 : i1 to i32
      %sign3A_1489 = arith.constant 0 : i32
      %sign3A_1490 = arith.cmpi slt, %jit3A_1477, %sign3A_1489 : i32
      %sign3A_1491 = arith.extui %sign3A_1490 : i1 to i32
      %sign3A_1492 = arith.subi %sign3A_1488, %sign3A_1491 : i32
      %ne3A_1493 = arith.cmpi ne, %sign3A_1485, %sign3A_1492 : i32
      %rem3A_1494 = arith.remsi %add3A_1476, %jit3A_1477 : i32
      %ne3A_1495 = arith.constant 0 : i32
      %ne3A_1496 = arith.cmpi ne, %rem3A_1494, %ne3A_1495 : i32
      %and3A_1497 = arith.andi %ne3A_1493, %ne3A_1496 : i1
      %sub3A_1498 = arith.constant 1 : i32
      %sub3A_1499 = arith.subi %div3A_1478, %sub3A_1498 : i32
      %select_n3A_1500 = arith.select %and3A_1497, %sub3A_1499, %div3A_1478 : i32
      %jit3A_1501 = arith.constant 2 : i32
      %eq3A_1502 = arith.constant 0 : i32
      %eq3A_1503 = arith.cmpi eq, %jit3A_1501, %eq3A_1502 : i32
      %jit3A_1504 = arith.constant 1 : i32
      %select_n3A_1505 = arith.select %eq3A_1503, %jit3A_1504, %jit3A_1501 : i32
      %rem3A_1506 = arith.remsi %add3A_1476, %select_n3A_1505 : i32
      %ne3A_1507 = arith.constant 0 : i32
      %ne3A_1508 = arith.cmpi ne, %rem3A_1506, %ne3A_1507 : i32
      %lt3A_1509 = arith.constant 0 : i32
      %lt3A_1510 = arith.cmpi slt, %rem3A_1506, %lt3A_1509 : i32
      %lt3A_1511 = arith.constant 0 : i32
      %lt3A_1512 = arith.cmpi slt, %select_n3A_1505, %lt3A_1511 : i32
      %ne3A_1513 = arith.xori %lt3A_1510, %lt3A_1512 : i1
      %and3A_1514 = arith.andi %ne3A_1513, %ne3A_1508 : i1
      %add3A_1515 = arith.addi %rem3A_1506, %select_n3A_1505 : i32
      %select_n3A_1516 = arith.select %and3A_1514, %add3A_1515, %rem3A_1506 : i32
      %mul3A_1517 = arith.constant 64 : i32
      %mul3A_1518 = arith.muli %select_n3A_1516, %mul3A_1517 : i32
      %dma_wait3A_1519 = arith.constant 9 : i32
      %dma_wait3A_1520 = arith.constant 0 : i32
      %dma_wait3A_1521 = arith.constant 0 : i32
      %dma_wait3A_1522 = tpu.memref_slice %arg6[%dma_wait3A_1519, %dma_wait3A_1520, %dma_wait3A_1521] : memref<12x64x128xf32, #tpu.memory_space<vmem>> -> memref<1x64x128xf32, #tpu.memory_space<vmem>>
      %dma_wait3A_1523 = tpu.memref_squeeze %dma_wait3A_1522 : memref<1x64x128xf32, #tpu.memory_space<vmem>> -> memref<64x128xf32, #tpu.memory_space<vmem>>
      %dma_wait3A_1524 = tpu.memref_slice %arg5[%select_n3A_1500, %mul3A_1518] : memref<50x128xi32, #tpu.memory_space<vmem>> -> memref<1x64xi32, #tpu.memory_space<vmem>>
      %dma_wait3A_1525 = tpu.memref_squeeze %dma_wait3A_1524 : memref<1x64xi32, #tpu.memory_space<vmem>> -> memref<64xi32, #tpu.memory_space<vmem>>
      %dma_wait3A_1526 = arith.constant 0 : i32
      %dma_wait3A_1527 = arith.constant 0 : i32
      %dma_wait3A_1528 = tpu.memref_slice %arg2[%dma_wait3A_1526, %dma_wait3A_1527] : memref<100000x128xf32, #tpu.memory_space<hbm>> -> memref<100000x128xf32, #tpu.memory_space<hbm>>
      tpu.wait_indirect_dma semaphore(%arg16 : memref<!tpu.dma_semaphore, #tpu.memory_space<semaphore_mem>>) src(%dma_wait3A_1528 : memref<100000x128xf32, #tpu.memory_space<hbm>>) dst(%dma_wait3A_1523 : memref<64x128xf32, #tpu.memory_space<vmem>>)
      %jit3A_1529 = arith.constant 2 : i32
      %div3A_1530 = arith.divsi %add3A_1476, %jit3A_1529 : i32
      %sign3A_1531 = arith.constant 0 : i32
      %sign3A_1532 = arith.cmpi sgt, %add3A_1476, %sign3A_1531 : i32
      %sign3A_1533 = arith.extui %sign3A_1532 : i1 to i32
      %sign3A_1534 = arith.constant 0 : i32
      %sign3A_1535 = arith.cmpi slt, %add3A_1476, %sign3A_1534 : i32
      %sign3A_1536 = arith.extui %sign3A_1535 : i1 to i32
      %sign3A_1537 = arith.subi %sign3A_1533, %sign3A_1536 : i32
      %sign3A_1538 = arith.constant 0 : i32
      %sign3A_1539 = arith.cmpi sgt, %jit3A_1529, %sign3A_1538 : i32
      %sign3A_1540 = arith.extui %sign3A_1539 : i1 to i32
      %sign3A_1541 = arith.constant 0 : i32
      %sign3A_1542 = arith.cmpi slt, %jit3A_1529, %sign3A_1541 : i32
      %sign3A_1543 = arith.extui %sign3A_1542 : i1 to i32
      %sign3A_1544 = arith.subi %sign3A_1540, %sign3A_1543 : i32
      %ne3A_1545 = arith.cmpi ne, %sign3A_1537, %sign3A_1544 : i32
      %rem3A_1546 = arith.remsi %add3A_1476, %jit3A_1529 : i32
      %ne3A_1547 = arith.constant 0 : i32
      %ne3A_1548 = arith.cmpi ne, %rem3A_1546, %ne3A_1547 : i32
      %and3A_1549 = arith.andi %ne3A_1545, %ne3A_1548 : i1
      %sub3A_1550 = arith.constant 1 : i32
      %sub3A_1551 = arith.subi %div3A_1530, %sub3A_1550 : i32
      %select_n3A_1552 = arith.select %and3A_1549, %sub3A_1551, %div3A_1530 : i32
      %jit3A_1553 = arith.constant 2 : i32
      %eq3A_1554 = arith.constant 0 : i32
      %eq3A_1555 = arith.cmpi eq, %jit3A_1553, %eq3A_1554 : i32
      %jit3A_1556 = arith.constant 1 : i32
      %select_n3A_1557 = arith.select %eq3A_1555, %jit3A_1556, %jit3A_1553 : i32
      %rem3A_1558 = arith.remsi %add3A_1476, %select_n3A_1557 : i32
      %ne3A_1559 = arith.constant 0 : i32
      %ne3A_1560 = arith.cmpi ne, %rem3A_1558, %ne3A_1559 : i32
      %lt3A_1561 = arith.constant 0 : i32
      %lt3A_1562 = arith.cmpi slt, %rem3A_1558, %lt3A_1561 : i32
      %lt3A_1563 = arith.constant 0 : i32
      %lt3A_1564 = arith.cmpi slt, %select_n3A_1557, %lt3A_1563 : i32
      %ne3A_1565 = arith.xori %lt3A_1562, %lt3A_1564 : i1
      %and3A_1566 = arith.andi %ne3A_1565, %ne3A_1560 : i1
      %add3A_1567 = arith.addi %rem3A_1558, %select_n3A_1557 : i32
      %select_n3A_1568 = arith.select %and3A_1566, %add3A_1567, %rem3A_1558 : i32
      %mul3A_1569 = arith.constant 64 : i32
      %mul3A_1570 = arith.muli %select_n3A_1568, %mul3A_1569 : i32
      %add3A_1571 = arith.addi %mul3A_2, %mul3A_1570 : i32
      %dma_start3A_1572 = arith.constant 9 : i32
      %dma_start3A_1573 = arith.constant 0 : i32
      %dma_start3A_1574 = arith.constant 0 : i32
      %dma_start3A_1575 = tpu.memref_slice %arg6[%dma_start3A_1572, %dma_start3A_1573, %dma_start3A_1574] : memref<12x64x128xf32, #tpu.memory_space<vmem>> -> memref<1x64x128xf32, #tpu.memory_space<vmem>>
      %dma_start3A_1576 = tpu.memref_squeeze %dma_start3A_1575 : memref<1x64x128xf32, #tpu.memory_space<vmem>> -> memref<64x128xf32, #tpu.memory_space<vmem>>
      %dma_start3A_1577 = arith.constant 0 : i32
      %dma_start3A_1578 = tpu.memref_slice %arg4[%select_n3A_1552, %add3A_1571, %dma_start3A_1577] : memref<50x4096x128xf32, #tpu.memory_space<hbm>> -> memref<1x64x128xf32, #tpu.memory_space<hbm>>
      %dma_start3A_1579 = tpu.memref_squeeze %dma_start3A_1578 : memref<1x64x128xf32, #tpu.memory_space<hbm>> -> memref<64x128xf32, #tpu.memory_space<hbm>>
      %dma_start3A_1580 = arith.constant 0 : i32
      %dma_start3A_1581 = tpu.memref_slice %arg4[%select_n3A_1552, %add3A_1571, %dma_start3A_1580] : memref<50x4096x128xf32, #tpu.memory_space<hbm>> -> memref<1x64x128xf32, #tpu.memory_space<hbm>>
      %dma_start3A_1582 = tpu.memref_squeeze %dma_start3A_1581 : memref<1x64x128xf32, #tpu.memory_space<hbm>> -> memref<64x128xf32, #tpu.memory_space<hbm>>
      %dma_start3A_1583 = arith.constant 0 : i32
      %dma_start3A_1584 = arith.constant 0 : i32
      %dma_start3A_1585 = tpu.memref_slice %arg6[%dma_start3A_1572, %dma_start3A_1583, %dma_start3A_1584] : memref<12x64x128xf32, #tpu.memory_space<vmem>> -> memref<1x64x128xf32, #tpu.memory_space<vmem>>
      %dma_start3A_1586 = tpu.memref_squeeze %dma_start3A_1585 : memref<1x64x128xf32, #tpu.memory_space<vmem>> -> memref<64x128xf32, #tpu.memory_space<vmem>>
      tpu.enqueue_dma source(%dma_start3A_1586 : memref<64x128xf32, #tpu.memory_space<vmem>>) target(%dma_start3A_1582 : memref<64x128xf32, #tpu.memory_space<hbm>>) target_semaphore(%arg28 : memref<!tpu.dma_semaphore, #tpu.memory_space<semaphore_mem>>)
      %dma_wait3A_1587 = arith.constant 3 : i32
      %dma_wait3A_1588 = arith.constant 0 : i32
      %dma_wait3A_1589 = arith.constant 0 : i32
      %dma_wait3A_1590 = arith.constant 0 : i32
      %dma_wait3A_1591 = tpu.memref_slice %arg6[%dma_wait3A_1587, %dma_wait3A_1589, %dma_wait3A_1590] : memref<12x64x128xf32, #tpu.memory_space<vmem>> -> memref<1x64x128xf32, #tpu.memory_space<vmem>>
      %dma_wait3A_1592 = tpu.memref_squeeze %dma_wait3A_1591 : memref<1x64x128xf32, #tpu.memory_space<vmem>> -> memref<64x128xf32, #tpu.memory_space<vmem>>
      %dma_wait3A_1593 = arith.constant 0 : i32
      %dma_wait3A_1594 = tpu.memref_slice %arg4[%dma_wait3A_1588, %mul3A_2, %dma_wait3A_1593] : memref<50x4096x128xf32, #tpu.memory_space<hbm>> -> memref<1x64x128xf32, #tpu.memory_space<hbm>>
      %dma_wait3A_1595 = tpu.memref_squeeze %dma_wait3A_1594 : memref<1x64x128xf32, #tpu.memory_space<hbm>> -> memref<64x128xf32, #tpu.memory_space<hbm>>
      %dma_wait3A_1596 = arith.constant 0 : i32
      %dma_wait3A_1597 = tpu.memref_slice %arg4[%dma_wait3A_1588, %mul3A_2, %dma_wait3A_1596] : memref<50x4096x128xf32, #tpu.memory_space<hbm>> -> memref<1x64x128xf32, #tpu.memory_space<hbm>>
      %dma_wait3A_1598 = tpu.memref_squeeze %dma_wait3A_1597 : memref<1x64x128xf32, #tpu.memory_space<hbm>> -> memref<64x128xf32, #tpu.memory_space<hbm>>
      %dma_wait3A_1599 = arith.constant 0 : i32
      %dma_wait3A_1600 = arith.constant 0 : i32
      %dma_wait3A_1601 = tpu.memref_slice %arg6[%dma_wait3A_1587, %dma_wait3A_1599, %dma_wait3A_1600] : memref<12x64x128xf32, #tpu.memory_space<vmem>> -> memref<1x64x128xf32, #tpu.memory_space<vmem>>
      %dma_wait3A_1602 = tpu.memref_squeeze %dma_wait3A_1601 : memref<1x64x128xf32, #tpu.memory_space<vmem>> -> memref<64x128xf32, #tpu.memory_space<vmem>>
      tpu.wait_dma2 semaphore(%arg22 : memref<!tpu.dma_semaphore, #tpu.memory_space<semaphore_mem>>) src(%dma_wait3A_1602 : memref<64x128xf32, #tpu.memory_space<vmem>>) dst(%dma_wait3A_1598 : memref<64x128xf32, #tpu.memory_space<hbm>>)
      %add3A_1603 = arith.constant 6 : i32
      %add3A_1604 = arith.addi %add3A_1476, %add3A_1603 : i32
      %jit3A_1605 = arith.constant 2 : i32
      %div3A_1606 = arith.divsi %add3A_1604, %jit3A_1605 : i32
      %sign3A_1607 = arith.constant 0 : i32
      %sign3A_1608 = arith.cmpi sgt, %add3A_1604, %sign3A_1607 : i32
      %sign3A_1609 = arith.extui %sign3A_1608 : i1 to i32
      %sign3A_1610 = arith.constant 0 : i32
      %sign3A_1611 = arith.cmpi slt, %add3A_1604, %sign3A_1610 : i32
      %sign3A_1612 = arith.extui %sign3A_1611 : i1 to i32
      %sign3A_1613 = arith.subi %sign3A_1609, %sign3A_1612 : i32
      %sign3A_1614 = arith.constant 0 : i32
      %sign3A_1615 = arith.cmpi sgt, %jit3A_1605, %sign3A_1614 : i32
      %sign3A_1616 = arith.extui %sign3A_1615 : i1 to i32
      %sign3A_1617 = arith.constant 0 : i32
      %sign3A_1618 = arith.cmpi slt, %jit3A_1605, %sign3A_1617 : i32
      %sign3A_1619 = arith.extui %sign3A_1618 : i1 to i32
      %sign3A_1620 = arith.subi %sign3A_1616, %sign3A_1619 : i32
      %ne3A_1621 = arith.cmpi ne, %sign3A_1613, %sign3A_1620 : i32
      %rem3A_1622 = arith.remsi %add3A_1604, %jit3A_1605 : i32
      %ne3A_1623 = arith.constant 0 : i32
      %ne3A_1624 = arith.cmpi ne, %rem3A_1622, %ne3A_1623 : i32
      %and3A_1625 = arith.andi %ne3A_1621, %ne3A_1624 : i1
      %sub3A_1626 = arith.constant 1 : i32
      %sub3A_1627 = arith.subi %div3A_1606, %sub3A_1626 : i32
      %select_n3A_1628 = arith.select %and3A_1625, %sub3A_1627, %div3A_1606 : i32
      %jit3A_1629 = arith.constant 2 : i32
      %eq3A_1630 = arith.constant 0 : i32
      %eq3A_1631 = arith.cmpi eq, %jit3A_1629, %eq3A_1630 : i32
      %jit3A_1632 = arith.constant 1 : i32
      %select_n3A_1633 = arith.select %eq3A_1631, %jit3A_1632, %jit3A_1629 : i32
      %rem3A_1634 = arith.remsi %add3A_1604, %select_n3A_1633 : i32
      %ne3A_1635 = arith.constant 0 : i32
      %ne3A_1636 = arith.cmpi ne, %rem3A_1634, %ne3A_1635 : i32
      %lt3A_1637 = arith.constant 0 : i32
      %lt3A_1638 = arith.cmpi slt, %rem3A_1634, %lt3A_1637 : i32
      %lt3A_1639 = arith.constant 0 : i32
      %lt3A_1640 = arith.cmpi slt, %select_n3A_1633, %lt3A_1639 : i32
      %ne3A_1641 = arith.xori %lt3A_1638, %lt3A_1640 : i1
      %and3A_1642 = arith.andi %ne3A_1641, %ne3A_1636 : i1
      %add3A_1643 = arith.addi %rem3A_1634, %select_n3A_1633 : i32
      %select_n3A_1644 = arith.select %and3A_1642, %add3A_1643, %rem3A_1634 : i32
      %mul3A_1645 = arith.constant 64 : i32
      %mul3A_1646 = arith.muli %select_n3A_1644, %mul3A_1645 : i32
      %dma_start3A_1647 = arith.constant 3 : i32
      %dma_start3A_1648 = arith.constant 0 : i32
      %dma_start3A_1649 = arith.constant 0 : i32
      %dma_start3A_1650 = tpu.memref_slice %arg6[%dma_start3A_1647, %dma_start3A_1648, %dma_start3A_1649] : memref<12x64x128xf32, #tpu.memory_space<vmem>> -> memref<1x64x128xf32, #tpu.memory_space<vmem>>
      %dma_start3A_1651 = tpu.memref_squeeze %dma_start3A_1650 : memref<1x64x128xf32, #tpu.memory_space<vmem>> -> memref<64x128xf32, #tpu.memory_space<vmem>>
      %dma_start3A_1652 = tpu.memref_slice %arg5[%select_n3A_1628, %mul3A_1646] : memref<50x128xi32, #tpu.memory_space<vmem>> -> memref<1x64xi32, #tpu.memory_space<vmem>>
      %dma_start3A_1653 = tpu.memref_squeeze %dma_start3A_1652 : memref<1x64xi32, #tpu.memory_space<vmem>> -> memref<64xi32, #tpu.memory_space<vmem>>
      %dma_start3A_1654 = arith.constant 0 : i32
      %dma_start3A_1655 = arith.constant 0 : i32
      %dma_start3A_1656 = tpu.memref_slice %arg2[%dma_start3A_1654, %dma_start3A_1655] : memref<100000x128xf32, #tpu.memory_space<hbm>> -> memref<100000x128xf32, #tpu.memory_space<hbm>>
      tpu.enqueue_indirect_dma source(%dma_start3A_1656 : memref<100000x128xf32, #tpu.memory_space<hbm>>) target(%dma_start3A_1651 : memref<64x128xf32, #tpu.memory_space<vmem>>) offsets(%dma_start3A_1653 : memref<64xi32, #tpu.memory_space<vmem>>) semaphore(%arg10 : memref<!tpu.dma_semaphore, #tpu.memory_space<semaphore_mem>>)
      %add3A_1657 = arith.constant 4 : i32
      %add3A_1658 = arith.addi %add3A_938, %add3A_1657 : i32
      %jit3A_1659 = arith.constant 2 : i32
      %div3A_1660 = arith.divsi %add3A_1658, %jit3A_1659 : i32
      %sign3A_1661 = arith.constant 0 : i32
      %sign3A_1662 = arith.cmpi sgt, %add3A_1658, %sign3A_1661 : i32
      %sign3A_1663 = arith.extui %sign3A_1662 : i1 to i32
      %sign3A_1664 = arith.constant 0 : i32
      %sign3A_1665 = arith.cmpi slt, %add3A_1658, %sign3A_1664 : i32
      %sign3A_1666 = arith.extui %sign3A_1665 : i1 to i32
      %sign3A_1667 = arith.subi %sign3A_1663, %sign3A_1666 : i32
      %sign3A_1668 = arith.constant 0 : i32
      %sign3A_1669 = arith.cmpi sgt, %jit3A_1659, %sign3A_1668 : i32
      %sign3A_1670 = arith.extui %sign3A_1669 : i1 to i32
      %sign3A_1671 = arith.constant 0 : i32
      %sign3A_1672 = arith.cmpi slt, %jit3A_1659, %sign3A_1671 : i32
      %sign3A_1673 = arith.extui %sign3A_1672 : i1 to i32
      %sign3A_1674 = arith.subi %sign3A_1670, %sign3A_1673 : i32
      %ne3A_1675 = arith.cmpi ne, %sign3A_1667, %sign3A_1674 : i32
      %rem3A_1676 = arith.remsi %add3A_1658, %jit3A_1659 : i32
      %ne3A_1677 = arith.constant 0 : i32
      %ne3A_1678 = arith.cmpi ne, %rem3A_1676, %ne3A_1677 : i32
      %and3A_1679 = arith.andi %ne3A_1675, %ne3A_1678 : i1
      %sub3A_1680 = arith.constant 1 : i32
      %sub3A_1681 = arith.subi %div3A_1660, %sub3A_1680 : i32
      %select_n3A_1682 = arith.select %and3A_1679, %sub3A_1681, %div3A_1660 : i32
      %jit3A_1683 = arith.constant 2 : i32
      %eq3A_1684 = arith.constant 0 : i32
      %eq3A_1685 = arith.cmpi eq, %jit3A_1683, %eq3A_1684 : i32
      %jit3A_1686 = arith.constant 1 : i32
      %select_n3A_1687 = arith.select %eq3A_1685, %jit3A_1686, %jit3A_1683 : i32
      %rem3A_1688 = arith.remsi %add3A_1658, %select_n3A_1687 : i32
      %ne3A_1689 = arith.constant 0 : i32
      %ne3A_1690 = arith.cmpi ne, %rem3A_1688, %ne3A_1689 : i32
      %lt3A_1691 = arith.constant 0 : i32
      %lt3A_1692 = arith.cmpi slt, %rem3A_1688, %lt3A_1691 : i32
      %lt3A_1693 = arith.constant 0 : i32
      %lt3A_1694 = arith.cmpi slt, %select_n3A_1687, %lt3A_1693 : i32
      %ne3A_1695 = arith.xori %lt3A_1692, %lt3A_1694 : i1
      %and3A_1696 = arith.andi %ne3A_1695, %ne3A_1690 : i1
      %add3A_1697 = arith.addi %rem3A_1688, %select_n3A_1687 : i32
      %select_n3A_1698 = arith.select %and3A_1696, %add3A_1697, %rem3A_1688 : i32
      %mul3A_1699 = arith.constant 64 : i32
      %mul3A_1700 = arith.muli %select_n3A_1698, %mul3A_1699 : i32
      %dma_wait3A_1701 = arith.constant 10 : i32
      %dma_wait3A_1702 = arith.constant 0 : i32
      %dma_wait3A_1703 = arith.constant 0 : i32
      %dma_wait3A_1704 = tpu.memref_slice %arg6[%dma_wait3A_1701, %dma_wait3A_1702, %dma_wait3A_1703] : memref<12x64x128xf32, #tpu.memory_space<vmem>> -> memref<1x64x128xf32, #tpu.memory_space<vmem>>
      %dma_wait3A_1705 = tpu.memref_squeeze %dma_wait3A_1704 : memref<1x64x128xf32, #tpu.memory_space<vmem>> -> memref<64x128xf32, #tpu.memory_space<vmem>>
      %dma_wait3A_1706 = tpu.memref_slice %arg5[%select_n3A_1682, %mul3A_1700] : memref<50x128xi32, #tpu.memory_space<vmem>> -> memref<1x64xi32, #tpu.memory_space<vmem>>
      %dma_wait3A_1707 = tpu.memref_squeeze %dma_wait3A_1706 : memref<1x64xi32, #tpu.memory_space<vmem>> -> memref<64xi32, #tpu.memory_space<vmem>>
      %dma_wait3A_1708 = arith.constant 0 : i32
      %dma_wait3A_1709 = arith.constant 0 : i32
      %dma_wait3A_1710 = tpu.memref_slice %arg2[%dma_wait3A_1708, %dma_wait3A_1709] : memref<100000x128xf32, #tpu.memory_space<hbm>> -> memref<100000x128xf32, #tpu.memory_space<hbm>>
      tpu.wait_indirect_dma semaphore(%arg17 : memref<!tpu.dma_semaphore, #tpu.memory_space<semaphore_mem>>) src(%dma_wait3A_1710 : memref<100000x128xf32, #tpu.memory_space<hbm>>) dst(%dma_wait3A_1705 : memref<64x128xf32, #tpu.memory_space<vmem>>)
      %jit3A_1711 = arith.constant 2 : i32
      %div3A_1712 = arith.divsi %add3A_1658, %jit3A_1711 : i32
      %sign3A_1713 = arith.constant 0 : i32
      %sign3A_1714 = arith.cmpi sgt, %add3A_1658, %sign3A_1713 : i32
      %sign3A_1715 = arith.extui %sign3A_1714 : i1 to i32
      %sign3A_1716 = arith.constant 0 : i32
      %sign3A_1717 = arith.cmpi slt, %add3A_1658, %sign3A_1716 : i32
      %sign3A_1718 = arith.extui %sign3A_1717 : i1 to i32
      %sign3A_1719 = arith.subi %sign3A_1715, %sign3A_1718 : i32
      %sign3A_1720 = arith.constant 0 : i32
      %sign3A_1721 = arith.cmpi sgt, %jit3A_1711, %sign3A_1720 : i32
      %sign3A_1722 = arith.extui %sign3A_1721 : i1 to i32
      %sign3A_1723 = arith.constant 0 : i32
      %sign3A_1724 = arith.cmpi slt, %jit3A_1711, %sign3A_1723 : i32
      %sign3A_1725 = arith.extui %sign3A_1724 : i1 to i32
      %sign3A_1726 = arith.subi %sign3A_1722, %sign3A_1725 : i32
      %ne3A_1727 = arith.cmpi ne, %sign3A_1719, %sign3A_1726 : i32
      %rem3A_1728 = arith.remsi %add3A_1658, %jit3A_1711 : i32
      %ne3A_1729 = arith.constant 0 : i32
      %ne3A_1730 = arith.cmpi ne, %rem3A_1728, %ne3A_1729 : i32
      %and3A_1731 = arith.andi %ne3A_1727, %ne3A_1730 : i1
      %sub3A_1732 = arith.constant 1 : i32
      %sub3A_1733 = arith.subi %div3A_1712, %sub3A_1732 : i32
      %select_n3A_1734 = arith.select %and3A_1731, %sub3A_1733, %div3A_1712 : i32
      %jit3A_1735 = arith.constant 2 : i32
      %eq3A_1736 = arith.constant 0 : i32
      %eq3A_1737 = arith.cmpi eq, %jit3A_1735, %eq3A_1736 : i32
      %jit3A_1738 = arith.constant 1 : i32
      %select_n3A_1739 = arith.select %eq3A_1737, %jit3A_1738, %jit3A_1735 : i32
      %rem3A_1740 = arith.remsi %add3A_1658, %select_n3A_1739 : i32
      %ne3A_1741 = arith.constant 0 : i32
      %ne3A_1742 = arith.cmpi ne, %rem3A_1740, %ne3A_1741 : i32
      %lt3A_1743 = arith.constant 0 : i32
      %lt3A_1744 = arith.cmpi slt, %rem3A_1740, %lt3A_1743 : i32
      %lt3A_1745 = arith.constant 0 : i32
      %lt3A_1746 = arith.cmpi slt, %select_n3A_1739, %lt3A_1745 : i32
      %ne3A_1747 = arith.xori %lt3A_1744, %lt3A_1746 : i1
      %and3A_1748 = arith.andi %ne3A_1747, %ne3A_1742 : i1
      %add3A_1749 = arith.addi %rem3A_1740, %select_n3A_1739 : i32
      %select_n3A_1750 = arith.select %and3A_1748, %add3A_1749, %rem3A_1740 : i32
      %mul3A_1751 = arith.constant 64 : i32
      %mul3A_1752 = arith.muli %select_n3A_1750, %mul3A_1751 : i32
      %add3A_1753 = arith.addi %mul3A_2, %mul3A_1752 : i32
      %dma_start3A_1754 = arith.constant 10 : i32
      %dma_start3A_1755 = arith.constant 0 : i32
      %dma_start3A_1756 = arith.constant 0 : i32
      %dma_start3A_1757 = tpu.memref_slice %arg6[%dma_start3A_1754, %dma_start3A_1755, %dma_start3A_1756] : memref<12x64x128xf32, #tpu.memory_space<vmem>> -> memref<1x64x128xf32, #tpu.memory_space<vmem>>
      %dma_start3A_1758 = tpu.memref_squeeze %dma_start3A_1757 : memref<1x64x128xf32, #tpu.memory_space<vmem>> -> memref<64x128xf32, #tpu.memory_space<vmem>>
      %dma_start3A_1759 = arith.constant 0 : i32
      %dma_start3A_1760 = tpu.memref_slice %arg4[%select_n3A_1734, %add3A_1753, %dma_start3A_1759] : memref<50x4096x128xf32, #tpu.memory_space<hbm>> -> memref<1x64x128xf32, #tpu.memory_space<hbm>>
      %dma_start3A_1761 = tpu.memref_squeeze %dma_start3A_1760 : memref<1x64x128xf32, #tpu.memory_space<hbm>> -> memref<64x128xf32, #tpu.memory_space<hbm>>
      %dma_start3A_1762 = arith.constant 0 : i32
      %dma_start3A_1763 = tpu.memref_slice %arg4[%select_n3A_1734, %add3A_1753, %dma_start3A_1762] : memref<50x4096x128xf32, #tpu.memory_space<hbm>> -> memref<1x64x128xf32, #tpu.memory_space<hbm>>
      %dma_start3A_1764 = tpu.memref_squeeze %dma_start3A_1763 : memref<1x64x128xf32, #tpu.memory_space<hbm>> -> memref<64x128xf32, #tpu.memory_space<hbm>>
      %dma_start3A_1765 = arith.constant 0 : i32
      %dma_start3A_1766 = arith.constant 0 : i32
      %dma_start3A_1767 = tpu.memref_slice %arg6[%dma_start3A_1754, %dma_start3A_1765, %dma_start3A_1766] : memref<12x64x128xf32, #tpu.memory_space<vmem>> -> memref<1x64x128xf32, #tpu.memory_space<vmem>>
      %dma_start3A_1768 = tpu.memref_squeeze %dma_start3A_1767 : memref<1x64x128xf32, #tpu.memory_space<vmem>> -> memref<64x128xf32, #tpu.memory_space<vmem>>
      tpu.enqueue_dma source(%dma_start3A_1768 : memref<64x128xf32, #tpu.memory_space<vmem>>) target(%dma_start3A_1764 : memref<64x128xf32, #tpu.memory_space<hbm>>) target_semaphore(%arg29 : memref<!tpu.dma_semaphore, #tpu.memory_space<semaphore_mem>>)
      %dma_wait3A_1769 = arith.constant 4 : i32
      %dma_wait3A_1770 = arith.constant 0 : i32
      %dma_wait3A_1771 = arith.constant 0 : i32
      %dma_wait3A_1772 = arith.constant 0 : i32
      %dma_wait3A_1773 = tpu.memref_slice %arg6[%dma_wait3A_1769, %dma_wait3A_1771, %dma_wait3A_1772] : memref<12x64x128xf32, #tpu.memory_space<vmem>> -> memref<1x64x128xf32, #tpu.memory_space<vmem>>
      %dma_wait3A_1774 = tpu.memref_squeeze %dma_wait3A_1773 : memref<1x64x128xf32, #tpu.memory_space<vmem>> -> memref<64x128xf32, #tpu.memory_space<vmem>>
      %dma_wait3A_1775 = arith.constant 0 : i32
      %dma_wait3A_1776 = tpu.memref_slice %arg4[%dma_wait3A_1770, %mul3A_2, %dma_wait3A_1775] : memref<50x4096x128xf32, #tpu.memory_space<hbm>> -> memref<1x64x128xf32, #tpu.memory_space<hbm>>
      %dma_wait3A_1777 = tpu.memref_squeeze %dma_wait3A_1776 : memref<1x64x128xf32, #tpu.memory_space<hbm>> -> memref<64x128xf32, #tpu.memory_space<hbm>>
      %dma_wait3A_1778 = arith.constant 0 : i32
      %dma_wait3A_1779 = tpu.memref_slice %arg4[%dma_wait3A_1770, %mul3A_2, %dma_wait3A_1778] : memref<50x4096x128xf32, #tpu.memory_space<hbm>> -> memref<1x64x128xf32, #tpu.memory_space<hbm>>
      %dma_wait3A_1780 = tpu.memref_squeeze %dma_wait3A_1779 : memref<1x64x128xf32, #tpu.memory_space<hbm>> -> memref<64x128xf32, #tpu.memory_space<hbm>>
      %dma_wait3A_1781 = arith.constant 0 : i32
      %dma_wait3A_1782 = arith.constant 0 : i32
      %dma_wait3A_1783 = tpu.memref_slice %arg6[%dma_wait3A_1769, %dma_wait3A_1781, %dma_wait3A_1782] : memref<12x64x128xf32, #tpu.memory_space<vmem>> -> memref<1x64x128xf32, #tpu.memory_space<vmem>>
      %dma_wait3A_1784 = tpu.memref_squeeze %dma_wait3A_1783 : memref<1x64x128xf32, #tpu.memory_space<vmem>> -> memref<64x128xf32, #tpu.memory_space<vmem>>
      tpu.wait_dma2 semaphore(%arg23 : memref<!tpu.dma_semaphore, #tpu.memory_space<semaphore_mem>>) src(%dma_wait3A_1784 : memref<64x128xf32, #tpu.memory_space<vmem>>) dst(%dma_wait3A_1780 : memref<64x128xf32, #tpu.memory_space<hbm>>)
      %add3A_1785 = arith.constant 6 : i32
      %add3A_1786 = arith.addi %add3A_1658, %add3A_1785 : i32
      %jit3A_1787 = arith.constant 2 : i32
      %div3A_1788 = arith.divsi %add3A_1786, %jit3A_1787 : i32
      %sign3A_1789 = arith.constant 0 : i32
      %sign3A_1790 = arith.cmpi sgt, %add3A_1786, %sign3A_1789 : i32
      %sign3A_1791 = arith.extui %sign3A_1790 : i1 to i32
      %sign3A_1792 = arith.constant 0 : i32
      %sign3A_1793 = arith.cmpi slt, %add3A_1786, %sign3A_1792 : i32
      %sign3A_1794 = arith.extui %sign3A_1793 : i1 to i32
      %sign3A_1795 = arith.subi %sign3A_1791, %sign3A_1794 : i32
      %sign3A_1796 = arith.constant 0 : i32
      %sign3A_1797 = arith.cmpi sgt, %jit3A_1787, %sign3A_1796 : i32
      %sign3A_1798 = arith.extui %sign3A_1797 : i1 to i32
      %sign3A_1799 = arith.constant 0 : i32
      %sign3A_1800 = arith.cmpi slt, %jit3A_1787, %sign3A_1799 : i32
      %sign3A_1801 = arith.extui %sign3A_1800 : i1 to i32
      %sign3A_1802 = arith.subi %sign3A_1798, %sign3A_1801 : i32
      %ne3A_1803 = arith.cmpi ne, %sign3A_1795, %sign3A_1802 : i32
      %rem3A_1804 = arith.remsi %add3A_1786, %jit3A_1787 : i32
      %ne3A_1805 = arith.constant 0 : i32
      %ne3A_1806 = arith.cmpi ne, %rem3A_1804, %ne3A_1805 : i32
      %and3A_1807 = arith.andi %ne3A_1803, %ne3A_1806 : i1
      %sub3A_1808 = arith.constant 1 : i32
      %sub3A_1809 = arith.subi %div3A_1788, %sub3A_1808 : i32
      %select_n3A_1810 = arith.select %and3A_1807, %sub3A_1809, %div3A_1788 : i32
      %jit3A_1811 = arith.constant 2 : i32
      %eq3A_1812 = arith.constant 0 : i32
      %eq3A_1813 = arith.cmpi eq, %jit3A_1811, %eq3A_1812 : i32
      %jit3A_1814 = arith.constant 1 : i32
      %select_n3A_1815 = arith.select %eq3A_1813, %jit3A_1814, %jit3A_1811 : i32
      %rem3A_1816 = arith.remsi %add3A_1786, %select_n3A_1815 : i32
      %ne3A_1817 = arith.constant 0 : i32
      %ne3A_1818 = arith.cmpi ne, %rem3A_1816, %ne3A_1817 : i32
      %lt3A_1819 = arith.constant 0 : i32
      %lt3A_1820 = arith.cmpi slt, %rem3A_1816, %lt3A_1819 : i32
      %lt3A_1821 = arith.constant 0 : i32
      %lt3A_1822 = arith.cmpi slt, %select_n3A_1815, %lt3A_1821 : i32
      %ne3A_1823 = arith.xori %lt3A_1820, %lt3A_1822 : i1
      %and3A_1824 = arith.andi %ne3A_1823, %ne3A_1818 : i1
      %add3A_1825 = arith.addi %rem3A_1816, %select_n3A_1815 : i32
      %select_n3A_1826 = arith.select %and3A_1824, %add3A_1825, %rem3A_1816 : i32
      %mul3A_1827 = arith.constant 64 : i32
      %mul3A_1828 = arith.muli %select_n3A_1826, %mul3A_1827 : i32
      %dma_start3A_1829 = arith.constant 4 : i32
      %dma_start3A_1830 = arith.constant 0 : i32
      %dma_start3A_1831 = arith.constant 0 : i32
      %dma_start3A_1832 = tpu.memref_slice %arg6[%dma_start3A_1829, %dma_start3A_1830, %dma_start3A_1831] : memref<12x64x128xf32, #tpu.memory_space<vmem>> -> memref<1x64x128xf32, #tpu.memory_space<vmem>>
      %dma_start3A_1833 = tpu.memref_squeeze %dma_start3A_1832 : memref<1x64x128xf32, #tpu.memory_space<vmem>> -> memref<64x128xf32, #tpu.memory_space<vmem>>
      %dma_start3A_1834 = tpu.memref_slice %arg5[%select_n3A_1810, %mul3A_1828] : memref<50x128xi32, #tpu.memory_space<vmem>> -> memref<1x64xi32, #tpu.memory_space<vmem>>
      %dma_start3A_1835 = tpu.memref_squeeze %dma_start3A_1834 : memref<1x64xi32, #tpu.memory_space<vmem>> -> memref<64xi32, #tpu.memory_space<vmem>>
      %dma_start3A_1836 = arith.constant 0 : i32
      %dma_start3A_1837 = arith.constant 0 : i32
      %dma_start3A_1838 = tpu.memref_slice %arg2[%dma_start3A_1836, %dma_start3A_1837] : memref<100000x128xf32, #tpu.memory_space<hbm>> -> memref<100000x128xf32, #tpu.memory_space<hbm>>
      tpu.enqueue_indirect_dma source(%dma_start3A_1838 : memref<100000x128xf32, #tpu.memory_space<hbm>>) target(%dma_start3A_1833 : memref<64x128xf32, #tpu.memory_space<vmem>>) offsets(%dma_start3A_1835 : memref<64xi32, #tpu.memory_space<vmem>>) semaphore(%arg11 : memref<!tpu.dma_semaphore, #tpu.memory_space<semaphore_mem>>)
      %add3A_1839 = arith.constant 5 : i32
      %add3A_1840 = arith.addi %add3A_938, %add3A_1839 : i32
      %jit3A_1841 = arith.constant 2 : i32
      %div3A_1842 = arith.divsi %add3A_1840, %jit3A_1841 : i32
      %sign3A_1843 = arith.constant 0 : i32
      %sign3A_1844 = arith.cmpi sgt, %add3A_1840, %sign3A_1843 : i32
      %sign3A_1845 = arith.extui %sign3A_1844 : i1 to i32
      %sign3A_1846 = arith.constant 0 : i32
      %sign3A_1847 = arith.cmpi slt, %add3A_1840, %sign3A_1846 : i32
      %sign3A_1848 = arith.extui %sign3A_1847 : i1 to i32
      %sign3A_1849 = arith.subi %sign3A_1845, %sign3A_1848 : i32
      %sign3A_1850 = arith.constant 0 : i32
      %sign3A_1851 = arith.cmpi sgt, %jit3A_1841, %sign3A_1850 : i32
      %sign3A_1852 = arith.extui %sign3A_1851 : i1 to i32
      %sign3A_1853 = arith.constant 0 : i32
      %sign3A_1854 = arith.cmpi slt, %jit3A_1841, %sign3A_1853 : i32
      %sign3A_1855 = arith.extui %sign3A_1854 : i1 to i32
      %sign3A_1856 = arith.subi %sign3A_1852, %sign3A_1855 : i32
      %ne3A_1857 = arith.cmpi ne, %sign3A_1849, %sign3A_1856 : i32
      %rem3A_1858 = arith.remsi %add3A_1840, %jit3A_1841 : i32
      %ne3A_1859 = arith.constant 0 : i32
      %ne3A_1860 = arith.cmpi ne, %rem3A_1858, %ne3A_1859 : i32
      %and3A_1861 = arith.andi %ne3A_1857, %ne3A_1860 : i1
      %sub3A_1862 = arith.constant 1 : i32
      %sub3A_1863 = arith.subi %div3A_1842, %sub3A_1862 : i32
      %select_n3A_1864 = arith.select %and3A_1861, %sub3A_1863, %div3A_1842 : i32
      %jit3A_1865 = arith.constant 2 : i32
      %eq3A_1866 = arith.constant 0 : i32
      %eq3A_1867 = arith.cmpi eq, %jit3A_1865, %eq3A_1866 : i32
      %jit3A_1868 = arith.constant 1 : i32
      %select_n3A_1869 = arith.select %eq3A_1867, %jit3A_1868, %jit3A_1865 : i32
      %rem3A_1870 = arith.remsi %add3A_1840, %select_n3A_1869 : i32
      %ne3A_1871 = arith.constant 0 : i32
      %ne3A_1872 = arith.cmpi ne, %rem3A_1870, %ne3A_1871 : i32
      %lt3A_1873 = arith.constant 0 : i32
      %lt3A_1874 = arith.cmpi slt, %rem3A_1870, %lt3A_1873 : i32
      %lt3A_1875 = arith.constant 0 : i32
      %lt3A_1876 = arith.cmpi slt, %select_n3A_1869, %lt3A_1875 : i32
      %ne3A_1877 = arith.xori %lt3A_1874, %lt3A_1876 : i1
      %and3A_1878 = arith.andi %ne3A_1877, %ne3A_1872 : i1
      %add3A_1879 = arith.addi %rem3A_1870, %select_n3A_1869 : i32
      %select_n3A_1880 = arith.select %and3A_1878, %add3A_1879, %rem3A_1870 : i32
      %mul3A_1881 = arith.constant 64 : i32
      %mul3A_1882 = arith.muli %select_n3A_1880, %mul3A_1881 : i32
      %dma_wait3A_1883 = arith.constant 11 : i32
      %dma_wait3A_1884 = arith.constant 0 : i32
      %dma_wait3A_1885 = arith.constant 0 : i32
      %dma_wait3A_1886 = tpu.memref_slice %arg6[%dma_wait3A_1883, %dma_wait3A_1884, %dma_wait3A_1885] : memref<12x64x128xf32, #tpu.memory_space<vmem>> -> memref<1x64x128xf32, #tpu.memory_space<vmem>>
      %dma_wait3A_1887 = tpu.memref_squeeze %dma_wait3A_1886 : memref<1x64x128xf32, #tpu.memory_space<vmem>> -> memref<64x128xf32, #tpu.memory_space<vmem>>
      %dma_wait3A_1888 = tpu.memref_slice %arg5[%select_n3A_1864, %mul3A_1882] : memref<50x128xi32, #tpu.memory_space<vmem>> -> memref<1x64xi32, #tpu.memory_space<vmem>>
      %dma_wait3A_1889 = tpu.memref_squeeze %dma_wait3A_1888 : memref<1x64xi32, #tpu.memory_space<vmem>> -> memref<64xi32, #tpu.memory_space<vmem>>
      %dma_wait3A_1890 = arith.constant 0 : i32
      %dma_wait3A_1891 = arith.constant 0 : i32
      %dma_wait3A_1892 = tpu.memref_slice %arg2[%dma_wait3A_1890, %dma_wait3A_1891] : memref<100000x128xf32, #tpu.memory_space<hbm>> -> memref<100000x128xf32, #tpu.memory_space<hbm>>
      tpu.wait_indirect_dma semaphore(%arg18 : memref<!tpu.dma_semaphore, #tpu.memory_space<semaphore_mem>>) src(%dma_wait3A_1892 : memref<100000x128xf32, #tpu.memory_space<hbm>>) dst(%dma_wait3A_1887 : memref<64x128xf32, #tpu.memory_space<vmem>>)
      %jit3A_1893 = arith.constant 2 : i32
      %div3A_1894 = arith.divsi %add3A_1840, %jit3A_1893 : i32
      %sign3A_1895 = arith.constant 0 : i32
      %sign3A_1896 = arith.cmpi sgt, %add3A_1840, %sign3A_1895 : i32
      %sign3A_1897 = arith.extui %sign3A_1896 : i1 to i32
      %sign3A_1898 = arith.constant 0 : i32
      %sign3A_1899 = arith.cmpi slt, %add3A_1840, %sign3A_1898 : i32
      %sign3A_1900 = arith.extui %sign3A_1899 : i1 to i32
      %sign3A_1901 = arith.subi %sign3A_1897, %sign3A_1900 : i32
      %sign3A_1902 = arith.constant 0 : i32
      %sign3A_1903 = arith.cmpi sgt, %jit3A_1893, %sign3A_1902 : i32
      %sign3A_1904 = arith.extui %sign3A_1903 : i1 to i32
      %sign3A_1905 = arith.constant 0 : i32
      %sign3A_1906 = arith.cmpi slt, %jit3A_1893, %sign3A_1905 : i32
      %sign3A_1907 = arith.extui %sign3A_1906 : i1 to i32
      %sign3A_1908 = arith.subi %sign3A_1904, %sign3A_1907 : i32
      %ne3A_1909 = arith.cmpi ne, %sign3A_1901, %sign3A_1908 : i32
      %rem3A_1910 = arith.remsi %add3A_1840, %jit3A_1893 : i32
      %ne3A_1911 = arith.constant 0 : i32
      %ne3A_1912 = arith.cmpi ne, %rem3A_1910, %ne3A_1911 : i32
      %and3A_1913 = arith.andi %ne3A_1909, %ne3A_1912 : i1
      %sub3A_1914 = arith.constant 1 : i32
      %sub3A_1915 = arith.subi %div3A_1894, %sub3A_1914 : i32
      %select_n3A_1916 = arith.select %and3A_1913, %sub3A_1915, %div3A_1894 : i32
      %jit3A_1917 = arith.constant 2 : i32
      %eq3A_1918 = arith.constant 0 : i32
      %eq3A_1919 = arith.cmpi eq, %jit3A_1917, %eq3A_1918 : i32
      %jit3A_1920 = arith.constant 1 : i32
      %select_n3A_1921 = arith.select %eq3A_1919, %jit3A_1920, %jit3A_1917 : i32
      %rem3A_1922 = arith.remsi %add3A_1840, %select_n3A_1921 : i32
      %ne3A_1923 = arith.constant 0 : i32
      %ne3A_1924 = arith.cmpi ne, %rem3A_1922, %ne3A_1923 : i32
      %lt3A_1925 = arith.constant 0 : i32
      %lt3A_1926 = arith.cmpi slt, %rem3A_1922, %lt3A_1925 : i32
      %lt3A_1927 = arith.constant 0 : i32
      %lt3A_1928 = arith.cmpi slt, %select_n3A_1921, %lt3A_1927 : i32
      %ne3A_1929 = arith.xori %lt3A_1926, %lt3A_1928 : i1
      %and3A_1930 = arith.andi %ne3A_1929, %ne3A_1924 : i1
      %add3A_1931 = arith.addi %rem3A_1922, %select_n3A_1921 : i32
      %select_n3A_1932 = arith.select %and3A_1930, %add3A_1931, %rem3A_1922 : i32
      %mul3A_1933 = arith.constant 64 : i32
      %mul3A_1934 = arith.muli %select_n3A_1932, %mul3A_1933 : i32
      %add3A_1935 = arith.addi %mul3A_2, %mul3A_1934 : i32
      %dma_start3A_1936 = arith.constant 11 : i32
      %dma_start3A_1937 = arith.constant 0 : i32
      %dma_start3A_1938 = arith.constant 0 : i32
      %dma_start3A_1939 = tpu.memref_slice %arg6[%dma_start3A_1936, %dma_start3A_1937, %dma_start3A_1938] : memref<12x64x128xf32, #tpu.memory_space<vmem>> -> memref<1x64x128xf32, #tpu.memory_space<vmem>>
      %dma_start3A_1940 = tpu.memref_squeeze %dma_start3A_1939 : memref<1x64x128xf32, #tpu.memory_space<vmem>> -> memref<64x128xf32, #tpu.memory_space<vmem>>
      %dma_start3A_1941 = arith.constant 0 : i32
      %dma_start3A_1942 = tpu.memref_slice %arg4[%select_n3A_1916, %add3A_1935, %dma_start3A_1941] : memref<50x4096x128xf32, #tpu.memory_space<hbm>> -> memref<1x64x128xf32, #tpu.memory_space<hbm>>
      %dma_start3A_1943 = tpu.memref_squeeze %dma_start3A_1942 : memref<1x64x128xf32, #tpu.memory_space<hbm>> -> memref<64x128xf32, #tpu.memory_space<hbm>>
      %dma_start3A_1944 = arith.constant 0 : i32
      %dma_start3A_1945 = tpu.memref_slice %arg4[%select_n3A_1916, %add3A_1935, %dma_start3A_1944] : memref<50x4096x128xf32, #tpu.memory_space<hbm>> -> memref<1x64x128xf32, #tpu.memory_space<hbm>>
      %dma_start3A_1946 = tpu.memref_squeeze %dma_start3A_1945 : memref<1x64x128xf32, #tpu.memory_space<hbm>> -> memref<64x128xf32, #tpu.memory_space<hbm>>
      %dma_start3A_1947 = arith.constant 0 : i32
      %dma_start3A_1948 = arith.constant 0 : i32
      %dma_start3A_1949 = tpu.memref_slice %arg6[%dma_start3A_1936, %dma_start3A_1947, %dma_start3A_1948] : memref<12x64x128xf32, #tpu.memory_space<vmem>> -> memref<1x64x128xf32, #tpu.memory_space<vmem>>
      %dma_start3A_1950 = tpu.memref_squeeze %dma_start3A_1949 : memref<1x64x128xf32, #tpu.memory_space<vmem>> -> memref<64x128xf32, #tpu.memory_space<vmem>>
      tpu.enqueue_dma source(%dma_start3A_1950 : memref<64x128xf32, #tpu.memory_space<vmem>>) target(%dma_start3A_1946 : memref<64x128xf32, #tpu.memory_space<hbm>>) target_semaphore(%arg30 : memref<!tpu.dma_semaphore, #tpu.memory_space<semaphore_mem>>)
      %dma_wait3A_1951 = arith.constant 5 : i32
      %dma_wait3A_1952 = arith.constant 0 : i32
      %dma_wait3A_1953 = arith.constant 0 : i32
      %dma_wait3A_1954 = arith.constant 0 : i32
      %dma_wait3A_1955 = tpu.memref_slice %arg6[%dma_wait3A_1951, %dma_wait3A_1953, %dma_wait3A_1954] : memref<12x64x128xf32, #tpu.memory_space<vmem>> -> memref<1x64x128xf32, #tpu.memory_space<vmem>>
      %dma_wait3A_1956 = tpu.memref_squeeze %dma_wait3A_1955 : memref<1x64x128xf32, #tpu.memory_space<vmem>> -> memref<64x128xf32, #tpu.memory_space<vmem>>
      %dma_wait3A_1957 = arith.constant 0 : i32
      %dma_wait3A_1958 = tpu.memref_slice %arg4[%dma_wait3A_1952, %mul3A_2, %dma_wait3A_1957] : memref<50x4096x128xf32, #tpu.memory_space<hbm>> -> memref<1x64x128xf32, #tpu.memory_space<hbm>>
      %dma_wait3A_1959 = tpu.memref_squeeze %dma_wait3A_1958 : memref<1x64x128xf32, #tpu.memory_space<hbm>> -> memref<64x128xf32, #tpu.memory_space<hbm>>
      %dma_wait3A_1960 = arith.constant 0 : i32
      %dma_wait3A_1961 = tpu.memref_slice %arg4[%dma_wait3A_1952, %mul3A_2, %dma_wait3A_1960] : memref<50x4096x128xf32, #tpu.memory_space<hbm>> -> memref<1x64x128xf32, #tpu.memory_space<hbm>>
      %dma_wait3A_1962 = tpu.memref_squeeze %dma_wait3A_1961 : memref<1x64x128xf32, #tpu.memory_space<hbm>> -> memref<64x128xf32, #tpu.memory_space<hbm>>
      %dma_wait3A_1963 = arith.constant 0 : i32
      %dma_wait3A_1964 = arith.constant 0 : i32
      %dma_wait3A_1965 = tpu.memref_slice %arg6[%dma_wait3A_1951, %dma_wait3A_1963, %dma_wait3A_1964] : memref<12x64x128xf32, #tpu.memory_space<vmem>> -> memref<1x64x128xf32, #tpu.memory_space<vmem>>
      %dma_wait3A_1966 = tpu.memref_squeeze %dma_wait3A_1965 : memref<1x64x128xf32, #tpu.memory_space<vmem>> -> memref<64x128xf32, #tpu.memory_space<vmem>>
      tpu.wait_dma2 semaphore(%arg24 : memref<!tpu.dma_semaphore, #tpu.memory_space<semaphore_mem>>) src(%dma_wait3A_1966 : memref<64x128xf32, #tpu.memory_space<vmem>>) dst(%dma_wait3A_1962 : memref<64x128xf32, #tpu.memory_space<hbm>>)
      %add3A_1967 = arith.constant 6 : i32
      %add3A_1968 = arith.addi %add3A_1840, %add3A_1967 : i32
      %jit3A_1969 = arith.constant 2 : i32
      %div3A_1970 = arith.divsi %add3A_1968, %jit3A_1969 : i32
      %sign3A_1971 = arith.constant 0 : i32
      %sign3A_1972 = arith.cmpi sgt, %add3A_1968, %sign3A_1971 : i32
      %sign3A_1973 = arith.extui %sign3A_1972 : i1 to i32
      %sign3A_1974 = arith.constant 0 : i32
      %sign3A_1975 = arith.cmpi slt, %add3A_1968, %sign3A_1974 : i32
      %sign3A_1976 = arith.extui %sign3A_1975 : i1 to i32
      %sign3A_1977 = arith.subi %sign3A_1973, %sign3A_1976 : i32
      %sign3A_1978 = arith.constant 0 : i32
      %sign3A_1979 = arith.cmpi sgt, %jit3A_1969, %sign3A_1978 : i32
      %sign3A_1980 = arith.extui %sign3A_1979 : i1 to i32
      %sign3A_1981 = arith.constant 0 : i32
      %sign3A_1982 = arith.cmpi slt, %jit3A_1969, %sign3A_1981 : i32
      %sign3A_1983 = arith.extui %sign3A_1982 : i1 to i32
      %sign3A_1984 = arith.subi %sign3A_1980, %sign3A_1983 : i32
      %ne3A_1985 = arith.cmpi ne, %sign3A_1977, %sign3A_1984 : i32
      %rem3A_1986 = arith.remsi %add3A_1968, %jit3A_1969 : i32
      %ne3A_1987 = arith.constant 0 : i32
      %ne3A_1988 = arith.cmpi ne, %rem3A_1986, %ne3A_1987 : i32
      %and3A_1989 = arith.andi %ne3A_1985, %ne3A_1988 : i1
      %sub3A_1990 = arith.constant 1 : i32
      %sub3A_1991 = arith.subi %div3A_1970, %sub3A_1990 : i32
      %select_n3A_1992 = arith.select %and3A_1989, %sub3A_1991, %div3A_1970 : i32
      %jit3A_1993 = arith.constant 2 : i32
      %eq3A_1994 = arith.constant 0 : i32
      %eq3A_1995 = arith.cmpi eq, %jit3A_1993, %eq3A_1994 : i32
      %jit3A_1996 = arith.constant 1 : i32
      %select_n3A_1997 = arith.select %eq3A_1995, %jit3A_1996, %jit3A_1993 : i32
      %rem3A_1998 = arith.remsi %add3A_1968, %select_n3A_1997 : i32
      %ne3A_1999 = arith.constant 0 : i32
      %ne3A_2000 = arith.cmpi ne, %rem3A_1998, %ne3A_1999 : i32
      %lt3A_2001 = arith.constant 0 : i32
      %lt3A_2002 = arith.cmpi slt, %rem3A_1998, %lt3A_2001 : i32
      %lt3A_2003 = arith.constant 0 : i32
      %lt3A_2004 = arith.cmpi slt, %select_n3A_1997, %lt3A_2003 : i32
      %ne3A_2005 = arith.xori %lt3A_2002, %lt3A_2004 : i1
      %and3A_2006 = arith.andi %ne3A_2005, %ne3A_2000 : i1
      %add3A_2007 = arith.addi %rem3A_1998, %select_n3A_1997 : i32
      %select_n3A_2008 = arith.select %and3A_2006, %add3A_2007, %rem3A_1998 : i32
      %mul3A_2009 = arith.constant 64 : i32
      %mul3A_2010 = arith.muli %select_n3A_2008, %mul3A_2009 : i32
      %dma_start3A_2011 = arith.constant 5 : i32
      %dma_start3A_2012 = arith.constant 0 : i32
      %dma_start3A_2013 = arith.constant 0 : i32
      %dma_start3A_2014 = tpu.memref_slice %arg6[%dma_start3A_2011, %dma_start3A_2012, %dma_start3A_2013] : memref<12x64x128xf32, #tpu.memory_space<vmem>> -> memref<1x64x128xf32, #tpu.memory_space<vmem>>
      %dma_start3A_2015 = tpu.memref_squeeze %dma_start3A_2014 : memref<1x64x128xf32, #tpu.memory_space<vmem>> -> memref<64x128xf32, #tpu.memory_space<vmem>>
      %dma_start3A_2016 = tpu.memref_slice %arg5[%select_n3A_1992, %mul3A_2010] : memref<50x128xi32, #tpu.memory_space<vmem>> -> memref<1x64xi32, #tpu.memory_space<vmem>>
      %dma_start3A_2017 = tpu.memref_squeeze %dma_start3A_2016 : memref<1x64xi32, #tpu.memory_space<vmem>> -> memref<64xi32, #tpu.memory_space<vmem>>
      %dma_start3A_2018 = arith.constant 0 : i32
      %dma_start3A_2019 = arith.constant 0 : i32
      %dma_start3A_2020 = tpu.memref_slice %arg2[%dma_start3A_2018, %dma_start3A_2019] : memref<100000x128xf32, #tpu.memory_space<hbm>> -> memref<100000x128xf32, #tpu.memory_space<hbm>>
      tpu.enqueue_indirect_dma source(%dma_start3A_2020 : memref<100000x128xf32, #tpu.memory_space<hbm>>) target(%dma_start3A_2015 : memref<64x128xf32, #tpu.memory_space<vmem>>) offsets(%dma_start3A_2017 : memref<64xi32, #tpu.memory_space<vmem>>) semaphore(%arg12 : memref<!tpu.dma_semaphore, #tpu.memory_space<semaphore_mem>>)
      %add3A_2021 = arith.constant 6 : i32
      %add3A_2022 = arith.addi %add3A_938, %add3A_2021 : i32
      %jit3A_2023 = arith.constant 2 : i32
      %div3A_2024 = arith.divsi %add3A_2022, %jit3A_2023 : i32
      %sign3A_2025 = arith.constant 0 : i32
      %sign3A_2026 = arith.cmpi sgt, %add3A_2022, %sign3A_2025 : i32
      %sign3A_2027 = arith.extui %sign3A_2026 : i1 to i32
      %sign3A_2028 = arith.constant 0 : i32
      %sign3A_2029 = arith.cmpi slt, %add3A_2022, %sign3A_2028 : i32
      %sign3A_2030 = arith.extui %sign3A_2029 : i1 to i32
      %sign3A_2031 = arith.subi %sign3A_2027, %sign3A_2030 : i32
      %sign3A_2032 = arith.constant 0 : i32
      %sign3A_2033 = arith.cmpi sgt, %jit3A_2023, %sign3A_2032 : i32
      %sign3A_2034 = arith.extui %sign3A_2033 : i1 to i32
      %sign3A_2035 = arith.constant 0 : i32
      %sign3A_2036 = arith.cmpi slt, %jit3A_2023, %sign3A_2035 : i32
      %sign3A_2037 = arith.extui %sign3A_2036 : i1 to i32
      %sign3A_2038 = arith.subi %sign3A_2034, %sign3A_2037 : i32
      %ne3A_2039 = arith.cmpi ne, %sign3A_2031, %sign3A_2038 : i32
      %rem3A_2040 = arith.remsi %add3A_2022, %jit3A_2023 : i32
      %ne3A_2041 = arith.constant 0 : i32
      %ne3A_2042 = arith.cmpi ne, %rem3A_2040, %ne3A_2041 : i32
      %and3A_2043 = arith.andi %ne3A_2039, %ne3A_2042 : i1
      %sub3A_2044 = arith.constant 1 : i32
      %sub3A_2045 = arith.subi %div3A_2024, %sub3A_2044 : i32
      %select_n3A_2046 = arith.select %and3A_2043, %sub3A_2045, %div3A_2024 : i32
      %jit3A_2047 = arith.constant 2 : i32
      %eq3A_2048 = arith.constant 0 : i32
      %eq3A_2049 = arith.cmpi eq, %jit3A_2047, %eq3A_2048 : i32
      %jit3A_2050 = arith.constant 1 : i32
      %select_n3A_2051 = arith.select %eq3A_2049, %jit3A_2050, %jit3A_2047 : i32
      %rem3A_2052 = arith.remsi %add3A_2022, %select_n3A_2051 : i32
      %ne3A_2053 = arith.constant 0 : i32
      %ne3A_2054 = arith.cmpi ne, %rem3A_2052, %ne3A_2053 : i32
      %lt3A_2055 = arith.constant 0 : i32
      %lt3A_2056 = arith.cmpi slt, %rem3A_2052, %lt3A_2055 : i32
      %lt3A_2057 = arith.constant 0 : i32
      %lt3A_2058 = arith.cmpi slt, %select_n3A_2051, %lt3A_2057 : i32
      %ne3A_2059 = arith.xori %lt3A_2056, %lt3A_2058 : i1
      %and3A_2060 = arith.andi %ne3A_2059, %ne3A_2054 : i1
      %add3A_2061 = arith.addi %rem3A_2052, %select_n3A_2051 : i32
      %select_n3A_2062 = arith.select %and3A_2060, %add3A_2061, %rem3A_2052 : i32
      %mul3A_2063 = arith.constant 64 : i32
      %mul3A_2064 = arith.muli %select_n3A_2062, %mul3A_2063 : i32
      %dma_wait3A_2065 = arith.constant 0 : i32
      %dma_wait3A_2066 = arith.constant 0 : i32
      %dma_wait3A_2067 = arith.constant 0 : i32
      %dma_wait3A_2068 = tpu.memref_slice %arg6[%dma_wait3A_2065, %dma_wait3A_2066, %dma_wait3A_2067] : memref<12x64x128xf32, #tpu.memory_space<vmem>> -> memref<1x64x128xf32, #tpu.memory_space<vmem>>
      %dma_wait3A_2069 = tpu.memref_squeeze %dma_wait3A_2068 : memref<1x64x128xf32, #tpu.memory_space<vmem>> -> memref<64x128xf32, #tpu.memory_space<vmem>>
      %dma_wait3A_2070 = tpu.memref_slice %arg5[%select_n3A_2046, %mul3A_2064] : memref<50x128xi32, #tpu.memory_space<vmem>> -> memref<1x64xi32, #tpu.memory_space<vmem>>
      %dma_wait3A_2071 = tpu.memref_squeeze %dma_wait3A_2070 : memref<1x64xi32, #tpu.memory_space<vmem>> -> memref<64xi32, #tpu.memory_space<vmem>>
      %dma_wait3A_2072 = arith.constant 0 : i32
      %dma_wait3A_2073 = arith.constant 0 : i32
      %dma_wait3A_2074 = tpu.memref_slice %arg2[%dma_wait3A_2072, %dma_wait3A_2073] : memref<100000x128xf32, #tpu.memory_space<hbm>> -> memref<100000x128xf32, #tpu.memory_space<hbm>>
      tpu.wait_indirect_dma semaphore(%arg7 : memref<!tpu.dma_semaphore, #tpu.memory_space<semaphore_mem>>) src(%dma_wait3A_2074 : memref<100000x128xf32, #tpu.memory_space<hbm>>) dst(%dma_wait3A_2069 : memref<64x128xf32, #tpu.memory_space<vmem>>)
      %jit3A_2075 = arith.constant 2 : i32
      %div3A_2076 = arith.divsi %add3A_2022, %jit3A_2075 : i32
      %sign3A_2077 = arith.constant 0 : i32
      %sign3A_2078 = arith.cmpi sgt, %add3A_2022, %sign3A_2077 : i32
      %sign3A_2079 = arith.extui %sign3A_2078 : i1 to i32
      %sign3A_2080 = arith.constant 0 : i32
      %sign3A_2081 = arith.cmpi slt, %add3A_2022, %sign3A_2080 : i32
      %sign3A_2082 = arith.extui %sign3A_2081 : i1 to i32
      %sign3A_2083 = arith.subi %sign3A_2079, %sign3A_2082 : i32
      %sign3A_2084 = arith.constant 0 : i32
      %sign3A_2085 = arith.cmpi sgt, %jit3A_2075, %sign3A_2084 : i32
      %sign3A_2086 = arith.extui %sign3A_2085 : i1 to i32
      %sign3A_2087 = arith.constant 0 : i32
      %sign3A_2088 = arith.cmpi slt, %jit3A_2075, %sign3A_2087 : i32
      %sign3A_2089 = arith.extui %sign3A_2088 : i1 to i32
      %sign3A_2090 = arith.subi %sign3A_2086, %sign3A_2089 : i32
      %ne3A_2091 = arith.cmpi ne, %sign3A_2083, %sign3A_2090 : i32
      %rem3A_2092 = arith.remsi %add3A_2022, %jit3A_2075 : i32
      %ne3A_2093 = arith.constant 0 : i32
      %ne3A_2094 = arith.cmpi ne, %rem3A_2092, %ne3A_2093 : i32
      %and3A_2095 = arith.andi %ne3A_2091, %ne3A_2094 : i1
      %sub3A_2096 = arith.constant 1 : i32
      %sub3A_2097 = arith.subi %div3A_2076, %sub3A_2096 : i32
      %select_n3A_2098 = arith.select %and3A_2095, %sub3A_2097, %div3A_2076 : i32
      %jit3A_2099 = arith.constant 2 : i32
      %eq3A_2100 = arith.constant 0 : i32
      %eq3A_2101 = arith.cmpi eq, %jit3A_2099, %eq3A_2100 : i32
      %jit3A_2102 = arith.constant 1 : i32
      %select_n3A_2103 = arith.select %eq3A_2101, %jit3A_2102, %jit3A_2099 : i32
      %rem3A_2104 = arith.remsi %add3A_2022, %select_n3A_2103 : i32
      %ne3A_2105 = arith.constant 0 : i32
      %ne3A_2106 = arith.cmpi ne, %rem3A_2104, %ne3A_2105 : i32
      %lt3A_2107 = arith.constant 0 : i32
      %lt3A_2108 = arith.cmpi slt, %rem3A_2104, %lt3A_2107 : i32
      %lt3A_2109 = arith.constant 0 : i32
      %lt3A_2110 = arith.cmpi slt, %select_n3A_2103, %lt3A_2109 : i32
      %ne3A_2111 = arith.xori %lt3A_2108, %lt3A_2110 : i1
      %and3A_2112 = arith.andi %ne3A_2111, %ne3A_2106 : i1
      %add3A_2113 = arith.addi %rem3A_2104, %select_n3A_2103 : i32
      %select_n3A_2114 = arith.select %and3A_2112, %add3A_2113, %rem3A_2104 : i32
      %mul3A_2115 = arith.constant 64 : i32
      %mul3A_2116 = arith.muli %select_n3A_2114, %mul3A_2115 : i32
      %add3A_2117 = arith.addi %mul3A_2, %mul3A_2116 : i32
      %dma_start3A_2118 = arith.constant 0 : i32
      %dma_start3A_2119 = arith.constant 0 : i32
      %dma_start3A_2120 = arith.constant 0 : i32
      %dma_start3A_2121 = tpu.memref_slice %arg6[%dma_start3A_2118, %dma_start3A_2119, %dma_start3A_2120] : memref<12x64x128xf32, #tpu.memory_space<vmem>> -> memref<1x64x128xf32, #tpu.memory_space<vmem>>
      %dma_start3A_2122 = tpu.memref_squeeze %dma_start3A_2121 : memref<1x64x128xf32, #tpu.memory_space<vmem>> -> memref<64x128xf32, #tpu.memory_space<vmem>>
      %dma_start3A_2123 = arith.constant 0 : i32
      %dma_start3A_2124 = tpu.memref_slice %arg4[%select_n3A_2098, %add3A_2117, %dma_start3A_2123] : memref<50x4096x128xf32, #tpu.memory_space<hbm>> -> memref<1x64x128xf32, #tpu.memory_space<hbm>>
      %dma_start3A_2125 = tpu.memref_squeeze %dma_start3A_2124 : memref<1x64x128xf32, #tpu.memory_space<hbm>> -> memref<64x128xf32, #tpu.memory_space<hbm>>
      %dma_start3A_2126 = arith.constant 0 : i32
      %dma_start3A_2127 = tpu.memref_slice %arg4[%select_n3A_2098, %add3A_2117, %dma_start3A_2126] : memref<50x4096x128xf32, #tpu.memory_space<hbm>> -> memref<1x64x128xf32, #tpu.memory_space<hbm>>
      %dma_start3A_2128 = tpu.memref_squeeze %dma_start3A_2127 : memref<1x64x128xf32, #tpu.memory_space<hbm>> -> memref<64x128xf32, #tpu.memory_space<hbm>>
      %dma_start3A_2129 = arith.constant 0 : i32
      %dma_start3A_2130 = arith.constant 0 : i32
      %dma_start3A_2131 = tpu.memref_slice %arg6[%dma_start3A_2118, %dma_start3A_2129, %dma_start3A_2130] : memref<12x64x128xf32, #tpu.memory_space<vmem>> -> memref<1x64x128xf32, #tpu.memory_space<vmem>>
      %dma_start3A_2132 = tpu.memref_squeeze %dma_start3A_2131 : memref<1x64x128xf32, #tpu.memory_space<vmem>> -> memref<64x128xf32, #tpu.memory_space<vmem>>
      tpu.enqueue_dma source(%dma_start3A_2132 : memref<64x128xf32, #tpu.memory_space<vmem>>) target(%dma_start3A_2128 : memref<64x128xf32, #tpu.memory_space<hbm>>) target_semaphore(%arg19 : memref<!tpu.dma_semaphore, #tpu.memory_space<semaphore_mem>>)
      %dma_wait3A_2133 = arith.constant 6 : i32
      %dma_wait3A_2134 = arith.constant 0 : i32
      %dma_wait3A_2135 = arith.constant 0 : i32
      %dma_wait3A_2136 = arith.constant 0 : i32
      %dma_wait3A_2137 = tpu.memref_slice %arg6[%dma_wait3A_2133, %dma_wait3A_2135, %dma_wait3A_2136] : memref<12x64x128xf32, #tpu.memory_space<vmem>> -> memref<1x64x128xf32, #tpu.memory_space<vmem>>
      %dma_wait3A_2138 = tpu.memref_squeeze %dma_wait3A_2137 : memref<1x64x128xf32, #tpu.memory_space<vmem>> -> memref<64x128xf32, #tpu.memory_space<vmem>>
      %dma_wait3A_2139 = arith.constant 0 : i32
      %dma_wait3A_2140 = tpu.memref_slice %arg4[%dma_wait3A_2134, %mul3A_2, %dma_wait3A_2139] : memref<50x4096x128xf32, #tpu.memory_space<hbm>> -> memref<1x64x128xf32, #tpu.memory_space<hbm>>
      %dma_wait3A_2141 = tpu.memref_squeeze %dma_wait3A_2140 : memref<1x64x128xf32, #tpu.memory_space<hbm>> -> memref<64x128xf32, #tpu.memory_space<hbm>>
      %dma_wait3A_2142 = arith.constant 0 : i32
      %dma_wait3A_2143 = tpu.memref_slice %arg4[%dma_wait3A_2134, %mul3A_2, %dma_wait3A_2142] : memref<50x4096x128xf32, #tpu.memory_space<hbm>> -> memref<1x64x128xf32, #tpu.memory_space<hbm>>
      %dma_wait3A_2144 = tpu.memref_squeeze %dma_wait3A_2143 : memref<1x64x128xf32, #tpu.memory_space<hbm>> -> memref<64x128xf32, #tpu.memory_space<hbm>>
      %dma_wait3A_2145 = arith.constant 0 : i32
      %dma_wait3A_2146 = arith.constant 0 : i32
      %dma_wait3A_2147 = tpu.memref_slice %arg6[%dma_wait3A_2133, %dma_wait3A_2145, %dma_wait3A_2146] : memref<12x64x128xf32, #tpu.memory_space<vmem>> -> memref<1x64x128xf32, #tpu.memory_space<vmem>>
      %dma_wait3A_2148 = tpu.memref_squeeze %dma_wait3A_2147 : memref<1x64x128xf32, #tpu.memory_space<vmem>> -> memref<64x128xf32, #tpu.memory_space<vmem>>
      tpu.wait_dma2 semaphore(%arg25 : memref<!tpu.dma_semaphore, #tpu.memory_space<semaphore_mem>>) src(%dma_wait3A_2148 : memref<64x128xf32, #tpu.memory_space<vmem>>) dst(%dma_wait3A_2144 : memref<64x128xf32, #tpu.memory_space<hbm>>)
      %add3A_2149 = arith.constant 6 : i32
      %add3A_2150 = arith.addi %add3A_2022, %add3A_2149 : i32
      %jit3A_2151 = arith.constant 2 : i32
      %div3A_2152 = arith.divsi %add3A_2150, %jit3A_2151 : i32
      %sign3A_2153 = arith.constant 0 : i32
      %sign3A_2154 = arith.cmpi sgt, %add3A_2150, %sign3A_2153 : i32
      %sign3A_2155 = arith.extui %sign3A_2154 : i1 to i32
      %sign3A_2156 = arith.constant 0 : i32
      %sign3A_2157 = arith.cmpi slt, %add3A_2150, %sign3A_2156 : i32
      %sign3A_2158 = arith.extui %sign3A_2157 : i1 to i32
      %sign3A_2159 = arith.subi %sign3A_2155, %sign3A_2158 : i32
      %sign3A_2160 = arith.constant 0 : i32
      %sign3A_2161 = arith.cmpi sgt, %jit3A_2151, %sign3A_2160 : i32
      %sign3A_2162 = arith.extui %sign3A_2161 : i1 to i32
      %sign3A_2163 = arith.constant 0 : i32
      %sign3A_2164 = arith.cmpi slt, %jit3A_2151, %sign3A_2163 : i32
      %sign3A_2165 = arith.extui %sign3A_2164 : i1 to i32
      %sign3A_2166 = arith.subi %sign3A_2162, %sign3A_2165 : i32
      %ne3A_2167 = arith.cmpi ne, %sign3A_2159, %sign3A_2166 : i32
      %rem3A_2168 = arith.remsi %add3A_2150, %jit3A_2151 : i32
      %ne3A_2169 = arith.constant 0 : i32
      %ne3A_2170 = arith.cmpi ne, %rem3A_2168, %ne3A_2169 : i32
      %and3A_2171 = arith.andi %ne3A_2167, %ne3A_2170 : i1
      %sub3A_2172 = arith.constant 1 : i32
      %sub3A_2173 = arith.subi %div3A_2152, %sub3A_2172 : i32
      %select_n3A_2174 = arith.select %and3A_2171, %sub3A_2173, %div3A_2152 : i32
      %jit3A_2175 = arith.constant 2 : i32
      %eq3A_2176 = arith.constant 0 : i32
      %eq3A_2177 = arith.cmpi eq, %jit3A_2175, %eq3A_2176 : i32
      %jit3A_2178 = arith.constant 1 : i32
      %select_n3A_2179 = arith.select %eq3A_2177, %jit3A_2178, %jit3A_2175 : i32
      %rem3A_2180 = arith.remsi %add3A_2150, %select_n3A_2179 : i32
      %ne3A_2181 = arith.constant 0 : i32
      %ne3A_2182 = arith.cmpi ne, %rem3A_2180, %ne3A_2181 : i32
      %lt3A_2183 = arith.constant 0 : i32
      %lt3A_2184 = arith.cmpi slt, %rem3A_2180, %lt3A_2183 : i32
      %lt3A_2185 = arith.constant 0 : i32
      %lt3A_2186 = arith.cmpi slt, %select_n3A_2179, %lt3A_2185 : i32
      %ne3A_2187 = arith.xori %lt3A_2184, %lt3A_2186 : i1
      %and3A_2188 = arith.andi %ne3A_2187, %ne3A_2182 : i1
      %add3A_2189 = arith.addi %rem3A_2180, %select_n3A_2179 : i32
      %select_n3A_2190 = arith.select %and3A_2188, %add3A_2189, %rem3A_2180 : i32
      %mul3A_2191 = arith.constant 64 : i32
      %mul3A_2192 = arith.muli %select_n3A_2190, %mul3A_2191 : i32
      %dma_start3A_2193 = arith.constant 6 : i32
      %dma_start3A_2194 = arith.constant 0 : i32
      %dma_start3A_2195 = arith.constant 0 : i32
      %dma_start3A_2196 = tpu.memref_slice %arg6[%dma_start3A_2193, %dma_start3A_2194, %dma_start3A_2195] : memref<12x64x128xf32, #tpu.memory_space<vmem>> -> memref<1x64x128xf32, #tpu.memory_space<vmem>>
      %dma_start3A_2197 = tpu.memref_squeeze %dma_start3A_2196 : memref<1x64x128xf32, #tpu.memory_space<vmem>> -> memref<64x128xf32, #tpu.memory_space<vmem>>
      %dma_start3A_2198 = tpu.memref_slice %arg5[%select_n3A_2174, %mul3A_2192] : memref<50x128xi32, #tpu.memory_space<vmem>> -> memref<1x64xi32, #tpu.memory_space<vmem>>
      %dma_start3A_2199 = tpu.memref_squeeze %dma_start3A_2198 : memref<1x64xi32, #tpu.memory_space<vmem>> -> memref<64xi32, #tpu.memory_space<vmem>>
      %dma_start3A_2200 = arith.constant 0 : i32
      %dma_start3A_2201 = arith.constant 0 : i32
      %dma_start3A_2202 = tpu.memref_slice %arg2[%dma_start3A_2200, %dma_start3A_2201] : memref<100000x128xf32, #tpu.memory_space<hbm>> -> memref<100000x128xf32, #tpu.memory_space<hbm>>
      tpu.enqueue_indirect_dma source(%dma_start3A_2202 : memref<100000x128xf32, #tpu.memory_space<hbm>>) target(%dma_start3A_2197 : memref<64x128xf32, #tpu.memory_space<vmem>>) offsets(%dma_start3A_2199 : memref<64xi32, #tpu.memory_space<vmem>>) semaphore(%arg13 : memref<!tpu.dma_semaphore, #tpu.memory_space<semaphore_mem>>)
      %add3A_2203 = arith.constant 7 : i32
      %add3A_2204 = arith.addi %add3A_938, %add3A_2203 : i32
      %jit3A_2205 = arith.constant 2 : i32
      %div3A_2206 = arith.divsi %add3A_2204, %jit3A_2205 : i32
      %sign3A_2207 = arith.constant 0 : i32
      %sign3A_2208 = arith.cmpi sgt, %add3A_2204, %sign3A_2207 : i32
      %sign3A_2209 = arith.extui %sign3A_2208 : i1 to i32
      %sign3A_2210 = arith.constant 0 : i32
      %sign3A_2211 = arith.cmpi slt, %add3A_2204, %sign3A_2210 : i32
      %sign3A_2212 = arith.extui %sign3A_2211 : i1 to i32
      %sign3A_2213 = arith.subi %sign3A_2209, %sign3A_2212 : i32
      %sign3A_2214 = arith.constant 0 : i32
      %sign3A_2215 = arith.cmpi sgt, %jit3A_2205, %sign3A_2214 : i32
      %sign3A_2216 = arith.extui %sign3A_2215 : i1 to i32
      %sign3A_2217 = arith.constant 0 : i32
      %sign3A_2218 = arith.cmpi slt, %jit3A_2205, %sign3A_2217 : i32
      %sign3A_2219 = arith.extui %sign3A_2218 : i1 to i32
      %sign3A_2220 = arith.subi %sign3A_2216, %sign3A_2219 : i32
      %ne3A_2221 = arith.cmpi ne, %sign3A_2213, %sign3A_2220 : i32
      %rem3A_2222 = arith.remsi %add3A_2204, %jit3A_2205 : i32
      %ne3A_2223 = arith.constant 0 : i32
      %ne3A_2224 = arith.cmpi ne, %rem3A_2222, %ne3A_2223 : i32
      %and3A_2225 = arith.andi %ne3A_2221, %ne3A_2224 : i1
      %sub3A_2226 = arith.constant 1 : i32
      %sub3A_2227 = arith.subi %div3A_2206, %sub3A_2226 : i32
      %select_n3A_2228 = arith.select %and3A_2225, %sub3A_2227, %div3A_2206 : i32
      %jit3A_2229 = arith.constant 2 : i32
      %eq3A_2230 = arith.constant 0 : i32
      %eq3A_2231 = arith.cmpi eq, %jit3A_2229, %eq3A_2230 : i32
      %jit3A_2232 = arith.constant 1 : i32
      %select_n3A_2233 = arith.select %eq3A_2231, %jit3A_2232, %jit3A_2229 : i32
      %rem3A_2234 = arith.remsi %add3A_2204, %select_n3A_2233 : i32
      %ne3A_2235 = arith.constant 0 : i32
      %ne3A_2236 = arith.cmpi ne, %rem3A_2234, %ne3A_2235 : i32
      %lt3A_2237 = arith.constant 0 : i32
      %lt3A_2238 = arith.cmpi slt, %rem3A_2234, %lt3A_2237 : i32
      %lt3A_2239 = arith.constant 0 : i32
      %lt3A_2240 = arith.cmpi slt, %select_n3A_2233, %lt3A_2239 : i32
      %ne3A_2241 = arith.xori %lt3A_2238, %lt3A_2240 : i1
      %and3A_2242 = arith.andi %ne3A_2241, %ne3A_2236 : i1
      %add3A_2243 = arith.addi %rem3A_2234, %select_n3A_2233 : i32
      %select_n3A_2244 = arith.select %and3A_2242, %add3A_2243, %rem3A_2234 : i32
      %mul3A_2245 = arith.constant 64 : i32
      %mul3A_2246 = arith.muli %select_n3A_2244, %mul3A_2245 : i32
      %dma_wait3A_2247 = arith.constant 1 : i32
      %dma_wait3A_2248 = arith.constant 0 : i32
      %dma_wait3A_2249 = arith.constant 0 : i32
      %dma_wait3A_2250 = tpu.memref_slice %arg6[%dma_wait3A_2247, %dma_wait3A_2248, %dma_wait3A_2249] : memref<12x64x128xf32, #tpu.memory_space<vmem>> -> memref<1x64x128xf32, #tpu.memory_space<vmem>>
      %dma_wait3A_2251 = tpu.memref_squeeze %dma_wait3A_2250 : memref<1x64x128xf32, #tpu.memory_space<vmem>> -> memref<64x128xf32, #tpu.memory_space<vmem>>
      %dma_wait3A_2252 = tpu.memref_slice %arg5[%select_n3A_2228, %mul3A_2246] : memref<50x128xi32, #tpu.memory_space<vmem>> -> memref<1x64xi32, #tpu.memory_space<vmem>>
      %dma_wait3A_2253 = tpu.memref_squeeze %dma_wait3A_2252 : memref<1x64xi32, #tpu.memory_space<vmem>> -> memref<64xi32, #tpu.memory_space<vmem>>
      %dma_wait3A_2254 = arith.constant 0 : i32
      %dma_wait3A_2255 = arith.constant 0 : i32
      %dma_wait3A_2256 = tpu.memref_slice %arg2[%dma_wait3A_2254, %dma_wait3A_2255] : memref<100000x128xf32, #tpu.memory_space<hbm>> -> memref<100000x128xf32, #tpu.memory_space<hbm>>
      tpu.wait_indirect_dma semaphore(%arg8 : memref<!tpu.dma_semaphore, #tpu.memory_space<semaphore_mem>>) src(%dma_wait3A_2256 : memref<100000x128xf32, #tpu.memory_space<hbm>>) dst(%dma_wait3A_2251 : memref<64x128xf32, #tpu.memory_space<vmem>>)
      %jit3A_2257 = arith.constant 2 : i32
      %div3A_2258 = arith.divsi %add3A_2204, %jit3A_2257 : i32
      %sign3A_2259 = arith.constant 0 : i32
      %sign3A_2260 = arith.cmpi sgt, %add3A_2204, %sign3A_2259 : i32
      %sign3A_2261 = arith.extui %sign3A_2260 : i1 to i32
      %sign3A_2262 = arith.constant 0 : i32
      %sign3A_2263 = arith.cmpi slt, %add3A_2204, %sign3A_2262 : i32
      %sign3A_2264 = arith.extui %sign3A_2263 : i1 to i32
      %sign3A_2265 = arith.subi %sign3A_2261, %sign3A_2264 : i32
      %sign3A_2266 = arith.constant 0 : i32
      %sign3A_2267 = arith.cmpi sgt, %jit3A_2257, %sign3A_2266 : i32
      %sign3A_2268 = arith.extui %sign3A_2267 : i1 to i32
      %sign3A_2269 = arith.constant 0 : i32
      %sign3A_2270 = arith.cmpi slt, %jit3A_2257, %sign3A_2269 : i32
      %sign3A_2271 = arith.extui %sign3A_2270 : i1 to i32
      %sign3A_2272 = arith.subi %sign3A_2268, %sign3A_2271 : i32
      %ne3A_2273 = arith.cmpi ne, %sign3A_2265, %sign3A_2272 : i32
      %rem3A_2274 = arith.remsi %add3A_2204, %jit3A_2257 : i32
      %ne3A_2275 = arith.constant 0 : i32
      %ne3A_2276 = arith.cmpi ne, %rem3A_2274, %ne3A_2275 : i32
      %and3A_2277 = arith.andi %ne3A_2273, %ne3A_2276 : i1
      %sub3A_2278 = arith.constant 1 : i32
      %sub3A_2279 = arith.subi %div3A_2258, %sub3A_2278 : i32
      %select_n3A_2280 = arith.select %and3A_2277, %sub3A_2279, %div3A_2258 : i32
      %jit3A_2281 = arith.constant 2 : i32
      %eq3A_2282 = arith.constant 0 : i32
      %eq3A_2283 = arith.cmpi eq, %jit3A_2281, %eq3A_2282 : i32
      %jit3A_2284 = arith.constant 1 : i32
      %select_n3A_2285 = arith.select %eq3A_2283, %jit3A_2284, %jit3A_2281 : i32
      %rem3A_2286 = arith.remsi %add3A_2204, %select_n3A_2285 : i32
      %ne3A_2287 = arith.constant 0 : i32
      %ne3A_2288 = arith.cmpi ne, %rem3A_2286, %ne3A_2287 : i32
      %lt3A_2289 = arith.constant 0 : i32
      %lt3A_2290 = arith.cmpi slt, %rem3A_2286, %lt3A_2289 : i32
      %lt3A_2291 = arith.constant 0 : i32
      %lt3A_2292 = arith.cmpi slt, %select_n3A_2285, %lt3A_2291 : i32
      %ne3A_2293 = arith.xori %lt3A_2290, %lt3A_2292 : i1
      %and3A_2294 = arith.andi %ne3A_2293, %ne3A_2288 : i1
      %add3A_2295 = arith.addi %rem3A_2286, %select_n3A_2285 : i32
      %select_n3A_2296 = arith.select %and3A_2294, %add3A_2295, %rem3A_2286 : i32
      %mul3A_2297 = arith.constant 64 : i32
      %mul3A_2298 = arith.muli %select_n3A_2296, %mul3A_2297 : i32
      %add3A_2299 = arith.addi %mul3A_2, %mul3A_2298 : i32
      %dma_start3A_2300 = arith.constant 1 : i32
      %dma_start3A_2301 = arith.constant 0 : i32
      %dma_start3A_2302 = arith.constant 0 : i32
      %dma_start3A_2303 = tpu.memref_slice %arg6[%dma_start3A_2300, %dma_start3A_2301, %dma_start3A_2302] : memref<12x64x128xf32, #tpu.memory_space<vmem>> -> memref<1x64x128xf32, #tpu.memory_space<vmem>>
      %dma_start3A_2304 = tpu.memref_squeeze %dma_start3A_2303 : memref<1x64x128xf32, #tpu.memory_space<vmem>> -> memref<64x128xf32, #tpu.memory_space<vmem>>
      %dma_start3A_2305 = arith.constant 0 : i32
      %dma_start3A_2306 = tpu.memref_slice %arg4[%select_n3A_2280, %add3A_2299, %dma_start3A_2305] : memref<50x4096x128xf32, #tpu.memory_space<hbm>> -> memref<1x64x128xf32, #tpu.memory_space<hbm>>
      %dma_start3A_2307 = tpu.memref_squeeze %dma_start3A_2306 : memref<1x64x128xf32, #tpu.memory_space<hbm>> -> memref<64x128xf32, #tpu.memory_space<hbm>>
      %dma_start3A_2308 = arith.constant 0 : i32
      %dma_start3A_2309 = tpu.memref_slice %arg4[%select_n3A_2280, %add3A_2299, %dma_start3A_2308] : memref<50x4096x128xf32, #tpu.memory_space<hbm>> -> memref<1x64x128xf32, #tpu.memory_space<hbm>>
      %dma_start3A_2310 = tpu.memref_squeeze %dma_start3A_2309 : memref<1x64x128xf32, #tpu.memory_space<hbm>> -> memref<64x128xf32, #tpu.memory_space<hbm>>
      %dma_start3A_2311 = arith.constant 0 : i32
      %dma_start3A_2312 = arith.constant 0 : i32
      %dma_start3A_2313 = tpu.memref_slice %arg6[%dma_start3A_2300, %dma_start3A_2311, %dma_start3A_2312] : memref<12x64x128xf32, #tpu.memory_space<vmem>> -> memref<1x64x128xf32, #tpu.memory_space<vmem>>
      %dma_start3A_2314 = tpu.memref_squeeze %dma_start3A_2313 : memref<1x64x128xf32, #tpu.memory_space<vmem>> -> memref<64x128xf32, #tpu.memory_space<vmem>>
      tpu.enqueue_dma source(%dma_start3A_2314 : memref<64x128xf32, #tpu.memory_space<vmem>>) target(%dma_start3A_2310 : memref<64x128xf32, #tpu.memory_space<hbm>>) target_semaphore(%arg20 : memref<!tpu.dma_semaphore, #tpu.memory_space<semaphore_mem>>)
      %dma_wait3A_2315 = arith.constant 7 : i32
      %dma_wait3A_2316 = arith.constant 0 : i32
      %dma_wait3A_2317 = arith.constant 0 : i32
      %dma_wait3A_2318 = arith.constant 0 : i32
      %dma_wait3A_2319 = tpu.memref_slice %arg6[%dma_wait3A_2315, %dma_wait3A_2317, %dma_wait3A_2318] : memref<12x64x128xf32, #tpu.memory_space<vmem>> -> memref<1x64x128xf32, #tpu.memory_space<vmem>>
      %dma_wait3A_2320 = tpu.memref_squeeze %dma_wait3A_2319 : memref<1x64x128xf32, #tpu.memory_space<vmem>> -> memref<64x128xf32, #tpu.memory_space<vmem>>
      %dma_wait3A_2321 = arith.constant 0 : i32
      %dma_wait3A_2322 = tpu.memref_slice %arg4[%dma_wait3A_2316, %mul3A_2, %dma_wait3A_2321] : memref<50x4096x128xf32, #tpu.memory_space<hbm>> -> memref<1x64x128xf32, #tpu.memory_space<hbm>>
      %dma_wait3A_2323 = tpu.memref_squeeze %dma_wait3A_2322 : memref<1x64x128xf32, #tpu.memory_space<hbm>> -> memref<64x128xf32, #tpu.memory_space<hbm>>
      %dma_wait3A_2324 = arith.constant 0 : i32
      %dma_wait3A_2325 = tpu.memref_slice %arg4[%dma_wait3A_2316, %mul3A_2, %dma_wait3A_2324] : memref<50x4096x128xf32, #tpu.memory_space<hbm>> -> memref<1x64x128xf32, #tpu.memory_space<hbm>>
      %dma_wait3A_2326 = tpu.memref_squeeze %dma_wait3A_2325 : memref<1x64x128xf32, #tpu.memory_space<hbm>> -> memref<64x128xf32, #tpu.memory_space<hbm>>
      %dma_wait3A_2327 = arith.constant 0 : i32
      %dma_wait3A_2328 = arith.constant 0 : i32
      %dma_wait3A_2329 = tpu.memref_slice %arg6[%dma_wait3A_2315, %dma_wait3A_2327, %dma_wait3A_2328] : memref<12x64x128xf32, #tpu.memory_space<vmem>> -> memref<1x64x128xf32, #tpu.memory_space<vmem>>
      %dma_wait3A_2330 = tpu.memref_squeeze %dma_wait3A_2329 : memref<1x64x128xf32, #tpu.memory_space<vmem>> -> memref<64x128xf32, #tpu.memory_space<vmem>>
      tpu.wait_dma2 semaphore(%arg26 : memref<!tpu.dma_semaphore, #tpu.memory_space<semaphore_mem>>) src(%dma_wait3A_2330 : memref<64x128xf32, #tpu.memory_space<vmem>>) dst(%dma_wait3A_2326 : memref<64x128xf32, #tpu.memory_space<hbm>>)
      %add3A_2331 = arith.constant 6 : i32
      %add3A_2332 = arith.addi %add3A_2204, %add3A_2331 : i32
      %jit3A_2333 = arith.constant 2 : i32
      %div3A_2334 = arith.divsi %add3A_2332, %jit3A_2333 : i32
      %sign3A_2335 = arith.constant 0 : i32
      %sign3A_2336 = arith.cmpi sgt, %add3A_2332, %sign3A_2335 : i32
      %sign3A_2337 = arith.extui %sign3A_2336 : i1 to i32
      %sign3A_2338 = arith.constant 0 : i32
      %sign3A_2339 = arith.cmpi slt, %add3A_2332, %sign3A_2338 : i32
      %sign3A_2340 = arith.extui %sign3A_2339 : i1 to i32
      %sign3A_2341 = arith.subi %sign3A_2337, %sign3A_2340 : i32
      %sign3A_2342 = arith.constant 0 : i32
      %sign3A_2343 = arith.cmpi sgt, %jit3A_2333, %sign3A_2342 : i32
      %sign3A_2344 = arith.extui %sign3A_2343 : i1 to i32
      %sign3A_2345 = arith.constant 0 : i32
      %sign3A_2346 = arith.cmpi slt, %jit3A_2333, %sign3A_2345 : i32
      %sign3A_2347 = arith.extui %sign3A_2346 : i1 to i32
      %sign3A_2348 = arith.subi %sign3A_2344, %sign3A_2347 : i32
      %ne3A_2349 = arith.cmpi ne, %sign3A_2341, %sign3A_2348 : i32
      %rem3A_2350 = arith.remsi %add3A_2332, %jit3A_2333 : i32
      %ne3A_2351 = arith.constant 0 : i32
      %ne3A_2352 = arith.cmpi ne, %rem3A_2350, %ne3A_2351 : i32
      %and3A_2353 = arith.andi %ne3A_2349, %ne3A_2352 : i1
      %sub3A_2354 = arith.constant 1 : i32
      %sub3A_2355 = arith.subi %div3A_2334, %sub3A_2354 : i32
      %select_n3A_2356 = arith.select %and3A_2353, %sub3A_2355, %div3A_2334 : i32
      %jit3A_2357 = arith.constant 2 : i32
      %eq3A_2358 = arith.constant 0 : i32
      %eq3A_2359 = arith.cmpi eq, %jit3A_2357, %eq3A_2358 : i32
      %jit3A_2360 = arith.constant 1 : i32
      %select_n3A_2361 = arith.select %eq3A_2359, %jit3A_2360, %jit3A_2357 : i32
      %rem3A_2362 = arith.remsi %add3A_2332, %select_n3A_2361 : i32
      %ne3A_2363 = arith.constant 0 : i32
      %ne3A_2364 = arith.cmpi ne, %rem3A_2362, %ne3A_2363 : i32
      %lt3A_2365 = arith.constant 0 : i32
      %lt3A_2366 = arith.cmpi slt, %rem3A_2362, %lt3A_2365 : i32
      %lt3A_2367 = arith.constant 0 : i32
      %lt3A_2368 = arith.cmpi slt, %select_n3A_2361, %lt3A_2367 : i32
      %ne3A_2369 = arith.xori %lt3A_2366, %lt3A_2368 : i1
      %and3A_2370 = arith.andi %ne3A_2369, %ne3A_2364 : i1
      %add3A_2371 = arith.addi %rem3A_2362, %select_n3A_2361 : i32
      %select_n3A_2372 = arith.select %and3A_2370, %add3A_2371, %rem3A_2362 : i32
      %mul3A_2373 = arith.constant 64 : i32
      %mul3A_2374 = arith.muli %select_n3A_2372, %mul3A_2373 : i32
      %dma_start3A_2375 = arith.constant 7 : i32
      %dma_start3A_2376 = arith.constant 0 : i32
      %dma_start3A_2377 = arith.constant 0 : i32
      %dma_start3A_2378 = tpu.memref_slice %arg6[%dma_start3A_2375, %dma_start3A_2376, %dma_start3A_2377] : memref<12x64x128xf32, #tpu.memory_space<vmem>> -> memref<1x64x128xf32, #tpu.memory_space<vmem>>
      %dma_start3A_2379 = tpu.memref_squeeze %dma_start3A_2378 : memref<1x64x128xf32, #tpu.memory_space<vmem>> -> memref<64x128xf32, #tpu.memory_space<vmem>>
      %dma_start3A_2380 = tpu.memref_slice %arg5[%select_n3A_2356, %mul3A_2374] : memref<50x128xi32, #tpu.memory_space<vmem>> -> memref<1x64xi32, #tpu.memory_space<vmem>>
      %dma_start3A_2381 = tpu.memref_squeeze %dma_start3A_2380 : memref<1x64xi32, #tpu.memory_space<vmem>> -> memref<64xi32, #tpu.memory_space<vmem>>
      %dma_start3A_2382 = arith.constant 0 : i32
      %dma_start3A_2383 = arith.constant 0 : i32
      %dma_start3A_2384 = tpu.memref_slice %arg2[%dma_start3A_2382, %dma_start3A_2383] : memref<100000x128xf32, #tpu.memory_space<hbm>> -> memref<100000x128xf32, #tpu.memory_space<hbm>>
      tpu.enqueue_indirect_dma source(%dma_start3A_2384 : memref<100000x128xf32, #tpu.memory_space<hbm>>) target(%dma_start3A_2379 : memref<64x128xf32, #tpu.memory_space<vmem>>) offsets(%dma_start3A_2381 : memref<64xi32, #tpu.memory_space<vmem>>) semaphore(%arg14 : memref<!tpu.dma_semaphore, #tpu.memory_space<semaphore_mem>>)
      %add3A_2385 = arith.constant 8 : i32
      %add3A_2386 = arith.addi %add3A_938, %add3A_2385 : i32
      %jit3A_2387 = arith.constant 2 : i32
      %div3A_2388 = arith.divsi %add3A_2386, %jit3A_2387 : i32
      %sign3A_2389 = arith.constant 0 : i32
      %sign3A_2390 = arith.cmpi sgt, %add3A_2386, %sign3A_2389 : i32
      %sign3A_2391 = arith.extui %sign3A_2390 : i1 to i32
      %sign3A_2392 = arith.constant 0 : i32
      %sign3A_2393 = arith.cmpi slt, %add3A_2386, %sign3A_2392 : i32
      %sign3A_2394 = arith.extui %sign3A_2393 : i1 to i32
      %sign3A_2395 = arith.subi %sign3A_2391, %sign3A_2394 : i32
      %sign3A_2396 = arith.constant 0 : i32
      %sign3A_2397 = arith.cmpi sgt, %jit3A_2387, %sign3A_2396 : i32
      %sign3A_2398 = arith.extui %sign3A_2397 : i1 to i32
      %sign3A_2399 = arith.constant 0 : i32
      %sign3A_2400 = arith.cmpi slt, %jit3A_2387, %sign3A_2399 : i32
      %sign3A_2401 = arith.extui %sign3A_2400 : i1 to i32
      %sign3A_2402 = arith.subi %sign3A_2398, %sign3A_2401 : i32
      %ne3A_2403 = arith.cmpi ne, %sign3A_2395, %sign3A_2402 : i32
      %rem3A_2404 = arith.remsi %add3A_2386, %jit3A_2387 : i32
      %ne3A_2405 = arith.constant 0 : i32
      %ne3A_2406 = arith.cmpi ne, %rem3A_2404, %ne3A_2405 : i32
      %and3A_2407 = arith.andi %ne3A_2403, %ne3A_2406 : i1
      %sub3A_2408 = arith.constant 1 : i32
      %sub3A_2409 = arith.subi %div3A_2388, %sub3A_2408 : i32
      %select_n3A_2410 = arith.select %and3A_2407, %sub3A_2409, %div3A_2388 : i32
      %jit3A_2411 = arith.constant 2 : i32
      %eq3A_2412 = arith.constant 0 : i32
      %eq3A_2413 = arith.cmpi eq, %jit3A_2411, %eq3A_2412 : i32
      %jit3A_2414 = arith.constant 1 : i32
      %select_n3A_2415 = arith.select %eq3A_2413, %jit3A_2414, %jit3A_2411 : i32
      %rem3A_2416 = arith.remsi %add3A_2386, %select_n3A_2415 : i32
      %ne3A_2417 = arith.constant 0 : i32
      %ne3A_2418 = arith.cmpi ne, %rem3A_2416, %ne3A_2417 : i32
      %lt3A_2419 = arith.constant 0 : i32
      %lt3A_2420 = arith.cmpi slt, %rem3A_2416, %lt3A_2419 : i32
      %lt3A_2421 = arith.constant 0 : i32
      %lt3A_2422 = arith.cmpi slt, %select_n3A_2415, %lt3A_2421 : i32
      %ne3A_2423 = arith.xori %lt3A_2420, %lt3A_2422 : i1
      %and3A_2424 = arith.andi %ne3A_2423, %ne3A_2418 : i1
      %add3A_2425 = arith.addi %rem3A_2416, %select_n3A_2415 : i32
      %select_n3A_2426 = arith.select %and3A_2424, %add3A_2425, %rem3A_2416 : i32
      %mul3A_2427 = arith.constant 64 : i32
      %mul3A_2428 = arith.muli %select_n3A_2426, %mul3A_2427 : i32
      %dma_wait3A_2429 = arith.constant 2 : i32
      %dma_wait3A_2430 = arith.constant 0 : i32
      %dma_wait3A_2431 = arith.constant 0 : i32
      %dma_wait3A_2432 = tpu.memref_slice %arg6[%dma_wait3A_2429, %dma_wait3A_2430, %dma_wait3A_2431] : memref<12x64x128xf32, #tpu.memory_space<vmem>> -> memref<1x64x128xf32, #tpu.memory_space<vmem>>
      %dma_wait3A_2433 = tpu.memref_squeeze %dma_wait3A_2432 : memref<1x64x128xf32, #tpu.memory_space<vmem>> -> memref<64x128xf32, #tpu.memory_space<vmem>>
      %dma_wait3A_2434 = tpu.memref_slice %arg5[%select_n3A_2410, %mul3A_2428] : memref<50x128xi32, #tpu.memory_space<vmem>> -> memref<1x64xi32, #tpu.memory_space<vmem>>
      %dma_wait3A_2435 = tpu.memref_squeeze %dma_wait3A_2434 : memref<1x64xi32, #tpu.memory_space<vmem>> -> memref<64xi32, #tpu.memory_space<vmem>>
      %dma_wait3A_2436 = arith.constant 0 : i32
      %dma_wait3A_2437 = arith.constant 0 : i32
      %dma_wait3A_2438 = tpu.memref_slice %arg2[%dma_wait3A_2436, %dma_wait3A_2437] : memref<100000x128xf32, #tpu.memory_space<hbm>> -> memref<100000x128xf32, #tpu.memory_space<hbm>>
      tpu.wait_indirect_dma semaphore(%arg9 : memref<!tpu.dma_semaphore, #tpu.memory_space<semaphore_mem>>) src(%dma_wait3A_2438 : memref<100000x128xf32, #tpu.memory_space<hbm>>) dst(%dma_wait3A_2433 : memref<64x128xf32, #tpu.memory_space<vmem>>)
      %jit3A_2439 = arith.constant 2 : i32
      %div3A_2440 = arith.divsi %add3A_2386, %jit3A_2439 : i32
      %sign3A_2441 = arith.constant 0 : i32
      %sign3A_2442 = arith.cmpi sgt, %add3A_2386, %sign3A_2441 : i32
      %sign3A_2443 = arith.extui %sign3A_2442 : i1 to i32
      %sign3A_2444 = arith.constant 0 : i32
      %sign3A_2445 = arith.cmpi slt, %add3A_2386, %sign3A_2444 : i32
      %sign3A_2446 = arith.extui %sign3A_2445 : i1 to i32
      %sign3A_2447 = arith.subi %sign3A_2443, %sign3A_2446 : i32
      %sign3A_2448 = arith.constant 0 : i32
      %sign3A_2449 = arith.cmpi sgt, %jit3A_2439, %sign3A_2448 : i32
      %sign3A_2450 = arith.extui %sign3A_2449 : i1 to i32
      %sign3A_2451 = arith.constant 0 : i32
      %sign3A_2452 = arith.cmpi slt, %jit3A_2439, %sign3A_2451 : i32
      %sign3A_2453 = arith.extui %sign3A_2452 : i1 to i32
      %sign3A_2454 = arith.subi %sign3A_2450, %sign3A_2453 : i32
      %ne3A_2455 = arith.cmpi ne, %sign3A_2447, %sign3A_2454 : i32
      %rem3A_2456 = arith.remsi %add3A_2386, %jit3A_2439 : i32
      %ne3A_2457 = arith.constant 0 : i32
      %ne3A_2458 = arith.cmpi ne, %rem3A_2456, %ne3A_2457 : i32
      %and3A_2459 = arith.andi %ne3A_2455, %ne3A_2458 : i1
      %sub3A_2460 = arith.constant 1 : i32
      %sub3A_2461 = arith.subi %div3A_2440, %sub3A_2460 : i32
      %select_n3A_2462 = arith.select %and3A_2459, %sub3A_2461, %div3A_2440 : i32
      %jit3A_2463 = arith.constant 2 : i32
      %eq3A_2464 = arith.constant 0 : i32
      %eq3A_2465 = arith.cmpi eq, %jit3A_2463, %eq3A_2464 : i32
      %jit3A_2466 = arith.constant 1 : i32
      %select_n3A_2467 = arith.select %eq3A_2465, %jit3A_2466, %jit3A_2463 : i32
      %rem3A_2468 = arith.remsi %add3A_2386, %select_n3A_2467 : i32
      %ne3A_2469 = arith.constant 0 : i32
      %ne3A_2470 = arith.cmpi ne, %rem3A_2468, %ne3A_2469 : i32
      %lt3A_2471 = arith.constant 0 : i32
      %lt3A_2472 = arith.cmpi slt, %rem3A_2468, %lt3A_2471 : i32
      %lt3A_2473 = arith.constant 0 : i32
      %lt3A_2474 = arith.cmpi slt, %select_n3A_2467, %lt3A_2473 : i32
      %ne3A_2475 = arith.xori %lt3A_2472, %lt3A_2474 : i1
      %and3A_2476 = arith.andi %ne3A_2475, %ne3A_2470 : i1
      %add3A_2477 = arith.addi %rem3A_2468, %select_n3A_2467 : i32
      %select_n3A_2478 = arith.select %and3A_2476, %add3A_2477, %rem3A_2468 : i32
      %mul3A_2479 = arith.constant 64 : i32
      %mul3A_2480 = arith.muli %select_n3A_2478, %mul3A_2479 : i32
      %add3A_2481 = arith.addi %mul3A_2, %mul3A_2480 : i32
      %dma_start3A_2482 = arith.constant 2 : i32
      %dma_start3A_2483 = arith.constant 0 : i32
      %dma_start3A_2484 = arith.constant 0 : i32
      %dma_start3A_2485 = tpu.memref_slice %arg6[%dma_start3A_2482, %dma_start3A_2483, %dma_start3A_2484] : memref<12x64x128xf32, #tpu.memory_space<vmem>> -> memref<1x64x128xf32, #tpu.memory_space<vmem>>
      %dma_start3A_2486 = tpu.memref_squeeze %dma_start3A_2485 : memref<1x64x128xf32, #tpu.memory_space<vmem>> -> memref<64x128xf32, #tpu.memory_space<vmem>>
      %dma_start3A_2487 = arith.constant 0 : i32
      %dma_start3A_2488 = tpu.memref_slice %arg4[%select_n3A_2462, %add3A_2481, %dma_start3A_2487] : memref<50x4096x128xf32, #tpu.memory_space<hbm>> -> memref<1x64x128xf32, #tpu.memory_space<hbm>>
      %dma_start3A_2489 = tpu.memref_squeeze %dma_start3A_2488 : memref<1x64x128xf32, #tpu.memory_space<hbm>> -> memref<64x128xf32, #tpu.memory_space<hbm>>
      %dma_start3A_2490 = arith.constant 0 : i32
      %dma_start3A_2491 = tpu.memref_slice %arg4[%select_n3A_2462, %add3A_2481, %dma_start3A_2490] : memref<50x4096x128xf32, #tpu.memory_space<hbm>> -> memref<1x64x128xf32, #tpu.memory_space<hbm>>
      %dma_start3A_2492 = tpu.memref_squeeze %dma_start3A_2491 : memref<1x64x128xf32, #tpu.memory_space<hbm>> -> memref<64x128xf32, #tpu.memory_space<hbm>>
      %dma_start3A_2493 = arith.constant 0 : i32
      %dma_start3A_2494 = arith.constant 0 : i32
      %dma_start3A_2495 = tpu.memref_slice %arg6[%dma_start3A_2482, %dma_start3A_2493, %dma_start3A_2494] : memref<12x64x128xf32, #tpu.memory_space<vmem>> -> memref<1x64x128xf32, #tpu.memory_space<vmem>>
      %dma_start3A_2496 = tpu.memref_squeeze %dma_start3A_2495 : memref<1x64x128xf32, #tpu.memory_space<vmem>> -> memref<64x128xf32, #tpu.memory_space<vmem>>
      tpu.enqueue_dma source(%dma_start3A_2496 : memref<64x128xf32, #tpu.memory_space<vmem>>) target(%dma_start3A_2492 : memref<64x128xf32, #tpu.memory_space<hbm>>) target_semaphore(%arg21 : memref<!tpu.dma_semaphore, #tpu.memory_space<semaphore_mem>>)
      %dma_wait3A_2497 = arith.constant 8 : i32
      %dma_wait3A_2498 = arith.constant 0 : i32
      %dma_wait3A_2499 = arith.constant 0 : i32
      %dma_wait3A_2500 = arith.constant 0 : i32
      %dma_wait3A_2501 = tpu.memref_slice %arg6[%dma_wait3A_2497, %dma_wait3A_2499, %dma_wait3A_2500] : memref<12x64x128xf32, #tpu.memory_space<vmem>> -> memref<1x64x128xf32, #tpu.memory_space<vmem>>
      %dma_wait3A_2502 = tpu.memref_squeeze %dma_wait3A_2501 : memref<1x64x128xf32, #tpu.memory_space<vmem>> -> memref<64x128xf32, #tpu.memory_space<vmem>>
      %dma_wait3A_2503 = arith.constant 0 : i32
      %dma_wait3A_2504 = tpu.memref_slice %arg4[%dma_wait3A_2498, %mul3A_2, %dma_wait3A_2503] : memref<50x4096x128xf32, #tpu.memory_space<hbm>> -> memref<1x64x128xf32, #tpu.memory_space<hbm>>
      %dma_wait3A_2505 = tpu.memref_squeeze %dma_wait3A_2504 : memref<1x64x128xf32, #tpu.memory_space<hbm>> -> memref<64x128xf32, #tpu.memory_space<hbm>>
      %dma_wait3A_2506 = arith.constant 0 : i32
      %dma_wait3A_2507 = tpu.memref_slice %arg4[%dma_wait3A_2498, %mul3A_2, %dma_wait3A_2506] : memref<50x4096x128xf32, #tpu.memory_space<hbm>> -> memref<1x64x128xf32, #tpu.memory_space<hbm>>
      %dma_wait3A_2508 = tpu.memref_squeeze %dma_wait3A_2507 : memref<1x64x128xf32, #tpu.memory_space<hbm>> -> memref<64x128xf32, #tpu.memory_space<hbm>>
      %dma_wait3A_2509 = arith.constant 0 : i32
      %dma_wait3A_2510 = arith.constant 0 : i32
      %dma_wait3A_2511 = tpu.memref_slice %arg6[%dma_wait3A_2497, %dma_wait3A_2509, %dma_wait3A_2510] : memref<12x64x128xf32, #tpu.memory_space<vmem>> -> memref<1x64x128xf32, #tpu.memory_space<vmem>>
      %dma_wait3A_2512 = tpu.memref_squeeze %dma_wait3A_2511 : memref<1x64x128xf32, #tpu.memory_space<vmem>> -> memref<64x128xf32, #tpu.memory_space<vmem>>
      tpu.wait_dma2 semaphore(%arg27 : memref<!tpu.dma_semaphore, #tpu.memory_space<semaphore_mem>>) src(%dma_wait3A_2512 : memref<64x128xf32, #tpu.memory_space<vmem>>) dst(%dma_wait3A_2508 : memref<64x128xf32, #tpu.memory_space<hbm>>)
      %add3A_2513 = arith.constant 6 : i32
      %add3A_2514 = arith.addi %add3A_2386, %add3A_2513 : i32
      %jit3A_2515 = arith.constant 2 : i32
      %div3A_2516 = arith.divsi %add3A_2514, %jit3A_2515 : i32
      %sign3A_2517 = arith.constant 0 : i32
      %sign3A_2518 = arith.cmpi sgt, %add3A_2514, %sign3A_2517 : i32
      %sign3A_2519 = arith.extui %sign3A_2518 : i1 to i32
      %sign3A_2520 = arith.constant 0 : i32
      %sign3A_2521 = arith.cmpi slt, %add3A_2514, %sign3A_2520 : i32
      %sign3A_2522 = arith.extui %sign3A_2521 : i1 to i32
      %sign3A_2523 = arith.subi %sign3A_2519, %sign3A_2522 : i32
      %sign3A_2524 = arith.constant 0 : i32
      %sign3A_2525 = arith.cmpi sgt, %jit3A_2515, %sign3A_2524 : i32
      %sign3A_2526 = arith.extui %sign3A_2525 : i1 to i32
      %sign3A_2527 = arith.constant 0 : i32
      %sign3A_2528 = arith.cmpi slt, %jit3A_2515, %sign3A_2527 : i32
      %sign3A_2529 = arith.extui %sign3A_2528 : i1 to i32
      %sign3A_2530 = arith.subi %sign3A_2526, %sign3A_2529 : i32
      %ne3A_2531 = arith.cmpi ne, %sign3A_2523, %sign3A_2530 : i32
      %rem3A_2532 = arith.remsi %add3A_2514, %jit3A_2515 : i32
      %ne3A_2533 = arith.constant 0 : i32
      %ne3A_2534 = arith.cmpi ne, %rem3A_2532, %ne3A_2533 : i32
      %and3A_2535 = arith.andi %ne3A_2531, %ne3A_2534 : i1
      %sub3A_2536 = arith.constant 1 : i32
      %sub3A_2537 = arith.subi %div3A_2516, %sub3A_2536 : i32
      %select_n3A_2538 = arith.select %and3A_2535, %sub3A_2537, %div3A_2516 : i32
      %jit3A_2539 = arith.constant 2 : i32
      %eq3A_2540 = arith.constant 0 : i32
      %eq3A_2541 = arith.cmpi eq, %jit3A_2539, %eq3A_2540 : i32
      %jit3A_2542 = arith.constant 1 : i32
      %select_n3A_2543 = arith.select %eq3A_2541, %jit3A_2542, %jit3A_2539 : i32
      %rem3A_2544 = arith.remsi %add3A_2514, %select_n3A_2543 : i32
      %ne3A_2545 = arith.constant 0 : i32
      %ne3A_2546 = arith.cmpi ne, %rem3A_2544, %ne3A_2545 : i32
      %lt3A_2547 = arith.constant 0 : i32
      %lt3A_2548 = arith.cmpi slt, %rem3A_2544, %lt3A_2547 : i32
      %lt3A_2549 = arith.constant 0 : i32
      %lt3A_2550 = arith.cmpi slt, %select_n3A_2543, %lt3A_2549 : i32
      %ne3A_2551 = arith.xori %lt3A_2548, %lt3A_2550 : i1
      %and3A_2552 = arith.andi %ne3A_2551, %ne3A_2546 : i1
      %add3A_2553 = arith.addi %rem3A_2544, %select_n3A_2543 : i32
      %select_n3A_2554 = arith.select %and3A_2552, %add3A_2553, %rem3A_2544 : i32
      %mul3A_2555 = arith.constant 64 : i32
      %mul3A_2556 = arith.muli %select_n3A_2554, %mul3A_2555 : i32
      %dma_start3A_2557 = arith.constant 8 : i32
      %dma_start3A_2558 = arith.constant 0 : i32
      %dma_start3A_2559 = arith.constant 0 : i32
      %dma_start3A_2560 = tpu.memref_slice %arg6[%dma_start3A_2557, %dma_start3A_2558, %dma_start3A_2559] : memref<12x64x128xf32, #tpu.memory_space<vmem>> -> memref<1x64x128xf32, #tpu.memory_space<vmem>>
      %dma_start3A_2561 = tpu.memref_squeeze %dma_start3A_2560 : memref<1x64x128xf32, #tpu.memory_space<vmem>> -> memref<64x128xf32, #tpu.memory_space<vmem>>
      %dma_start3A_2562 = tpu.memref_slice %arg5[%select_n3A_2538, %mul3A_2556] : memref<50x128xi32, #tpu.memory_space<vmem>> -> memref<1x64xi32, #tpu.memory_space<vmem>>
      %dma_start3A_2563 = tpu.memref_squeeze %dma_start3A_2562 : memref<1x64xi32, #tpu.memory_space<vmem>> -> memref<64xi32, #tpu.memory_space<vmem>>
      %dma_start3A_2564 = arith.constant 0 : i32
      %dma_start3A_2565 = arith.constant 0 : i32
      %dma_start3A_2566 = tpu.memref_slice %arg2[%dma_start3A_2564, %dma_start3A_2565] : memref<100000x128xf32, #tpu.memory_space<hbm>> -> memref<100000x128xf32, #tpu.memory_space<hbm>>
      tpu.enqueue_indirect_dma source(%dma_start3A_2566 : memref<100000x128xf32, #tpu.memory_space<hbm>>) target(%dma_start3A_2561 : memref<64x128xf32, #tpu.memory_space<vmem>>) offsets(%dma_start3A_2563 : memref<64xi32, #tpu.memory_space<vmem>>) semaphore(%arg15 : memref<!tpu.dma_semaphore, #tpu.memory_space<semaphore_mem>>)
      %add3A_2567 = arith.constant 9 : i32
      %add3A_2568 = arith.addi %add3A_938, %add3A_2567 : i32
      %jit3A_2569 = arith.constant 2 : i32
      %div3A_2570 = arith.divsi %add3A_2568, %jit3A_2569 : i32
      %sign3A_2571 = arith.constant 0 : i32
      %sign3A_2572 = arith.cmpi sgt, %add3A_2568, %sign3A_2571 : i32
      %sign3A_2573 = arith.extui %sign3A_2572 : i1 to i32
      %sign3A_2574 = arith.constant 0 : i32
      %sign3A_2575 = arith.cmpi slt, %add3A_2568, %sign3A_2574 : i32
      %sign3A_2576 = arith.extui %sign3A_2575 : i1 to i32
      %sign3A_2577 = arith.subi %sign3A_2573, %sign3A_2576 : i32
      %sign3A_2578 = arith.constant 0 : i32
      %sign3A_2579 = arith.cmpi sgt, %jit3A_2569, %sign3A_2578 : i32
      %sign3A_2580 = arith.extui %sign3A_2579 : i1 to i32
      %sign3A_2581 = arith.constant 0 : i32
      %sign3A_2582 = arith.cmpi slt, %jit3A_2569, %sign3A_2581 : i32
      %sign3A_2583 = arith.extui %sign3A_2582 : i1 to i32
      %sign3A_2584 = arith.subi %sign3A_2580, %sign3A_2583 : i32
      %ne3A_2585 = arith.cmpi ne, %sign3A_2577, %sign3A_2584 : i32
      %rem3A_2586 = arith.remsi %add3A_2568, %jit3A_2569 : i32
      %ne3A_2587 = arith.constant 0 : i32
      %ne3A_2588 = arith.cmpi ne, %rem3A_2586, %ne3A_2587 : i32
      %and3A_2589 = arith.andi %ne3A_2585, %ne3A_2588 : i1
      %sub3A_2590 = arith.constant 1 : i32
      %sub3A_2591 = arith.subi %div3A_2570, %sub3A_2590 : i32
      %select_n3A_2592 = arith.select %and3A_2589, %sub3A_2591, %div3A_2570 : i32
      %jit3A_2593 = arith.constant 2 : i32
      %eq3A_2594 = arith.constant 0 : i32
      %eq3A_2595 = arith.cmpi eq, %jit3A_2593, %eq3A_2594 : i32
      %jit3A_2596 = arith.constant 1 : i32
      %select_n3A_2597 = arith.select %eq3A_2595, %jit3A_2596, %jit3A_2593 : i32
      %rem3A_2598 = arith.remsi %add3A_2568, %select_n3A_2597 : i32
      %ne3A_2599 = arith.constant 0 : i32
      %ne3A_2600 = arith.cmpi ne, %rem3A_2598, %ne3A_2599 : i32
      %lt3A_2601 = arith.constant 0 : i32
      %lt3A_2602 = arith.cmpi slt, %rem3A_2598, %lt3A_2601 : i32
      %lt3A_2603 = arith.constant 0 : i32
      %lt3A_2604 = arith.cmpi slt, %select_n3A_2597, %lt3A_2603 : i32
      %ne3A_2605 = arith.xori %lt3A_2602, %lt3A_2604 : i1
      %and3A_2606 = arith.andi %ne3A_2605, %ne3A_2600 : i1
      %add3A_2607 = arith.addi %rem3A_2598, %select_n3A_2597 : i32
      %select_n3A_2608 = arith.select %and3A_2606, %add3A_2607, %rem3A_2598 : i32
      %mul3A_2609 = arith.constant 64 : i32
      %mul3A_2610 = arith.muli %select_n3A_2608, %mul3A_2609 : i32
      %dma_wait3A_2611 = arith.constant 3 : i32
      %dma_wait3A_2612 = arith.constant 0 : i32
      %dma_wait3A_2613 = arith.constant 0 : i32
      %dma_wait3A_2614 = tpu.memref_slice %arg6[%dma_wait3A_2611, %dma_wait3A_2612, %dma_wait3A_2613] : memref<12x64x128xf32, #tpu.memory_space<vmem>> -> memref<1x64x128xf32, #tpu.memory_space<vmem>>
      %dma_wait3A_2615 = tpu.memref_squeeze %dma_wait3A_2614 : memref<1x64x128xf32, #tpu.memory_space<vmem>> -> memref<64x128xf32, #tpu.memory_space<vmem>>
      %dma_wait3A_2616 = tpu.memref_slice %arg5[%select_n3A_2592, %mul3A_2610] : memref<50x128xi32, #tpu.memory_space<vmem>> -> memref<1x64xi32, #tpu.memory_space<vmem>>
      %dma_wait3A_2617 = tpu.memref_squeeze %dma_wait3A_2616 : memref<1x64xi32, #tpu.memory_space<vmem>> -> memref<64xi32, #tpu.memory_space<vmem>>
      %dma_wait3A_2618 = arith.constant 0 : i32
      %dma_wait3A_2619 = arith.constant 0 : i32
      %dma_wait3A_2620 = tpu.memref_slice %arg2[%dma_wait3A_2618, %dma_wait3A_2619] : memref<100000x128xf32, #tpu.memory_space<hbm>> -> memref<100000x128xf32, #tpu.memory_space<hbm>>
      tpu.wait_indirect_dma semaphore(%arg10 : memref<!tpu.dma_semaphore, #tpu.memory_space<semaphore_mem>>) src(%dma_wait3A_2620 : memref<100000x128xf32, #tpu.memory_space<hbm>>) dst(%dma_wait3A_2615 : memref<64x128xf32, #tpu.memory_space<vmem>>)
      %jit3A_2621 = arith.constant 2 : i32
      %div3A_2622 = arith.divsi %add3A_2568, %jit3A_2621 : i32
      %sign3A_2623 = arith.constant 0 : i32
      %sign3A_2624 = arith.cmpi sgt, %add3A_2568, %sign3A_2623 : i32
      %sign3A_2625 = arith.extui %sign3A_2624 : i1 to i32
      %sign3A_2626 = arith.constant 0 : i32
      %sign3A_2627 = arith.cmpi slt, %add3A_2568, %sign3A_2626 : i32
      %sign3A_2628 = arith.extui %sign3A_2627 : i1 to i32
      %sign3A_2629 = arith.subi %sign3A_2625, %sign3A_2628 : i32
      %sign3A_2630 = arith.constant 0 : i32
      %sign3A_2631 = arith.cmpi sgt, %jit3A_2621, %sign3A_2630 : i32
      %sign3A_2632 = arith.extui %sign3A_2631 : i1 to i32
      %sign3A_2633 = arith.constant 0 : i32
      %sign3A_2634 = arith.cmpi slt, %jit3A_2621, %sign3A_2633 : i32
      %sign3A_2635 = arith.extui %sign3A_2634 : i1 to i32
      %sign3A_2636 = arith.subi %sign3A_2632, %sign3A_2635 : i32
      %ne3A_2637 = arith.cmpi ne, %sign3A_2629, %sign3A_2636 : i32
      %rem3A_2638 = arith.remsi %add3A_2568, %jit3A_2621 : i32
      %ne3A_2639 = arith.constant 0 : i32
      %ne3A_2640 = arith.cmpi ne, %rem3A_2638, %ne3A_2639 : i32
      %and3A_2641 = arith.andi %ne3A_2637, %ne3A_2640 : i1
      %sub3A_2642 = arith.constant 1 : i32
      %sub3A_2643 = arith.subi %div3A_2622, %sub3A_2642 : i32
      %select_n3A_2644 = arith.select %and3A_2641, %sub3A_2643, %div3A_2622 : i32
      %jit3A_2645 = arith.constant 2 : i32
      %eq3A_2646 = arith.constant 0 : i32
      %eq3A_2647 = arith.cmpi eq, %jit3A_2645, %eq3A_2646 : i32
      %jit3A_2648 = arith.constant 1 : i32
      %select_n3A_2649 = arith.select %eq3A_2647, %jit3A_2648, %jit3A_2645 : i32
      %rem3A_2650 = arith.remsi %add3A_2568, %select_n3A_2649 : i32
      %ne3A_2651 = arith.constant 0 : i32
      %ne3A_2652 = arith.cmpi ne, %rem3A_2650, %ne3A_2651 : i32
      %lt3A_2653 = arith.constant 0 : i32
      %lt3A_2654 = arith.cmpi slt, %rem3A_2650, %lt3A_2653 : i32
      %lt3A_2655 = arith.constant 0 : i32
      %lt3A_2656 = arith.cmpi slt, %select_n3A_2649, %lt3A_2655 : i32
      %ne3A_2657 = arith.xori %lt3A_2654, %lt3A_2656 : i1
      %and3A_2658 = arith.andi %ne3A_2657, %ne3A_2652 : i1
      %add3A_2659 = arith.addi %rem3A_2650, %select_n3A_2649 : i32
      %select_n3A_2660 = arith.select %and3A_2658, %add3A_2659, %rem3A_2650 : i32
      %mul3A_2661 = arith.constant 64 : i32
      %mul3A_2662 = arith.muli %select_n3A_2660, %mul3A_2661 : i32
      %add3A_2663 = arith.addi %mul3A_2, %mul3A_2662 : i32
      %dma_start3A_2664 = arith.constant 3 : i32
      %dma_start3A_2665 = arith.constant 0 : i32
      %dma_start3A_2666 = arith.constant 0 : i32
      %dma_start3A_2667 = tpu.memref_slice %arg6[%dma_start3A_2664, %dma_start3A_2665, %dma_start3A_2666] : memref<12x64x128xf32, #tpu.memory_space<vmem>> -> memref<1x64x128xf32, #tpu.memory_space<vmem>>
      %dma_start3A_2668 = tpu.memref_squeeze %dma_start3A_2667 : memref<1x64x128xf32, #tpu.memory_space<vmem>> -> memref<64x128xf32, #tpu.memory_space<vmem>>
      %dma_start3A_2669 = arith.constant 0 : i32
      %dma_start3A_2670 = tpu.memref_slice %arg4[%select_n3A_2644, %add3A_2663, %dma_start3A_2669] : memref<50x4096x128xf32, #tpu.memory_space<hbm>> -> memref<1x64x128xf32, #tpu.memory_space<hbm>>
      %dma_start3A_2671 = tpu.memref_squeeze %dma_start3A_2670 : memref<1x64x128xf32, #tpu.memory_space<hbm>> -> memref<64x128xf32, #tpu.memory_space<hbm>>
      %dma_start3A_2672 = arith.constant 0 : i32
      %dma_start3A_2673 = tpu.memref_slice %arg4[%select_n3A_2644, %add3A_2663, %dma_start3A_2672] : memref<50x4096x128xf32, #tpu.memory_space<hbm>> -> memref<1x64x128xf32, #tpu.memory_space<hbm>>
      %dma_start3A_2674 = tpu.memref_squeeze %dma_start3A_2673 : memref<1x64x128xf32, #tpu.memory_space<hbm>> -> memref<64x128xf32, #tpu.memory_space<hbm>>
      %dma_start3A_2675 = arith.constant 0 : i32
      %dma_start3A_2676 = arith.constant 0 : i32
      %dma_start3A_2677 = tpu.memref_slice %arg6[%dma_start3A_2664, %dma_start3A_2675, %dma_start3A_2676] : memref<12x64x128xf32, #tpu.memory_space<vmem>> -> memref<1x64x128xf32, #tpu.memory_space<vmem>>
      %dma_start3A_2678 = tpu.memref_squeeze %dma_start3A_2677 : memref<1x64x128xf32, #tpu.memory_space<vmem>> -> memref<64x128xf32, #tpu.memory_space<vmem>>
      tpu.enqueue_dma source(%dma_start3A_2678 : memref<64x128xf32, #tpu.memory_space<vmem>>) target(%dma_start3A_2674 : memref<64x128xf32, #tpu.memory_space<hbm>>) target_semaphore(%arg22 : memref<!tpu.dma_semaphore, #tpu.memory_space<semaphore_mem>>)
      %dma_wait3A_2679 = arith.constant 9 : i32
      %dma_wait3A_2680 = arith.constant 0 : i32
      %dma_wait3A_2681 = arith.constant 0 : i32
      %dma_wait3A_2682 = arith.constant 0 : i32
      %dma_wait3A_2683 = tpu.memref_slice %arg6[%dma_wait3A_2679, %dma_wait3A_2681, %dma_wait3A_2682] : memref<12x64x128xf32, #tpu.memory_space<vmem>> -> memref<1x64x128xf32, #tpu.memory_space<vmem>>
      %dma_wait3A_2684 = tpu.memref_squeeze %dma_wait3A_2683 : memref<1x64x128xf32, #tpu.memory_space<vmem>> -> memref<64x128xf32, #tpu.memory_space<vmem>>
      %dma_wait3A_2685 = arith.constant 0 : i32
      %dma_wait3A_2686 = tpu.memref_slice %arg4[%dma_wait3A_2680, %mul3A_2, %dma_wait3A_2685] : memref<50x4096x128xf32, #tpu.memory_space<hbm>> -> memref<1x64x128xf32, #tpu.memory_space<hbm>>
      %dma_wait3A_2687 = tpu.memref_squeeze %dma_wait3A_2686 : memref<1x64x128xf32, #tpu.memory_space<hbm>> -> memref<64x128xf32, #tpu.memory_space<hbm>>
      %dma_wait3A_2688 = arith.constant 0 : i32
      %dma_wait3A_2689 = tpu.memref_slice %arg4[%dma_wait3A_2680, %mul3A_2, %dma_wait3A_2688] : memref<50x4096x128xf32, #tpu.memory_space<hbm>> -> memref<1x64x128xf32, #tpu.memory_space<hbm>>
      %dma_wait3A_2690 = tpu.memref_squeeze %dma_wait3A_2689 : memref<1x64x128xf32, #tpu.memory_space<hbm>> -> memref<64x128xf32, #tpu.memory_space<hbm>>
      %dma_wait3A_2691 = arith.constant 0 : i32
      %dma_wait3A_2692 = arith.constant 0 : i32
      %dma_wait3A_2693 = tpu.memref_slice %arg6[%dma_wait3A_2679, %dma_wait3A_2691, %dma_wait3A_2692] : memref<12x64x128xf32, #tpu.memory_space<vmem>> -> memref<1x64x128xf32, #tpu.memory_space<vmem>>
      %dma_wait3A_2694 = tpu.memref_squeeze %dma_wait3A_2693 : memref<1x64x128xf32, #tpu.memory_space<vmem>> -> memref<64x128xf32, #tpu.memory_space<vmem>>
      tpu.wait_dma2 semaphore(%arg28 : memref<!tpu.dma_semaphore, #tpu.memory_space<semaphore_mem>>) src(%dma_wait3A_2694 : memref<64x128xf32, #tpu.memory_space<vmem>>) dst(%dma_wait3A_2690 : memref<64x128xf32, #tpu.memory_space<hbm>>)
      %add3A_2695 = arith.constant 6 : i32
      %add3A_2696 = arith.addi %add3A_2568, %add3A_2695 : i32
      %jit3A_2697 = arith.constant 2 : i32
      %div3A_2698 = arith.divsi %add3A_2696, %jit3A_2697 : i32
      %sign3A_2699 = arith.constant 0 : i32
      %sign3A_2700 = arith.cmpi sgt, %add3A_2696, %sign3A_2699 : i32
      %sign3A_2701 = arith.extui %sign3A_2700 : i1 to i32
      %sign3A_2702 = arith.constant 0 : i32
      %sign3A_2703 = arith.cmpi slt, %add3A_2696, %sign3A_2702 : i32
      %sign3A_2704 = arith.extui %sign3A_2703 : i1 to i32
      %sign3A_2705 = arith.subi %sign3A_2701, %sign3A_2704 : i32
      %sign3A_2706 = arith.constant 0 : i32
      %sign3A_2707 = arith.cmpi sgt, %jit3A_2697, %sign3A_2706 : i32
      %sign3A_2708 = arith.extui %sign3A_2707 : i1 to i32
      %sign3A_2709 = arith.constant 0 : i32
      %sign3A_2710 = arith.cmpi slt, %jit3A_2697, %sign3A_2709 : i32
      %sign3A_2711 = arith.extui %sign3A_2710 : i1 to i32
      %sign3A_2712 = arith.subi %sign3A_2708, %sign3A_2711 : i32
      %ne3A_2713 = arith.cmpi ne, %sign3A_2705, %sign3A_2712 : i32
      %rem3A_2714 = arith.remsi %add3A_2696, %jit3A_2697 : i32
      %ne3A_2715 = arith.constant 0 : i32
      %ne3A_2716 = arith.cmpi ne, %rem3A_2714, %ne3A_2715 : i32
      %and3A_2717 = arith.andi %ne3A_2713, %ne3A_2716 : i1
      %sub3A_2718 = arith.constant 1 : i32
      %sub3A_2719 = arith.subi %div3A_2698, %sub3A_2718 : i32
      %select_n3A_2720 = arith.select %and3A_2717, %sub3A_2719, %div3A_2698 : i32
      %jit3A_2721 = arith.constant 2 : i32
      %eq3A_2722 = arith.constant 0 : i32
      %eq3A_2723 = arith.cmpi eq, %jit3A_2721, %eq3A_2722 : i32
      %jit3A_2724 = arith.constant 1 : i32
      %select_n3A_2725 = arith.select %eq3A_2723, %jit3A_2724, %jit3A_2721 : i32
      %rem3A_2726 = arith.remsi %add3A_2696, %select_n3A_2725 : i32
      %ne3A_2727 = arith.constant 0 : i32
      %ne3A_2728 = arith.cmpi ne, %rem3A_2726, %ne3A_2727 : i32
      %lt3A_2729 = arith.constant 0 : i32
      %lt3A_2730 = arith.cmpi slt, %rem3A_2726, %lt3A_2729 : i32
      %lt3A_2731 = arith.constant 0 : i32
      %lt3A_2732 = arith.cmpi slt, %select_n3A_2725, %lt3A_2731 : i32
      %ne3A_2733 = arith.xori %lt3A_2730, %lt3A_2732 : i1
      %and3A_2734 = arith.andi %ne3A_2733, %ne3A_2728 : i1
      %add3A_2735 = arith.addi %rem3A_2726, %select_n3A_2725 : i32
      %select_n3A_2736 = arith.select %and3A_2734, %add3A_2735, %rem3A_2726 : i32
      %mul3A_2737 = arith.constant 64 : i32
      %mul3A_2738 = arith.muli %select_n3A_2736, %mul3A_2737 : i32
      %dma_start3A_2739 = arith.constant 9 : i32
      %dma_start3A_2740 = arith.constant 0 : i32
      %dma_start3A_2741 = arith.constant 0 : i32
      %dma_start3A_2742 = tpu.memref_slice %arg6[%dma_start3A_2739, %dma_start3A_2740, %dma_start3A_2741] : memref<12x64x128xf32, #tpu.memory_space<vmem>> -> memref<1x64x128xf32, #tpu.memory_space<vmem>>
      %dma_start3A_2743 = tpu.memref_squeeze %dma_start3A_2742 : memref<1x64x128xf32, #tpu.memory_space<vmem>> -> memref<64x128xf32, #tpu.memory_space<vmem>>
      %dma_start3A_2744 = tpu.memref_slice %arg5[%select_n3A_2720, %mul3A_2738] : memref<50x128xi32, #tpu.memory_space<vmem>> -> memref<1x64xi32, #tpu.memory_space<vmem>>
      %dma_start3A_2745 = tpu.memref_squeeze %dma_start3A_2744 : memref<1x64xi32, #tpu.memory_space<vmem>> -> memref<64xi32, #tpu.memory_space<vmem>>
      %dma_start3A_2746 = arith.constant 0 : i32
      %dma_start3A_2747 = arith.constant 0 : i32
      %dma_start3A_2748 = tpu.memref_slice %arg2[%dma_start3A_2746, %dma_start3A_2747] : memref<100000x128xf32, #tpu.memory_space<hbm>> -> memref<100000x128xf32, #tpu.memory_space<hbm>>
      tpu.enqueue_indirect_dma source(%dma_start3A_2748 : memref<100000x128xf32, #tpu.memory_space<hbm>>) target(%dma_start3A_2743 : memref<64x128xf32, #tpu.memory_space<vmem>>) offsets(%dma_start3A_2745 : memref<64xi32, #tpu.memory_space<vmem>>) semaphore(%arg16 : memref<!tpu.dma_semaphore, #tpu.memory_space<semaphore_mem>>)
      %add3A_2749 = arith.constant 10 : i32
      %add3A_2750 = arith.addi %add3A_938, %add3A_2749 : i32
      %jit3A_2751 = arith.constant 2 : i32
      %div3A_2752 = arith.divsi %add3A_2750, %jit3A_2751 : i32
      %sign3A_2753 = arith.constant 0 : i32
      %sign3A_2754 = arith.cmpi sgt, %add3A_2750, %sign3A_2753 : i32
      %sign3A_2755 = arith.extui %sign3A_2754 : i1 to i32
      %sign3A_2756 = arith.constant 0 : i32
      %sign3A_2757 = arith.cmpi slt, %add3A_2750, %sign3A_2756 : i32
      %sign3A_2758 = arith.extui %sign3A_2757 : i1 to i32
      %sign3A_2759 = arith.subi %sign3A_2755, %sign3A_2758 : i32
      %sign3A_2760 = arith.constant 0 : i32
      %sign3A_2761 = arith.cmpi sgt, %jit3A_2751, %sign3A_2760 : i32
      %sign3A_2762 = arith.extui %sign3A_2761 : i1 to i32
      %sign3A_2763 = arith.constant 0 : i32
      %sign3A_2764 = arith.cmpi slt, %jit3A_2751, %sign3A_2763 : i32
      %sign3A_2765 = arith.extui %sign3A_2764 : i1 to i32
      %sign3A_2766 = arith.subi %sign3A_2762, %sign3A_2765 : i32
      %ne3A_2767 = arith.cmpi ne, %sign3A_2759, %sign3A_2766 : i32
      %rem3A_2768 = arith.remsi %add3A_2750, %jit3A_2751 : i32
      %ne3A_2769 = arith.constant 0 : i32
      %ne3A_2770 = arith.cmpi ne, %rem3A_2768, %ne3A_2769 : i32
      %and3A_2771 = arith.andi %ne3A_2767, %ne3A_2770 : i1
      %sub3A_2772 = arith.constant 1 : i32
      %sub3A_2773 = arith.subi %div3A_2752, %sub3A_2772 : i32
      %select_n3A_2774 = arith.select %and3A_2771, %sub3A_2773, %div3A_2752 : i32
      %jit3A_2775 = arith.constant 2 : i32
      %eq3A_2776 = arith.constant 0 : i32
      %eq3A_2777 = arith.cmpi eq, %jit3A_2775, %eq3A_2776 : i32
      %jit3A_2778 = arith.constant 1 : i32
      %select_n3A_2779 = arith.select %eq3A_2777, %jit3A_2778, %jit3A_2775 : i32
      %rem3A_2780 = arith.remsi %add3A_2750, %select_n3A_2779 : i32
      %ne3A_2781 = arith.constant 0 : i32
      %ne3A_2782 = arith.cmpi ne, %rem3A_2780, %ne3A_2781 : i32
      %lt3A_2783 = arith.constant 0 : i32
      %lt3A_2784 = arith.cmpi slt, %rem3A_2780, %lt3A_2783 : i32
      %lt3A_2785 = arith.constant 0 : i32
      %lt3A_2786 = arith.cmpi slt, %select_n3A_2779, %lt3A_2785 : i32
      %ne3A_2787 = arith.xori %lt3A_2784, %lt3A_2786 : i1
      %and3A_2788 = arith.andi %ne3A_2787, %ne3A_2782 : i1
      %add3A_2789 = arith.addi %rem3A_2780, %select_n3A_2779 : i32
      %select_n3A_2790 = arith.select %and3A_2788, %add3A_2789, %rem3A_2780 : i32
      %mul3A_2791 = arith.constant 64 : i32
      %mul3A_2792 = arith.muli %select_n3A_2790, %mul3A_2791 : i32
      %dma_wait3A_2793 = arith.constant 4 : i32
      %dma_wait3A_2794 = arith.constant 0 : i32
      %dma_wait3A_2795 = arith.constant 0 : i32
      %dma_wait3A_2796 = tpu.memref_slice %arg6[%dma_wait3A_2793, %dma_wait3A_2794, %dma_wait3A_2795] : memref<12x64x128xf32, #tpu.memory_space<vmem>> -> memref<1x64x128xf32, #tpu.memory_space<vmem>>
      %dma_wait3A_2797 = tpu.memref_squeeze %dma_wait3A_2796 : memref<1x64x128xf32, #tpu.memory_space<vmem>> -> memref<64x128xf32, #tpu.memory_space<vmem>>
      %dma_wait3A_2798 = tpu.memref_slice %arg5[%select_n3A_2774, %mul3A_2792] : memref<50x128xi32, #tpu.memory_space<vmem>> -> memref<1x64xi32, #tpu.memory_space<vmem>>
      %dma_wait3A_2799 = tpu.memref_squeeze %dma_wait3A_2798 : memref<1x64xi32, #tpu.memory_space<vmem>> -> memref<64xi32, #tpu.memory_space<vmem>>
      %dma_wait3A_2800 = arith.constant 0 : i32
      %dma_wait3A_2801 = arith.constant 0 : i32
      %dma_wait3A_2802 = tpu.memref_slice %arg2[%dma_wait3A_2800, %dma_wait3A_2801] : memref<100000x128xf32, #tpu.memory_space<hbm>> -> memref<100000x128xf32, #tpu.memory_space<hbm>>
      tpu.wait_indirect_dma semaphore(%arg11 : memref<!tpu.dma_semaphore, #tpu.memory_space<semaphore_mem>>) src(%dma_wait3A_2802 : memref<100000x128xf32, #tpu.memory_space<hbm>>) dst(%dma_wait3A_2797 : memref<64x128xf32, #tpu.memory_space<vmem>>)
      %jit3A_2803 = arith.constant 2 : i32
      %div3A_2804 = arith.divsi %add3A_2750, %jit3A_2803 : i32
      %sign3A_2805 = arith.constant 0 : i32
      %sign3A_2806 = arith.cmpi sgt, %add3A_2750, %sign3A_2805 : i32
      %sign3A_2807 = arith.extui %sign3A_2806 : i1 to i32
      %sign3A_2808 = arith.constant 0 : i32
      %sign3A_2809 = arith.cmpi slt, %add3A_2750, %sign3A_2808 : i32
      %sign3A_2810 = arith.extui %sign3A_2809 : i1 to i32
      %sign3A_2811 = arith.subi %sign3A_2807, %sign3A_2810 : i32
      %sign3A_2812 = arith.constant 0 : i32
      %sign3A_2813 = arith.cmpi sgt, %jit3A_2803, %sign3A_2812 : i32
      %sign3A_2814 = arith.extui %sign3A_2813 : i1 to i32
      %sign3A_2815 = arith.constant 0 : i32
      %sign3A_2816 = arith.cmpi slt, %jit3A_2803, %sign3A_2815 : i32
      %sign3A_2817 = arith.extui %sign3A_2816 : i1 to i32
      %sign3A_2818 = arith.subi %sign3A_2814, %sign3A_2817 : i32
      %ne3A_2819 = arith.cmpi ne, %sign3A_2811, %sign3A_2818 : i32
      %rem3A_2820 = arith.remsi %add3A_2750, %jit3A_2803 : i32
      %ne3A_2821 = arith.constant 0 : i32
      %ne3A_2822 = arith.cmpi ne, %rem3A_2820, %ne3A_2821 : i32
      %and3A_2823 = arith.andi %ne3A_2819, %ne3A_2822 : i1
      %sub3A_2824 = arith.constant 1 : i32
      %sub3A_2825 = arith.subi %div3A_2804, %sub3A_2824 : i32
      %select_n3A_2826 = arith.select %and3A_2823, %sub3A_2825, %div3A_2804 : i32
      %jit3A_2827 = arith.constant 2 : i32
      %eq3A_2828 = arith.constant 0 : i32
      %eq3A_2829 = arith.cmpi eq, %jit3A_2827, %eq3A_2828 : i32
      %jit3A_2830 = arith.constant 1 : i32
      %select_n3A_2831 = arith.select %eq3A_2829, %jit3A_2830, %jit3A_2827 : i32
      %rem3A_2832 = arith.remsi %add3A_2750, %select_n3A_2831 : i32
      %ne3A_2833 = arith.constant 0 : i32
      %ne3A_2834 = arith.cmpi ne, %rem3A_2832, %ne3A_2833 : i32
      %lt3A_2835 = arith.constant 0 : i32
      %lt3A_2836 = arith.cmpi slt, %rem3A_2832, %lt3A_2835 : i32
      %lt3A_2837 = arith.constant 0 : i32
      %lt3A_2838 = arith.cmpi slt, %select_n3A_2831, %lt3A_2837 : i32
      %ne3A_2839 = arith.xori %lt3A_2836, %lt3A_2838 : i1
      %and3A_2840 = arith.andi %ne3A_2839, %ne3A_2834 : i1
      %add3A_2841 = arith.addi %rem3A_2832, %select_n3A_2831 : i32
      %select_n3A_2842 = arith.select %and3A_2840, %add3A_2841, %rem3A_2832 : i32
      %mul3A_2843 = arith.constant 64 : i32
      %mul3A_2844 = arith.muli %select_n3A_2842, %mul3A_2843 : i32
      %add3A_2845 = arith.addi %mul3A_2, %mul3A_2844 : i32
      %dma_start3A_2846 = arith.constant 4 : i32
      %dma_start3A_2847 = arith.constant 0 : i32
      %dma_start3A_2848 = arith.constant 0 : i32
      %dma_start3A_2849 = tpu.memref_slice %arg6[%dma_start3A_2846, %dma_start3A_2847, %dma_start3A_2848] : memref<12x64x128xf32, #tpu.memory_space<vmem>> -> memref<1x64x128xf32, #tpu.memory_space<vmem>>
      %dma_start3A_2850 = tpu.memref_squeeze %dma_start3A_2849 : memref<1x64x128xf32, #tpu.memory_space<vmem>> -> memref<64x128xf32, #tpu.memory_space<vmem>>
      %dma_start3A_2851 = arith.constant 0 : i32
      %dma_start3A_2852 = tpu.memref_slice %arg4[%select_n3A_2826, %add3A_2845, %dma_start3A_2851] : memref<50x4096x128xf32, #tpu.memory_space<hbm>> -> memref<1x64x128xf32, #tpu.memory_space<hbm>>
      %dma_start3A_2853 = tpu.memref_squeeze %dma_start3A_2852 : memref<1x64x128xf32, #tpu.memory_space<hbm>> -> memref<64x128xf32, #tpu.memory_space<hbm>>
      %dma_start3A_2854 = arith.constant 0 : i32
      %dma_start3A_2855 = tpu.memref_slice %arg4[%select_n3A_2826, %add3A_2845, %dma_start3A_2854] : memref<50x4096x128xf32, #tpu.memory_space<hbm>> -> memref<1x64x128xf32, #tpu.memory_space<hbm>>
      %dma_start3A_2856 = tpu.memref_squeeze %dma_start3A_2855 : memref<1x64x128xf32, #tpu.memory_space<hbm>> -> memref<64x128xf32, #tpu.memory_space<hbm>>
      %dma_start3A_2857 = arith.constant 0 : i32
      %dma_start3A_2858 = arith.constant 0 : i32
      %dma_start3A_2859 = tpu.memref_slice %arg6[%dma_start3A_2846, %dma_start3A_2857, %dma_start3A_2858] : memref<12x64x128xf32, #tpu.memory_space<vmem>> -> memref<1x64x128xf32, #tpu.memory_space<vmem>>
      %dma_start3A_2860 = tpu.memref_squeeze %dma_start3A_2859 : memref<1x64x128xf32, #tpu.memory_space<vmem>> -> memref<64x128xf32, #tpu.memory_space<vmem>>
      tpu.enqueue_dma source(%dma_start3A_2860 : memref<64x128xf32, #tpu.memory_space<vmem>>) target(%dma_start3A_2856 : memref<64x128xf32, #tpu.memory_space<hbm>>) target_semaphore(%arg23 : memref<!tpu.dma_semaphore, #tpu.memory_space<semaphore_mem>>)
      %dma_wait3A_2861 = arith.constant 10 : i32
      %dma_wait3A_2862 = arith.constant 0 : i32
      %dma_wait3A_2863 = arith.constant 0 : i32
      %dma_wait3A_2864 = arith.constant 0 : i32
      %dma_wait3A_2865 = tpu.memref_slice %arg6[%dma_wait3A_2861, %dma_wait3A_2863, %dma_wait3A_2864] : memref<12x64x128xf32, #tpu.memory_space<vmem>> -> memref<1x64x128xf32, #tpu.memory_space<vmem>>
      %dma_wait3A_2866 = tpu.memref_squeeze %dma_wait3A_2865 : memref<1x64x128xf32, #tpu.memory_space<vmem>> -> memref<64x128xf32, #tpu.memory_space<vmem>>
      %dma_wait3A_2867 = arith.constant 0 : i32
      %dma_wait3A_2868 = tpu.memref_slice %arg4[%dma_wait3A_2862, %mul3A_2, %dma_wait3A_2867] : memref<50x4096x128xf32, #tpu.memory_space<hbm>> -> memref<1x64x128xf32, #tpu.memory_space<hbm>>
      %dma_wait3A_2869 = tpu.memref_squeeze %dma_wait3A_2868 : memref<1x64x128xf32, #tpu.memory_space<hbm>> -> memref<64x128xf32, #tpu.memory_space<hbm>>
      %dma_wait3A_2870 = arith.constant 0 : i32
      %dma_wait3A_2871 = tpu.memref_slice %arg4[%dma_wait3A_2862, %mul3A_2, %dma_wait3A_2870] : memref<50x4096x128xf32, #tpu.memory_space<hbm>> -> memref<1x64x128xf32, #tpu.memory_space<hbm>>
      %dma_wait3A_2872 = tpu.memref_squeeze %dma_wait3A_2871 : memref<1x64x128xf32, #tpu.memory_space<hbm>> -> memref<64x128xf32, #tpu.memory_space<hbm>>
      %dma_wait3A_2873 = arith.constant 0 : i32
      %dma_wait3A_2874 = arith.constant 0 : i32
      %dma_wait3A_2875 = tpu.memref_slice %arg6[%dma_wait3A_2861, %dma_wait3A_2873, %dma_wait3A_2874] : memref<12x64x128xf32, #tpu.memory_space<vmem>> -> memref<1x64x128xf32, #tpu.memory_space<vmem>>
      %dma_wait3A_2876 = tpu.memref_squeeze %dma_wait3A_2875 : memref<1x64x128xf32, #tpu.memory_space<vmem>> -> memref<64x128xf32, #tpu.memory_space<vmem>>
      tpu.wait_dma2 semaphore(%arg29 : memref<!tpu.dma_semaphore, #tpu.memory_space<semaphore_mem>>) src(%dma_wait3A_2876 : memref<64x128xf32, #tpu.memory_space<vmem>>) dst(%dma_wait3A_2872 : memref<64x128xf32, #tpu.memory_space<hbm>>)
      %add3A_2877 = arith.constant 6 : i32
      %add3A_2878 = arith.addi %add3A_2750, %add3A_2877 : i32
      %jit3A_2879 = arith.constant 2 : i32
      %div3A_2880 = arith.divsi %add3A_2878, %jit3A_2879 : i32
      %sign3A_2881 = arith.constant 0 : i32
      %sign3A_2882 = arith.cmpi sgt, %add3A_2878, %sign3A_2881 : i32
      %sign3A_2883 = arith.extui %sign3A_2882 : i1 to i32
      %sign3A_2884 = arith.constant 0 : i32
      %sign3A_2885 = arith.cmpi slt, %add3A_2878, %sign3A_2884 : i32
      %sign3A_2886 = arith.extui %sign3A_2885 : i1 to i32
      %sign3A_2887 = arith.subi %sign3A_2883, %sign3A_2886 : i32
      %sign3A_2888 = arith.constant 0 : i32
      %sign3A_2889 = arith.cmpi sgt, %jit3A_2879, %sign3A_2888 : i32
      %sign3A_2890 = arith.extui %sign3A_2889 : i1 to i32
      %sign3A_2891 = arith.constant 0 : i32
      %sign3A_2892 = arith.cmpi slt, %jit3A_2879, %sign3A_2891 : i32
      %sign3A_2893 = arith.extui %sign3A_2892 : i1 to i32
      %sign3A_2894 = arith.subi %sign3A_2890, %sign3A_2893 : i32
      %ne3A_2895 = arith.cmpi ne, %sign3A_2887, %sign3A_2894 : i32
      %rem3A_2896 = arith.remsi %add3A_2878, %jit3A_2879 : i32
      %ne3A_2897 = arith.constant 0 : i32
      %ne3A_2898 = arith.cmpi ne, %rem3A_2896, %ne3A_2897 : i32
      %and3A_2899 = arith.andi %ne3A_2895, %ne3A_2898 : i1
      %sub3A_2900 = arith.constant 1 : i32
      %sub3A_2901 = arith.subi %div3A_2880, %sub3A_2900 : i32
      %select_n3A_2902 = arith.select %and3A_2899, %sub3A_2901, %div3A_2880 : i32
      %jit3A_2903 = arith.constant 2 : i32
      %eq3A_2904 = arith.constant 0 : i32
      %eq3A_2905 = arith.cmpi eq, %jit3A_2903, %eq3A_2904 : i32
      %jit3A_2906 = arith.constant 1 : i32
      %select_n3A_2907 = arith.select %eq3A_2905, %jit3A_2906, %jit3A_2903 : i32
      %rem3A_2908 = arith.remsi %add3A_2878, %select_n3A_2907 : i32
      %ne3A_2909 = arith.constant 0 : i32
      %ne3A_2910 = arith.cmpi ne, %rem3A_2908, %ne3A_2909 : i32
      %lt3A_2911 = arith.constant 0 : i32
      %lt3A_2912 = arith.cmpi slt, %rem3A_2908, %lt3A_2911 : i32
      %lt3A_2913 = arith.constant 0 : i32
      %lt3A_2914 = arith.cmpi slt, %select_n3A_2907, %lt3A_2913 : i32
      %ne3A_2915 = arith.xori %lt3A_2912, %lt3A_2914 : i1
      %and3A_2916 = arith.andi %ne3A_2915, %ne3A_2910 : i1
      %add3A_2917 = arith.addi %rem3A_2908, %select_n3A_2907 : i32
      %select_n3A_2918 = arith.select %and3A_2916, %add3A_2917, %rem3A_2908 : i32
      %mul3A_2919 = arith.constant 64 : i32
      %mul3A_2920 = arith.muli %select_n3A_2918, %mul3A_2919 : i32
      %dma_start3A_2921 = arith.constant 10 : i32
      %dma_start3A_2922 = arith.constant 0 : i32
      %dma_start3A_2923 = arith.constant 0 : i32
      %dma_start3A_2924 = tpu.memref_slice %arg6[%dma_start3A_2921, %dma_start3A_2922, %dma_start3A_2923] : memref<12x64x128xf32, #tpu.memory_space<vmem>> -> memref<1x64x128xf32, #tpu.memory_space<vmem>>
      %dma_start3A_2925 = tpu.memref_squeeze %dma_start3A_2924 : memref<1x64x128xf32, #tpu.memory_space<vmem>> -> memref<64x128xf32, #tpu.memory_space<vmem>>
      %dma_start3A_2926 = tpu.memref_slice %arg5[%select_n3A_2902, %mul3A_2920] : memref<50x128xi32, #tpu.memory_space<vmem>> -> memref<1x64xi32, #tpu.memory_space<vmem>>
      %dma_start3A_2927 = tpu.memref_squeeze %dma_start3A_2926 : memref<1x64xi32, #tpu.memory_space<vmem>> -> memref<64xi32, #tpu.memory_space<vmem>>
      %dma_start3A_2928 = arith.constant 0 : i32
      %dma_start3A_2929 = arith.constant 0 : i32
      %dma_start3A_2930 = tpu.memref_slice %arg2[%dma_start3A_2928, %dma_start3A_2929] : memref<100000x128xf32, #tpu.memory_space<hbm>> -> memref<100000x128xf32, #tpu.memory_space<hbm>>
      tpu.enqueue_indirect_dma source(%dma_start3A_2930 : memref<100000x128xf32, #tpu.memory_space<hbm>>) target(%dma_start3A_2925 : memref<64x128xf32, #tpu.memory_space<vmem>>) offsets(%dma_start3A_2927 : memref<64xi32, #tpu.memory_space<vmem>>) semaphore(%arg17 : memref<!tpu.dma_semaphore, #tpu.memory_space<semaphore_mem>>)
      %add3A_2931 = arith.constant 11 : i32
      %add3A_2932 = arith.addi %add3A_938, %add3A_2931 : i32
      %jit3A_2933 = arith.constant 2 : i32
      %div3A_2934 = arith.divsi %add3A_2932, %jit3A_2933 : i32
      %sign3A_2935 = arith.constant 0 : i32
      %sign3A_2936 = arith.cmpi sgt, %add3A_2932, %sign3A_2935 : i32
      %sign3A_2937 = arith.extui %sign3A_2936 : i1 to i32
      %sign3A_2938 = arith.constant 0 : i32
      %sign3A_2939 = arith.cmpi slt, %add3A_2932, %sign3A_2938 : i32
      %sign3A_2940 = arith.extui %sign3A_2939 : i1 to i32
      %sign3A_2941 = arith.subi %sign3A_2937, %sign3A_2940 : i32
      %sign3A_2942 = arith.constant 0 : i32
      %sign3A_2943 = arith.cmpi sgt, %jit3A_2933, %sign3A_2942 : i32
      %sign3A_2944 = arith.extui %sign3A_2943 : i1 to i32
      %sign3A_2945 = arith.constant 0 : i32
      %sign3A_2946 = arith.cmpi slt, %jit3A_2933, %sign3A_2945 : i32
      %sign3A_2947 = arith.extui %sign3A_2946 : i1 to i32
      %sign3A_2948 = arith.subi %sign3A_2944, %sign3A_2947 : i32
      %ne3A_2949 = arith.cmpi ne, %sign3A_2941, %sign3A_2948 : i32
      %rem3A_2950 = arith.remsi %add3A_2932, %jit3A_2933 : i32
      %ne3A_2951 = arith.constant 0 : i32
      %ne3A_2952 = arith.cmpi ne, %rem3A_2950, %ne3A_2951 : i32
      %and3A_2953 = arith.andi %ne3A_2949, %ne3A_2952 : i1
      %sub3A_2954 = arith.constant 1 : i32
      %sub3A_2955 = arith.subi %div3A_2934, %sub3A_2954 : i32
      %select_n3A_2956 = arith.select %and3A_2953, %sub3A_2955, %div3A_2934 : i32
      %jit3A_2957 = arith.constant 2 : i32
      %eq3A_2958 = arith.constant 0 : i32
      %eq3A_2959 = arith.cmpi eq, %jit3A_2957, %eq3A_2958 : i32
      %jit3A_2960 = arith.constant 1 : i32
      %select_n3A_2961 = arith.select %eq3A_2959, %jit3A_2960, %jit3A_2957 : i32
      %rem3A_2962 = arith.remsi %add3A_2932, %select_n3A_2961 : i32
      %ne3A_2963 = arith.constant 0 : i32
      %ne3A_2964 = arith.cmpi ne, %rem3A_2962, %ne3A_2963 : i32
      %lt3A_2965 = arith.constant 0 : i32
      %lt3A_2966 = arith.cmpi slt, %rem3A_2962, %lt3A_2965 : i32
      %lt3A_2967 = arith.constant 0 : i32
      %lt3A_2968 = arith.cmpi slt, %select_n3A_2961, %lt3A_2967 : i32
      %ne3A_2969 = arith.xori %lt3A_2966, %lt3A_2968 : i1
      %and3A_2970 = arith.andi %ne3A_2969, %ne3A_2964 : i1
      %add3A_2971 = arith.addi %rem3A_2962, %select_n3A_2961 : i32
      %select_n3A_2972 = arith.select %and3A_2970, %add3A_2971, %rem3A_2962 : i32
      %mul3A_2973 = arith.constant 64 : i32
      %mul3A_2974 = arith.muli %select_n3A_2972, %mul3A_2973 : i32
      %dma_wait3A_2975 = arith.constant 5 : i32
      %dma_wait3A_2976 = arith.constant 0 : i32
      %dma_wait3A_2977 = arith.constant 0 : i32
      %dma_wait3A_2978 = tpu.memref_slice %arg6[%dma_wait3A_2975, %dma_wait3A_2976, %dma_wait3A_2977] : memref<12x64x128xf32, #tpu.memory_space<vmem>> -> memref<1x64x128xf32, #tpu.memory_space<vmem>>
      %dma_wait3A_2979 = tpu.memref_squeeze %dma_wait3A_2978 : memref<1x64x128xf32, #tpu.memory_space<vmem>> -> memref<64x128xf32, #tpu.memory_space<vmem>>
      %dma_wait3A_2980 = tpu.memref_slice %arg5[%select_n3A_2956, %mul3A_2974] : memref<50x128xi32, #tpu.memory_space<vmem>> -> memref<1x64xi32, #tpu.memory_space<vmem>>
      %dma_wait3A_2981 = tpu.memref_squeeze %dma_wait3A_2980 : memref<1x64xi32, #tpu.memory_space<vmem>> -> memref<64xi32, #tpu.memory_space<vmem>>
      %dma_wait3A_2982 = arith.constant 0 : i32
      %dma_wait3A_2983 = arith.constant 0 : i32
      %dma_wait3A_2984 = tpu.memref_slice %arg2[%dma_wait3A_2982, %dma_wait3A_2983] : memref<100000x128xf32, #tpu.memory_space<hbm>> -> memref<100000x128xf32, #tpu.memory_space<hbm>>
      tpu.wait_indirect_dma semaphore(%arg12 : memref<!tpu.dma_semaphore, #tpu.memory_space<semaphore_mem>>) src(%dma_wait3A_2984 : memref<100000x128xf32, #tpu.memory_space<hbm>>) dst(%dma_wait3A_2979 : memref<64x128xf32, #tpu.memory_space<vmem>>)
      %jit3A_2985 = arith.constant 2 : i32
      %div3A_2986 = arith.divsi %add3A_2932, %jit3A_2985 : i32
      %sign3A_2987 = arith.constant 0 : i32
      %sign3A_2988 = arith.cmpi sgt, %add3A_2932, %sign3A_2987 : i32
      %sign3A_2989 = arith.extui %sign3A_2988 : i1 to i32
      %sign3A_2990 = arith.constant 0 : i32
      %sign3A_2991 = arith.cmpi slt, %add3A_2932, %sign3A_2990 : i32
      %sign3A_2992 = arith.extui %sign3A_2991 : i1 to i32
      %sign3A_2993 = arith.subi %sign3A_2989, %sign3A_2992 : i32
      %sign3A_2994 = arith.constant 0 : i32
      %sign3A_2995 = arith.cmpi sgt, %jit3A_2985, %sign3A_2994 : i32
      %sign3A_2996 = arith.extui %sign3A_2995 : i1 to i32
      %sign3A_2997 = arith.constant 0 : i32
      %sign3A_2998 = arith.cmpi slt, %jit3A_2985, %sign3A_2997 : i32
      %sign3A_2999 = arith.extui %sign3A_2998 : i1 to i32
      %sign3A_3000 = arith.subi %sign3A_2996, %sign3A_2999 : i32
      %ne3A_3001 = arith.cmpi ne, %sign3A_2993, %sign3A_3000 : i32
      %rem3A_3002 = arith.remsi %add3A_2932, %jit3A_2985 : i32
      %ne3A_3003 = arith.constant 0 : i32
      %ne3A_3004 = arith.cmpi ne, %rem3A_3002, %ne3A_3003 : i32
      %and3A_3005 = arith.andi %ne3A_3001, %ne3A_3004 : i1
      %sub3A_3006 = arith.constant 1 : i32
      %sub3A_3007 = arith.subi %div3A_2986, %sub3A_3006 : i32
      %select_n3A_3008 = arith.select %and3A_3005, %sub3A_3007, %div3A_2986 : i32
      %jit3A_3009 = arith.constant 2 : i32
      %eq3A_3010 = arith.constant 0 : i32
      %eq3A_3011 = arith.cmpi eq, %jit3A_3009, %eq3A_3010 : i32
      %jit3A_3012 = arith.constant 1 : i32
      %select_n3A_3013 = arith.select %eq3A_3011, %jit3A_3012, %jit3A_3009 : i32
      %rem3A_3014 = arith.remsi %add3A_2932, %select_n3A_3013 : i32
      %ne3A_3015 = arith.constant 0 : i32
      %ne3A_3016 = arith.cmpi ne, %rem3A_3014, %ne3A_3015 : i32
      %lt3A_3017 = arith.constant 0 : i32
      %lt3A_3018 = arith.cmpi slt, %rem3A_3014, %lt3A_3017 : i32
      %lt3A_3019 = arith.constant 0 : i32
      %lt3A_3020 = arith.cmpi slt, %select_n3A_3013, %lt3A_3019 : i32
      %ne3A_3021 = arith.xori %lt3A_3018, %lt3A_3020 : i1
      %and3A_3022 = arith.andi %ne3A_3021, %ne3A_3016 : i1
      %add3A_3023 = arith.addi %rem3A_3014, %select_n3A_3013 : i32
      %select_n3A_3024 = arith.select %and3A_3022, %add3A_3023, %rem3A_3014 : i32
      %mul3A_3025 = arith.constant 64 : i32
      %mul3A_3026 = arith.muli %select_n3A_3024, %mul3A_3025 : i32
      %add3A_3027 = arith.addi %mul3A_2, %mul3A_3026 : i32
      %dma_start3A_3028 = arith.constant 5 : i32
      %dma_start3A_3029 = arith.constant 0 : i32
      %dma_start3A_3030 = arith.constant 0 : i32
      %dma_start3A_3031 = tpu.memref_slice %arg6[%dma_start3A_3028, %dma_start3A_3029, %dma_start3A_3030] : memref<12x64x128xf32, #tpu.memory_space<vmem>> -> memref<1x64x128xf32, #tpu.memory_space<vmem>>
      %dma_start3A_3032 = tpu.memref_squeeze %dma_start3A_3031 : memref<1x64x128xf32, #tpu.memory_space<vmem>> -> memref<64x128xf32, #tpu.memory_space<vmem>>
      %dma_start3A_3033 = arith.constant 0 : i32
      %dma_start3A_3034 = tpu.memref_slice %arg4[%select_n3A_3008, %add3A_3027, %dma_start3A_3033] : memref<50x4096x128xf32, #tpu.memory_space<hbm>> -> memref<1x64x128xf32, #tpu.memory_space<hbm>>
      %dma_start3A_3035 = tpu.memref_squeeze %dma_start3A_3034 : memref<1x64x128xf32, #tpu.memory_space<hbm>> -> memref<64x128xf32, #tpu.memory_space<hbm>>
      %dma_start3A_3036 = arith.constant 0 : i32
      %dma_start3A_3037 = tpu.memref_slice %arg4[%select_n3A_3008, %add3A_3027, %dma_start3A_3036] : memref<50x4096x128xf32, #tpu.memory_space<hbm>> -> memref<1x64x128xf32, #tpu.memory_space<hbm>>
      %dma_start3A_3038 = tpu.memref_squeeze %dma_start3A_3037 : memref<1x64x128xf32, #tpu.memory_space<hbm>> -> memref<64x128xf32, #tpu.memory_space<hbm>>
      %dma_start3A_3039 = arith.constant 0 : i32
      %dma_start3A_3040 = arith.constant 0 : i32
      %dma_start3A_3041 = tpu.memref_slice %arg6[%dma_start3A_3028, %dma_start3A_3039, %dma_start3A_3040] : memref<12x64x128xf32, #tpu.memory_space<vmem>> -> memref<1x64x128xf32, #tpu.memory_space<vmem>>
      %dma_start3A_3042 = tpu.memref_squeeze %dma_start3A_3041 : memref<1x64x128xf32, #tpu.memory_space<vmem>> -> memref<64x128xf32, #tpu.memory_space<vmem>>
      tpu.enqueue_dma source(%dma_start3A_3042 : memref<64x128xf32, #tpu.memory_space<vmem>>) target(%dma_start3A_3038 : memref<64x128xf32, #tpu.memory_space<hbm>>) target_semaphore(%arg24 : memref<!tpu.dma_semaphore, #tpu.memory_space<semaphore_mem>>)
      %dma_wait3A_3043 = arith.constant 11 : i32
      %dma_wait3A_3044 = arith.constant 0 : i32
      %dma_wait3A_3045 = arith.constant 0 : i32
      %dma_wait3A_3046 = arith.constant 0 : i32
      %dma_wait3A_3047 = tpu.memref_slice %arg6[%dma_wait3A_3043, %dma_wait3A_3045, %dma_wait3A_3046] : memref<12x64x128xf32, #tpu.memory_space<vmem>> -> memref<1x64x128xf32, #tpu.memory_space<vmem>>
      %dma_wait3A_3048 = tpu.memref_squeeze %dma_wait3A_3047 : memref<1x64x128xf32, #tpu.memory_space<vmem>> -> memref<64x128xf32, #tpu.memory_space<vmem>>
      %dma_wait3A_3049 = arith.constant 0 : i32
      %dma_wait3A_3050 = tpu.memref_slice %arg4[%dma_wait3A_3044, %mul3A_2, %dma_wait3A_3049] : memref<50x4096x128xf32, #tpu.memory_space<hbm>> -> memref<1x64x128xf32, #tpu.memory_space<hbm>>
      %dma_wait3A_3051 = tpu.memref_squeeze %dma_wait3A_3050 : memref<1x64x128xf32, #tpu.memory_space<hbm>> -> memref<64x128xf32, #tpu.memory_space<hbm>>
      %dma_wait3A_3052 = arith.constant 0 : i32
      %dma_wait3A_3053 = tpu.memref_slice %arg4[%dma_wait3A_3044, %mul3A_2, %dma_wait3A_3052] : memref<50x4096x128xf32, #tpu.memory_space<hbm>> -> memref<1x64x128xf32, #tpu.memory_space<hbm>>
      %dma_wait3A_3054 = tpu.memref_squeeze %dma_wait3A_3053 : memref<1x64x128xf32, #tpu.memory_space<hbm>> -> memref<64x128xf32, #tpu.memory_space<hbm>>
      %dma_wait3A_3055 = arith.constant 0 : i32
      %dma_wait3A_3056 = arith.constant 0 : i32
      %dma_wait3A_3057 = tpu.memref_slice %arg6[%dma_wait3A_3043, %dma_wait3A_3055, %dma_wait3A_3056] : memref<12x64x128xf32, #tpu.memory_space<vmem>> -> memref<1x64x128xf32, #tpu.memory_space<vmem>>
      %dma_wait3A_3058 = tpu.memref_squeeze %dma_wait3A_3057 : memref<1x64x128xf32, #tpu.memory_space<vmem>> -> memref<64x128xf32, #tpu.memory_space<vmem>>
      tpu.wait_dma2 semaphore(%arg30 : memref<!tpu.dma_semaphore, #tpu.memory_space<semaphore_mem>>) src(%dma_wait3A_3058 : memref<64x128xf32, #tpu.memory_space<vmem>>) dst(%dma_wait3A_3054 : memref<64x128xf32, #tpu.memory_space<hbm>>)
      %add3A_3059 = arith.constant 6 : i32
      %add3A_3060 = arith.addi %add3A_2932, %add3A_3059 : i32
      %jit3A_3061 = arith.constant 2 : i32
      %div3A_3062 = arith.divsi %add3A_3060, %jit3A_3061 : i32
      %sign3A_3063 = arith.constant 0 : i32
      %sign3A_3064 = arith.cmpi sgt, %add3A_3060, %sign3A_3063 : i32
      %sign3A_3065 = arith.extui %sign3A_3064 : i1 to i32
      %sign3A_3066 = arith.constant 0 : i32
      %sign3A_3067 = arith.cmpi slt, %add3A_3060, %sign3A_3066 : i32
      %sign3A_3068 = arith.extui %sign3A_3067 : i1 to i32
      %sign3A_3069 = arith.subi %sign3A_3065, %sign3A_3068 : i32
      %sign3A_3070 = arith.constant 0 : i32
      %sign3A_3071 = arith.cmpi sgt, %jit3A_3061, %sign3A_3070 : i32
      %sign3A_3072 = arith.extui %sign3A_3071 : i1 to i32
      %sign3A_3073 = arith.constant 0 : i32
      %sign3A_3074 = arith.cmpi slt, %jit3A_3061, %sign3A_3073 : i32
      %sign3A_3075 = arith.extui %sign3A_3074 : i1 to i32
      %sign3A_3076 = arith.subi %sign3A_3072, %sign3A_3075 : i32
      %ne3A_3077 = arith.cmpi ne, %sign3A_3069, %sign3A_3076 : i32
      %rem3A_3078 = arith.remsi %add3A_3060, %jit3A_3061 : i32
      %ne3A_3079 = arith.constant 0 : i32
      %ne3A_3080 = arith.cmpi ne, %rem3A_3078, %ne3A_3079 : i32
      %and3A_3081 = arith.andi %ne3A_3077, %ne3A_3080 : i1
      %sub3A_3082 = arith.constant 1 : i32
      %sub3A_3083 = arith.subi %div3A_3062, %sub3A_3082 : i32
      %select_n3A_3084 = arith.select %and3A_3081, %sub3A_3083, %div3A_3062 : i32
      %jit3A_3085 = arith.constant 2 : i32
      %eq3A_3086 = arith.constant 0 : i32
      %eq3A_3087 = arith.cmpi eq, %jit3A_3085, %eq3A_3086 : i32
      %jit3A_3088 = arith.constant 1 : i32
      %select_n3A_3089 = arith.select %eq3A_3087, %jit3A_3088, %jit3A_3085 : i32
      %rem3A_3090 = arith.remsi %add3A_3060, %select_n3A_3089 : i32
      %ne3A_3091 = arith.constant 0 : i32
      %ne3A_3092 = arith.cmpi ne, %rem3A_3090, %ne3A_3091 : i32
      %lt3A_3093 = arith.constant 0 : i32
      %lt3A_3094 = arith.cmpi slt, %rem3A_3090, %lt3A_3093 : i32
      %lt3A_3095 = arith.constant 0 : i32
      %lt3A_3096 = arith.cmpi slt, %select_n3A_3089, %lt3A_3095 : i32
      %ne3A_3097 = arith.xori %lt3A_3094, %lt3A_3096 : i1
      %and3A_3098 = arith.andi %ne3A_3097, %ne3A_3092 : i1
      %add3A_3099 = arith.addi %rem3A_3090, %select_n3A_3089 : i32
      %select_n3A_3100 = arith.select %and3A_3098, %add3A_3099, %rem3A_3090 : i32
      %mul3A_3101 = arith.constant 64 : i32
      %mul3A_3102 = arith.muli %select_n3A_3100, %mul3A_3101 : i32
      %dma_start3A_3103 = arith.constant 11 : i32
      %dma_start3A_3104 = arith.constant 0 : i32
      %dma_start3A_3105 = arith.constant 0 : i32
      %dma_start3A_3106 = tpu.memref_slice %arg6[%dma_start3A_3103, %dma_start3A_3104, %dma_start3A_3105] : memref<12x64x128xf32, #tpu.memory_space<vmem>> -> memref<1x64x128xf32, #tpu.memory_space<vmem>>
      %dma_start3A_3107 = tpu.memref_squeeze %dma_start3A_3106 : memref<1x64x128xf32, #tpu.memory_space<vmem>> -> memref<64x128xf32, #tpu.memory_space<vmem>>
      %dma_start3A_3108 = tpu.memref_slice %arg5[%select_n3A_3084, %mul3A_3102] : memref<50x128xi32, #tpu.memory_space<vmem>> -> memref<1x64xi32, #tpu.memory_space<vmem>>
      %dma_start3A_3109 = tpu.memref_squeeze %dma_start3A_3108 : memref<1x64xi32, #tpu.memory_space<vmem>> -> memref<64xi32, #tpu.memory_space<vmem>>
      %dma_start3A_3110 = arith.constant 0 : i32
      %dma_start3A_3111 = arith.constant 0 : i32
      %dma_start3A_3112 = tpu.memref_slice %arg2[%dma_start3A_3110, %dma_start3A_3111] : memref<100000x128xf32, #tpu.memory_space<hbm>> -> memref<100000x128xf32, #tpu.memory_space<hbm>>
      tpu.enqueue_indirect_dma source(%dma_start3A_3112 : memref<100000x128xf32, #tpu.memory_space<hbm>>) target(%dma_start3A_3107 : memref<64x128xf32, #tpu.memory_space<vmem>>) offsets(%dma_start3A_3109 : memref<64xi32, #tpu.memory_space<vmem>>) semaphore(%arg18 : memref<!tpu.dma_semaphore, #tpu.memory_space<semaphore_mem>>)
    }
    %scan3A_329 = arith.constant 7 : i32
    %dma_wait3A_330 = arith.constant 45 : i32
    %dma_wait3A_331 = arith.constant 6 : i32
    %dma_wait3A_332 = arith.constant 0 : i32
    %dma_wait3A_333 = arith.constant 0 : i32
    %dma_wait3A_334 = tpu.memref_slice %arg6[%dma_wait3A_331, %dma_wait3A_332, %dma_wait3A_333] : memref<12x64x128xf32, #tpu.memory_space<vmem>> -> memref<1x64x128xf32, #tpu.memory_space<vmem>>
    %dma_wait3A_335 = tpu.memref_squeeze %dma_wait3A_334 : memref<1x64x128xf32, #tpu.memory_space<vmem>> -> memref<64x128xf32, #tpu.memory_space<vmem>>
    %dma_wait3A_336 = arith.constant 0 : i32
    %dma_wait3A_337 = tpu.memref_slice %arg5[%dma_wait3A_330, %dma_wait3A_336] : memref<50x128xi32, #tpu.memory_space<vmem>> -> memref<1x64xi32, #tpu.memory_space<vmem>>
    %dma_wait3A_338 = tpu.memref_squeeze %dma_wait3A_337 : memref<1x64xi32, #tpu.memory_space<vmem>> -> memref<64xi32, #tpu.memory_space<vmem>>
    %dma_wait3A_339 = arith.constant 0 : i32
    %dma_wait3A_340 = arith.constant 0 : i32
    %dma_wait3A_341 = tpu.memref_slice %arg2[%dma_wait3A_339, %dma_wait3A_340] : memref<100000x128xf32, #tpu.memory_space<hbm>> -> memref<100000x128xf32, #tpu.memory_space<hbm>>
    tpu.wait_indirect_dma semaphore(%arg13 : memref<!tpu.dma_semaphore, #tpu.memory_space<semaphore_mem>>) src(%dma_wait3A_341 : memref<100000x128xf32, #tpu.memory_space<hbm>>) dst(%dma_wait3A_335 : memref<64x128xf32, #tpu.memory_space<vmem>>)
    %add3A_342 = arith.constant 0 : i32
    %add3A_343 = arith.addi %mul3A_2, %add3A_342 : i32
    %dma_start3A_344 = arith.constant 6 : i32
    %dma_start3A_345 = arith.constant 45 : i32
    %dma_start3A_346 = arith.constant 0 : i32
    %dma_start3A_347 = arith.constant 0 : i32
    %dma_start3A_348 = tpu.memref_slice %arg6[%dma_start3A_344, %dma_start3A_346, %dma_start3A_347] : memref<12x64x128xf32, #tpu.memory_space<vmem>> -> memref<1x64x128xf32, #tpu.memory_space<vmem>>
    %dma_start3A_349 = tpu.memref_squeeze %dma_start3A_348 : memref<1x64x128xf32, #tpu.memory_space<vmem>> -> memref<64x128xf32, #tpu.memory_space<vmem>>
    %dma_start3A_350 = arith.constant 0 : i32
    %dma_start3A_351 = tpu.memref_slice %arg4[%dma_start3A_345, %add3A_343, %dma_start3A_350] : memref<50x4096x128xf32, #tpu.memory_space<hbm>> -> memref<1x64x128xf32, #tpu.memory_space<hbm>>
    %dma_start3A_352 = tpu.memref_squeeze %dma_start3A_351 : memref<1x64x128xf32, #tpu.memory_space<hbm>> -> memref<64x128xf32, #tpu.memory_space<hbm>>
    %dma_start3A_353 = arith.constant 0 : i32
    %dma_start3A_354 = tpu.memref_slice %arg4[%dma_start3A_345, %add3A_343, %dma_start3A_353] : memref<50x4096x128xf32, #tpu.memory_space<hbm>> -> memref<1x64x128xf32, #tpu.memory_space<hbm>>
    %dma_start3A_355 = tpu.memref_squeeze %dma_start3A_354 : memref<1x64x128xf32, #tpu.memory_space<hbm>> -> memref<64x128xf32, #tpu.memory_space<hbm>>
    %dma_start3A_356 = arith.constant 0 : i32
    %dma_start3A_357 = arith.constant 0 : i32
    %dma_start3A_358 = tpu.memref_slice %arg6[%dma_start3A_344, %dma_start3A_356, %dma_start3A_357] : memref<12x64x128xf32, #tpu.memory_space<vmem>> -> memref<1x64x128xf32, #tpu.memory_space<vmem>>
    %dma_start3A_359 = tpu.memref_squeeze %dma_start3A_358 : memref<1x64x128xf32, #tpu.memory_space<vmem>> -> memref<64x128xf32, #tpu.memory_space<vmem>>
    tpu.enqueue_dma source(%dma_start3A_359 : memref<64x128xf32, #tpu.memory_space<vmem>>) target(%dma_start3A_355 : memref<64x128xf32, #tpu.memory_space<hbm>>) target_semaphore(%arg25 : memref<!tpu.dma_semaphore, #tpu.memory_space<semaphore_mem>>)
    %dma_wait3A_360 = arith.constant 0 : i32
    %dma_wait3A_361 = arith.constant 0 : i32
    %dma_wait3A_362 = arith.constant 0 : i32
    %dma_wait3A_363 = arith.constant 0 : i32
    %dma_wait3A_364 = tpu.memref_slice %arg6[%dma_wait3A_360, %dma_wait3A_362, %dma_wait3A_363] : memref<12x64x128xf32, #tpu.memory_space<vmem>> -> memref<1x64x128xf32, #tpu.memory_space<vmem>>
    %dma_wait3A_365 = tpu.memref_squeeze %dma_wait3A_364 : memref<1x64x128xf32, #tpu.memory_space<vmem>> -> memref<64x128xf32, #tpu.memory_space<vmem>>
    %dma_wait3A_366 = arith.constant 0 : i32
    %dma_wait3A_367 = tpu.memref_slice %arg4[%dma_wait3A_361, %mul3A_2, %dma_wait3A_366] : memref<50x4096x128xf32, #tpu.memory_space<hbm>> -> memref<1x64x128xf32, #tpu.memory_space<hbm>>
    %dma_wait3A_368 = tpu.memref_squeeze %dma_wait3A_367 : memref<1x64x128xf32, #tpu.memory_space<hbm>> -> memref<64x128xf32, #tpu.memory_space<hbm>>
    %dma_wait3A_369 = arith.constant 0 : i32
    %dma_wait3A_370 = tpu.memref_slice %arg4[%dma_wait3A_361, %mul3A_2, %dma_wait3A_369] : memref<50x4096x128xf32, #tpu.memory_space<hbm>> -> memref<1x64x128xf32, #tpu.memory_space<hbm>>
    %dma_wait3A_371 = tpu.memref_squeeze %dma_wait3A_370 : memref<1x64x128xf32, #tpu.memory_space<hbm>> -> memref<64x128xf32, #tpu.memory_space<hbm>>
    %dma_wait3A_372 = arith.constant 0 : i32
    %dma_wait3A_373 = arith.constant 0 : i32
    %dma_wait3A_374 = tpu.memref_slice %arg6[%dma_wait3A_360, %dma_wait3A_372, %dma_wait3A_373] : memref<12x64x128xf32, #tpu.memory_space<vmem>> -> memref<1x64x128xf32, #tpu.memory_space<vmem>>
    %dma_wait3A_375 = tpu.memref_squeeze %dma_wait3A_374 : memref<1x64x128xf32, #tpu.memory_space<vmem>> -> memref<64x128xf32, #tpu.memory_space<vmem>>
    tpu.wait_dma2 semaphore(%arg19 : memref<!tpu.dma_semaphore, #tpu.memory_space<semaphore_mem>>) src(%dma_wait3A_375 : memref<64x128xf32, #tpu.memory_space<vmem>>) dst(%dma_wait3A_371 : memref<64x128xf32, #tpu.memory_space<hbm>>)
    %dma_start3A_376 = arith.constant 48 : i32
    %dma_start3A_377 = arith.constant 0 : i32
    %dma_start3A_378 = arith.constant 0 : i32
    %dma_start3A_379 = arith.constant 0 : i32
    %dma_start3A_380 = tpu.memref_slice %arg6[%dma_start3A_377, %dma_start3A_378, %dma_start3A_379] : memref<12x64x128xf32, #tpu.memory_space<vmem>> -> memref<1x64x128xf32, #tpu.memory_space<vmem>>
    %dma_start3A_381 = tpu.memref_squeeze %dma_start3A_380 : memref<1x64x128xf32, #tpu.memory_space<vmem>> -> memref<64x128xf32, #tpu.memory_space<vmem>>
    %dma_start3A_382 = arith.constant 0 : i32
    %dma_start3A_383 = tpu.memref_slice %arg5[%dma_start3A_376, %dma_start3A_382] : memref<50x128xi32, #tpu.memory_space<vmem>> -> memref<1x64xi32, #tpu.memory_space<vmem>>
    %dma_start3A_384 = tpu.memref_squeeze %dma_start3A_383 : memref<1x64xi32, #tpu.memory_space<vmem>> -> memref<64xi32, #tpu.memory_space<vmem>>
    %dma_start3A_385 = arith.constant 0 : i32
    %dma_start3A_386 = arith.constant 0 : i32
    %dma_start3A_387 = tpu.memref_slice %arg2[%dma_start3A_385, %dma_start3A_386] : memref<100000x128xf32, #tpu.memory_space<hbm>> -> memref<100000x128xf32, #tpu.memory_space<hbm>>
    tpu.enqueue_indirect_dma source(%dma_start3A_387 : memref<100000x128xf32, #tpu.memory_space<hbm>>) target(%dma_start3A_381 : memref<64x128xf32, #tpu.memory_space<vmem>>) offsets(%dma_start3A_384 : memref<64xi32, #tpu.memory_space<vmem>>) semaphore(%arg7 : memref<!tpu.dma_semaphore, #tpu.memory_space<semaphore_mem>>)
    %dma_wait3A_388 = arith.constant 45 : i32
    %dma_wait3A_389 = arith.constant 7 : i32
    %dma_wait3A_390 = arith.constant 0 : i32
    %dma_wait3A_391 = arith.constant 0 : i32
    %dma_wait3A_392 = tpu.memref_slice %arg6[%dma_wait3A_389, %dma_wait3A_390, %dma_wait3A_391] : memref<12x64x128xf32, #tpu.memory_space<vmem>> -> memref<1x64x128xf32, #tpu.memory_space<vmem>>
    %dma_wait3A_393 = tpu.memref_squeeze %dma_wait3A_392 : memref<1x64x128xf32, #tpu.memory_space<vmem>> -> memref<64x128xf32, #tpu.memory_space<vmem>>
    %dma_wait3A_394 = arith.constant 64 : i32
    %dma_wait3A_395 = tpu.memref_slice %arg5[%dma_wait3A_388, %dma_wait3A_394] : memref<50x128xi32, #tpu.memory_space<vmem>> -> memref<1x64xi32, #tpu.memory_space<vmem>>
    %dma_wait3A_396 = tpu.memref_squeeze %dma_wait3A_395 : memref<1x64xi32, #tpu.memory_space<vmem>> -> memref<64xi32, #tpu.memory_space<vmem>>
    %dma_wait3A_397 = arith.constant 0 : i32
    %dma_wait3A_398 = arith.constant 0 : i32
    %dma_wait3A_399 = tpu.memref_slice %arg2[%dma_wait3A_397, %dma_wait3A_398] : memref<100000x128xf32, #tpu.memory_space<hbm>> -> memref<100000x128xf32, #tpu.memory_space<hbm>>
    tpu.wait_indirect_dma semaphore(%arg14 : memref<!tpu.dma_semaphore, #tpu.memory_space<semaphore_mem>>) src(%dma_wait3A_399 : memref<100000x128xf32, #tpu.memory_space<hbm>>) dst(%dma_wait3A_393 : memref<64x128xf32, #tpu.memory_space<vmem>>)
    %add3A_400 = arith.constant 64 : i32
    %add3A_401 = arith.addi %mul3A_2, %add3A_400 : i32
    %dma_start3A_402 = arith.constant 7 : i32
    %dma_start3A_403 = arith.constant 45 : i32
    %dma_start3A_404 = arith.constant 0 : i32
    %dma_start3A_405 = arith.constant 0 : i32
    %dma_start3A_406 = tpu.memref_slice %arg6[%dma_start3A_402, %dma_start3A_404, %dma_start3A_405] : memref<12x64x128xf32, #tpu.memory_space<vmem>> -> memref<1x64x128xf32, #tpu.memory_space<vmem>>
    %dma_start3A_407 = tpu.memref_squeeze %dma_start3A_406 : memref<1x64x128xf32, #tpu.memory_space<vmem>> -> memref<64x128xf32, #tpu.memory_space<vmem>>
    %dma_start3A_408 = arith.constant 0 : i32
    %dma_start3A_409 = tpu.memref_slice %arg4[%dma_start3A_403, %add3A_401, %dma_start3A_408] : memref<50x4096x128xf32, #tpu.memory_space<hbm>> -> memref<1x64x128xf32, #tpu.memory_space<hbm>>
    %dma_start3A_410 = tpu.memref_squeeze %dma_start3A_409 : memref<1x64x128xf32, #tpu.memory_space<hbm>> -> memref<64x128xf32, #tpu.memory_space<hbm>>
    %dma_start3A_411 = arith.constant 0 : i32
    %dma_start3A_412 = tpu.memref_slice %arg4[%dma_start3A_403, %add3A_401, %dma_start3A_411] : memref<50x4096x128xf32, #tpu.memory_space<hbm>> -> memref<1x64x128xf32, #tpu.memory_space<hbm>>
    %dma_start3A_413 = tpu.memref_squeeze %dma_start3A_412 : memref<1x64x128xf32, #tpu.memory_space<hbm>> -> memref<64x128xf32, #tpu.memory_space<hbm>>
    %dma_start3A_414 = arith.constant 0 : i32
    %dma_start3A_415 = arith.constant 0 : i32
    %dma_start3A_416 = tpu.memref_slice %arg6[%dma_start3A_402, %dma_start3A_414, %dma_start3A_415] : memref<12x64x128xf32, #tpu.memory_space<vmem>> -> memref<1x64x128xf32, #tpu.memory_space<vmem>>
    %dma_start3A_417 = tpu.memref_squeeze %dma_start3A_416 : memref<1x64x128xf32, #tpu.memory_space<vmem>> -> memref<64x128xf32, #tpu.memory_space<vmem>>
    tpu.enqueue_dma source(%dma_start3A_417 : memref<64x128xf32, #tpu.memory_space<vmem>>) target(%dma_start3A_413 : memref<64x128xf32, #tpu.memory_space<hbm>>) target_semaphore(%arg26 : memref<!tpu.dma_semaphore, #tpu.memory_space<semaphore_mem>>)
    %dma_wait3A_418 = arith.constant 1 : i32
    %dma_wait3A_419 = arith.constant 0 : i32
    %dma_wait3A_420 = arith.constant 0 : i32
    %dma_wait3A_421 = arith.constant 0 : i32
    %dma_wait3A_422 = tpu.memref_slice %arg6[%dma_wait3A_418, %dma_wait3A_420, %dma_wait3A_421] : memref<12x64x128xf32, #tpu.memory_space<vmem>> -> memref<1x64x128xf32, #tpu.memory_space<vmem>>
    %dma_wait3A_423 = tpu.memref_squeeze %dma_wait3A_422 : memref<1x64x128xf32, #tpu.memory_space<vmem>> -> memref<64x128xf32, #tpu.memory_space<vmem>>
    %dma_wait3A_424 = arith.constant 0 : i32
    %dma_wait3A_425 = tpu.memref_slice %arg4[%dma_wait3A_419, %mul3A_2, %dma_wait3A_424] : memref<50x4096x128xf32, #tpu.memory_space<hbm>> -> memref<1x64x128xf32, #tpu.memory_space<hbm>>
    %dma_wait3A_426 = tpu.memref_squeeze %dma_wait3A_425 : memref<1x64x128xf32, #tpu.memory_space<hbm>> -> memref<64x128xf32, #tpu.memory_space<hbm>>
    %dma_wait3A_427 = arith.constant 0 : i32
    %dma_wait3A_428 = tpu.memref_slice %arg4[%dma_wait3A_419, %mul3A_2, %dma_wait3A_427] : memref<50x4096x128xf32, #tpu.memory_space<hbm>> -> memref<1x64x128xf32, #tpu.memory_space<hbm>>
    %dma_wait3A_429 = tpu.memref_squeeze %dma_wait3A_428 : memref<1x64x128xf32, #tpu.memory_space<hbm>> -> memref<64x128xf32, #tpu.memory_space<hbm>>
    %dma_wait3A_430 = arith.constant 0 : i32
    %dma_wait3A_431 = arith.constant 0 : i32
    %dma_wait3A_432 = tpu.memref_slice %arg6[%dma_wait3A_418, %dma_wait3A_430, %dma_wait3A_431] : memref<12x64x128xf32, #tpu.memory_space<vmem>> -> memref<1x64x128xf32, #tpu.memory_space<vmem>>
    %dma_wait3A_433 = tpu.memref_squeeze %dma_wait3A_432 : memref<1x64x128xf32, #tpu.memory_space<vmem>> -> memref<64x128xf32, #tpu.memory_space<vmem>>
    tpu.wait_dma2 semaphore(%arg20 : memref<!tpu.dma_semaphore, #tpu.memory_space<semaphore_mem>>) src(%dma_wait3A_433 : memref<64x128xf32, #tpu.memory_space<vmem>>) dst(%dma_wait3A_429 : memref<64x128xf32, #tpu.memory_space<hbm>>)
    %dma_start3A_434 = arith.constant 48 : i32
    %dma_start3A_435 = arith.constant 1 : i32
    %dma_start3A_436 = arith.constant 0 : i32
    %dma_start3A_437 = arith.constant 0 : i32
    %dma_start3A_438 = tpu.memref_slice %arg6[%dma_start3A_435, %dma_start3A_436, %dma_start3A_437] : memref<12x64x128xf32, #tpu.memory_space<vmem>> -> memref<1x64x128xf32, #tpu.memory_space<vmem>>
    %dma_start3A_439 = tpu.memref_squeeze %dma_start3A_438 : memref<1x64x128xf32, #tpu.memory_space<vmem>> -> memref<64x128xf32, #tpu.memory_space<vmem>>
    %dma_start3A_440 = arith.constant 64 : i32
    %dma_start3A_441 = tpu.memref_slice %arg5[%dma_start3A_434, %dma_start3A_440] : memref<50x128xi32, #tpu.memory_space<vmem>> -> memref<1x64xi32, #tpu.memory_space<vmem>>
    %dma_start3A_442 = tpu.memref_squeeze %dma_start3A_441 : memref<1x64xi32, #tpu.memory_space<vmem>> -> memref<64xi32, #tpu.memory_space<vmem>>
    %dma_start3A_443 = arith.constant 0 : i32
    %dma_start3A_444 = arith.constant 0 : i32
    %dma_start3A_445 = tpu.memref_slice %arg2[%dma_start3A_443, %dma_start3A_444] : memref<100000x128xf32, #tpu.memory_space<hbm>> -> memref<100000x128xf32, #tpu.memory_space<hbm>>
    tpu.enqueue_indirect_dma source(%dma_start3A_445 : memref<100000x128xf32, #tpu.memory_space<hbm>>) target(%dma_start3A_439 : memref<64x128xf32, #tpu.memory_space<vmem>>) offsets(%dma_start3A_442 : memref<64xi32, #tpu.memory_space<vmem>>) semaphore(%arg8 : memref<!tpu.dma_semaphore, #tpu.memory_space<semaphore_mem>>)
    %dma_wait3A_446 = arith.constant 46 : i32
    %dma_wait3A_447 = arith.constant 8 : i32
    %dma_wait3A_448 = arith.constant 0 : i32
    %dma_wait3A_449 = arith.constant 0 : i32
    %dma_wait3A_450 = tpu.memref_slice %arg6[%dma_wait3A_447, %dma_wait3A_448, %dma_wait3A_449] : memref<12x64x128xf32, #tpu.memory_space<vmem>> -> memref<1x64x128xf32, #tpu.memory_space<vmem>>
    %dma_wait3A_451 = tpu.memref_squeeze %dma_wait3A_450 : memref<1x64x128xf32, #tpu.memory_space<vmem>> -> memref<64x128xf32, #tpu.memory_space<vmem>>
    %dma_wait3A_452 = arith.constant 0 : i32
    %dma_wait3A_453 = tpu.memref_slice %arg5[%dma_wait3A_446, %dma_wait3A_452] : memref<50x128xi32, #tpu.memory_space<vmem>> -> memref<1x64xi32, #tpu.memory_space<vmem>>
    %dma_wait3A_454 = tpu.memref_squeeze %dma_wait3A_453 : memref<1x64xi32, #tpu.memory_space<vmem>> -> memref<64xi32, #tpu.memory_space<vmem>>
    %dma_wait3A_455 = arith.constant 0 : i32
    %dma_wait3A_456 = arith.constant 0 : i32
    %dma_wait3A_457 = tpu.memref_slice %arg2[%dma_wait3A_455, %dma_wait3A_456] : memref<100000x128xf32, #tpu.memory_space<hbm>> -> memref<100000x128xf32, #tpu.memory_space<hbm>>
    tpu.wait_indirect_dma semaphore(%arg15 : memref<!tpu.dma_semaphore, #tpu.memory_space<semaphore_mem>>) src(%dma_wait3A_457 : memref<100000x128xf32, #tpu.memory_space<hbm>>) dst(%dma_wait3A_451 : memref<64x128xf32, #tpu.memory_space<vmem>>)
    %add3A_458 = arith.constant 0 : i32
    %add3A_459 = arith.addi %mul3A_2, %add3A_458 : i32
    %dma_start3A_460 = arith.constant 8 : i32
    %dma_start3A_461 = arith.constant 46 : i32
    %dma_start3A_462 = arith.constant 0 : i32
    %dma_start3A_463 = arith.constant 0 : i32
    %dma_start3A_464 = tpu.memref_slice %arg6[%dma_start3A_460, %dma_start3A_462, %dma_start3A_463] : memref<12x64x128xf32, #tpu.memory_space<vmem>> -> memref<1x64x128xf32, #tpu.memory_space<vmem>>
    %dma_start3A_465 = tpu.memref_squeeze %dma_start3A_464 : memref<1x64x128xf32, #tpu.memory_space<vmem>> -> memref<64x128xf32, #tpu.memory_space<vmem>>
    %dma_start3A_466 = arith.constant 0 : i32
    %dma_start3A_467 = tpu.memref_slice %arg4[%dma_start3A_461, %add3A_459, %dma_start3A_466] : memref<50x4096x128xf32, #tpu.memory_space<hbm>> -> memref<1x64x128xf32, #tpu.memory_space<hbm>>
    %dma_start3A_468 = tpu.memref_squeeze %dma_start3A_467 : memref<1x64x128xf32, #tpu.memory_space<hbm>> -> memref<64x128xf32, #tpu.memory_space<hbm>>
    %dma_start3A_469 = arith.constant 0 : i32
    %dma_start3A_470 = tpu.memref_slice %arg4[%dma_start3A_461, %add3A_459, %dma_start3A_469] : memref<50x4096x128xf32, #tpu.memory_space<hbm>> -> memref<1x64x128xf32, #tpu.memory_space<hbm>>
    %dma_start3A_471 = tpu.memref_squeeze %dma_start3A_470 : memref<1x64x128xf32, #tpu.memory_space<hbm>> -> memref<64x128xf32, #tpu.memory_space<hbm>>
    %dma_start3A_472 = arith.constant 0 : i32
    %dma_start3A_473 = arith.constant 0 : i32
    %dma_start3A_474 = tpu.memref_slice %arg6[%dma_start3A_460, %dma_start3A_472, %dma_start3A_473] : memref<12x64x128xf32, #tpu.memory_space<vmem>> -> memref<1x64x128xf32, #tpu.memory_space<vmem>>
    %dma_start3A_475 = tpu.memref_squeeze %dma_start3A_474 : memref<1x64x128xf32, #tpu.memory_space<vmem>> -> memref<64x128xf32, #tpu.memory_space<vmem>>
    tpu.enqueue_dma source(%dma_start3A_475 : memref<64x128xf32, #tpu.memory_space<vmem>>) target(%dma_start3A_471 : memref<64x128xf32, #tpu.memory_space<hbm>>) target_semaphore(%arg27 : memref<!tpu.dma_semaphore, #tpu.memory_space<semaphore_mem>>)
    %dma_wait3A_476 = arith.constant 2 : i32
    %dma_wait3A_477 = arith.constant 0 : i32
    %dma_wait3A_478 = arith.constant 0 : i32
    %dma_wait3A_479 = arith.constant 0 : i32
    %dma_wait3A_480 = tpu.memref_slice %arg6[%dma_wait3A_476, %dma_wait3A_478, %dma_wait3A_479] : memref<12x64x128xf32, #tpu.memory_space<vmem>> -> memref<1x64x128xf32, #tpu.memory_space<vmem>>
    %dma_wait3A_481 = tpu.memref_squeeze %dma_wait3A_480 : memref<1x64x128xf32, #tpu.memory_space<vmem>> -> memref<64x128xf32, #tpu.memory_space<vmem>>
    %dma_wait3A_482 = arith.constant 0 : i32
    %dma_wait3A_483 = tpu.memref_slice %arg4[%dma_wait3A_477, %mul3A_2, %dma_wait3A_482] : memref<50x4096x128xf32, #tpu.memory_space<hbm>> -> memref<1x64x128xf32, #tpu.memory_space<hbm>>
    %dma_wait3A_484 = tpu.memref_squeeze %dma_wait3A_483 : memref<1x64x128xf32, #tpu.memory_space<hbm>> -> memref<64x128xf32, #tpu.memory_space<hbm>>
    %dma_wait3A_485 = arith.constant 0 : i32
    %dma_wait3A_486 = tpu.memref_slice %arg4[%dma_wait3A_477, %mul3A_2, %dma_wait3A_485] : memref<50x4096x128xf32, #tpu.memory_space<hbm>> -> memref<1x64x128xf32, #tpu.memory_space<hbm>>
    %dma_wait3A_487 = tpu.memref_squeeze %dma_wait3A_486 : memref<1x64x128xf32, #tpu.memory_space<hbm>> -> memref<64x128xf32, #tpu.memory_space<hbm>>
    %dma_wait3A_488 = arith.constant 0 : i32
    %dma_wait3A_489 = arith.constant 0 : i32
    %dma_wait3A_490 = tpu.memref_slice %arg6[%dma_wait3A_476, %dma_wait3A_488, %dma_wait3A_489] : memref<12x64x128xf32, #tpu.memory_space<vmem>> -> memref<1x64x128xf32, #tpu.memory_space<vmem>>
    %dma_wait3A_491 = tpu.memref_squeeze %dma_wait3A_490 : memref<1x64x128xf32, #tpu.memory_space<vmem>> -> memref<64x128xf32, #tpu.memory_space<vmem>>
    tpu.wait_dma2 semaphore(%arg21 : memref<!tpu.dma_semaphore, #tpu.memory_space<semaphore_mem>>) src(%dma_wait3A_491 : memref<64x128xf32, #tpu.memory_space<vmem>>) dst(%dma_wait3A_487 : memref<64x128xf32, #tpu.memory_space<hbm>>)
    %dma_start3A_492 = arith.constant 49 : i32
    %dma_start3A_493 = arith.constant 2 : i32
    %dma_start3A_494 = arith.constant 0 : i32
    %dma_start3A_495 = arith.constant 0 : i32
    %dma_start3A_496 = tpu.memref_slice %arg6[%dma_start3A_493, %dma_start3A_494, %dma_start3A_495] : memref<12x64x128xf32, #tpu.memory_space<vmem>> -> memref<1x64x128xf32, #tpu.memory_space<vmem>>
    %dma_start3A_497 = tpu.memref_squeeze %dma_start3A_496 : memref<1x64x128xf32, #tpu.memory_space<vmem>> -> memref<64x128xf32, #tpu.memory_space<vmem>>
    %dma_start3A_498 = arith.constant 0 : i32
    %dma_start3A_499 = tpu.memref_slice %arg5[%dma_start3A_492, %dma_start3A_498] : memref<50x128xi32, #tpu.memory_space<vmem>> -> memref<1x64xi32, #tpu.memory_space<vmem>>
    %dma_start3A_500 = tpu.memref_squeeze %dma_start3A_499 : memref<1x64xi32, #tpu.memory_space<vmem>> -> memref<64xi32, #tpu.memory_space<vmem>>
    %dma_start3A_501 = arith.constant 0 : i32
    %dma_start3A_502 = arith.constant 0 : i32
    %dma_start3A_503 = tpu.memref_slice %arg2[%dma_start3A_501, %dma_start3A_502] : memref<100000x128xf32, #tpu.memory_space<hbm>> -> memref<100000x128xf32, #tpu.memory_space<hbm>>
    tpu.enqueue_indirect_dma source(%dma_start3A_503 : memref<100000x128xf32, #tpu.memory_space<hbm>>) target(%dma_start3A_497 : memref<64x128xf32, #tpu.memory_space<vmem>>) offsets(%dma_start3A_500 : memref<64xi32, #tpu.memory_space<vmem>>) semaphore(%arg9 : memref<!tpu.dma_semaphore, #tpu.memory_space<semaphore_mem>>)
    %dma_wait3A_504 = arith.constant 46 : i32
    %dma_wait3A_505 = arith.constant 9 : i32
    %dma_wait3A_506 = arith.constant 0 : i32
    %dma_wait3A_507 = arith.constant 0 : i32
    %dma_wait3A_508 = tpu.memref_slice %arg6[%dma_wait3A_505, %dma_wait3A_506, %dma_wait3A_507] : memref<12x64x128xf32, #tpu.memory_space<vmem>> -> memref<1x64x128xf32, #tpu.memory_space<vmem>>
    %dma_wait3A_509 = tpu.memref_squeeze %dma_wait3A_508 : memref<1x64x128xf32, #tpu.memory_space<vmem>> -> memref<64x128xf32, #tpu.memory_space<vmem>>
    %dma_wait3A_510 = arith.constant 64 : i32
    %dma_wait3A_511 = tpu.memref_slice %arg5[%dma_wait3A_504, %dma_wait3A_510] : memref<50x128xi32, #tpu.memory_space<vmem>> -> memref<1x64xi32, #tpu.memory_space<vmem>>
    %dma_wait3A_512 = tpu.memref_squeeze %dma_wait3A_511 : memref<1x64xi32, #tpu.memory_space<vmem>> -> memref<64xi32, #tpu.memory_space<vmem>>
    %dma_wait3A_513 = arith.constant 0 : i32
    %dma_wait3A_514 = arith.constant 0 : i32
    %dma_wait3A_515 = tpu.memref_slice %arg2[%dma_wait3A_513, %dma_wait3A_514] : memref<100000x128xf32, #tpu.memory_space<hbm>> -> memref<100000x128xf32, #tpu.memory_space<hbm>>
    tpu.wait_indirect_dma semaphore(%arg16 : memref<!tpu.dma_semaphore, #tpu.memory_space<semaphore_mem>>) src(%dma_wait3A_515 : memref<100000x128xf32, #tpu.memory_space<hbm>>) dst(%dma_wait3A_509 : memref<64x128xf32, #tpu.memory_space<vmem>>)
    %add3A_516 = arith.constant 64 : i32
    %add3A_517 = arith.addi %mul3A_2, %add3A_516 : i32
    %dma_start3A_518 = arith.constant 9 : i32
    %dma_start3A_519 = arith.constant 46 : i32
    %dma_start3A_520 = arith.constant 0 : i32
    %dma_start3A_521 = arith.constant 0 : i32
    %dma_start3A_522 = tpu.memref_slice %arg6[%dma_start3A_518, %dma_start3A_520, %dma_start3A_521] : memref<12x64x128xf32, #tpu.memory_space<vmem>> -> memref<1x64x128xf32, #tpu.memory_space<vmem>>
    %dma_start3A_523 = tpu.memref_squeeze %dma_start3A_522 : memref<1x64x128xf32, #tpu.memory_space<vmem>> -> memref<64x128xf32, #tpu.memory_space<vmem>>
    %dma_start3A_524 = arith.constant 0 : i32
    %dma_start3A_525 = tpu.memref_slice %arg4[%dma_start3A_519, %add3A_517, %dma_start3A_524] : memref<50x4096x128xf32, #tpu.memory_space<hbm>> -> memref<1x64x128xf32, #tpu.memory_space<hbm>>
    %dma_start3A_526 = tpu.memref_squeeze %dma_start3A_525 : memref<1x64x128xf32, #tpu.memory_space<hbm>> -> memref<64x128xf32, #tpu.memory_space<hbm>>
    %dma_start3A_527 = arith.constant 0 : i32
    %dma_start3A_528 = tpu.memref_slice %arg4[%dma_start3A_519, %add3A_517, %dma_start3A_527] : memref<50x4096x128xf32, #tpu.memory_space<hbm>> -> memref<1x64x128xf32, #tpu.memory_space<hbm>>
    %dma_start3A_529 = tpu.memref_squeeze %dma_start3A_528 : memref<1x64x128xf32, #tpu.memory_space<hbm>> -> memref<64x128xf32, #tpu.memory_space<hbm>>
    %dma_start3A_530 = arith.constant 0 : i32
    %dma_start3A_531 = arith.constant 0 : i32
    %dma_start3A_532 = tpu.memref_slice %arg6[%dma_start3A_518, %dma_start3A_530, %dma_start3A_531] : memref<12x64x128xf32, #tpu.memory_space<vmem>> -> memref<1x64x128xf32, #tpu.memory_space<vmem>>
    %dma_start3A_533 = tpu.memref_squeeze %dma_start3A_532 : memref<1x64x128xf32, #tpu.memory_space<vmem>> -> memref<64x128xf32, #tpu.memory_space<vmem>>
    tpu.enqueue_dma source(%dma_start3A_533 : memref<64x128xf32, #tpu.memory_space<vmem>>) target(%dma_start3A_529 : memref<64x128xf32, #tpu.memory_space<hbm>>) target_semaphore(%arg28 : memref<!tpu.dma_semaphore, #tpu.memory_space<semaphore_mem>>)
    %dma_wait3A_534 = arith.constant 3 : i32
    %dma_wait3A_535 = arith.constant 0 : i32
    %dma_wait3A_536 = arith.constant 0 : i32
    %dma_wait3A_537 = arith.constant 0 : i32
    %dma_wait3A_538 = tpu.memref_slice %arg6[%dma_wait3A_534, %dma_wait3A_536, %dma_wait3A_537] : memref<12x64x128xf32, #tpu.memory_space<vmem>> -> memref<1x64x128xf32, #tpu.memory_space<vmem>>
    %dma_wait3A_539 = tpu.memref_squeeze %dma_wait3A_538 : memref<1x64x128xf32, #tpu.memory_space<vmem>> -> memref<64x128xf32, #tpu.memory_space<vmem>>
    %dma_wait3A_540 = arith.constant 0 : i32
    %dma_wait3A_541 = tpu.memref_slice %arg4[%dma_wait3A_535, %mul3A_2, %dma_wait3A_540] : memref<50x4096x128xf32, #tpu.memory_space<hbm>> -> memref<1x64x128xf32, #tpu.memory_space<hbm>>
    %dma_wait3A_542 = tpu.memref_squeeze %dma_wait3A_541 : memref<1x64x128xf32, #tpu.memory_space<hbm>> -> memref<64x128xf32, #tpu.memory_space<hbm>>
    %dma_wait3A_543 = arith.constant 0 : i32
    %dma_wait3A_544 = tpu.memref_slice %arg4[%dma_wait3A_535, %mul3A_2, %dma_wait3A_543] : memref<50x4096x128xf32, #tpu.memory_space<hbm>> -> memref<1x64x128xf32, #tpu.memory_space<hbm>>
    %dma_wait3A_545 = tpu.memref_squeeze %dma_wait3A_544 : memref<1x64x128xf32, #tpu.memory_space<hbm>> -> memref<64x128xf32, #tpu.memory_space<hbm>>
    %dma_wait3A_546 = arith.constant 0 : i32
    %dma_wait3A_547 = arith.constant 0 : i32
    %dma_wait3A_548 = tpu.memref_slice %arg6[%dma_wait3A_534, %dma_wait3A_546, %dma_wait3A_547] : memref<12x64x128xf32, #tpu.memory_space<vmem>> -> memref<1x64x128xf32, #tpu.memory_space<vmem>>
    %dma_wait3A_549 = tpu.memref_squeeze %dma_wait3A_548 : memref<1x64x128xf32, #tpu.memory_space<vmem>> -> memref<64x128xf32, #tpu.memory_space<vmem>>
    tpu.wait_dma2 semaphore(%arg22 : memref<!tpu.dma_semaphore, #tpu.memory_space<semaphore_mem>>) src(%dma_wait3A_549 : memref<64x128xf32, #tpu.memory_space<vmem>>) dst(%dma_wait3A_545 : memref<64x128xf32, #tpu.memory_space<hbm>>)
    %dma_start3A_550 = arith.constant 49 : i32
    %dma_start3A_551 = arith.constant 3 : i32
    %dma_start3A_552 = arith.constant 0 : i32
    %dma_start3A_553 = arith.constant 0 : i32
    %dma_start3A_554 = tpu.memref_slice %arg6[%dma_start3A_551, %dma_start3A_552, %dma_start3A_553] : memref<12x64x128xf32, #tpu.memory_space<vmem>> -> memref<1x64x128xf32, #tpu.memory_space<vmem>>
    %dma_start3A_555 = tpu.memref_squeeze %dma_start3A_554 : memref<1x64x128xf32, #tpu.memory_space<vmem>> -> memref<64x128xf32, #tpu.memory_space<vmem>>
    %dma_start3A_556 = arith.constant 64 : i32
    %dma_start3A_557 = tpu.memref_slice %arg5[%dma_start3A_550, %dma_start3A_556] : memref<50x128xi32, #tpu.memory_space<vmem>> -> memref<1x64xi32, #tpu.memory_space<vmem>>
    %dma_start3A_558 = tpu.memref_squeeze %dma_start3A_557 : memref<1x64xi32, #tpu.memory_space<vmem>> -> memref<64xi32, #tpu.memory_space<vmem>>
    %dma_start3A_559 = arith.constant 0 : i32
    %dma_start3A_560 = arith.constant 0 : i32
    %dma_start3A_561 = tpu.memref_slice %arg2[%dma_start3A_559, %dma_start3A_560] : memref<100000x128xf32, #tpu.memory_space<hbm>> -> memref<100000x128xf32, #tpu.memory_space<hbm>>
    tpu.enqueue_indirect_dma source(%dma_start3A_561 : memref<100000x128xf32, #tpu.memory_space<hbm>>) target(%dma_start3A_555 : memref<64x128xf32, #tpu.memory_space<vmem>>) offsets(%dma_start3A_558 : memref<64xi32, #tpu.memory_space<vmem>>) semaphore(%arg10 : memref<!tpu.dma_semaphore, #tpu.memory_space<semaphore_mem>>)
    %dma_wait3A_562 = arith.constant 47 : i32
    %dma_wait3A_563 = arith.constant 10 : i32
    %dma_wait3A_564 = arith.constant 0 : i32
    %dma_wait3A_565 = arith.constant 0 : i32
    %dma_wait3A_566 = tpu.memref_slice %arg6[%dma_wait3A_563, %dma_wait3A_564, %dma_wait3A_565] : memref<12x64x128xf32, #tpu.memory_space<vmem>> -> memref<1x64x128xf32, #tpu.memory_space<vmem>>
    %dma_wait3A_567 = tpu.memref_squeeze %dma_wait3A_566 : memref<1x64x128xf32, #tpu.memory_space<vmem>> -> memref<64x128xf32, #tpu.memory_space<vmem>>
    %dma_wait3A_568 = arith.constant 0 : i32
    %dma_wait3A_569 = tpu.memref_slice %arg5[%dma_wait3A_562, %dma_wait3A_568] : memref<50x128xi32, #tpu.memory_space<vmem>> -> memref<1x64xi32, #tpu.memory_space<vmem>>
    %dma_wait3A_570 = tpu.memref_squeeze %dma_wait3A_569 : memref<1x64xi32, #tpu.memory_space<vmem>> -> memref<64xi32, #tpu.memory_space<vmem>>
    %dma_wait3A_571 = arith.constant 0 : i32
    %dma_wait3A_572 = arith.constant 0 : i32
    %dma_wait3A_573 = tpu.memref_slice %arg2[%dma_wait3A_571, %dma_wait3A_572] : memref<100000x128xf32, #tpu.memory_space<hbm>> -> memref<100000x128xf32, #tpu.memory_space<hbm>>
    tpu.wait_indirect_dma semaphore(%arg17 : memref<!tpu.dma_semaphore, #tpu.memory_space<semaphore_mem>>) src(%dma_wait3A_573 : memref<100000x128xf32, #tpu.memory_space<hbm>>) dst(%dma_wait3A_567 : memref<64x128xf32, #tpu.memory_space<vmem>>)
    %add3A_574 = arith.constant 0 : i32
    %add3A_575 = arith.addi %mul3A_2, %add3A_574 : i32
    %dma_start3A_576 = arith.constant 10 : i32
    %dma_start3A_577 = arith.constant 47 : i32
    %dma_start3A_578 = arith.constant 0 : i32
    %dma_start3A_579 = arith.constant 0 : i32
    %dma_start3A_580 = tpu.memref_slice %arg6[%dma_start3A_576, %dma_start3A_578, %dma_start3A_579] : memref<12x64x128xf32, #tpu.memory_space<vmem>> -> memref<1x64x128xf32, #tpu.memory_space<vmem>>
    %dma_start3A_581 = tpu.memref_squeeze %dma_start3A_580 : memref<1x64x128xf32, #tpu.memory_space<vmem>> -> memref<64x128xf32, #tpu.memory_space<vmem>>
    %dma_start3A_582 = arith.constant 0 : i32
    %dma_start3A_583 = tpu.memref_slice %arg4[%dma_start3A_577, %add3A_575, %dma_start3A_582] : memref<50x4096x128xf32, #tpu.memory_space<hbm>> -> memref<1x64x128xf32, #tpu.memory_space<hbm>>
    %dma_start3A_584 = tpu.memref_squeeze %dma_start3A_583 : memref<1x64x128xf32, #tpu.memory_space<hbm>> -> memref<64x128xf32, #tpu.memory_space<hbm>>
    %dma_start3A_585 = arith.constant 0 : i32
    %dma_start3A_586 = tpu.memref_slice %arg4[%dma_start3A_577, %add3A_575, %dma_start3A_585] : memref<50x4096x128xf32, #tpu.memory_space<hbm>> -> memref<1x64x128xf32, #tpu.memory_space<hbm>>
    %dma_start3A_587 = tpu.memref_squeeze %dma_start3A_586 : memref<1x64x128xf32, #tpu.memory_space<hbm>> -> memref<64x128xf32, #tpu.memory_space<hbm>>
    %dma_start3A_588 = arith.constant 0 : i32
    %dma_start3A_589 = arith.constant 0 : i32
    %dma_start3A_590 = tpu.memref_slice %arg6[%dma_start3A_576, %dma_start3A_588, %dma_start3A_589] : memref<12x64x128xf32, #tpu.memory_space<vmem>> -> memref<1x64x128xf32, #tpu.memory_space<vmem>>
    %dma_start3A_591 = tpu.memref_squeeze %dma_start3A_590 : memref<1x64x128xf32, #tpu.memory_space<vmem>> -> memref<64x128xf32, #tpu.memory_space<vmem>>
    tpu.enqueue_dma source(%dma_start3A_591 : memref<64x128xf32, #tpu.memory_space<vmem>>) target(%dma_start3A_587 : memref<64x128xf32, #tpu.memory_space<hbm>>) target_semaphore(%arg29 : memref<!tpu.dma_semaphore, #tpu.memory_space<semaphore_mem>>)
    %dma_wait3A_592 = arith.constant 47 : i32
    %dma_wait3A_593 = arith.constant 11 : i32
    %dma_wait3A_594 = arith.constant 0 : i32
    %dma_wait3A_595 = arith.constant 0 : i32
    %dma_wait3A_596 = tpu.memref_slice %arg6[%dma_wait3A_593, %dma_wait3A_594, %dma_wait3A_595] : memref<12x64x128xf32, #tpu.memory_space<vmem>> -> memref<1x64x128xf32, #tpu.memory_space<vmem>>
    %dma_wait3A_597 = tpu.memref_squeeze %dma_wait3A_596 : memref<1x64x128xf32, #tpu.memory_space<vmem>> -> memref<64x128xf32, #tpu.memory_space<vmem>>
    %dma_wait3A_598 = arith.constant 64 : i32
    %dma_wait3A_599 = tpu.memref_slice %arg5[%dma_wait3A_592, %dma_wait3A_598] : memref<50x128xi32, #tpu.memory_space<vmem>> -> memref<1x64xi32, #tpu.memory_space<vmem>>
    %dma_wait3A_600 = tpu.memref_squeeze %dma_wait3A_599 : memref<1x64xi32, #tpu.memory_space<vmem>> -> memref<64xi32, #tpu.memory_space<vmem>>
    %dma_wait3A_601 = arith.constant 0 : i32
    %dma_wait3A_602 = arith.constant 0 : i32
    %dma_wait3A_603 = tpu.memref_slice %arg2[%dma_wait3A_601, %dma_wait3A_602] : memref<100000x128xf32, #tpu.memory_space<hbm>> -> memref<100000x128xf32, #tpu.memory_space<hbm>>
    tpu.wait_indirect_dma semaphore(%arg18 : memref<!tpu.dma_semaphore, #tpu.memory_space<semaphore_mem>>) src(%dma_wait3A_603 : memref<100000x128xf32, #tpu.memory_space<hbm>>) dst(%dma_wait3A_597 : memref<64x128xf32, #tpu.memory_space<vmem>>)
    %add3A_604 = arith.constant 64 : i32
    %add3A_605 = arith.addi %mul3A_2, %add3A_604 : i32
    %dma_start3A_606 = arith.constant 11 : i32
    %dma_start3A_607 = arith.constant 47 : i32
    %dma_start3A_608 = arith.constant 0 : i32
    %dma_start3A_609 = arith.constant 0 : i32
    %dma_start3A_610 = tpu.memref_slice %arg6[%dma_start3A_606, %dma_start3A_608, %dma_start3A_609] : memref<12x64x128xf32, #tpu.memory_space<vmem>> -> memref<1x64x128xf32, #tpu.memory_space<vmem>>
    %dma_start3A_611 = tpu.memref_squeeze %dma_start3A_610 : memref<1x64x128xf32, #tpu.memory_space<vmem>> -> memref<64x128xf32, #tpu.memory_space<vmem>>
    %dma_start3A_612 = arith.constant 0 : i32
    %dma_start3A_613 = tpu.memref_slice %arg4[%dma_start3A_607, %add3A_605, %dma_start3A_612] : memref<50x4096x128xf32, #tpu.memory_space<hbm>> -> memref<1x64x128xf32, #tpu.memory_space<hbm>>
    %dma_start3A_614 = tpu.memref_squeeze %dma_start3A_613 : memref<1x64x128xf32, #tpu.memory_space<hbm>> -> memref<64x128xf32, #tpu.memory_space<hbm>>
    %dma_start3A_615 = arith.constant 0 : i32
    %dma_start3A_616 = tpu.memref_slice %arg4[%dma_start3A_607, %add3A_605, %dma_start3A_615] : memref<50x4096x128xf32, #tpu.memory_space<hbm>> -> memref<1x64x128xf32, #tpu.memory_space<hbm>>
    %dma_start3A_617 = tpu.memref_squeeze %dma_start3A_616 : memref<1x64x128xf32, #tpu.memory_space<hbm>> -> memref<64x128xf32, #tpu.memory_space<hbm>>
    %dma_start3A_618 = arith.constant 0 : i32
    %dma_start3A_619 = arith.constant 0 : i32
    %dma_start3A_620 = tpu.memref_slice %arg6[%dma_start3A_606, %dma_start3A_618, %dma_start3A_619] : memref<12x64x128xf32, #tpu.memory_space<vmem>> -> memref<1x64x128xf32, #tpu.memory_space<vmem>>
    %dma_start3A_621 = tpu.memref_squeeze %dma_start3A_620 : memref<1x64x128xf32, #tpu.memory_space<vmem>> -> memref<64x128xf32, #tpu.memory_space<vmem>>
    tpu.enqueue_dma source(%dma_start3A_621 : memref<64x128xf32, #tpu.memory_space<vmem>>) target(%dma_start3A_617 : memref<64x128xf32, #tpu.memory_space<hbm>>) target_semaphore(%arg30 : memref<!tpu.dma_semaphore, #tpu.memory_space<semaphore_mem>>)
    %dma_wait3A_622 = arith.constant 48 : i32
    %dma_wait3A_623 = arith.constant 0 : i32
    %dma_wait3A_624 = arith.constant 0 : i32
    %dma_wait3A_625 = arith.constant 0 : i32
    %dma_wait3A_626 = tpu.memref_slice %arg6[%dma_wait3A_623, %dma_wait3A_624, %dma_wait3A_625] : memref<12x64x128xf32, #tpu.memory_space<vmem>> -> memref<1x64x128xf32, #tpu.memory_space<vmem>>
    %dma_wait3A_627 = tpu.memref_squeeze %dma_wait3A_626 : memref<1x64x128xf32, #tpu.memory_space<vmem>> -> memref<64x128xf32, #tpu.memory_space<vmem>>
    %dma_wait3A_628 = arith.constant 0 : i32
    %dma_wait3A_629 = tpu.memref_slice %arg5[%dma_wait3A_622, %dma_wait3A_628] : memref<50x128xi32, #tpu.memory_space<vmem>> -> memref<1x64xi32, #tpu.memory_space<vmem>>
    %dma_wait3A_630 = tpu.memref_squeeze %dma_wait3A_629 : memref<1x64xi32, #tpu.memory_space<vmem>> -> memref<64xi32, #tpu.memory_space<vmem>>
    %dma_wait3A_631 = arith.constant 0 : i32
    %dma_wait3A_632 = arith.constant 0 : i32
    %dma_wait3A_633 = tpu.memref_slice %arg2[%dma_wait3A_631, %dma_wait3A_632] : memref<100000x128xf32, #tpu.memory_space<hbm>> -> memref<100000x128xf32, #tpu.memory_space<hbm>>
    tpu.wait_indirect_dma semaphore(%arg7 : memref<!tpu.dma_semaphore, #tpu.memory_space<semaphore_mem>>) src(%dma_wait3A_633 : memref<100000x128xf32, #tpu.memory_space<hbm>>) dst(%dma_wait3A_627 : memref<64x128xf32, #tpu.memory_space<vmem>>)
    %add3A_634 = arith.constant 0 : i32
    %add3A_635 = arith.addi %mul3A_2, %add3A_634 : i32
    %dma_start3A_636 = arith.constant 0 : i32
    %dma_start3A_637 = arith.constant 48 : i32
    %dma_start3A_638 = arith.constant 0 : i32
    %dma_start3A_639 = arith.constant 0 : i32
    %dma_start3A_640 = tpu.memref_slice %arg6[%dma_start3A_636, %dma_start3A_638, %dma_start3A_639] : memref<12x64x128xf32, #tpu.memory_space<vmem>> -> memref<1x64x128xf32, #tpu.memory_space<vmem>>
    %dma_start3A_641 = tpu.memref_squeeze %dma_start3A_640 : memref<1x64x128xf32, #tpu.memory_space<vmem>> -> memref<64x128xf32, #tpu.memory_space<vmem>>
    %dma_start3A_642 = arith.constant 0 : i32
    %dma_start3A_643 = tpu.memref_slice %arg4[%dma_start3A_637, %add3A_635, %dma_start3A_642] : memref<50x4096x128xf32, #tpu.memory_space<hbm>> -> memref<1x64x128xf32, #tpu.memory_space<hbm>>
    %dma_start3A_644 = tpu.memref_squeeze %dma_start3A_643 : memref<1x64x128xf32, #tpu.memory_space<hbm>> -> memref<64x128xf32, #tpu.memory_space<hbm>>
    %dma_start3A_645 = arith.constant 0 : i32
    %dma_start3A_646 = tpu.memref_slice %arg4[%dma_start3A_637, %add3A_635, %dma_start3A_645] : memref<50x4096x128xf32, #tpu.memory_space<hbm>> -> memref<1x64x128xf32, #tpu.memory_space<hbm>>
    %dma_start3A_647 = tpu.memref_squeeze %dma_start3A_646 : memref<1x64x128xf32, #tpu.memory_space<hbm>> -> memref<64x128xf32, #tpu.memory_space<hbm>>
    %dma_start3A_648 = arith.constant 0 : i32
    %dma_start3A_649 = arith.constant 0 : i32
    %dma_start3A_650 = tpu.memref_slice %arg6[%dma_start3A_636, %dma_start3A_648, %dma_start3A_649] : memref<12x64x128xf32, #tpu.memory_space<vmem>> -> memref<1x64x128xf32, #tpu.memory_space<vmem>>
    %dma_start3A_651 = tpu.memref_squeeze %dma_start3A_650 : memref<1x64x128xf32, #tpu.memory_space<vmem>> -> memref<64x128xf32, #tpu.memory_space<vmem>>
    tpu.enqueue_dma source(%dma_start3A_651 : memref<64x128xf32, #tpu.memory_space<vmem>>) target(%dma_start3A_647 : memref<64x128xf32, #tpu.memory_space<hbm>>) target_semaphore(%arg19 : memref<!tpu.dma_semaphore, #tpu.memory_space<semaphore_mem>>)
    %dma_wait3A_652 = arith.constant 48 : i32
    %dma_wait3A_653 = arith.constant 1 : i32
    %dma_wait3A_654 = arith.constant 0 : i32
    %dma_wait3A_655 = arith.constant 0 : i32
    %dma_wait3A_656 = tpu.memref_slice %arg6[%dma_wait3A_653, %dma_wait3A_654, %dma_wait3A_655] : memref<12x64x128xf32, #tpu.memory_space<vmem>> -> memref<1x64x128xf32, #tpu.memory_space<vmem>>
    %dma_wait3A_657 = tpu.memref_squeeze %dma_wait3A_656 : memref<1x64x128xf32, #tpu.memory_space<vmem>> -> memref<64x128xf32, #tpu.memory_space<vmem>>
    %dma_wait3A_658 = arith.constant 64 : i32
    %dma_wait3A_659 = tpu.memref_slice %arg5[%dma_wait3A_652, %dma_wait3A_658] : memref<50x128xi32, #tpu.memory_space<vmem>> -> memref<1x64xi32, #tpu.memory_space<vmem>>
    %dma_wait3A_660 = tpu.memref_squeeze %dma_wait3A_659 : memref<1x64xi32, #tpu.memory_space<vmem>> -> memref<64xi32, #tpu.memory_space<vmem>>
    %dma_wait3A_661 = arith.constant 0 : i32
    %dma_wait3A_662 = arith.constant 0 : i32
    %dma_wait3A_663 = tpu.memref_slice %arg2[%dma_wait3A_661, %dma_wait3A_662] : memref<100000x128xf32, #tpu.memory_space<hbm>> -> memref<100000x128xf32, #tpu.memory_space<hbm>>
    tpu.wait_indirect_dma semaphore(%arg8 : memref<!tpu.dma_semaphore, #tpu.memory_space<semaphore_mem>>) src(%dma_wait3A_663 : memref<100000x128xf32, #tpu.memory_space<hbm>>) dst(%dma_wait3A_657 : memref<64x128xf32, #tpu.memory_space<vmem>>)
    %add3A_664 = arith.constant 64 : i32
    %add3A_665 = arith.addi %mul3A_2, %add3A_664 : i32
    %dma_start3A_666 = arith.constant 1 : i32
    %dma_start3A_667 = arith.constant 48 : i32
    %dma_start3A_668 = arith.constant 0 : i32
    %dma_start3A_669 = arith.constant 0 : i32
    %dma_start3A_670 = tpu.memref_slice %arg6[%dma_start3A_666, %dma_start3A_668, %dma_start3A_669] : memref<12x64x128xf32, #tpu.memory_space<vmem>> -> memref<1x64x128xf32, #tpu.memory_space<vmem>>
    %dma_start3A_671 = tpu.memref_squeeze %dma_start3A_670 : memref<1x64x128xf32, #tpu.memory_space<vmem>> -> memref<64x128xf32, #tpu.memory_space<vmem>>
    %dma_start3A_672 = arith.constant 0 : i32
    %dma_start3A_673 = tpu.memref_slice %arg4[%dma_start3A_667, %add3A_665, %dma_start3A_672] : memref<50x4096x128xf32, #tpu.memory_space<hbm>> -> memref<1x64x128xf32, #tpu.memory_space<hbm>>
    %dma_start3A_674 = tpu.memref_squeeze %dma_start3A_673 : memref<1x64x128xf32, #tpu.memory_space<hbm>> -> memref<64x128xf32, #tpu.memory_space<hbm>>
    %dma_start3A_675 = arith.constant 0 : i32
    %dma_start3A_676 = tpu.memref_slice %arg4[%dma_start3A_667, %add3A_665, %dma_start3A_675] : memref<50x4096x128xf32, #tpu.memory_space<hbm>> -> memref<1x64x128xf32, #tpu.memory_space<hbm>>
    %dma_start3A_677 = tpu.memref_squeeze %dma_start3A_676 : memref<1x64x128xf32, #tpu.memory_space<hbm>> -> memref<64x128xf32, #tpu.memory_space<hbm>>
    %dma_start3A_678 = arith.constant 0 : i32
    %dma_start3A_679 = arith.constant 0 : i32
    %dma_start3A_680 = tpu.memref_slice %arg6[%dma_start3A_666, %dma_start3A_678, %dma_start3A_679] : memref<12x64x128xf32, #tpu.memory_space<vmem>> -> memref<1x64x128xf32, #tpu.memory_space<vmem>>
    %dma_start3A_681 = tpu.memref_squeeze %dma_start3A_680 : memref<1x64x128xf32, #tpu.memory_space<vmem>> -> memref<64x128xf32, #tpu.memory_space<vmem>>
    tpu.enqueue_dma source(%dma_start3A_681 : memref<64x128xf32, #tpu.memory_space<vmem>>) target(%dma_start3A_677 : memref<64x128xf32, #tpu.memory_space<hbm>>) target_semaphore(%arg20 : memref<!tpu.dma_semaphore, #tpu.memory_space<semaphore_mem>>)
    %dma_wait3A_682 = arith.constant 49 : i32
    %dma_wait3A_683 = arith.constant 2 : i32
    %dma_wait3A_684 = arith.constant 0 : i32
    %dma_wait3A_685 = arith.constant 0 : i32
    %dma_wait3A_686 = tpu.memref_slice %arg6[%dma_wait3A_683, %dma_wait3A_684, %dma_wait3A_685] : memref<12x64x128xf32, #tpu.memory_space<vmem>> -> memref<1x64x128xf32, #tpu.memory_space<vmem>>
    %dma_wait3A_687 = tpu.memref_squeeze %dma_wait3A_686 : memref<1x64x128xf32, #tpu.memory_space<vmem>> -> memref<64x128xf32, #tpu.memory_space<vmem>>
    %dma_wait3A_688 = arith.constant 0 : i32
    %dma_wait3A_689 = tpu.memref_slice %arg5[%dma_wait3A_682, %dma_wait3A_688] : memref<50x128xi32, #tpu.memory_space<vmem>> -> memref<1x64xi32, #tpu.memory_space<vmem>>
    %dma_wait3A_690 = tpu.memref_squeeze %dma_wait3A_689 : memref<1x64xi32, #tpu.memory_space<vmem>> -> memref<64xi32, #tpu.memory_space<vmem>>
    %dma_wait3A_691 = arith.constant 0 : i32
    %dma_wait3A_692 = arith.constant 0 : i32
    %dma_wait3A_693 = tpu.memref_slice %arg2[%dma_wait3A_691, %dma_wait3A_692] : memref<100000x128xf32, #tpu.memory_space<hbm>> -> memref<100000x128xf32, #tpu.memory_space<hbm>>
    tpu.wait_indirect_dma semaphore(%arg9 : memref<!tpu.dma_semaphore, #tpu.memory_space<semaphore_mem>>) src(%dma_wait3A_693 : memref<100000x128xf32, #tpu.memory_space<hbm>>) dst(%dma_wait3A_687 : memref<64x128xf32, #tpu.memory_space<vmem>>)
    %add3A_694 = arith.constant 0 : i32
    %add3A_695 = arith.addi %mul3A_2, %add3A_694 : i32
    %dma_start3A_696 = arith.constant 2 : i32
    %dma_start3A_697 = arith.constant 49 : i32
    %dma_start3A_698 = arith.constant 0 : i32
    %dma_start3A_699 = arith.constant 0 : i32
    %dma_start3A_700 = tpu.memref_slice %arg6[%dma_start3A_696, %dma_start3A_698, %dma_start3A_699] : memref<12x64x128xf32, #tpu.memory_space<vmem>> -> memref<1x64x128xf32, #tpu.memory_space<vmem>>
    %dma_start3A_701 = tpu.memref_squeeze %dma_start3A_700 : memref<1x64x128xf32, #tpu.memory_space<vmem>> -> memref<64x128xf32, #tpu.memory_space<vmem>>
    %dma_start3A_702 = arith.constant 0 : i32
    %dma_start3A_703 = tpu.memref_slice %arg4[%dma_start3A_697, %add3A_695, %dma_start3A_702] : memref<50x4096x128xf32, #tpu.memory_space<hbm>> -> memref<1x64x128xf32, #tpu.memory_space<hbm>>
    %dma_start3A_704 = tpu.memref_squeeze %dma_start3A_703 : memref<1x64x128xf32, #tpu.memory_space<hbm>> -> memref<64x128xf32, #tpu.memory_space<hbm>>
    %dma_start3A_705 = arith.constant 0 : i32
    %dma_start3A_706 = tpu.memref_slice %arg4[%dma_start3A_697, %add3A_695, %dma_start3A_705] : memref<50x4096x128xf32, #tpu.memory_space<hbm>> -> memref<1x64x128xf32, #tpu.memory_space<hbm>>
    %dma_start3A_707 = tpu.memref_squeeze %dma_start3A_706 : memref<1x64x128xf32, #tpu.memory_space<hbm>> -> memref<64x128xf32, #tpu.memory_space<hbm>>
    %dma_start3A_708 = arith.constant 0 : i32
    %dma_start3A_709 = arith.constant 0 : i32
    %dma_start3A_710 = tpu.memref_slice %arg6[%dma_start3A_696, %dma_start3A_708, %dma_start3A_709] : memref<12x64x128xf32, #tpu.memory_space<vmem>> -> memref<1x64x128xf32, #tpu.memory_space<vmem>>
    %dma_start3A_711 = tpu.memref_squeeze %dma_start3A_710 : memref<1x64x128xf32, #tpu.memory_space<vmem>> -> memref<64x128xf32, #tpu.memory_space<vmem>>
    tpu.enqueue_dma source(%dma_start3A_711 : memref<64x128xf32, #tpu.memory_space<vmem>>) target(%dma_start3A_707 : memref<64x128xf32, #tpu.memory_space<hbm>>) target_semaphore(%arg21 : memref<!tpu.dma_semaphore, #tpu.memory_space<semaphore_mem>>)
    %dma_wait3A_712 = arith.constant 49 : i32
    %dma_wait3A_713 = arith.constant 3 : i32
    %dma_wait3A_714 = arith.constant 0 : i32
    %dma_wait3A_715 = arith.constant 0 : i32
    %dma_wait3A_716 = tpu.memref_slice %arg6[%dma_wait3A_713, %dma_wait3A_714, %dma_wait3A_715] : memref<12x64x128xf32, #tpu.memory_space<vmem>> -> memref<1x64x128xf32, #tpu.memory_space<vmem>>
    %dma_wait3A_717 = tpu.memref_squeeze %dma_wait3A_716 : memref<1x64x128xf32, #tpu.memory_space<vmem>> -> memref<64x128xf32, #tpu.memory_space<vmem>>
    %dma_wait3A_718 = arith.constant 64 : i32
    %dma_wait3A_719 = tpu.memref_slice %arg5[%dma_wait3A_712, %dma_wait3A_718] : memref<50x128xi32, #tpu.memory_space<vmem>> -> memref<1x64xi32, #tpu.memory_space<vmem>>
    %dma_wait3A_720 = tpu.memref_squeeze %dma_wait3A_719 : memref<1x64xi32, #tpu.memory_space<vmem>> -> memref<64xi32, #tpu.memory_space<vmem>>
    %dma_wait3A_721 = arith.constant 0 : i32
    %dma_wait3A_722 = arith.constant 0 : i32
    %dma_wait3A_723 = tpu.memref_slice %arg2[%dma_wait3A_721, %dma_wait3A_722] : memref<100000x128xf32, #tpu.memory_space<hbm>> -> memref<100000x128xf32, #tpu.memory_space<hbm>>
    tpu.wait_indirect_dma semaphore(%arg10 : memref<!tpu.dma_semaphore, #tpu.memory_space<semaphore_mem>>) src(%dma_wait3A_723 : memref<100000x128xf32, #tpu.memory_space<hbm>>) dst(%dma_wait3A_717 : memref<64x128xf32, #tpu.memory_space<vmem>>)
    %add3A_724 = arith.constant 64 : i32
    %add3A_725 = arith.addi %mul3A_2, %add3A_724 : i32
    %dma_start3A_726 = arith.constant 3 : i32
    %dma_start3A_727 = arith.constant 49 : i32
    %dma_start3A_728 = arith.constant 0 : i32
    %dma_start3A_729 = arith.constant 0 : i32
    %dma_start3A_730 = tpu.memref_slice %arg6[%dma_start3A_726, %dma_start3A_728, %dma_start3A_729] : memref<12x64x128xf32, #tpu.memory_space<vmem>> -> memref<1x64x128xf32, #tpu.memory_space<vmem>>
    %dma_start3A_731 = tpu.memref_squeeze %dma_start3A_730 : memref<1x64x128xf32, #tpu.memory_space<vmem>> -> memref<64x128xf32, #tpu.memory_space<vmem>>
    %dma_start3A_732 = arith.constant 0 : i32
    %dma_start3A_733 = tpu.memref_slice %arg4[%dma_start3A_727, %add3A_725, %dma_start3A_732] : memref<50x4096x128xf32, #tpu.memory_space<hbm>> -> memref<1x64x128xf32, #tpu.memory_space<hbm>>
    %dma_start3A_734 = tpu.memref_squeeze %dma_start3A_733 : memref<1x64x128xf32, #tpu.memory_space<hbm>> -> memref<64x128xf32, #tpu.memory_space<hbm>>
    %dma_start3A_735 = arith.constant 0 : i32
    %dma_start3A_736 = tpu.memref_slice %arg4[%dma_start3A_727, %add3A_725, %dma_start3A_735] : memref<50x4096x128xf32, #tpu.memory_space<hbm>> -> memref<1x64x128xf32, #tpu.memory_space<hbm>>
    %dma_start3A_737 = tpu.memref_squeeze %dma_start3A_736 : memref<1x64x128xf32, #tpu.memory_space<hbm>> -> memref<64x128xf32, #tpu.memory_space<hbm>>
    %dma_start3A_738 = arith.constant 0 : i32
    %dma_start3A_739 = arith.constant 0 : i32
    %dma_start3A_740 = tpu.memref_slice %arg6[%dma_start3A_726, %dma_start3A_738, %dma_start3A_739] : memref<12x64x128xf32, #tpu.memory_space<vmem>> -> memref<1x64x128xf32, #tpu.memory_space<vmem>>
    %dma_start3A_741 = tpu.memref_squeeze %dma_start3A_740 : memref<1x64x128xf32, #tpu.memory_space<vmem>> -> memref<64x128xf32, #tpu.memory_space<vmem>>
    tpu.enqueue_dma source(%dma_start3A_741 : memref<64x128xf32, #tpu.memory_space<vmem>>) target(%dma_start3A_737 : memref<64x128xf32, #tpu.memory_space<hbm>>) target_semaphore(%arg22 : memref<!tpu.dma_semaphore, #tpu.memory_space<semaphore_mem>>)
    %dma_wait3A_742 = arith.constant 0 : i32
    %dma_wait3A_743 = arith.constant 0 : i32
    %dma_wait3A_744 = arith.constant 0 : i32
    %dma_wait3A_745 = arith.constant 0 : i32
    %dma_wait3A_746 = tpu.memref_slice %arg6[%dma_wait3A_742, %dma_wait3A_744, %dma_wait3A_745] : memref<12x64x128xf32, #tpu.memory_space<vmem>> -> memref<1x64x128xf32, #tpu.memory_space<vmem>>
    %dma_wait3A_747 = tpu.memref_squeeze %dma_wait3A_746 : memref<1x64x128xf32, #tpu.memory_space<vmem>> -> memref<64x128xf32, #tpu.memory_space<vmem>>
    %dma_wait3A_748 = arith.constant 0 : i32
    %dma_wait3A_749 = tpu.memref_slice %arg4[%dma_wait3A_743, %mul3A_2, %dma_wait3A_748] : memref<50x4096x128xf32, #tpu.memory_space<hbm>> -> memref<1x64x128xf32, #tpu.memory_space<hbm>>
    %dma_wait3A_750 = tpu.memref_squeeze %dma_wait3A_749 : memref<1x64x128xf32, #tpu.memory_space<hbm>> -> memref<64x128xf32, #tpu.memory_space<hbm>>
    %dma_wait3A_751 = arith.constant 0 : i32
    %dma_wait3A_752 = tpu.memref_slice %arg4[%dma_wait3A_743, %mul3A_2, %dma_wait3A_751] : memref<50x4096x128xf32, #tpu.memory_space<hbm>> -> memref<1x64x128xf32, #tpu.memory_space<hbm>>
    %dma_wait3A_753 = tpu.memref_squeeze %dma_wait3A_752 : memref<1x64x128xf32, #tpu.memory_space<hbm>> -> memref<64x128xf32, #tpu.memory_space<hbm>>
    %dma_wait3A_754 = arith.constant 0 : i32
    %dma_wait3A_755 = arith.constant 0 : i32
    %dma_wait3A_756 = tpu.memref_slice %arg6[%dma_wait3A_742, %dma_wait3A_754, %dma_wait3A_755] : memref<12x64x128xf32, #tpu.memory_space<vmem>> -> memref<1x64x128xf32, #tpu.memory_space<vmem>>
    %dma_wait3A_757 = tpu.memref_squeeze %dma_wait3A_756 : memref<1x64x128xf32, #tpu.memory_space<vmem>> -> memref<64x128xf32, #tpu.memory_space<vmem>>
    tpu.wait_dma2 semaphore(%arg19 : memref<!tpu.dma_semaphore, #tpu.memory_space<semaphore_mem>>) src(%dma_wait3A_757 : memref<64x128xf32, #tpu.memory_space<vmem>>) dst(%dma_wait3A_753 : memref<64x128xf32, #tpu.memory_space<hbm>>)
    %dma_wait3A_758 = arith.constant 1 : i32
    %dma_wait3A_759 = arith.constant 0 : i32
    %dma_wait3A_760 = arith.constant 0 : i32
    %dma_wait3A_761 = arith.constant 0 : i32
    %dma_wait3A_762 = tpu.memref_slice %arg6[%dma_wait3A_758, %dma_wait3A_760, %dma_wait3A_761] : memref<12x64x128xf32, #tpu.memory_space<vmem>> -> memref<1x64x128xf32, #tpu.memory_space<vmem>>
    %dma_wait3A_763 = tpu.memref_squeeze %dma_wait3A_762 : memref<1x64x128xf32, #tpu.memory_space<vmem>> -> memref<64x128xf32, #tpu.memory_space<vmem>>
    %dma_wait3A_764 = arith.constant 0 : i32
    %dma_wait3A_765 = tpu.memref_slice %arg4[%dma_wait3A_759, %mul3A_2, %dma_wait3A_764] : memref<50x4096x128xf32, #tpu.memory_space<hbm>> -> memref<1x64x128xf32, #tpu.memory_space<hbm>>
    %dma_wait3A_766 = tpu.memref_squeeze %dma_wait3A_765 : memref<1x64x128xf32, #tpu.memory_space<hbm>> -> memref<64x128xf32, #tpu.memory_space<hbm>>
    %dma_wait3A_767 = arith.constant 0 : i32
    %dma_wait3A_768 = tpu.memref_slice %arg4[%dma_wait3A_759, %mul3A_2, %dma_wait3A_767] : memref<50x4096x128xf32, #tpu.memory_space<hbm>> -> memref<1x64x128xf32, #tpu.memory_space<hbm>>
    %dma_wait3A_769 = tpu.memref_squeeze %dma_wait3A_768 : memref<1x64x128xf32, #tpu.memory_space<hbm>> -> memref<64x128xf32, #tpu.memory_space<hbm>>
    %dma_wait3A_770 = arith.constant 0 : i32
    %dma_wait3A_771 = arith.constant 0 : i32
    %dma_wait3A_772 = tpu.memref_slice %arg6[%dma_wait3A_758, %dma_wait3A_770, %dma_wait3A_771] : memref<12x64x128xf32, #tpu.memory_space<vmem>> -> memref<1x64x128xf32, #tpu.memory_space<vmem>>
    %dma_wait3A_773 = tpu.memref_squeeze %dma_wait3A_772 : memref<1x64x128xf32, #tpu.memory_space<vmem>> -> memref<64x128xf32, #tpu.memory_space<vmem>>
    tpu.wait_dma2 semaphore(%arg20 : memref<!tpu.dma_semaphore, #tpu.memory_space<semaphore_mem>>) src(%dma_wait3A_773 : memref<64x128xf32, #tpu.memory_space<vmem>>) dst(%dma_wait3A_769 : memref<64x128xf32, #tpu.memory_space<hbm>>)
    %dma_wait3A_774 = arith.constant 2 : i32
    %dma_wait3A_775 = arith.constant 0 : i32
    %dma_wait3A_776 = arith.constant 0 : i32
    %dma_wait3A_777 = arith.constant 0 : i32
    %dma_wait3A_778 = tpu.memref_slice %arg6[%dma_wait3A_774, %dma_wait3A_776, %dma_wait3A_777] : memref<12x64x128xf32, #tpu.memory_space<vmem>> -> memref<1x64x128xf32, #tpu.memory_space<vmem>>
    %dma_wait3A_779 = tpu.memref_squeeze %dma_wait3A_778 : memref<1x64x128xf32, #tpu.memory_space<vmem>> -> memref<64x128xf32, #tpu.memory_space<vmem>>
    %dma_wait3A_780 = arith.constant 0 : i32
    %dma_wait3A_781 = tpu.memref_slice %arg4[%dma_wait3A_775, %mul3A_2, %dma_wait3A_780] : memref<50x4096x128xf32, #tpu.memory_space<hbm>> -> memref<1x64x128xf32, #tpu.memory_space<hbm>>
    %dma_wait3A_782 = tpu.memref_squeeze %dma_wait3A_781 : memref<1x64x128xf32, #tpu.memory_space<hbm>> -> memref<64x128xf32, #tpu.memory_space<hbm>>
    %dma_wait3A_783 = arith.constant 0 : i32
    %dma_wait3A_784 = tpu.memref_slice %arg4[%dma_wait3A_775, %mul3A_2, %dma_wait3A_783] : memref<50x4096x128xf32, #tpu.memory_space<hbm>> -> memref<1x64x128xf32, #tpu.memory_space<hbm>>
    %dma_wait3A_785 = tpu.memref_squeeze %dma_wait3A_784 : memref<1x64x128xf32, #tpu.memory_space<hbm>> -> memref<64x128xf32, #tpu.memory_space<hbm>>
    %dma_wait3A_786 = arith.constant 0 : i32
    %dma_wait3A_787 = arith.constant 0 : i32
    %dma_wait3A_788 = tpu.memref_slice %arg6[%dma_wait3A_774, %dma_wait3A_786, %dma_wait3A_787] : memref<12x64x128xf32, #tpu.memory_space<vmem>> -> memref<1x64x128xf32, #tpu.memory_space<vmem>>
    %dma_wait3A_789 = tpu.memref_squeeze %dma_wait3A_788 : memref<1x64x128xf32, #tpu.memory_space<vmem>> -> memref<64x128xf32, #tpu.memory_space<vmem>>
    tpu.wait_dma2 semaphore(%arg21 : memref<!tpu.dma_semaphore, #tpu.memory_space<semaphore_mem>>) src(%dma_wait3A_789 : memref<64x128xf32, #tpu.memory_space<vmem>>) dst(%dma_wait3A_785 : memref<64x128xf32, #tpu.memory_space<hbm>>)
    %dma_wait3A_790 = arith.constant 3 : i32
    %dma_wait3A_791 = arith.constant 0 : i32
    %dma_wait3A_792 = arith.constant 0 : i32
    %dma_wait3A_793 = arith.constant 0 : i32
    %dma_wait3A_794 = tpu.memref_slice %arg6[%dma_wait3A_790, %dma_wait3A_792, %dma_wait3A_793] : memref<12x64x128xf32, #tpu.memory_space<vmem>> -> memref<1x64x128xf32, #tpu.memory_space<vmem>>
    %dma_wait3A_795 = tpu.memref_squeeze %dma_wait3A_794 : memref<1x64x128xf32, #tpu.memory_space<vmem>> -> memref<64x128xf32, #tpu.memory_space<vmem>>
    %dma_wait3A_796 = arith.constant 0 : i32
    %dma_wait3A_797 = tpu.memref_slice %arg4[%dma_wait3A_791, %mul3A_2, %dma_wait3A_796] : memref<50x4096x128xf32, #tpu.memory_space<hbm>> -> memref<1x64x128xf32, #tpu.memory_space<hbm>>
    %dma_wait3A_798 = tpu.memref_squeeze %dma_wait3A_797 : memref<1x64x128xf32, #tpu.memory_space<hbm>> -> memref<64x128xf32, #tpu.memory_space<hbm>>
    %dma_wait3A_799 = arith.constant 0 : i32
    %dma_wait3A_800 = tpu.memref_slice %arg4[%dma_wait3A_791, %mul3A_2, %dma_wait3A_799] : memref<50x4096x128xf32, #tpu.memory_space<hbm>> -> memref<1x64x128xf32, #tpu.memory_space<hbm>>
    %dma_wait3A_801 = tpu.memref_squeeze %dma_wait3A_800 : memref<1x64x128xf32, #tpu.memory_space<hbm>> -> memref<64x128xf32, #tpu.memory_space<hbm>>
    %dma_wait3A_802 = arith.constant 0 : i32
    %dma_wait3A_803 = arith.constant 0 : i32
    %dma_wait3A_804 = tpu.memref_slice %arg6[%dma_wait3A_790, %dma_wait3A_802, %dma_wait3A_803] : memref<12x64x128xf32, #tpu.memory_space<vmem>> -> memref<1x64x128xf32, #tpu.memory_space<vmem>>
    %dma_wait3A_805 = tpu.memref_squeeze %dma_wait3A_804 : memref<1x64x128xf32, #tpu.memory_space<vmem>> -> memref<64x128xf32, #tpu.memory_space<vmem>>
    tpu.wait_dma2 semaphore(%arg22 : memref<!tpu.dma_semaphore, #tpu.memory_space<semaphore_mem>>) src(%dma_wait3A_805 : memref<64x128xf32, #tpu.memory_space<vmem>>) dst(%dma_wait3A_801 : memref<64x128xf32, #tpu.memory_space<hbm>>)
    %dma_wait3A_806 = arith.constant 4 : i32
    %dma_wait3A_807 = arith.constant 0 : i32
    %dma_wait3A_808 = arith.constant 0 : i32
    %dma_wait3A_809 = arith.constant 0 : i32
    %dma_wait3A_810 = tpu.memref_slice %arg6[%dma_wait3A_806, %dma_wait3A_808, %dma_wait3A_809] : memref<12x64x128xf32, #tpu.memory_space<vmem>> -> memref<1x64x128xf32, #tpu.memory_space<vmem>>
    %dma_wait3A_811 = tpu.memref_squeeze %dma_wait3A_810 : memref<1x64x128xf32, #tpu.memory_space<vmem>> -> memref<64x128xf32, #tpu.memory_space<vmem>>
    %dma_wait3A_812 = arith.constant 0 : i32
    %dma_wait3A_813 = tpu.memref_slice %arg4[%dma_wait3A_807, %mul3A_2, %dma_wait3A_812] : memref<50x4096x128xf32, #tpu.memory_space<hbm>> -> memref<1x64x128xf32, #tpu.memory_space<hbm>>
    %dma_wait3A_814 = tpu.memref_squeeze %dma_wait3A_813 : memref<1x64x128xf32, #tpu.memory_space<hbm>> -> memref<64x128xf32, #tpu.memory_space<hbm>>
    %dma_wait3A_815 = arith.constant 0 : i32
    %dma_wait3A_816 = tpu.memref_slice %arg4[%dma_wait3A_807, %mul3A_2, %dma_wait3A_815] : memref<50x4096x128xf32, #tpu.memory_space<hbm>> -> memref<1x64x128xf32, #tpu.memory_space<hbm>>
    %dma_wait3A_817 = tpu.memref_squeeze %dma_wait3A_816 : memref<1x64x128xf32, #tpu.memory_space<hbm>> -> memref<64x128xf32, #tpu.memory_space<hbm>>
    %dma_wait3A_818 = arith.constant 0 : i32
    %dma_wait3A_819 = arith.constant 0 : i32
    %dma_wait3A_820 = tpu.memref_slice %arg6[%dma_wait3A_806, %dma_wait3A_818, %dma_wait3A_819] : memref<12x64x128xf32, #tpu.memory_space<vmem>> -> memref<1x64x128xf32, #tpu.memory_space<vmem>>
    %dma_wait3A_821 = tpu.memref_squeeze %dma_wait3A_820 : memref<1x64x128xf32, #tpu.memory_space<vmem>> -> memref<64x128xf32, #tpu.memory_space<vmem>>
    tpu.wait_dma2 semaphore(%arg23 : memref<!tpu.dma_semaphore, #tpu.memory_space<semaphore_mem>>) src(%dma_wait3A_821 : memref<64x128xf32, #tpu.memory_space<vmem>>) dst(%dma_wait3A_817 : memref<64x128xf32, #tpu.memory_space<hbm>>)
    %dma_wait3A_822 = arith.constant 5 : i32
    %dma_wait3A_823 = arith.constant 0 : i32
    %dma_wait3A_824 = arith.constant 0 : i32
    %dma_wait3A_825 = arith.constant 0 : i32
    %dma_wait3A_826 = tpu.memref_slice %arg6[%dma_wait3A_822, %dma_wait3A_824, %dma_wait3A_825] : memref<12x64x128xf32, #tpu.memory_space<vmem>> -> memref<1x64x128xf32, #tpu.memory_space<vmem>>
    %dma_wait3A_827 = tpu.memref_squeeze %dma_wait3A_826 : memref<1x64x128xf32, #tpu.memory_space<vmem>> -> memref<64x128xf32, #tpu.memory_space<vmem>>
    %dma_wait3A_828 = arith.constant 0 : i32
    %dma_wait3A_829 = tpu.memref_slice %arg4[%dma_wait3A_823, %mul3A_2, %dma_wait3A_828] : memref<50x4096x128xf32, #tpu.memory_space<hbm>> -> memref<1x64x128xf32, #tpu.memory_space<hbm>>
    %dma_wait3A_830 = tpu.memref_squeeze %dma_wait3A_829 : memref<1x64x128xf32, #tpu.memory_space<hbm>> -> memref<64x128xf32, #tpu.memory_space<hbm>>
    %dma_wait3A_831 = arith.constant 0 : i32
    %dma_wait3A_832 = tpu.memref_slice %arg4[%dma_wait3A_823, %mul3A_2, %dma_wait3A_831] : memref<50x4096x128xf32, #tpu.memory_space<hbm>> -> memref<1x64x128xf32, #tpu.memory_space<hbm>>
    %dma_wait3A_833 = tpu.memref_squeeze %dma_wait3A_832 : memref<1x64x128xf32, #tpu.memory_space<hbm>> -> memref<64x128xf32, #tpu.memory_space<hbm>>
    %dma_wait3A_834 = arith.constant 0 : i32
    %dma_wait3A_835 = arith.constant 0 : i32
    %dma_wait3A_836 = tpu.memref_slice %arg6[%dma_wait3A_822, %dma_wait3A_834, %dma_wait3A_835] : memref<12x64x128xf32, #tpu.memory_space<vmem>> -> memref<1x64x128xf32, #tpu.memory_space<vmem>>
    %dma_wait3A_837 = tpu.memref_squeeze %dma_wait3A_836 : memref<1x64x128xf32, #tpu.memory_space<vmem>> -> memref<64x128xf32, #tpu.memory_space<vmem>>
    tpu.wait_dma2 semaphore(%arg24 : memref<!tpu.dma_semaphore, #tpu.memory_space<semaphore_mem>>) src(%dma_wait3A_837 : memref<64x128xf32, #tpu.memory_space<vmem>>) dst(%dma_wait3A_833 : memref<64x128xf32, #tpu.memory_space<hbm>>)
    %dma_wait3A_838 = arith.constant 6 : i32
    %dma_wait3A_839 = arith.constant 0 : i32
    %dma_wait3A_840 = arith.constant 0 : i32
    %dma_wait3A_841 = arith.constant 0 : i32
    %dma_wait3A_842 = tpu.memref_slice %arg6[%dma_wait3A_838, %dma_wait3A_840, %dma_wait3A_841] : memref<12x64x128xf32, #tpu.memory_space<vmem>> -> memref<1x64x128xf32, #tpu.memory_space<vmem>>
    %dma_wait3A_843 = tpu.memref_squeeze %dma_wait3A_842 : memref<1x64x128xf32, #tpu.memory_space<vmem>> -> memref<64x128xf32, #tpu.memory_space<vmem>>
    %dma_wait3A_844 = arith.constant 0 : i32
    %dma_wait3A_845 = tpu.memref_slice %arg4[%dma_wait3A_839, %mul3A_2, %dma_wait3A_844] : memref<50x4096x128xf32, #tpu.memory_space<hbm>> -> memref<1x64x128xf32, #tpu.memory_space<hbm>>
    %dma_wait3A_846 = tpu.memref_squeeze %dma_wait3A_845 : memref<1x64x128xf32, #tpu.memory_space<hbm>> -> memref<64x128xf32, #tpu.memory_space<hbm>>
    %dma_wait3A_847 = arith.constant 0 : i32
    %dma_wait3A_848 = tpu.memref_slice %arg4[%dma_wait3A_839, %mul3A_2, %dma_wait3A_847] : memref<50x4096x128xf32, #tpu.memory_space<hbm>> -> memref<1x64x128xf32, #tpu.memory_space<hbm>>
    %dma_wait3A_849 = tpu.memref_squeeze %dma_wait3A_848 : memref<1x64x128xf32, #tpu.memory_space<hbm>> -> memref<64x128xf32, #tpu.memory_space<hbm>>
    %dma_wait3A_850 = arith.constant 0 : i32
    %dma_wait3A_851 = arith.constant 0 : i32
    %dma_wait3A_852 = tpu.memref_slice %arg6[%dma_wait3A_838, %dma_wait3A_850, %dma_wait3A_851] : memref<12x64x128xf32, #tpu.memory_space<vmem>> -> memref<1x64x128xf32, #tpu.memory_space<vmem>>
    %dma_wait3A_853 = tpu.memref_squeeze %dma_wait3A_852 : memref<1x64x128xf32, #tpu.memory_space<vmem>> -> memref<64x128xf32, #tpu.memory_space<vmem>>
    tpu.wait_dma2 semaphore(%arg25 : memref<!tpu.dma_semaphore, #tpu.memory_space<semaphore_mem>>) src(%dma_wait3A_853 : memref<64x128xf32, #tpu.memory_space<vmem>>) dst(%dma_wait3A_849 : memref<64x128xf32, #tpu.memory_space<hbm>>)
    %dma_wait3A_854 = arith.constant 7 : i32
    %dma_wait3A_855 = arith.constant 0 : i32
    %dma_wait3A_856 = arith.constant 0 : i32
    %dma_wait3A_857 = arith.constant 0 : i32
    %dma_wait3A_858 = tpu.memref_slice %arg6[%dma_wait3A_854, %dma_wait3A_856, %dma_wait3A_857] : memref<12x64x128xf32, #tpu.memory_space<vmem>> -> memref<1x64x128xf32, #tpu.memory_space<vmem>>
    %dma_wait3A_859 = tpu.memref_squeeze %dma_wait3A_858 : memref<1x64x128xf32, #tpu.memory_space<vmem>> -> memref<64x128xf32, #tpu.memory_space<vmem>>
    %dma_wait3A_860 = arith.constant 0 : i32
    %dma_wait3A_861 = tpu.memref_slice %arg4[%dma_wait3A_855, %mul3A_2, %dma_wait3A_860] : memref<50x4096x128xf32, #tpu.memory_space<hbm>> -> memref<1x64x128xf32, #tpu.memory_space<hbm>>
    %dma_wait3A_862 = tpu.memref_squeeze %dma_wait3A_861 : memref<1x64x128xf32, #tpu.memory_space<hbm>> -> memref<64x128xf32, #tpu.memory_space<hbm>>
    %dma_wait3A_863 = arith.constant 0 : i32
    %dma_wait3A_864 = tpu.memref_slice %arg4[%dma_wait3A_855, %mul3A_2, %dma_wait3A_863] : memref<50x4096x128xf32, #tpu.memory_space<hbm>> -> memref<1x64x128xf32, #tpu.memory_space<hbm>>
    %dma_wait3A_865 = tpu.memref_squeeze %dma_wait3A_864 : memref<1x64x128xf32, #tpu.memory_space<hbm>> -> memref<64x128xf32, #tpu.memory_space<hbm>>
    %dma_wait3A_866 = arith.constant 0 : i32
    %dma_wait3A_867 = arith.constant 0 : i32
    %dma_wait3A_868 = tpu.memref_slice %arg6[%dma_wait3A_854, %dma_wait3A_866, %dma_wait3A_867] : memref<12x64x128xf32, #tpu.memory_space<vmem>> -> memref<1x64x128xf32, #tpu.memory_space<vmem>>
    %dma_wait3A_869 = tpu.memref_squeeze %dma_wait3A_868 : memref<1x64x128xf32, #tpu.memory_space<vmem>> -> memref<64x128xf32, #tpu.memory_space<vmem>>
    tpu.wait_dma2 semaphore(%arg26 : memref<!tpu.dma_semaphore, #tpu.memory_space<semaphore_mem>>) src(%dma_wait3A_869 : memref<64x128xf32, #tpu.memory_space<vmem>>) dst(%dma_wait3A_865 : memref<64x128xf32, #tpu.memory_space<hbm>>)
    %dma_wait3A_870 = arith.constant 8 : i32
    %dma_wait3A_871 = arith.constant 0 : i32
    %dma_wait3A_872 = arith.constant 0 : i32
    %dma_wait3A_873 = arith.constant 0 : i32
    %dma_wait3A_874 = tpu.memref_slice %arg6[%dma_wait3A_870, %dma_wait3A_872, %dma_wait3A_873] : memref<12x64x128xf32, #tpu.memory_space<vmem>> -> memref<1x64x128xf32, #tpu.memory_space<vmem>>
    %dma_wait3A_875 = tpu.memref_squeeze %dma_wait3A_874 : memref<1x64x128xf32, #tpu.memory_space<vmem>> -> memref<64x128xf32, #tpu.memory_space<vmem>>
    %dma_wait3A_876 = arith.constant 0 : i32
    %dma_wait3A_877 = tpu.memref_slice %arg4[%dma_wait3A_871, %mul3A_2, %dma_wait3A_876] : memref<50x4096x128xf32, #tpu.memory_space<hbm>> -> memref<1x64x128xf32, #tpu.memory_space<hbm>>
    %dma_wait3A_878 = tpu.memref_squeeze %dma_wait3A_877 : memref<1x64x128xf32, #tpu.memory_space<hbm>> -> memref<64x128xf32, #tpu.memory_space<hbm>>
    %dma_wait3A_879 = arith.constant 0 : i32
    %dma_wait3A_880 = tpu.memref_slice %arg4[%dma_wait3A_871, %mul3A_2, %dma_wait3A_879] : memref<50x4096x128xf32, #tpu.memory_space<hbm>> -> memref<1x64x128xf32, #tpu.memory_space<hbm>>
    %dma_wait3A_881 = tpu.memref_squeeze %dma_wait3A_880 : memref<1x64x128xf32, #tpu.memory_space<hbm>> -> memref<64x128xf32, #tpu.memory_space<hbm>>
    %dma_wait3A_882 = arith.constant 0 : i32
    %dma_wait3A_883 = arith.constant 0 : i32
    %dma_wait3A_884 = tpu.memref_slice %arg6[%dma_wait3A_870, %dma_wait3A_882, %dma_wait3A_883] : memref<12x64x128xf32, #tpu.memory_space<vmem>> -> memref<1x64x128xf32, #tpu.memory_space<vmem>>
    %dma_wait3A_885 = tpu.memref_squeeze %dma_wait3A_884 : memref<1x64x128xf32, #tpu.memory_space<vmem>> -> memref<64x128xf32, #tpu.memory_space<vmem>>
    tpu.wait_dma2 semaphore(%arg27 : memref<!tpu.dma_semaphore, #tpu.memory_space<semaphore_mem>>) src(%dma_wait3A_885 : memref<64x128xf32, #tpu.memory_space<vmem>>) dst(%dma_wait3A_881 : memref<64x128xf32, #tpu.memory_space<hbm>>)
    %dma_wait3A_886 = arith.constant 9 : i32
    %dma_wait3A_887 = arith.constant 0 : i32
    %dma_wait3A_888 = arith.constant 0 : i32
    %dma_wait3A_889 = arith.constant 0 : i32
    %dma_wait3A_890 = tpu.memref_slice %arg6[%dma_wait3A_886, %dma_wait3A_888, %dma_wait3A_889] : memref<12x64x128xf32, #tpu.memory_space<vmem>> -> memref<1x64x128xf32, #tpu.memory_space<vmem>>
    %dma_wait3A_891 = tpu.memref_squeeze %dma_wait3A_890 : memref<1x64x128xf32, #tpu.memory_space<vmem>> -> memref<64x128xf32, #tpu.memory_space<vmem>>
    %dma_wait3A_892 = arith.constant 0 : i32
    %dma_wait3A_893 = tpu.memref_slice %arg4[%dma_wait3A_887, %mul3A_2, %dma_wait3A_892] : memref<50x4096x128xf32, #tpu.memory_space<hbm>> -> memref<1x64x128xf32, #tpu.memory_space<hbm>>
    %dma_wait3A_894 = tpu.memref_squeeze %dma_wait3A_893 : memref<1x64x128xf32, #tpu.memory_space<hbm>> -> memref<64x128xf32, #tpu.memory_space<hbm>>
    %dma_wait3A_895 = arith.constant 0 : i32
    %dma_wait3A_896 = tpu.memref_slice %arg4[%dma_wait3A_887, %mul3A_2, %dma_wait3A_895] : memref<50x4096x128xf32, #tpu.memory_space<hbm>> -> memref<1x64x128xf32, #tpu.memory_space<hbm>>
    %dma_wait3A_897 = tpu.memref_squeeze %dma_wait3A_896 : memref<1x64x128xf32, #tpu.memory_space<hbm>> -> memref<64x128xf32, #tpu.memory_space<hbm>>
    %dma_wait3A_898 = arith.constant 0 : i32
    %dma_wait3A_899 = arith.constant 0 : i32
    %dma_wait3A_900 = tpu.memref_slice %arg6[%dma_wait3A_886, %dma_wait3A_898, %dma_wait3A_899] : memref<12x64x128xf32, #tpu.memory_space<vmem>> -> memref<1x64x128xf32, #tpu.memory_space<vmem>>
    %dma_wait3A_901 = tpu.memref_squeeze %dma_wait3A_900 : memref<1x64x128xf32, #tpu.memory_space<vmem>> -> memref<64x128xf32, #tpu.memory_space<vmem>>
    tpu.wait_dma2 semaphore(%arg28 : memref<!tpu.dma_semaphore, #tpu.memory_space<semaphore_mem>>) src(%dma_wait3A_901 : memref<64x128xf32, #tpu.memory_space<vmem>>) dst(%dma_wait3A_897 : memref<64x128xf32, #tpu.memory_space<hbm>>)
    %dma_wait3A_902 = arith.constant 10 : i32
    %dma_wait3A_903 = arith.constant 0 : i32
    %dma_wait3A_904 = arith.constant 0 : i32
    %dma_wait3A_905 = arith.constant 0 : i32
    %dma_wait3A_906 = tpu.memref_slice %arg6[%dma_wait3A_902, %dma_wait3A_904, %dma_wait3A_905] : memref<12x64x128xf32, #tpu.memory_space<vmem>> -> memref<1x64x128xf32, #tpu.memory_space<vmem>>
    %dma_wait3A_907 = tpu.memref_squeeze %dma_wait3A_906 : memref<1x64x128xf32, #tpu.memory_space<vmem>> -> memref<64x128xf32, #tpu.memory_space<vmem>>
    %dma_wait3A_908 = arith.constant 0 : i32
    %dma_wait3A_909 = tpu.memref_slice %arg4[%dma_wait3A_903, %mul3A_2, %dma_wait3A_908] : memref<50x4096x128xf32, #tpu.memory_space<hbm>> -> memref<1x64x128xf32, #tpu.memory_space<hbm>>
    %dma_wait3A_910 = tpu.memref_squeeze %dma_wait3A_909 : memref<1x64x128xf32, #tpu.memory_space<hbm>> -> memref<64x128xf32, #tpu.memory_space<hbm>>
    %dma_wait3A_911 = arith.constant 0 : i32
    %dma_wait3A_912 = tpu.memref_slice %arg4[%dma_wait3A_903, %mul3A_2, %dma_wait3A_911] : memref<50x4096x128xf32, #tpu.memory_space<hbm>> -> memref<1x64x128xf32, #tpu.memory_space<hbm>>
    %dma_wait3A_913 = tpu.memref_squeeze %dma_wait3A_912 : memref<1x64x128xf32, #tpu.memory_space<hbm>> -> memref<64x128xf32, #tpu.memory_space<hbm>>
    %dma_wait3A_914 = arith.constant 0 : i32
    %dma_wait3A_915 = arith.constant 0 : i32
    %dma_wait3A_916 = tpu.memref_slice %arg6[%dma_wait3A_902, %dma_wait3A_914, %dma_wait3A_915] : memref<12x64x128xf32, #tpu.memory_space<vmem>> -> memref<1x64x128xf32, #tpu.memory_space<vmem>>
    %dma_wait3A_917 = tpu.memref_squeeze %dma_wait3A_916 : memref<1x64x128xf32, #tpu.memory_space<vmem>> -> memref<64x128xf32, #tpu.memory_space<vmem>>
    tpu.wait_dma2 semaphore(%arg29 : memref<!tpu.dma_semaphore, #tpu.memory_space<semaphore_mem>>) src(%dma_wait3A_917 : memref<64x128xf32, #tpu.memory_space<vmem>>) dst(%dma_wait3A_913 : memref<64x128xf32, #tpu.memory_space<hbm>>)
    %dma_wait3A_918 = arith.constant 11 : i32
    %dma_wait3A_919 = arith.constant 0 : i32
    %dma_wait3A_920 = arith.constant 0 : i32
    %dma_wait3A_921 = arith.constant 0 : i32
    %dma_wait3A_922 = tpu.memref_slice %arg6[%dma_wait3A_918, %dma_wait3A_920, %dma_wait3A_921] : memref<12x64x128xf32, #tpu.memory_space<vmem>> -> memref<1x64x128xf32, #tpu.memory_space<vmem>>
    %dma_wait3A_923 = tpu.memref_squeeze %dma_wait3A_922 : memref<1x64x128xf32, #tpu.memory_space<vmem>> -> memref<64x128xf32, #tpu.memory_space<vmem>>
    %dma_wait3A_924 = arith.constant 0 : i32
    %dma_wait3A_925 = tpu.memref_slice %arg4[%dma_wait3A_919, %mul3A_2, %dma_wait3A_924] : memref<50x4096x128xf32, #tpu.memory_space<hbm>> -> memref<1x64x128xf32, #tpu.memory_space<hbm>>
    %dma_wait3A_926 = tpu.memref_squeeze %dma_wait3A_925 : memref<1x64x128xf32, #tpu.memory_space<hbm>> -> memref<64x128xf32, #tpu.memory_space<hbm>>
    %dma_wait3A_927 = arith.constant 0 : i32
    %dma_wait3A_928 = tpu.memref_slice %arg4[%dma_wait3A_919, %mul3A_2, %dma_wait3A_927] : memref<50x4096x128xf32, #tpu.memory_space<hbm>> -> memref<1x64x128xf32, #tpu.memory_space<hbm>>
    %dma_wait3A_929 = tpu.memref_squeeze %dma_wait3A_928 : memref<1x64x128xf32, #tpu.memory_space<hbm>> -> memref<64x128xf32, #tpu.memory_space<hbm>>
    %dma_wait3A_930 = arith.constant 0 : i32
    %dma_wait3A_931 = arith.constant 0 : i32
    %dma_wait3A_932 = tpu.memref_slice %arg6[%dma_wait3A_918, %dma_wait3A_930, %dma_wait3A_931] : memref<12x64x128xf32, #tpu.memory_space<vmem>> -> memref<1x64x128xf32, #tpu.memory_space<vmem>>
    %dma_wait3A_933 = tpu.memref_squeeze %dma_wait3A_932 : memref<1x64x128xf32, #tpu.memory_space<vmem>> -> memref<64x128xf32, #tpu.memory_space<vmem>>
    tpu.wait_dma2 semaphore(%arg30 : memref<!tpu.dma_semaphore, #tpu.memory_space<semaphore_mem>>) src(%dma_wait3A_933 : memref<64x128xf32, #tpu.memory_space<vmem>>) dst(%dma_wait3A_929 : memref<64x128xf32, #tpu.memory_space<hbm>>)
    return
  }
}

</mosaic_0001>

<sc_bundles>
// kernel: _gather.3.cloned.1.call-start
scs
__scs_entry_jumppad:
0x0: {  	(pc) =	sbr.rel $0x88, $3  }
0x1: {  	(tag) =	ssettag $0x0;
	lr =	simm.s32 $0x1  }
0x2: {  	[smem:$0x3F9F] =	sst lr;
	_ =	strace $0xD0000000  }
0x3: {  	_ = 	snop  }
0x4: {  	_ = 	snop  }
0x5: {  	_ = 	snop  }
0x6: {  	_ = 	snop  }
0x7: {  	_ = 	snop  }
__scs_overlays_trampoline_lowered:
0x8: {  	[smem:$0x3FAE] =	sst s0  }
0x9: {  	[smem:$0x3FAF] =	sst s1  }
0xa: {  	[smem:$0x3FB0] =	sst s2  }
0xb: {  	[smem:$0x3FB1] =	sst s3  }
0xc: {  	[smem:$0x3FB2] =	sst s4  }
0xd: {  	[smem:$0x3FB3] =	sst s5  }
0xe: {  	[smem:$0x3FB4] =	sst s6  }
0xf: {  	[smem:$0x3FB5] =	sst s7  }
0x10: {  	[smem:$0x3FB6] =	sst s8  }
0x11: {  	[smem:$0x3FB7] =	sst s9;
	s0 =	simm.s32 @!p0 $0x0  }
0x12: {  	s1 =	sld [smem:$0x3F9D];
	s0 =	simm.s32 @p0 $0x1  }
0x13: {  	[smem:$0x3FB8] =	sst s0;
	s0 =	simm.s32 @!p1 $0x0  }
0x14: {  	s2 =	sld [smem:$0x3F9C];
	s0 =	simm.s32 @p1 $0x1  }
0x15: {  	[smem:$0x3FB9] =	sst s0;
	s0 =	simm.s32 @!p2 $0x0  }
0x16: {  	s3 =	sld [smem:$0x3FDB];
	s0 =	simm.s32 @p2 $0x1  }
0x17: {  	s4 =	simm.s32 $0x1BF5;
	[smem:$0x3FBB] =	sst s0  }
0x18: {  	s0 =	sld [smem:$0x3F9E];
	_ =	swait.ge [sflag:s4], $0x0  }
0x19: {  	s7 =	sld [smem:$0x3F9F]  }
0x1a: {  	s8 =	sadd.s32 $0xFFFFE003, lr  }
0x1b: {  	s9 =	sadd.s32 $0xFFFFFEF7, lr;
	s5 =	simm.s32 $0xFFFFFFFF;
	p2 =	slt.u32 s8, $0xFFFFF086  }
0x1c: {  	p1 =	slt.u32 s9, $0xF7A;
	s5 =	simm.s32 @!p2 $0x0  }
0x1d: {  	s5 =	simm.s32 @p1 $0x1;
	p0 =	seq.s32 s7, s2  }
0x1e: {  	s7 =	smul.u32 @!p0 $0xF7A, s2;
	p2 =	seq.s32 @!p0 s5, $0x0  }
0x1f: {  	s9 =	smul.u32 $0xF7A, s1;
	s8 =	simm.s32 @!p0 $0x1BF5;
	p2 =	por !p2, p0  }
0x20: {  	[sflag:s8] =	ssyncset.s32 @!p0 $0xFFFFF086;
	s6 =	sadd.s32 @!p0 s3, s7;
	s7 =	simm.s32 @!p0 $0x108  }
0x21: {  	s3 =	sadd.s32 s3, s9;
	s6 =	sadd.s32 @!p0 $0x88, s6;
	s7 =	simm.s32 @p2 $0x1082  }
0x22: {  	[simem:s7], [sflag:s8] =	dma.local @!p0 [hbm:s6], $0xF7A  }
0x23: {  	s9 =	sor.u32 $0xD0000000, s2;
	s6 =	simm.s32 $0x108;
	_ =	swait.ge @!p0 [sflag:s8], $0x0  }
0x24: {  	s3 =	sadd.s32 $0x88, s3;
	s6 =	simm.s32 @!p1 $0x1082;
	[sflag:s4] =	ssyncset.s32 $0xFFFFF086  }
0x25: {  	[simem:s6], [sflag:s4] =	dma.local [hbm:s3], $0xF7A  }
0x26: {  	[smem:$0x3F9F] =	sst s1;
	(tag) =	ssettag s2;
	_ =	strace s9  }
0x27: {  	s1 =	sld [smem:$0x3FAF]  }
0x28: {  	s2 =	sld [smem:$0x3FB0]  }
0x29: {  	s4 =	sld [smem:$0x3FB2]  }
0x2a: {  	p0 =	seq.s32 s5, $0x0;
	s5 =	sld [smem:$0x3FB3]  }
0x2b: {  	s6 =	sld [smem:$0x3FB4]  }
0x2c: {  	s7 =	sld [smem:$0x3FB5]  }
0x2d: {  	s3 =	simm.s32 $0x108;
	s8 =	sld [smem:$0x3FB6]  }
0x2e: {  	s3 =	simm.s32 @!p0 $0x1082;
	s9 =	sld [smem:$0x3FB7]  }
0x2f: {  	lr =	sadd.s32 s0, s3;
	s0 =	sld [smem:$0x3FAE]  }
0x30: {  	s3 =	sld [smem:$0x3FB1]  }
0x31: {  	[smem:$0x3FBA] =	sst s10  }
0x32: {  	s10 =	sld [smem:$0x3FB8];
	_ =	sdelay $0x3  }
0x33: {  	p0 =	seq.s32 s10, $0x1;
	s10 =	sld [smem:$0x3FBA];
	_ =	sdelay $0x3  }
0x34: {  	[smem:$0x3FBA] =	sst s10  }
0x35: {  	s10 =	sld [smem:$0x3FB9];
	_ =	sdelay $0x3  }
0x36: {  	p1 =	seq.s32 s10, $0x1;
	s10 =	sld [smem:$0x3FBA];
	_ =	sdelay $0x3  }
0x37: {  	[smem:$0x3FBA] =	sst s10  }
0x38: {  	s10 =	sld [smem:$0x3FBB]  }
0x39: {  	_ = 	snop;
	(pc) =	sbr.ind lr, $3  }
0x3a: {  	_ = 	snop  }
0x3b: {  	_ = 	snop  }
0x3c: {  	p2 =	seq.s32 s10, $0x1;
	s10 =	sld [smem:$0x3FBA]  }
0x3d: {  	_ =	shalt  }
0x3e: {  	_ =	shalt  }
0x3f: {  	_ =	shalt  }
0x40: {  	_ =	shalt  }
0x41: {  	_ =	shalt  }
0x42: {  	_ =	shalt  }
0x43: {  	_ =	shalt  }
0x44: {  	_ =	shalt  }
0x45: {  	_ =	shalt  }
0x46: {  	_ =	shalt  }
0x47: {  	_ =	shalt  }
0x48: {  	_ =	shalt  }
0x49: {  	_ =	shalt  }
0x4a: {  	_ =	shalt  }
0x4b: {  	_ =	shalt  }
0x4c: {  	_ =	shalt  }
0x4d: {  	_ =	shalt  }
0x4e: {  	_ =	shalt  }
0x4f: {  	_ =	shalt  }
0x50: {  	_ =	shalt  }
0x51: {  	_ =	shalt  }
0x52: {  	_ =	shalt  }
0x53: {  	_ =	shalt  }
0x54: {  	_ =	shalt  }
0x55: {  	_ =	shalt  }
0x56: {  	_ =	shalt  }
0x57: {  	_ =	shalt  }
0x58: {  	_ =	shalt  }
0x59: {  	_ =	shalt  }
0x5a: {  	_ =	shalt  }
0x5b: {  	_ =	shalt  }
0x5c: {  	_ =	shalt  }
0x5d: {  	_ =	shalt  }
0x5e: {  	_ =	shalt  }
0x5f: {  	_ =	shalt  }
0x60: {  	_ =	shalt  }
0x61: {  	_ =	shalt  }
0x62: {  	_ =	shalt  }
0x63: {  	_ =	shalt  }
0x64: {  	_ =	shalt  }
0x65: {  	_ =	shalt  }
0x66: {  	_ =	shalt  }
0x67: {  	_ =	shalt  }
0x68: {  	_ =	shalt  }
0x69: {  	_ =	shalt  }
0x6a: {  	_ =	shalt  }
0x6b: {  	_ =	shalt  }
0x6c: {  	_ =	shalt  }
0x6d: {  	_ =	shalt  }
0x6e: {  	_ =	shalt  }
0x6f: {  	_ =	shalt  }
0x70: {  	_ =	shalt  }
0x71: {  	_ =	shalt  }
0x72: {  	_ =	shalt  }
0x73: {  	_ =	shalt  }
0x74: {  	_ =	shalt  }
0x75: {  	_ =	shalt  }
0x76: {  	_ =	shalt  }
0x77: {  	_ =	shalt  }
0x78: {  	_ =	shalt  }
0x79: {  	_ =	shalt  }
0x7a: {  	_ =	shalt  }
0x7b: {  	_ =	shalt  }
0x7c: {  	_ =	shalt  }
0x7d: {  	_ =	shalt  }
0x7e: {  	_ =	shalt  }
0x7f: {  	_ =	shalt  }
0x80: {  	_ =	shalt  }
0x81: {  	_ =	shalt  }
0x82: {  	_ =	shalt  }
0x83: {  	_ =	shalt  }
0x84: {  	_ =	shalt  }
0x85: {  	_ =	shalt  }
0x86: {  	_ =	shalt  }
0x87: {  	_ =	shalt  }
.Lfunc_end0:
.L_simem_size_0:
called_computation_lowered:
.L_overlay_start_0:
0x88: {  	s2 =	sld [smem:$0x3FD9]  }
0x89: {  	s3 =	sld [smem:$0x3FFE];
	_ =	sdelay $0x1  }
0x8a: {  	s1 =	srdreg.scid  }
0x8b: {  	s0 =	sand.u32 $0x1, s1  }
0x8c: {  	s17 =	sshll.u32 s0, $0xA;
	s2 =	sadd.s32 s3, s2  }
0x8d: {  	s2 =	sadd.s32 s2, s17  }
0x8e: {  	[smem:$0x3FC6] =	sst s2  }
0x8f: {  	_ = 	snop  }
0x90: {  	s2 =	sld [smem:$0x3FC9]  }
0x91: {  	s18 =	sld [smem:$0x3FD0];
	(tm) =	ssettm $0x1  }
0x92: {  	s4 =	sld [smem:$0x3FFB];
	_ =	sdelay $0x3  }
0x93: {  	_ =	strace s4  }
0x94: {  	s4 =	sld [smem:$0x3FFC];
	_ =	sdelay $0x3  }
0x95: {  	_ =	strace s4  }
0x96: {  	s4 =	sld [smem:$0x3FFD];
	_ =	sdelay $0x3  }
0x97: {  	_ =	strace s4  }
0x98: {  	_ =	strace $0x8FFFFFFF  }
0x99: {  	s19 =	sld [smem:$0x3FDB];
	_ =	sdelay $0x1  }
0x9a: {  	s5 =	simm.s32 $_scs_section_size  }
0x9b: {  	s6 =	simm.s32 $_size__tile_overlayer_lowered;
	s7 =	simm.s32 $_tile_overlayer_lowered  }
0x9c: {  	s22 =	simm.s32 $0x1BFF;
	s21 =	sshll.u32 s7, $0x1;
	s4 =	sadd.s32 s5, s19  }
0x9d: {  	s8 =	simm.s32 $0x0;
	s20 =	sshll.u32 s6, $0x1;
	s6 =	sadd.s32 s21, s4  }
0x9e: {  	[timem:s8], [sflag:s22] =	dma.local [hbm:s6], s20  }
0x9f: {  	_ =	swait.ge [sflag:s22], s20  }
0xa0: {  	s5 =	ssub.s32 $0x0, s20;
	[sflag:s22] =	ssyncset.done $0x0  }
0xa1: {  	[sflag:s22] =	ssyncadd.s32 s5;
	_ =	sdelay $0x1  }
0xa2: {  	s23 =	simm.s32 $0x1B8B  }
0xa3: {  	_ =	swait.ge [sflag:s23], $0x1  }
0xa4: {  	[sflag:s23] =	ssyncset.done $0x0  }
0xa5: {  	s25 =	simm.s32 $0x1B8E;
	s24 =	sld [smem:$0x3FFE];
	[sflag:s23] =	ssyncadd.s32 $0xFFFFFFFF  }
0xa6: {  	s26 =	simm.s32 $execute0_lowered;
	[smem:$0x3FD2] =	sst s25  }
0xa7: {  	s6 =	sshll.u32 s26, $0x1;
	_ =	strace $0x80000046;
	[dreg:$0x1] =	wrdreg $0xFFFFFFFF  }
0xa8: {  	s28 =	simm.s32 $_size_execute0_lowered;
	s4 =	sadd.s32 s4, s6;
	[dreg:$0x0] =	wrdreg $0x0  }
0xa9: {  	s6 =	sshll.u32 s28, $0x1;
	[dreg:$0x2] =	wrdreg s4  }
0xaa: {  	[dreg:$0x3] =	wrdreg s6  }
0xab: {  	[dreg:$0x4] =	wrdreg $0xC0  }
0xac: {  	_ =	task [dreg:s8], $0x5FFFF  }
0xad: {  	[dreg:$0x1] =	wrdreg $0xFFFFFFFF  }
0xae: {  	[dreg:$0x0] =	wrdreg $0x60  }
0xaf: {  	[dreg:$0x2] =	wrdreg s2  }
0xb0: {  	[dreg:$0x3] =	wrdreg s24  }
0xb1: {  	[dreg:$0x4] =	wrdreg s18  }
0xb2: {  	[dreg:$0x5] =	wrdreg $0x9  }
0xb3: {  	_ =	task.clear_ibuf [dreg:s8], $0x6FFFF;
	_ =	strace $0x90000046  }
0xb4: {  	s29 =	simm.s32 $0x9;
	_ =	strace $0x80000048  }
0xb5: {  	_ =	swait.ge [sflag:s29], $0x1  }
0xb6: {  	[sflag:s29] =	ssyncadd.s32 $0xFFFFFFFF  }
0xb7: {  	_ =	strace $0x90000048  }
0xb8: {  	_ =	sfence  }
0xb9: {  	s30 =	sld [smem:$0x0];
	_ =	sdelay $0x2  }
0xba: {  	s31 =	sshll.u32 s1, $0xD;
	s1 =	sshrl.u32 s1, $0x2  }
0xbb: {  	s3 =	sand.u32 $0x4000, s31;
	s1 =	sadd.s32 s1, s30  }
0xbc: {  	s0 =	sor.u32 s3, s0;
	s1 =	sshll.u32 s1, $0x11  }
0xbd: {  	s0 =	sor.u32 s1, s0  }
0xbe: {  	s0 =	sadd.s32 $0x8F2B, s0  }
0xbf: {  	[sflag:s0] =	ssyncadd.remote.s32 $0x1  }
0xc0: {  	_ =	sfence.sel $0xFFFF  }
0xc1: {  	[dreg:$0x0] =	wrdreg $0xFFFFFFFF;
	(pc) =	sbr.abs _section_cstart, $3  }
0xc2: {  	[dreg:$0x1] =	wrdreg $0xFFFFFFFF  }
0xc3: {  	_ =	task.clear_ibuf [dreg:s8], $0x2FFFF;
	_ =	strace $0x9FFFFFFF  }
0xc4: {  	(tm) =	ssettm $0x7FFFFFFF  }
0xc5: {  	_ =	shalt  }
tec
execute0_lowered:
.L_overlay_start_1:
0x0: {  	(tag) =	ssettag $0x1  }
0x1: {  	s1 =	rddreg [dreg:$0x0]  }
0x2: {  	s0 =	rddreg [dreg:$0x1];
	s2 =	srdreg.scid  }
0x3: {  	s9 =	rddreg [dreg:$0x2];
	s8 =	stileid.u32;
	s2 =	sand.u32 $0x1, s2  }
0x4: {  	s4 =	simm.s32 $0x0;
	s3 =	sshll.u32 s8, $0x8;
	s5 =	sshll.u32 s2, $0x7  }
0x5: {  	[smem:$0x7FF] =	sst s4;
	s16 =	ssub.s32 $0x2, s2;
	s3 =	sor.u32 s5, s3  }
0x6: {  	s7 =	sshrl.u32 s16, $0x1;
	s6 =	sshrl.u32 s3, $0x3;
	s3 =	sshll.u32 s3, $0x4  }
0x7: {  	s5 =	ssub.s32 s16, s7;
	s0 =	sadd.s32 s6, s0;
	s7 =	sadd.s32 s9, s3  }
0x8: {  	_ =	strace $0x80000047;
	s0 =	sadd.s32 $0x400, s0;
	[dreg:$0xb] =	wrdreg s7  }
0x9: {  	s17 =	sadd.s32 $0x400, s7;
	[dreg:$0xc] =	wrdreg s0  }
0xa: {  	s18 =	sadd.s32 $0x10000, s7;
	[dreg:$0xd] =	wrdreg s17  }
0xb: {  	s31 =	simm.s32 $0xB900;
	s19 =	sadd.s32 $0x10400, s7;
	[dreg:$0xe] =	wrdreg s18  }
0xc: {  	s28 =	simm.s32 $0xC;
	s20 =	sadd.s32 $0x20000, s7;
	[dreg:$0xf] =	wrdreg s19  }
0xd: {  	s29 =	simm.s32 $0x12;
	s21 =	sadd.s32 $0x20400, s7;
	[dreg:$0x10] =	wrdreg s20  }
0xe: {  	s30 =	simm.s32 $0x13;
	s22 =	sadd.s32 $0x2D0000, s7;
	[dreg:$0x11] =	wrdreg s21  }
0xf: {  	s23 =	sshll.u32 s8, $0xF;
	s25 =	sadd.s32 $0x2D0400, s7;
	[dreg:$0x12] =	wrdreg s22  }
0x10: {  	s24 =	sshll.u32 s2, $0xE;
	s26 =	sadd.s32 $0x2E0000, s7;
	[dreg:$0x13] =	wrdreg s25  }
0x11: {  	s2 =	sshll.u32 s2, $0xB;
	s9 =	sadd.s32 $0x2E0400, s7;
	[dreg:$0x14] =	wrdreg s26  }
0x12: {  	s6 =	simm.s32 $0x17;
	s10 =	sadd.s32 $0x2F0000, s7;
	[dreg:$0x15] =	wrdreg s9  }
0x13: {  	s12 =	sadd.s32 $0x2F0400, s7;
	s0 =	sor.u32 s24, s23;
	[dreg:$0x16] =	wrdreg s10  }
0x14: {  	[dreg:$0x17] =	wrdreg s12;
	s9 =	sadd.s32 $0x300000, s7;
	s21 =	sadd.s32 $0x300400, s7  }
0x15: {  	s22 =	sshll.u32 s8, $0xC;
	s23 =	sadd.s32 $0x310000, s7;
	s25 =	sadd.s32 $0x310400, s7  }
0x16: {  	s26 =	smax.u32 s5, $0x1;
	s5 =	simm.s32 $0x10;
	[dreg:$0x18] =	wrdreg s9  }
0x17: {  	s8 =	simm.s32 $0x18;
	s7 =	simm.s32 $0x0;
	[dreg:$0x19] =	wrdreg s21  }
0x18: {  	s11 =	sor.u32 $0x282000, s0;
	s13 =	sor.u32 $0x280000, s0;
	[dreg:$0x1a] =	wrdreg s23  }
0x19: {  	s15 =	sor.u32 $0x202000, s0;
	s17 =	sor.u32 $0x200000, s0;
	[dreg:$0x1b] =	wrdreg s25  }
0x1a: {  	s19 =	sor.u32 $0x182000, s0;
	s24 =	sor.u32 s2, s22;
	[dreg:$0x1c] =	wrdreg s26  }
0x1b: {  	s0 =	sor.u32 $0x180000, s0;
	s3 =	sshrl.u32 s11, $0x3;
	[dreg:$0xa] =	wrdreg s24  }
0x1c: {  	s26 =	simm.s32 $0x40;
	s14 =	sshrl.u32 s13, $0x3;
	[dreg:$0x4] =	wrdreg s3  }
0x1d: {  	s25 =	simm.s32 $0xB;
	s16 =	sshrl.u32 s15, $0x3;
	[dreg:$0x5] =	wrdreg s14  }
0x1e: {  	s2 =	simm.s32 $0x16;
	s18 =	sshrl.u32 s17, $0x3;
	[dreg:$0x6] =	wrdreg s16  }
0x1f: {  	s23 =	simm.s32 $0x5;
	s20 =	sshrl.u32 s19, $0x3;
	[dreg:$0x7] =	wrdreg s18  }
0x20: {  	s0 =	sshrl.u32 s0, $0x3;
	s13 =	simm.s32 $0x9900;
	[dreg:$0x8] =	wrdreg s20  }
0x21: {  	s24 =	simm.s32 $0x15;
	[dreg:$0x9] =	wrdreg s0;
	s16 =	simm.s32 $0x5  }
0x22: {  	s20 =	simm.s32 $0x6;
	s3 =	simm.s32 $0x11;
	s0 =	simm.s32 $0x14  }
.LBB2_1:
0x23: {  	[dreg:$0x1d] =	wrdreg s7  }
0x24: {  	s10 =	rddreg [dreg:$0xc]  }
0x25: {  	s12 =	simm.s32 $0x80;
	s14 =	simm.s32 $0x1000;
	s9 =	simm.s32 $0x19  }
0x26: {  	[tilespmem:s4], [sflag:$0x19] =	stream.strided.gather [hbm4b:s10+s12], $0x1900, s14, s12, $0x38;
	[tilespmem:$0x19900] =	vst v63  }
0x27: {  	_ =	swait.ge [sflag:s9], $0x1900  }
0x28: {  	[sflag:s9] =	ssyncset.done $0x0  }
0x29: {  	s15 =	simm.s32 $0x1900;
	[sflag:s9] =	ssyncadd.s32 $0xFFFFE700  }
0x2a: {  	[tilespmem:s15], [sflag:$0x1] =	stream.indirect.gather [hbm4b:s1+s26], $0x80, s4, s26, $0xb8;
	[tilespmem:$0x19900] =	vst v63  }
0x2b: {  	s19 =	simm.s32 $0x3900  }
0x2c: {  	[tilespmem:s19], [sflag:$0x2] =	stream.indirect.gather [hbm4b:s1+s26], $0x80, s26, s26, $0xb8;
	[tilespmem:$0x19900] =	vst v63  }
0x2d: {  	s10 =	simm.s32 $0x5900  }
0x2e: {  	[tilespmem:s10], [sflag:$0x3] =	stream.indirect.gather [hbm4b:s1+s26], $0x80, s12, s26, $0xb8;
	[tilespmem:$0x19900] =	vst v63  }
0x2f: {  	s11 =	simm.s32 $0xC0;
	s12 =	simm.s32 $0x7900  }
0x30: {  	[tilespmem:s12], [sflag:$0x4] =	stream.indirect.gather [hbm4b:s1+s26], $0x80, s11, s26, $0xb8;
	[tilespmem:$0x19900] =	vst v63  }
0x31: {  	s17 =	simm.s32 $0x100  }
0x32: {  	[tilespmem:s13], [sflag:$0x5] =	stream.indirect.gather [hbm4b:s1+s26], $0x80, s17, s26, $0xb8;
	[tilespmem:$0x19900] =	vst v63  }
0x33: {  	s18 =	simm.s32 $0x140;
	s12 =	simm.s32 $0x1  }
0x34: {  	[tilespmem:s31], [sflag:$0x6] =	stream.indirect.gather [hbm4b:s1+s26], $0x80, s18, s26, $0xb8;
	[tilespmem:$0x19900] =	vst v63  }
0x35: {  	_ =	swait.ge [sflag:s12], $0x2000  }
0x36: {  	[sflag:s12] =	ssyncset.done $0x0  }
0x37: {  	s22 =	rddreg [dreg:$0xb];
	[sflag:s12] =	ssyncadd.s32 $0xFFFFE000  }
0x38: {  	[hbm4b:s22+s4] =	stream.linear.scatter [tilespmem:s15], [sflag:$0xD], $0x2000, $0x38;
	[tilespmem:$0x19900] =	vst v63  }
0x39: {  	s7 =	simm.s32 $0x180;
	s9 =	simm.s32 $0xD900  }
0x3a: {  	[tilespmem:s9], [sflag:$0x7] =	stream.indirect.gather [hbm4b:s1+s26], $0x80, s7, s26, $0xb8;
	[tilespmem:$0x19900] =	vst v63  }
0x3b: {  	s9 =	simm.s32 $0x2  }
0x3c: {  	_ =	swait.ge [sflag:s9], $0x2000  }
0x3d: {  	[sflag:s9] =	ssyncset.done $0x0  }
0x3e: {  	s11 =	rddreg [dreg:$0xd];
	[sflag:s9] =	ssyncadd.s32 $0xFFFFE000  }
0x3f: {  	[hbm4b:s11+s4] =	stream.linear.scatter [tilespmem:s19], [sflag:$0xE], $0x2000, $0x38;
	[tilespmem:$0x19900] =	vst v63  }
0x40: {  	s18 =	simm.s32 $0x1C0;
	s22 =	simm.s32 $0xF900;
	s11 =	simm.s32 $0x3  }
0x41: {  	[tilespmem:s22], [sflag:$0x8] =	stream.indirect.gather [hbm4b:s1+s26], $0x80, s18, s26, $0xb8;
	[tilespmem:$0x19900] =	vst v63  }
0x42: {  	_ =	swait.ge [sflag:s11], $0x2000  }
0x43: {  	[sflag:s11] =	ssyncset.done $0x0  }
0x44: {  	s14 =	simm.s32 $0x5900;
	s7 =	rddreg [dreg:$0xe];
	[sflag:s11] =	ssyncadd.s32 $0xFFFFE000  }
0x45: {  	[hbm4b:s7+s4] =	stream.linear.scatter [tilespmem:s14], [sflag:$0xF], $0x2000, $0x38;
	[tilespmem:$0x19900] =	vst v63  }
0x46: {  	s22 =	simm.s32 $0x11900;
	s14 =	simm.s32 $0x200  }
0x47: {  	[tilespmem:s22], [sflag:$0x9] =	stream.indirect.gather [hbm4b:s1+s26], $0x80, s14, s26, $0xb8;
	[tilespmem:$0x19900] =	vst v63  }
0x48: {  	s14 =	simm.s32 $0x4  }
0x49: {  	_ =	swait.ge [sflag:s14], $0x2000  }
0x4a: {  	[sflag:s14] =	ssyncset.done $0x0  }
0x4b: {  	s21 =	simm.s32 $0x7900;
	s7 =	rddreg [dreg:$0xf];
	[sflag:s14] =	ssyncadd.s32 $0xFFFFE000  }
0x4c: {  	[hbm4b:s7+s4] =	stream.linear.scatter [tilespmem:s21], [sflag:$0x10], $0x2000, $0x38;
	[tilespmem:$0x19900] =	vst v63  }
0x4d: {  	s7 =	simm.s32 $0x240;
	s21 =	simm.s32 $0x13900  }
0x4e: {  	[tilespmem:s21], [sflag:$0xA] =	stream.indirect.gather [hbm4b:s1+s26], $0x80, s7, s26, $0xb8;
	[tilespmem:$0x19900] =	vst v63  }
0x4f: {  	_ =	swait.ge [sflag:s16], $0x2000  }
0x50: {  	[sflag:s16] =	ssyncset.done $0x0  }
0x51: {  	s7 =	rddreg [dreg:$0x10];
	[sflag:s16] =	ssyncadd.s32 $0xFFFFE000  }
0x52: {  	[hbm4b:s7+s4] =	stream.linear.scatter [tilespmem:s13], [sflag:$0x11], $0x2000, $0x38;
	[tilespmem:$0x19900] =	vst v63  }
0x53: {  	s16 =	simm.s32 $0x280;
	s13 =	simm.s32 $0x15900  }
0x54: {  	[tilespmem:s13], [sflag:$0xB] =	stream.indirect.gather [hbm4b:s1+s26], $0x80, s16, s26, $0xb8;
	[tilespmem:$0x19900] =	vst v63  }
0x55: {  	_ =	swait.ge [sflag:s20], $0x2000  }
0x56: {  	[sflag:s20] =	ssyncset.done $0x0  }
0x57: {  	s21 =	rddreg [dreg:$0x11];
	[sflag:s20] =	ssyncadd.s32 $0xFFFFE000  }
0x58: {  	[hbm4b:s21+s4] =	stream.linear.scatter [tilespmem:s31], [sflag:$0x12], $0x2000, $0x38;
	[tilespmem:$0x19900] =	vst v63  }
0x59: {  	s10 =	simm.s32 $0x7;
	s7 =	simm.s32 $0x2C0;
	s21 =	simm.s32 $0x17900  }
0x5a: {  	[tilespmem:s21], [sflag:$0xC] =	stream.indirect.gather [hbm4b:s1+s26], $0x80, s7, s26, $0xb8;
	[tilespmem:$0x19900] =	vst v63  }
0x5b: {  	_ =	swait.ge [sflag:s10], $0x2000  }
0x5c: {  	[sflag:s10] =	ssyncset.done $0x0  }
0x5d: {  	s7 =	rddreg [dreg:$0x9];
	[sflag:s10] =	ssyncadd.s32 $0xFFFFE000  }
0x5e: {  	s16 =	rddreg [dreg:$0x2]  }
0x5f: {  	s17 =	simm.s32 $0xD900;
	s10 =	sadd.s32 s16, s7  }
0x60: {  	[hbm4b:s10+s4] =	stream.linear.scatter [tilespmem:s17], [sflag:$0x13], $0x2000, $0x38;
	[tilespmem:$0x19900] =	vst v63  }
0x61: {  	s17 =	simm.s32 $0xD  }
0x62: {  	_ =	swait.ge [sflag:s17], $0x2000  }
0x63: {  	[sflag:s17] =	ssyncset.done $0x0  }
0x64: {  	s7 =	simm.s32 $0x300;
	s10 =	simm.s32 $0x8;
	[sflag:s17] =	ssyncadd.s32 $0xFFFFE000  }
0x65: {  	[tilespmem:s15], [sflag:$0x1] =	stream.indirect.gather [hbm4b:s1+s26], $0x80, s7, s26, $0xb8;
	[tilespmem:$0x19900] =	vst v63  }
0x66: {  	_ =	swait.ge [sflag:s10], $0x2000  }
0x67: {  	s17 =	rddreg [dreg:$0x8];
	[sflag:s10] =	ssyncset.done $0x0  }
0x68: {  	s18 =	simm.s32 $0xF900;
	[sflag:s10] =	ssyncadd.s32 $0xFFFFE000;
	s10 =	sadd.s32 s16, s17  }
0x69: {  	[hbm4b:s10+s4] =	stream.linear.scatter [tilespmem:s18], [sflag:$0x14], $0x2000, $0x38;
	[tilespmem:$0x19900] =	vst v63  }
0x6a: {  	s18 =	simm.s32 $0xE  }
0x6b: {  	_ =	swait.ge [sflag:s18], $0x2000  }
0x6c: {  	[sflag:s18] =	ssyncset.done $0x0  }
0x6d: {  	s7 =	simm.s32 $0x340;
	s17 =	simm.s32 $0x9;
	[sflag:s18] =	ssyncadd.s32 $0xFFFFE000  }
0x6e: {  	[tilespmem:s19], [sflag:$0x2] =	stream.indirect.gather [hbm4b:s1+s26], $0x80, s7, s26, $0xb8;
	[tilespmem:$0x19900] =	vst v63  }
0x6f: {  	_ =	swait.ge [sflag:s17], $0x2000  }
0x70: {  	s18 =	rddreg [dreg:$0x7];
	[sflag:s17] =	ssyncset.done $0x0  }
0x71: {  	s22 =	simm.s32 $0x11900;
	[sflag:s17] =	ssyncadd.s32 $0xFFFFE000;
	s10 =	sadd.s32 s16, s18  }
0x72: {  	[hbm4b:s10+s4] =	stream.linear.scatter [tilespmem:s22], [sflag:$0x15], $0x2000, $0x38;
	[tilespmem:$0x19900] =	vst v63  }
0x73: {  	s22 =	simm.s32 $0xF  }
0x74: {  	_ =	swait.ge [sflag:s22], $0x2000  }
0x75: {  	s7 =	simm.s32 $0x380;
	[sflag:s22] =	ssyncset.done $0x0  }
0x76: {  	s17 =	simm.s32 $0x5900;
	s18 =	simm.s32 $0xA;
	[sflag:s22] =	ssyncadd.s32 $0xFFFFE000  }
0x77: {  	[tilespmem:s17], [sflag:$0x3] =	stream.indirect.gather [hbm4b:s1+s26], $0x80, s7, s26, $0xb8;
	[tilespmem:$0x19900] =	vst v63  }
0x78: {  	_ =	swait.ge [sflag:s18], $0x2000  }
0x79: {  	s22 =	rddreg [dreg:$0x6];
	[sflag:s18] =	ssyncset.done $0x0  }
0x7a: {  	s7 =	simm.s32 $0x13900;
	[sflag:s18] =	ssyncadd.s32 $0xFFFFE000;
	s10 =	sadd.s32 s16, s22  }
0x7b: {  	[hbm4b:s10+s4] =	stream.linear.scatter [tilespmem:s7], [sflag:$0x16], $0x2000, $0x38;
	[tilespmem:$0x19900] =	vst v63  }
0x7c: {  	_ =	swait.ge [sflag:s5], $0x2000  }
0x7d: {  	[sflag:s5] =	ssyncset.done $0x0  }
0x7e: {  	s18 =	simm.s32 $0x3C0;
	s22 =	simm.s32 $0x7900;
	[sflag:s5] =	ssyncadd.s32 $0xFFFFE000  }
0x7f: {  	[tilespmem:s22], [sflag:$0x4] =	stream.indirect.gather [hbm4b:s1+s26], $0x80, s18, s26, $0xb8;
	[tilespmem:$0x19900] =	vst v63  }
0x80: {  	_ =	swait.ge [sflag:s25], $0x2000  }
0x81: {  	s22 =	rddreg [dreg:$0x5];
	[sflag:s25] =	ssyncset.done $0x0  }
0x82: {  	[sflag:s25] =	ssyncadd.s32 $0xFFFFE000;
	s10 =	sadd.s32 s16, s22  }
0x83: {  	[hbm4b:s10+s4] =	stream.linear.scatter [tilespmem:s13], [sflag:$0x17], $0x2000, $0x38;
	[tilespmem:$0x19900] =	vst v63  }
0x84: {  	_ =	swait.ge [sflag:s3], $0x2000  }
0x85: {  	[sflag:s3] =	ssyncset.done $0x0  }
0x86: {  	s22 =	simm.s32 $0x9900;
	s10 =	simm.s32 $0x400;
	[sflag:s3] =	ssyncadd.s32 $0xFFFFE000  }
0x87: {  	[tilespmem:s22], [sflag:$0x5] =	stream.indirect.gather [hbm4b:s1+s26], $0x80, s10, s26, $0xb8;
	[tilespmem:$0x19900] =	vst v63  }
0x88: {  	_ =	swait.ge [sflag:s28], $0x2000  }
0x89: {  	s10 =	rddreg [dreg:$0x4];
	[sflag:s28] =	ssyncset.done $0x0  }
0x8a: {  	[sflag:s28] =	ssyncadd.s32 $0xFFFFE000;
	s10 =	sadd.s32 s16, s10  }
0x8b: {  	[hbm4b:s10+s4] =	stream.linear.scatter [tilespmem:s21], [sflag:$0x18], $0x2000, $0x38;
	[tilespmem:$0x19900] =	vst v63  }
0x8c: {  	_ =	swait.ge [sflag:s29], $0x2000  }
0x8d: {  	[sflag:s29] =	ssyncset.done $0x0  }
0x8e: {  	s21 =	simm.s32 $0x440;
	[sflag:s29] =	ssyncadd.s32 $0xFFFFE000  }
0x8f: {  	[tilespmem:s31], [sflag:$0x6] =	stream.indirect.gather [hbm4b:s1+s26], $0x80, s21, s26, $0xb8;
	[tilespmem:$0x19900] =	vst v63  }
0x90: {  	_ =	swait.ge [sflag:s12], $0x2000  }
0x91: {  	s21 =	rddreg [dreg:$0xa]  }
0x92: {  	[sflag:s12] =	ssyncset.done $0x0;
	s10 =	sadd.s32 s16, s21  }
0x93: {  	[sflag:s12] =	ssyncadd.s32 $0xFFFFE000;
	s21 =	sadd.s32 $0x60000, s10  }
0x94: {  	[hbm4b:s21+s4] =	stream.linear.scatter [tilespmem:s15], [sflag:$0xD], $0x2000, $0x38;
	[tilespmem:$0x19900] =	vst v63  }
0x95: {  	_ =	swait.ge [sflag:s30], $0x2000  }
0x96: {  	[sflag:s30] =	ssyncset.done $0x0  }
0x97: {  	s15 =	simm.s32 $0x480;
	s21 =	simm.s32 $0xD900;
	[sflag:s30] =	ssyncadd.s32 $0xFFFFE000  }
0x98: {  	[tilespmem:s21], [sflag:$0x7] =	stream.indirect.gather [hbm4b:s1+s26], $0x80, s15, s26, $0xb8;
	[tilespmem:$0x19900] =	vst v63  }
0x99: {  	_ =	swait.ge [sflag:s9], $0x2000  }
0x9a: {  	[sflag:s9] =	ssyncset.done $0x0  }
0x9b: {  	s15 =	sadd.s32 $0x60400, s10;
	[sflag:s9] =	ssyncadd.s32 $0xFFFFE000  }
0x9c: {  	[hbm4b:s15+s4] =	stream.linear.scatter [tilespmem:s19], [sflag:$0xE], $0x2000, $0x38;
	[tilespmem:$0x19900] =	vst v63  }
0x9d: {  	_ =	swait.ge [sflag:s0], $0x2000  }
0x9e: {  	[sflag:s0] =	ssyncset.done $0x0  }
0x9f: {  	s21 =	simm.s32 $0xF900;
	s19 =	simm.s32 $0x4C0;
	[sflag:s0] =	ssyncadd.s32 $0xFFFFE000  }
0xa0: {  	[tilespmem:s21], [sflag:$0x8] =	stream.indirect.gather [hbm4b:s1+s26], $0x80, s19, s26, $0xb8;
	[tilespmem:$0x19900] =	vst v63  }
0xa1: {  	_ =	swait.ge [sflag:s11], $0x2000  }
0xa2: {  	[sflag:s11] =	ssyncset.done $0x0  }
0xa3: {  	s17 =	simm.s32 $0x5900;
	s9 =	sadd.s32 $0x70000, s10;
	[sflag:s11] =	ssyncadd.s32 $0xFFFFE000  }
0xa4: {  	[hbm4b:s9+s4] =	stream.linear.scatter [tilespmem:s17], [sflag:$0xF], $0x2000, $0x38;
	[tilespmem:$0x19900] =	vst v63  }
0xa5: {  	_ =	swait.ge [sflag:s24], $0x2000  }
0xa6: {  	[sflag:s24] =	ssyncset.done $0x0  }
0xa7: {  	s15 =	simm.s32 $0x11900;
	s11 =	simm.s32 $0x500;
	[sflag:s24] =	ssyncadd.s32 $0xFFFFE000  }
0xa8: {  	[tilespmem:s15], [sflag:$0x9] =	stream.indirect.gather [hbm4b:s1+s26], $0x80, s11, s26, $0xb8;
	[tilespmem:$0x19900] =	vst v63  }
0xa9: {  	_ =	swait.ge [sflag:s14], $0x2000  }
0xaa: {  	[sflag:s14] =	ssyncset.done $0x0  }
0xab: {  	s18 =	simm.s32 $0x7900;
	s17 =	sadd.s32 $0x70400, s10;
	[sflag:s14] =	ssyncadd.s32 $0xFFFFE000  }
0xac: {  	[hbm4b:s17+s4] =	stream.linear.scatter [tilespmem:s18], [sflag:$0x10], $0x2000, $0x38;
	[tilespmem:$0x19900] =	vst v63  }
0xad: {  	_ =	swait.ge [sflag:s2], $0x2000  }
0xae: {  	[sflag:s2] =	ssyncset.done $0x0  }
0xaf: {  	s19 =	simm.s32 $0x540;
	[sflag:s2] =	ssyncadd.s32 $0xFFFFE000  }
0xb0: {  	[tilespmem:s7], [sflag:$0xA] =	stream.indirect.gather [hbm4b:s1+s26], $0x80, s19, s26, $0xb8;
	[tilespmem:$0x19900] =	vst v63  }
0xb1: {  	_ =	swait.ge [sflag:s23], $0x2000  }
0xb2: {  	[sflag:s23] =	ssyncset.done $0x0  }
0xb3: {  	s22 =	simm.s32 $0x9900;
	s21 =	sadd.s32 $0x80000, s10;
	[sflag:s23] =	ssyncadd.s32 $0xFFFFE000  }
0xb4: {  	[hbm4b:s21+s4] =	stream.linear.scatter [tilespmem:s22], [sflag:$0x11], $0x2000, $0x38;
	[tilespmem:$0x19900] =	vst v63  }
0xb5: {  	_ =	swait.ge [sflag:s6], $0x2000  }
0xb6: {  	[sflag:s6] =	ssyncset.done $0x0  }
0xb7: {  	s22 =	simm.s32 $0x580;
	[sflag:s6] =	ssyncadd.s32 $0xFFFFE000  }
0xb8: {  	[tilespmem:s13], [sflag:$0xB] =	stream.indirect.gather [hbm4b:s1+s26], $0x80, s22, s26, $0xb8;
	[tilespmem:$0x19900] =	vst v63  }
0xb9: {  	_ =	swait.ge [sflag:s20], $0x2000  }
0xba: {  	[sflag:s20] =	ssyncset.done $0x0  }
0xbb: {  	s10 =	sadd.s32 $0x80400, s10;
	[sflag:s20] =	ssyncadd.s32 $0xFFFFE000  }
0xbc: {  	[hbm4b:s10+s4] =	stream.linear.scatter [tilespmem:s31], [sflag:$0x12], $0x2000, $0x38;
	[tilespmem:$0x19900] =	vst v63  }
0xbd: {  	_ =	swait.ge [sflag:s8], $0x2000  }
0xbe: {  	s12 =	sadd.s32 $0x60000, s16;
	[sflag:s8] =	ssyncset.done $0x0  }
0xbf: {  	s14 =	simm.s32 $0x5C0;
	s10 =	simm.s32 $0xC00;
	[sflag:s8] =	ssyncadd.s32 $0xFFFFE000  }
.LBB2_2:
0xc0: {  	s21 =	simm.s32 $0x17900;
	s7 =	simm.s32 $0x7  }
0xc1: {  	[tilespmem:s21], [sflag:$0xC] =	stream.indirect.gather [hbm4b:s1+s26], $0x80, s14, s26, $0xb8;
	[tilespmem:$0x19900] =	vst v63  }
0xc2: {  	_ =	swait.ge [sflag:s7], $0x2000  }
0xc3: {  	s15 =	simm.s32 $0xD900;
	s16 =	rddreg [dreg:$0x9];
	[sflag:s7] =	ssyncset.done $0x0  }
0xc4: {  	s18 =	simm.s32 $0xD;
	[sflag:s7] =	ssyncadd.s32 $0xFFFFE000;
	s16 =	sadd.s32 s12, s16  }
0xc5: {  	[hbm4b:s16+s4] =	stream.linear.scatter [tilespmem:s15], [sflag:$0x13], $0x2000, $0x38;
	[tilespmem:$0x19900] =	vst v63  }
0xc6: {  	s17 =	smov.u32 s10;
	_ =	swait.ge [sflag:s18], $0x2000  }
0xc7: {  	s9 =	simm.s32 $0x8;
	s14 =	sshra.s32 s17, $0x2;
	[sflag:s18] =	ssyncset.done $0x0  }
0xc8: {  	s19 =	sadd.s32 $0x300, s14;
	s7 =	simm.s32 $0x1900;
	[sflag:s18] =	ssyncadd.s32 $0xFFFFE000  }
0xc9: {  	[tilespmem:s7], [sflag:$0x1] =	stream.indirect.gather [hbm4b:s1+s26], $0x80, s19, s26, $0xb8;
	[tilespmem:$0x19900] =	vst v63  }
0xca: {  	_ =	swait.ge [sflag:s9], $0x2000  }
0xcb: {  	s22 =	simm.s32 $0xE;
	s20 =	rddreg [dreg:$0x8];
	[sflag:s9] =	ssyncset.done $0x0  }
0xcc: {  	s17 =	simm.s32 $0xF900;
	[sflag:s9] =	ssyncadd.s32 $0xFFFFE000;
	s16 =	sadd.s32 s12, s20  }
0xcd: {  	[hbm4b:s16+s4] =	stream.linear.scatter [tilespmem:s17], [sflag:$0x14], $0x2000, $0x38;
	[tilespmem:$0x19900] =	vst v63  }
0xce: {  	_ =	swait.ge [sflag:s22], $0x2000  }
0xcf: {  	[sflag:s22] =	ssyncset.done $0x0  }
0xd0: {  	s11 =	sadd.s32 $0x340, s14;
	s9 =	simm.s32 $0x3900;
	[sflag:s22] =	ssyncadd.s32 $0xFFFFE000  }
0xd1: {  	[tilespmem:s9], [sflag:$0x2] =	stream.indirect.gather [hbm4b:s1+s26], $0x80, s11, s26, $0xb8;
	[tilespmem:$0x19900] =	vst v63  }
0xd2: {  	s11 =	simm.s32 $0x9  }
0xd3: {  	_ =	swait.ge [sflag:s11], $0x2000  }
0xd4: {  	s13 =	rddreg [dreg:$0x7];
	[sflag:s11] =	ssyncset.done $0x0  }
0xd5: {  	s18 =	simm.s32 $0x11900;
	[sflag:s11] =	ssyncadd.s32 $0xFFFFE000;
	s16 =	sadd.s32 s12, s13  }
0xd6: {  	[hbm4b:s16+s4] =	stream.linear.scatter [tilespmem:s18], [sflag:$0x15], $0x2000, $0x38;
	[tilespmem:$0x19900] =	vst v63  }
0xd7: {  	s16 =	simm.s32 $0xF  }
0xd8: {  	_ =	swait.ge [sflag:s16], $0x2000  }
0xd9: {  	s19 =	sadd.s32 $0x380, s14;
	[sflag:s16] =	ssyncset.done $0x0  }
0xda: {  	s11 =	simm.s32 $0x5900;
	s13 =	simm.s32 $0xA;
	[sflag:s16] =	ssyncadd.s32 $0xFFFFE000  }
0xdb: {  	[tilespmem:s11], [sflag:$0x3] =	stream.indirect.gather [hbm4b:s1+s26], $0x80, s19, s26, $0xb8;
	[tilespmem:$0x19900] =	vst v63  }
0xdc: {  	_ =	swait.ge [sflag:s13], $0x2000  }
0xdd: {  	s20 =	rddreg [dreg:$0x6];
	[sflag:s13] =	ssyncset.done $0x0  }
0xde: {  	s19 =	simm.s32 $0x13900;
	[sflag:s13] =	ssyncadd.s32 $0xFFFFE000;
	s16 =	sadd.s32 s12, s20  }
0xdf: {  	[hbm4b:s16+s4] =	stream.linear.scatter [tilespmem:s19], [sflag:$0x16], $0x2000, $0x38;
	[tilespmem:$0x19900] =	vst v63  }
0xe0: {  	_ =	swait.ge [sflag:s5], $0x2000  }
0xe1: {  	[sflag:s5] =	ssyncset.done $0x0  }
0xe2: {  	s22 =	sadd.s32 $0x3C0, s14;
	s13 =	simm.s32 $0x7900;
	[sflag:s5] =	ssyncadd.s32 $0xFFFFE000  }
0xe3: {  	[tilespmem:s13], [sflag:$0x4] =	stream.indirect.gather [hbm4b:s1+s26], $0x80, s22, s26, $0xb8;
	[tilespmem:$0x19900] =	vst v63  }
0xe4: {  	_ =	swait.ge [sflag:s25], $0x2000  }
0xe5: {  	s20 =	rddreg [dreg:$0x5];
	[sflag:s25] =	ssyncset.done $0x0  }
0xe6: {  	[sflag:s25] =	ssyncadd.s32 $0xFFFFE000;
	s16 =	sadd.s32 s12, s20;
	s20 =	simm.s32 $0x15900  }
0xe7: {  	[hbm4b:s16+s4] =	stream.linear.scatter [tilespmem:s20], [sflag:$0x17], $0x2000, $0x38;
	[tilespmem:$0x19900] =	vst v63  }
0xe8: {  	_ =	swait.ge [sflag:s3], $0x2000  }
0xe9: {  	[sflag:s3] =	ssyncset.done $0x0  }
0xea: {  	s22 =	simm.s32 $0x9900;
	s16 =	sadd.s32 $0x400, s14;
	[sflag:s3] =	ssyncadd.s32 $0xFFFFE000  }
0xeb: {  	[tilespmem:s22], [sflag:$0x5] =	stream.indirect.gather [hbm4b:s1+s26], $0x80, s16, s26, $0xb8;
	[tilespmem:$0x19900] =	vst v63  }
0xec: {  	_ =	swait.ge [sflag:s28], $0x2000  }
0xed: {  	s16 =	rddreg [dreg:$0x4];
	[sflag:s28] =	ssyncset.done $0x0  }
0xee: {  	[sflag:s28] =	ssyncadd.s32 $0xFFFFE000;
	s16 =	sadd.s32 s12, s16  }
0xef: {  	[hbm4b:s16+s4] =	stream.linear.scatter [tilespmem:s21], [sflag:$0x18], $0x2000, $0x38;
	[tilespmem:$0x19900] =	vst v63  }
0xf0: {  	_ =	swait.ge [sflag:s29], $0x2000  }
0xf1: {  	[sflag:s29] =	ssyncset.done $0x0  }
0xf2: {  	s21 =	sadd.s32 $0x440, s14;
	[sflag:s29] =	ssyncadd.s32 $0xFFFFE000  }
0xf3: {  	[tilespmem:s31], [sflag:$0x6] =	stream.indirect.gather [hbm4b:s1+s26], $0x80, s21, s26, $0xb8;
	[tilespmem:$0x19900] =	vst v63  }
0xf4: {  	s31 =	simm.s32 $0x1  }
0xf5: {  	_ =	swait.ge [sflag:s31], $0x2000  }
0xf6: {  	s21 =	rddreg [dreg:$0xa]  }
0xf7: {  	[sflag:s31] =	ssyncset.done $0x0;
	s16 =	sadd.s32 s12, s21  }
0xf8: {  	[sflag:s31] =	ssyncadd.s32 $0xFFFFE000;
	s31 =	sadd.s32 $0x60000, s16  }
0xf9: {  	[hbm4b:s31+s4] =	stream.linear.scatter [tilespmem:s7], [sflag:$0xD], $0x2000, $0x38;
	[tilespmem:$0x19900] =	vst v63  }
0xfa: {  	_ =	swait.ge [sflag:s30], $0x2000  }
0xfb: {  	[sflag:s30] =	ssyncset.done $0x0  }
0xfc: {  	s21 =	simm.s32 $0x2;
	s31 =	sadd.s32 $0x480, s14;
	[sflag:s30] =	ssyncadd.s32 $0xFFFFE000  }
0xfd: {  	[tilespmem:s15], [sflag:$0x7] =	stream.indirect.gather [hbm4b:s1+s26], $0x80, s31, s26, $0xb8;
	[tilespmem:$0x19900] =	vst v63  }
0xfe: {  	_ =	swait.ge [sflag:s21], $0x2000  }
0xff: {  	[sflag:s21] =	ssyncset.done $0x0  }
0x100: {  	s31 =	sadd.s32 $0x60400, s16;
	[sflag:s21] =	ssyncadd.s32 $0xFFFFE000  }
0x101: {  	[hbm4b:s31+s4] =	stream.linear.scatter [tilespmem:s9], [sflag:$0xE], $0x2000, $0x38;
	[tilespmem:$0x19900] =	vst v63  }
0x102: {  	_ =	swait.ge [sflag:s0], $0x2000  }
0x103: {  	[sflag:s0] =	ssyncset.done $0x0  }
0x104: {  	s31 =	sadd.s32 $0x4C0, s14;
	[sflag:s0] =	ssyncadd.s32 $0xFFFFE000  }
0x105: {  	[tilespmem:s17], [sflag:$0x8] =	stream.indirect.gather [hbm4b:s1+s26], $0x80, s31, s26, $0xb8;
	[tilespmem:$0x19900] =	vst v63  }
0x106: {  	s17 =	simm.s32 $0x3  }
0x107: {  	_ =	swait.ge [sflag:s17], $0x2000  }
0x108: {  	[sflag:s17] =	ssyncset.done $0x0  }
0x109: {  	s31 =	sadd.s32 $0x70000, s16;
	[sflag:s17] =	ssyncadd.s32 $0xFFFFE000  }
0x10a: {  	[hbm4b:s31+s4] =	stream.linear.scatter [tilespmem:s11], [sflag:$0xF], $0x2000, $0x38;
	[tilespmem:$0x19900] =	vst v63  }
0x10b: {  	_ =	swait.ge [sflag:s24], $0x2000  }
0x10c: {  	[sflag:s24] =	ssyncset.done $0x0  }
0x10d: {  	s21 =	simm.s32 $0x4;
	s31 =	sadd.s32 $0x500, s14;
	[sflag:s24] =	ssyncadd.s32 $0xFFFFE000  }
0x10e: {  	[tilespmem:s18], [sflag:$0x9] =	stream.indirect.gather [hbm4b:s1+s26], $0x80, s31, s26, $0xb8;
	[tilespmem:$0x19900] =	vst v63  }
0x10f: {  	_ =	swait.ge [sflag:s21], $0x2000  }
0x110: {  	[sflag:s21] =	ssyncset.done $0x0  }
0x111: {  	s31 =	sadd.s32 $0x70400, s16;
	[sflag:s21] =	ssyncadd.s32 $0xFFFFE000  }
0x112: {  	[hbm4b:s31+s4] =	stream.linear.scatter [tilespmem:s13], [sflag:$0x10], $0x2000, $0x38;
	[tilespmem:$0x19900] =	vst v63  }
0x113: {  	_ =	swait.ge [sflag:s2], $0x2000  }
0x114: {  	[sflag:s2] =	ssyncset.done $0x0  }
0x115: {  	s31 =	sadd.s32 $0x540, s14;
	[sflag:s2] =	ssyncadd.s32 $0xFFFFE000  }
0x116: {  	[tilespmem:s19], [sflag:$0xA] =	stream.indirect.gather [hbm4b:s1+s26], $0x80, s31, s26, $0xb8;
	[tilespmem:$0x19900] =	vst v63  }
0x117: {  	_ =	swait.ge [sflag:s23], $0x2000  }
0x118: {  	[sflag:s23] =	ssyncset.done $0x0  }
0x119: {  	s31 =	sadd.s32 $0x80000, s16;
	[sflag:s23] =	ssyncadd.s32 $0xFFFFE000  }
0x11a: {  	[hbm4b:s31+s4] =	stream.linear.scatter [tilespmem:s22], [sflag:$0x11], $0x2000, $0x38;
	[tilespmem:$0x19900] =	vst v63  }
0x11b: {  	_ =	swait.ge [sflag:s6], $0x2000  }
0x11c: {  	[sflag:s6] =	ssyncset.done $0x0  }
0x11d: {  	s31 =	sadd.s32 $0x580, s14;
	[sflag:s6] =	ssyncadd.s32 $0xFFFFE000  }
0x11e: {  	[tilespmem:s20], [sflag:$0xB] =	stream.indirect.gather [hbm4b:s1+s26], $0x80, s31, s26, $0xb8;
	[tilespmem:$0x19900] =	vst v63  }
0x11f: {  	s20 =	simm.s32 $0x6  }
0x120: {  	p0 =	sne.s32 s10, $0x4800;
	s10 =	sadd.s32 $0xC00, s10;
	_ =	swait.ge [sflag:s20], $0x2000  }
0x121: {  	s12 =	sadd.s32 $0x60000, s12;
	s16 =	sadd.s32 $0x80400, s16;
	[sflag:s20] =	ssyncset.done $0x0  }
.Ltmp0:
0x122: {  	s31 =	simm.s32 $0xB900;
	[sflag:s20] =	ssyncadd.s32 $0xFFFFE000;
	(pc) =	sbr.rel @p0 .LBB2_2-.Ltmp0, $4  }
0x123: {  	[hbm4b:s16+s4] =	stream.linear.scatter [tilespmem:s31], [sflag:$0x12], $0x2000, $0x38;
	[tilespmem:$0x19900] =	vst v63  }
0x124: {  	s7 =	simm.s32 $0xD900;
	s15 =	simm.s32 $0x15900;
	_ =	swait.ge [sflag:s8], $0x2000  }
0x125: {  	s9 =	simm.s32 $0xF900;
	s11 =	simm.s32 $0x11900;
	[sflag:s8] =	ssyncset.done $0x0  }
0x126: {  	s13 =	simm.s32 $0x13900;
	s14 =	sadd.s32 $0x5C0, s14;
	[sflag:s8] =	ssyncadd.s32 $0xFFFFE000  }
0x127: {  	s16 =	simm.s32 $0x17900;
	s10 =	simm.s32 $0x7  }
0x128: {  	[tilespmem:s16], [sflag:$0xC] =	stream.indirect.gather [hbm4b:s1+s26], $0x80, s14, s26, $0xb8;
	[tilespmem:$0x19900] =	vst v63  }
0x129: {  	_ =	swait.ge [sflag:s10], $0x2000  }
0x12a: {  	[sflag:s10] =	ssyncset.done $0x0  }
0x12b: {  	s14 =	simm.s32 $0xD;
	s22 =	rddreg [dreg:$0x12];
	[sflag:s10] =	ssyncadd.s32 $0xFFFFE000  }
0x12c: {  	[hbm4b:s22+s4] =	stream.linear.scatter [tilespmem:s7], [sflag:$0x13], $0x2000, $0x38;
	[tilespmem:$0x19900] =	vst v63  }
0x12d: {  	_ =	swait.ge [sflag:s14], $0x2000  }
0x12e: {  	s12 =	simm.s32 $0x1800;
	[sflag:s14] =	ssyncset.done $0x0  }
0x12f: {  	s17 =	simm.s32 $0x8;
	s7 =	simm.s32 $0x1900;
	[sflag:s14] =	ssyncadd.s32 $0xFFFFE000  }
0x130: {  	[tilespmem:s7], [sflag:$0x1] =	stream.indirect.gather [hbm4b:s1+s26], $0x80, s12, s26, $0xb8;
	[tilespmem:$0x19900] =	vst v63  }
0x131: {  	_ =	swait.ge [sflag:s17], $0x2000  }
0x132: {  	[sflag:s17] =	ssyncset.done $0x0  }
0x133: {  	s18 =	rddreg [dreg:$0x13];
	[sflag:s17] =	ssyncadd.s32 $0xFFFFE000;
	s17 =	simm.s32 $0xE  }
0x134: {  	[hbm4b:s18+s4] =	stream.linear.scatter [tilespmem:s9], [sflag:$0x14], $0x2000, $0x38;
	[tilespmem:$0x19900] =	vst v63  }
0x135: {  	_ =	swait.ge [sflag:s17], $0x2000  }
0x136: {  	s19 =	simm.s32 $0x1840;
	[sflag:s17] =	ssyncset.done $0x0  }
0x137: {  	s21 =	simm.s32 $0x9;
	s9 =	simm.s32 $0x3900;
	[sflag:s17] =	ssyncadd.s32 $0xFFFFE000  }
0x138: {  	[tilespmem:s9], [sflag:$0x2] =	stream.indirect.gather [hbm4b:s1+s26], $0x80, s19, s26, $0xb8;
	[tilespmem:$0x19900] =	vst v63  }
0x139: {  	_ =	swait.ge [sflag:s21], $0x2000  }
0x13a: {  	[sflag:s21] =	ssyncset.done $0x0  }
0x13b: {  	s18 =	simm.s32 $0xF;
	s22 =	rddreg [dreg:$0x14];
	[sflag:s21] =	ssyncadd.s32 $0xFFFFE000  }
0x13c: {  	[hbm4b:s22+s4] =	stream.linear.scatter [tilespmem:s11], [sflag:$0x15], $0x2000, $0x38;
	[tilespmem:$0x19900] =	vst v63  }
0x13d: {  	_ =	swait.ge [sflag:s18], $0x2000  }
0x13e: {  	s12 =	simm.s32 $0x1880;
	[sflag:s18] =	ssyncset.done $0x0  }
0x13f: {  	s19 =	simm.s32 $0xA;
	s11 =	simm.s32 $0x5900;
	[sflag:s18] =	ssyncadd.s32 $0xFFFFE000  }
0x140: {  	[tilespmem:s11], [sflag:$0x3] =	stream.indirect.gather [hbm4b:s1+s26], $0x80, s12, s26, $0xb8;
	[tilespmem:$0x19900] =	vst v63  }
0x141: {  	_ =	swait.ge [sflag:s19], $0x2000  }
0x142: {  	[sflag:s19] =	ssyncset.done $0x0  }
0x143: {  	s21 =	rddreg [dreg:$0x15];
	[sflag:s19] =	ssyncadd.s32 $0xFFFFE000  }
0x144: {  	[hbm4b:s21+s4] =	stream.linear.scatter [tilespmem:s13], [sflag:$0x16], $0x2000, $0x38;
	[tilespmem:$0x19900] =	vst v63  }
0x145: {  	_ =	swait.ge [sflag:s5], $0x2000  }
0x146: {  	[sflag:s5] =	ssyncset.done $0x0  }
0x147: {  	s22 =	simm.s32 $0x18C0;
	s12 =	simm.s32 $0x7900;
	[sflag:s5] =	ssyncadd.s32 $0xFFFFE000  }
0x148: {  	[tilespmem:s12], [sflag:$0x4] =	stream.indirect.gather [hbm4b:s1+s26], $0x80, s22, s26, $0xb8;
	[tilespmem:$0x19900] =	vst v63  }
0x149: {  	_ =	swait.ge [sflag:s25], $0x2000  }
0x14a: {  	[sflag:s25] =	ssyncset.done $0x0  }
0x14b: {  	s13 =	rddreg [dreg:$0x16];
	[sflag:s25] =	ssyncadd.s32 $0xFFFFE000  }
0x14c: {  	[hbm4b:s13+s4] =	stream.linear.scatter [tilespmem:s15], [sflag:$0x17], $0x2000, $0x38;
	[tilespmem:$0x19900] =	vst v63  }
0x14d: {  	_ =	swait.ge [sflag:s28], $0x2000  }
0x14e: {  	[sflag:s28] =	ssyncset.done $0x0  }
0x14f: {  	s19 =	simm.s32 $0x1;
	s15 =	rddreg [dreg:$0x17];
	[sflag:s28] =	ssyncadd.s32 $0xFFFFE000  }
0x150: {  	[hbm4b:s15+s4] =	stream.linear.scatter [tilespmem:s16], [sflag:$0x18], $0x2000, $0x38;
	[tilespmem:$0x19900] =	vst v63  }
0x151: {  	_ =	swait.ge [sflag:s19], $0x2000  }
0x152: {  	[sflag:s19] =	ssyncset.done $0x0  }
0x153: {  	s22 =	simm.s32 $0x2;
	s21 =	rddreg [dreg:$0x18];
	[sflag:s19] =	ssyncadd.s32 $0xFFFFE000  }
0x154: {  	[hbm4b:s21+s4] =	stream.linear.scatter [tilespmem:s7], [sflag:$0xD], $0x2000, $0x38;
	[tilespmem:$0x19900] =	vst v63  }
0x155: {  	_ =	swait.ge [sflag:s22], $0x2000  }
0x156: {  	[sflag:s22] =	ssyncset.done $0x0  }
0x157: {  	s13 =	simm.s32 $0x3;
	s7 =	rddreg [dreg:$0x19];
	[sflag:s22] =	ssyncadd.s32 $0xFFFFE000  }
0x158: {  	[hbm4b:s7+s4] =	stream.linear.scatter [tilespmem:s9], [sflag:$0xE], $0x2000, $0x38;
	[tilespmem:$0x19900] =	vst v63  }
0x159: {  	_ =	swait.ge [sflag:s13], $0x2000  }
0x15a: {  	[sflag:s13] =	ssyncset.done $0x0  }
0x15b: {  	s16 =	simm.s32 $0x4;
	s15 =	rddreg [dreg:$0x1a];
	[sflag:s13] =	ssyncadd.s32 $0xFFFFE000  }
0x15c: {  	[hbm4b:s15+s4] =	stream.linear.scatter [tilespmem:s11], [sflag:$0xF], $0x2000, $0x38;
	[tilespmem:$0x19900] =	vst v63  }
0x15d: {  	_ =	swait.ge [sflag:s16], $0x2000  }
0x15e: {  	[sflag:s16] =	ssyncset.done $0x0  }
0x15f: {  	s19 =	rddreg [dreg:$0x1b];
	[sflag:s16] =	ssyncadd.s32 $0xFFFFE000  }
0x160: {  	[hbm4b:s19+s4] =	stream.linear.scatter [tilespmem:s12], [sflag:$0x10], $0x2000, $0x38;
	[tilespmem:$0x19900] =	vst v63  }
0x161: {  	_ =	swait.ge [sflag:s14], $0x2000  }
0x162: {  	[sflag:s14] =	ssyncset.done $0x0  }
0x163: {  	[sflag:s14] =	ssyncadd.s32 $0xFFFFE000  }
0x164: {  	_ =	swait.ge [sflag:s17], $0x2000  }
0x165: {  	[sflag:s17] =	ssyncset.done $0x0  }
0x166: {  	[sflag:s17] =	ssyncadd.s32 $0xFFFFE000  }
0x167: {  	_ =	swait.ge [sflag:s18], $0x2000  }
0x168: {  	[sflag:s18] =	ssyncset.done $0x0  }
0x169: {  	[sflag:s18] =	ssyncadd.s32 $0xFFFFE000  }
0x16a: {  	_ =	swait.ge [sflag:s5], $0x2000  }
0x16b: {  	[sflag:s5] =	ssyncset.done $0x0  }
0x16c: {  	[sflag:s5] =	ssyncadd.s32 $0xFFFFE000  }
0x16d: {  	_ =	swait.ge [sflag:s3], $0x2000  }
0x16e: {  	[sflag:s3] =	ssyncset.done $0x0  }
0x16f: {  	[sflag:s3] =	ssyncadd.s32 $0xFFFFE000  }
0x170: {  	_ =	swait.ge [sflag:s29], $0x2000  }
0x171: {  	[sflag:s29] =	ssyncset.done $0x0  }
0x172: {  	[sflag:s29] =	ssyncadd.s32 $0xFFFFE000  }
0x173: {  	_ =	swait.ge [sflag:s30], $0x2000  }
0x174: {  	[sflag:s30] =	ssyncset.done $0x0  }
0x175: {  	[sflag:s30] =	ssyncadd.s32 $0xFFFFE000  }
0x176: {  	_ =	swait.ge [sflag:s0], $0x2000  }
0x177: {  	[sflag:s0] =	ssyncset.done $0x0  }
0x178: {  	[sflag:s0] =	ssyncadd.s32 $0xFFFFE000  }
0x179: {  	_ =	swait.ge [sflag:s24], $0x2000  }
0x17a: {  	[sflag:s24] =	ssyncset.done $0x0  }
0x17b: {  	[sflag:s24] =	ssyncadd.s32 $0xFFFFE000  }
0x17c: {  	_ =	swait.ge [sflag:s2], $0x2000  }
0x17d: {  	[sflag:s2] =	ssyncset.done $0x0  }
0x17e: {  	[sflag:s2] =	ssyncadd.s32 $0xFFFFE000  }
0x17f: {  	_ =	swait.ge [sflag:s6], $0x2000  }
0x180: {  	[sflag:s6] =	ssyncset.done $0x0  }
0x181: {  	[sflag:s6] =	ssyncadd.s32 $0xFFFFE000  }
0x182: {  	_ =	swait.ge [sflag:s8], $0x2000  }
0x183: {  	s21 =	rddreg [dreg:$0x1d]  }
0x184: {  	s22 =	rddreg [dreg:$0x1c];
	s7 =	sadd.s32 $0x1, s21  }
0x185: {  	p0 =	sne.s32 s7, s22  }
.Ltmp1:
0x186: {  	_ = 	snop;
	(pc) =	sbr.rel @p0 .LBB2_1-.Ltmp1, $3  }
0x187: {  	_ =	sdelay $0x1  }
0x188: {  	[sflag:s8] =	ssyncset.done $0x0  }
0x189: {  	s13 =	simm.s32 $0x9900;
	s16 =	simm.s32 $0x5;
	[sflag:s8] =	ssyncadd.s32 $0xFFFFE000  }
0x18a: {  	_ =	sfence.sel $0x180000  }
0x18b: {  	[bflag:$0x0] =	sbarrier.arrive $0xFFFF  }
0x18c: {  	_ =	strace $0x90000047  }
0x18d: {  	s0 =	stileid.u32;
	[bflag:$0x2] =	sbarrier.arrive $0xFFFF  }
0x18e: {  	p0 =	sne.s32 s0, $0x0;
	s0 =	rddreg [dreg:$0x3]  }
0x18f: {  	s0 =	sadd.s32 @!p0 $0x100000, s0  }
0x190: {  	[sflag:s0] =	ssyncadd.tile.s32 @!p0 $0x1;
	_ =	shalt  }
.Lfunc_end2:
_tile_overlayer_lowered:
.L_overlay_start_2:
0x191: {  	(tag) =	ssettag $0x2  }
0x192: {  	s0 =	rddreg [dreg:$0x0];
	s2 =	stileid.u32  }
0x193: {  	s1 =	rddreg [dreg:$0x1];
	p0 =	sne.s32 s2, $0x0  }
0x194: {  	s3 =	rddreg [dreg:$0x2];
	[bflag:$0x3] =	sbarrier.arrive $0xFFFF;
	s2 =	simm.s32 @!p0 $0x1C19  }
0x195: {  	[timem:s3], [sflag:s2] =	dma.local @!p0 [hbm:s0], s1  }
0x196: {  	s0 =	simm.s32 @!p0 $0x19  }
0x197: {  	_ =	swait.ge @!p0 [sflag:s0], s1  }
0x198: {  	s1 =	ssub.s32 @!p0 $0x0, s1;
	[sflag:s0] =	ssyncset.done @!p0 $0x0  }
0x199: {  	[sflag:s0] =	ssyncadd.s32 @!p0 s1  }
0x19a: {  	[bflag:$0x3] =	sbarrier.arrive $0xFFFF  }
0x19b: {  	_ =	shalt  }

</sc_bundles>
